<compile_context>
chip_gen: v7x
topology: tpu7x:2x2x1
jax: 0.10.2.dev20260603
libtpu: 0.0.44.dev20260713+nightly
codegen_flags: <defaults>
</compile_context>

<pallas_src>
import functools
import math

import jax
import jax.numpy as jnp
from jax import lax
from jax.experimental import pallas as pl
from jax.experimental.pallas import tpu as pltpu
from jax.experimental.pallas import tpu_sc as plsc

K = 10
NUSERS = 10000
NC = 2
NS = 16
L = 16
NW = NC * NS
UPW = 313
NG = (UPW + L - 1) // L
SPAD = 10048
MAXG = 4096

_DISC = tuple(1.0 / math.log2(k + 2) for k in range(K))
_DISC16 = _DISC + (0.0,) * (16 - K)


NQV = 21
NQ = NQV * L
NPRB = 128
RCHUNK = 8192
RBUF = 9 * RCHUNK


def _sc_body(n_items, pred_hbm, tgt_hbm, idx_hbm,
             nd_out, ct_out, starts_v, lo_v, mids_v, gath_v, probes_i,
             probes_v, rbuf, pbuf, tbuf, nd_stage, ct_stage,
             sem0, sem1):
    wid = lax.axis_index("s") * NC + lax.axis_index("c")
    ulo = wid * UPW
    uhi = jnp.minimum(ulo + UPW, NUSERS)
    lane = lax.iota(jnp.int32, L)
    zero = jnp.zeros((L,), jnp.float32)

    q_first = ulo
    q_last = ulo + NQ - 1
    wlo = jnp.int32(0)
    whi = jnp.int32(n_items)
    for _phase in range(2):
        width = whi - wlo
        step = jnp.maximum(lax.shift_right_logical(width + NPRB - 1, 7), 1)
        for c in range(NPRB // L):
            pos = wlo + (c * L + lane) * step
            probes_i[pl.ds(c * L, L)] = jnp.minimum(pos, n_items - 1)
        pltpu.async_copy(idx_hbm.at[probes_i], probes_v, sem0).wait()
        clo = jnp.zeros((L,), jnp.int32)
        chi = jnp.zeros((L,), jnp.int32)
        for c in range(NPRB // L):
            tv = probes_v[pl.ds(c * L, L)]
            clo = clo + jnp.where(tv < q_first, 1, 0)
            chi = chi + jnp.where(tv < q_last, 1, 0)
        c_lo = jnp.sum(clo)
        c_hi = jnp.sum(chi)
        new_whi = jnp.where(
            c_hi < NPRB,
            jnp.minimum(whi, jnp.minimum(wlo + c_hi * step, n_items - 1)),
            whi)
        wlo = wlo + jnp.maximum(c_lo - 1, 0) * step
        whi = new_whi

    base2 = pl.multiple_of(jnp.maximum(
        jnp.minimum(wlo & ~7, (n_items - RBUF) & ~7), 0), 8)
    span = whi - base2 + 1
    small = span <= RBUF
    rounds_all = int(n_items).bit_length()

    for i in range(NQV):
        lo_v[pl.ds(i * L, L)] = jnp.full((L,), 0, jnp.int32) + wlo
        starts_v[pl.ds(i * L, L)] = jnp.full((L,), 0, jnp.int32) + whi

    @pl.when(small)
    def _():
        nch = lax.shift_right_logical(span + RCHUNK - 1, 13)

        def fire(k, carry):
            o = pl.multiple_of(k * RCHUNK, 8)
            pltpu.async_copy(idx_hbm.at[pl.ds(base2 + o, RCHUNK)],
                             rbuf.at[pl.ds(o, RCHUNK)], sem1)
            return carry

        lax.fori_loop(0, nch, fire, 0)

        def drain(k, carry):
            o = pl.multiple_of(k * RCHUNK, 8)
            pltpu.make_async_copy(idx_hbm.at[pl.ds(base2 + o, RCHUNK)],
                                  rbuf.at[pl.ds(o, RCHUNK)], sem1).wait()
            return carry

        lax.fori_loop(0, nch, drain, 0)

        def loc_round(r, carry):
            for i in range(NQV):
                lo = lo_v[pl.ds(i * L, L)]
                hi = starts_v[pl.ds(i * L, L)]
                mid = lax.shift_right_logical(lo + hi, 1)
                v = plsc.load_gather(rbuf, [mid - base2])
                q = (ulo + i * L) + lane
                pred = v < q
                lo_v[pl.ds(i * L, L)] = jnp.where(pred, mid + 1, lo)
                starts_v[pl.ds(i * L, L)] = jnp.where(pred, hi, mid)
            return carry

        lax.fori_loop(0, 17, loc_round, 0)

    @pl.when(jnp.logical_not(small))
    def _():
        def bs_round(r, carry):
            for i in range(NQV):
                c, j = divmod(i, NQV // 3)
                lo = lo_v[pl.ds(i * L, L)]
                hi = starts_v[pl.ds(i * L, L)]
                mid = lax.shift_right_logical(lo + hi, 1)
                mids_v[c, pl.ds(j * L, L)] = jnp.minimum(mid, n_items - 1)
            copies = [pltpu.async_copy(idx_hbm.at[mids_v.at[c]],
                                       gath_v.at[c], sem0)
                      for c in range(3)]
            for cp in copies:
                cp.wait()
            for i in range(NQV):
                c, j = divmod(i, NQV // 3)
                lo = lo_v[pl.ds(i * L, L)]
                hi = starts_v[pl.ds(i * L, L)]
                mid = lax.shift_right_logical(lo + hi, 1)
                v = gath_v[c, pl.ds(j * L, L)]
                q = (ulo + i * L) + lane
                pred = v < q
                lo_v[pl.ds(i * L, L)] = jnp.where(pred, mid + 1, lo)
                starts_v[pl.ds(i * L, L)] = jnp.where(pred, hi, mid)
            return carry

        lax.fori_loop(0, rounds_all, bs_round, 0)

    imin = jnp.int32(-2147483648)
    imin_v = jnp.full((L,), -2147483648, jnp.int32)

    def win(g):
        lvec = g * L + lane
        s = plsc.load_gather(starts_v, [lvec])
        s1 = plsc.load_gather(starts_v, [lvec + 1])
        s0 = jnp.min(s)
        base = jnp.minimum(s0 & ~7, (n_items - MAXG) & ~7)
        base = pl.multiple_of(jnp.maximum(base, 0), 8)
        return s, s1, base

    def bufsl(ref, slot):
        return ref.at[pl.ds(pl.multiple_of(slot * MAXG, MAXG), MAXG)]

    def fire(g, slot):
        _, _, base = win(g)
        pltpu.async_copy(pred_hbm.at[pl.ds(base, MAXG)], bufsl(pbuf, slot),
                         sem0)
        pltpu.async_copy(tgt_hbm.at[pl.ds(base, MAXG)], bufsl(tbuf, slot),
                         sem1)

    fire(0, 0)

    def group(g, acc):
        nd_acc, ct_acc = acc
        slot = lax.rem(g, 2)

        @pl.when(g + 1 < NG)
        def _():
            fire(g + 1, lax.rem(g + 1, 2))

        uvec = (ulo + g * L) + lane
        s, s1, base = win(g)
        pb = bufsl(pbuf, slot)
        tb = bufsl(tbuf, slot)
        pltpu.make_async_copy(pred_hbm.at[pl.ds(base, MAXG)], pb, sem0).wait()
        pltpu.make_async_copy(tgt_hbm.at[pl.ds(base, MAXG)], tb, sem1).wait()
        counts = s1 - s
        maxcount = jnp.max(counts)
        off = s - base
        limit = jnp.minimum(off + counts, MAXG)

        def keys(j):
            idxv = off + j
            m = idxv < limit
            idxc = jnp.minimum(idxv, MAXG - 1)
            p = plsc.load_gather(pb, [idxc])
            t = plsc.load_gather(tb, [idxc])
            bi = plsc.bitcast(p, jnp.int32)
            sk = jnp.where(bi < 0, bi ^ 0x7FFFFFFF, bi)
            sk = jnp.where(m, (sk & ~0xFFF) | idxc, imin_v)
            ti = plsc.bitcast(t, jnp.int32)
            tk = jnp.where(m, (ti & ~0xFFF) | idxc, imin_v)
            return sk, tk

        def ladder(lad, k1):
            out = []
            for k in range(K):
                hi = jnp.maximum(lad[k], k1)
                k1 = jnp.minimum(lad[k], k1)
                out.append(hi)
            return tuple(out)

        def p1(jj, c):
            a, b = c
            j0 = jj * 2
            for dj in range(2):
                sk, tk = keys(j0 + dj)
                a = ladder(a, sk)
                b = ladder(b, tk)
            return (a, b)

        a0 = tuple(imin_v for _ in range(K))
        a, b = lax.fori_loop(0, lax.shift_right_logical(maxcount + 1, 1),
                             p1, (a0, a0))

        dcg = zero
        idcg = zero
        for k in range(K):
            pos_a = a[k] & 0xFFF
            pos_b = b[k] & 0xFFF
            ta = plsc.load_gather(tb, [pos_a])
            tbv = plsc.load_gather(tb, [pos_b])
            dk = jnp.float32(_DISC[k])
            dcg = dcg + jnp.where(a[k] != imin, ta, 0.0) * dk
            idcg = idcg + jnp.where(b[k] != imin, tbv, 0.0) * dk

        valid = (counts > 0) & (idcg > 0.0) & (uvec < uhi)
        ndcg = jnp.where(valid, dcg / jnp.where(valid, idcg, 1.0), 0.0)
        return (nd_acc + ndcg, ct_acc + jnp.where(valid, 1.0, 0.0))

    nd, ct = lax.fori_loop(0, NG, group, (zero, zero))
    nd_stage[...] = nd
    ct_stage[...] = ct
    pltpu.sync_copy(nd_stage, nd_out.at[wid])
    pltpu.sync_copy(ct_stage, ct_out.at[wid])


@functools.lru_cache(maxsize=4)
def _build(n_items):
    mesh = plsc.VectorSubcoreMesh(core_axis_name="c", subcore_axis_name="s")
    return pl.kernel(
        functools.partial(_sc_body, n_items),
        out_type=(jax.ShapeDtypeStruct((NW, L), jnp.float32),
                  jax.ShapeDtypeStruct((NW, L), jnp.float32)),
        mesh=mesh,
        compiler_params=pltpu.CompilerParams(needs_layout_passes=False),
        scratch_types=[
            pltpu.VMEM((NQ,), jnp.int32),
            pltpu.VMEM((NQ,), jnp.int32),
            pltpu.VMEM((3, NQ // 3), jnp.int32),
            pltpu.VMEM((3, NQ // 3), jnp.int32),
            pltpu.VMEM((NPRB,), jnp.int32),
            pltpu.VMEM((NPRB,), jnp.int32),
            pltpu.VMEM((RBUF,), jnp.int32),
            pltpu.VMEM((2 * MAXG,), jnp.float32),
            pltpu.VMEM((2 * MAXG,), jnp.float32),
            pltpu.VMEM((L,), jnp.float32),
            pltpu.VMEM((L,), jnp.float32),
            pltpu.SemaphoreType.DMA,
            pltpu.SemaphoreType.DMA,
        ],
    )


def kernel(predictions, targets, indexes):
    n = predictions.shape[0]
    if n % 8 != 0 or n < RBUF + 8:
        pad = max(RBUF + 8, n + (-n) % 8) - n
        predictions = jnp.pad(predictions, (0, pad))
        targets = jnp.pad(targets, (0, pad))
        indexes = jnp.pad(indexes, (0, pad), constant_values=NUSERS)
        n = predictions.shape[0]
    idx32 = indexes.astype(jnp.int32)
    nd, ct = _build(n)(predictions, targets, idx32)
    tot = jnp.sum(nd)
    cnt = jnp.sum(ct)
    return jnp.where(cnt > 0, tot / jnp.where(cnt > 0, cnt, 1.0),
                     jnp.float32(0.0))

# --- scband reference (transcript-rebuilt; emitter-appended) ---
"""Pipeline reference for scband-fast-ndcg-78451872629496 (READ-ONLY COPY).

The authoritative reference and input builder live on the scoring server;
editing this copy changes nothing except your own understanding.
"""

import jax, jax.numpy as jnp
import numpy as np

K = 10
NUM_USERS = 10000
N = 1000000


def setup_inputs(seed: int = 0) -> dict:
    key = jax.random.key(seed)
    k1, k2, k3 = jax.random.split(key, 3)
    predictions = jax.random.normal(k1, (N,), dtype=jnp.float32)
    targets = jax.random.uniform(k2, (N,), dtype=jnp.float32)
    indexes = jnp.sort(jax.random.randint(k3, (N,), 0, NUM_USERS)).astype(jnp.int64)
    return {"predictions": predictions, "targets": targets, "indexes": indexes}


def _ndcg(predictions, targets, indexes):
    n = predictions.shape[0]
    ar = jnp.arange(n)
    idx32 = indexes.astype(jnp.int32)
    # sort items by (user asc, prediction desc) -> targets ordered by preds per user
    order_p = jnp.lexsort((-predictions, idx32))
    seg_p = idx32[order_p]
    t_by_p = targets[order_p]
    start_p = jnp.searchsorted(seg_p, seg_p, side='left')
    pos_p = ar - start_p  # rank within user segment (0-based)
    disc_p = 1.0 / jnp.log2(pos_p.astype(jnp.float32) + 2.0)
    contrib_p = jnp.where(pos_p < K, t_by_p * disc_p, 0.0)
    dcg = jax.ops.segment_sum(contrib_p, seg_p, num_segments=NUM_USERS)
    # ideal DCG: sort targets descending per user
    order_t = jnp.lexsort((-targets, idx32))
    seg_t = idx32[order_t]
    t_sorted = targets[order_t]
    start_t = jnp.searchsorted(seg_t, seg_t, side='left')
    pos_t = ar - start_t
    disc_t = 1.0 / jnp.log2(pos_t.astype(jnp.float32) + 2.0)
    contrib_t = jnp.where(pos_t < K, t_sorted * disc_t, 0.0)
    idcg = jax.ops.segment_sum(contrib_t, seg_t, num_segments=NUM_USERS)
    # per-user validity: user present, targets sum > 0, ideal dcg > 0
    counts = jax.ops.segment_sum(jnp.ones((n,), jnp.float32), idx32, num_segments=NUM_USERS)
    tsum = jax.ops.segment_sum(targets, idx32, num_segments=NUM_USERS)
    valid = (counts > 0) & (tsum > 0) & (idcg > 0)
    safe_idcg = jnp.where(valid, idcg, 1.0)
    ndcg = jnp.where(valid, dcg / safe_idcg, 0.0)
    nvalid = jnp.sum(valid.astype(jnp.float32))
    mean = jnp.sum(ndcg) / jnp.where(nvalid > 0, nvalid, 1.0)
    return jnp.where(nvalid > 0, mean, jnp.float32(0.0))


def reference(predictions, targets, indexes):
    return _ndcg(predictions, targets, indexes)

if __name__ == "__main__":
    import jax
    _d = setup_inputs()
    print(jax.jit(kernel)(*tuple(_d.values())))

</pallas_src>

<mosaic_0001>
#map = affine_map<(d0, d1) -> (0)>
#map1 = affine_map<(d0, d1) -> (0, 0)>
module attributes {stable_mosaic.version = 14 : i64} {
  func.func @_sc_body(%arg0: i32, %arg1: i32, %arg2: memref<1000000xf32, #tpu.memory_space<hbm>>, %arg3: memref<1000000xf32, #tpu.memory_space<hbm>>, %arg4: memref<1000000xi32, #tpu.memory_space<hbm>>, %arg5: memref<32x16xf32, #tpu.memory_space<hbm>>, %arg6: memref<32x16xf32, #tpu.memory_space<hbm>>, %arg7: memref<336xi32, #tpu.memory_space<vmem>>, %arg8: memref<336xi32, #tpu.memory_space<vmem>>, %arg9: memref<3x112xi32, #tpu.memory_space<vmem>>, %arg10: memref<3x112xi32, #tpu.memory_space<vmem>>, %arg11: memref<128xi32, #tpu.memory_space<vmem>>, %arg12: memref<128xi32, #tpu.memory_space<vmem>>, %arg13: memref<73728xi32, #tpu.memory_space<vmem>>, %arg14: memref<8192xf32, #tpu.memory_space<vmem>>, %arg15: memref<8192xf32, #tpu.memory_space<vmem>>, %arg16: memref<16xf32, #tpu.memory_space<vmem>>, %arg17: memref<16xf32, #tpu.memory_space<vmem>>, %arg18: memref<!tpu.dma_semaphore, #tpu.memory_space<semaphore_mem>>, %arg19: memref<!tpu.dma_semaphore, #tpu.memory_space<semaphore_mem>>) attributes {dimension_semantics = [#tpu.dimension_semantics<core_parallel>, #tpu.dimension_semantics<subcore_parallel>], iteration_bounds = array<i64: 2, 16>, scalar_prefetch = 0 : i64, scratch_operands = 13 : i64, tpu.core_type = #tpu.core_type<sc_vector_subcore>, window_params = [{transform_indices = #map}, {transform_indices = #map}, {transform_indices = #map}, {transform_indices = #map1}, {transform_indices = #map1}]} {
    %mul3A = arith.constant 2 : i32
    %mul3A_0 = arith.muli %arg1, %mul3A : i32
    %add3A = arith.addi %mul3A_0, %arg0 : i32
    %mul3A_1 = arith.constant 313 : i32
    %mul3A_2 = arith.muli %add3A, %mul3A_1 : i32
    %add3A_3 = arith.constant 313 : i32
    %add3A_4 = arith.addi %mul3A_2, %add3A_3 : i32
    %min3A = arith.constant 10000 : i32
    %min3A_5 = arith.minsi %add3A_4, %min3A : i32
    %iota3A = tpu.iota {dimensions = array<i32: 0>} : vector<16xi32>
    %broadcast_in_dim3A = arith.constant 0.000000e+00 : f32
    %broadcast_in_dim3A_6 = vector.broadcast %broadcast_in_dim3A : f32 to vector<16xf32>
    %add3A_7 = arith.constant 336 : i32
    %add3A_8 = arith.addi %mul3A_2, %add3A_7 : i32
    %sub3A = arith.constant 1 : i32
    %sub3A_9 = arith.subi %add3A_8, %sub3A : i32
    %sub3A_10 = arith.constant 1000000 : i32
    %sub3A_11 = arith.constant 0 : i32
    %sub3A_12 = arith.subi %sub3A_10, %sub3A_11 : i32
    %add3A_13 = arith.constant 128 : i32
    %add3A_14 = arith.addi %sub3A_12, %add3A_13 : i32
    %sub3A_15 = arith.constant 1 : i32
    %sub3A_16 = arith.subi %add3A_14, %sub3A_15 : i32
    %shift_right_logical3A = arith.constant 7 : i32
    %shift_right_logical3A_17 = arith.shrui %sub3A_16, %shift_right_logical3A : i32
    %max3A = arith.constant 1 : i32
    %max3A_18 = arith.maxsi %shift_right_logical3A_17, %max3A : i32
    %add3A_19 = arith.constant 0 : i32
    %add3A_20 = vector.broadcast %add3A_19 : i32 to vector<16xi32>
    %add3A_21 = arith.addi %add3A_20, %iota3A : vector<16xi32>
    %mul3A_22 = vector.broadcast %max3A_18 : i32 to vector<16xi32>
    %mul3A_23 = arith.muli %add3A_21, %mul3A_22 : vector<16xi32>
    %add3A_24 = arith.constant 0 : i32
    %add3A_25 = vector.broadcast %add3A_24 : i32 to vector<16xi32>
    %add3A_26 = arith.addi %add3A_25, %mul3A_23 : vector<16xi32>
    %min3A_27 = arith.constant 999999 : i32
    %min3A_28 = vector.broadcast %min3A_27 : i32 to vector<16xi32>
    %min3A_29 = arith.minsi %add3A_26, %min3A_28 : vector<16xi32>
    %swap3A = arith.constant 0 : index
    %swap3A_30 = tpu.vector_load %arg11[%swap3A] {strides = array<i32>} : memref<128xi32, #tpu.memory_space<vmem>>, vector<16xi32>,
    tpu.vector_store %arg11[%swap3A], %min3A_29 {strides = array<i32>} : memref<128xi32, #tpu.memory_space<vmem>>, vector<16xi32>,
    %add3A_31 = arith.constant 16 : i32
    %add3A_32 = vector.broadcast %add3A_31 : i32 to vector<16xi32>
    %add3A_33 = arith.addi %add3A_32, %iota3A : vector<16xi32>
    %mul3A_34 = vector.broadcast %max3A_18 : i32 to vector<16xi32>
    %mul3A_35 = arith.muli %add3A_33, %mul3A_34 : vector<16xi32>
    %add3A_36 = arith.constant 0 : i32
    %add3A_37 = vector.broadcast %add3A_36 : i32 to vector<16xi32>
    %add3A_38 = arith.addi %add3A_37, %mul3A_35 : vector<16xi32>
    %min3A_39 = arith.constant 999999 : i32
    %min3A_40 = vector.broadcast %min3A_39 : i32 to vector<16xi32>
    %min3A_41 = arith.minsi %add3A_38, %min3A_40 : vector<16xi32>
    %swap3A_42 = arith.constant 16 : index
    %swap3A_43 = tpu.vector_load %arg11[%swap3A_42] {strides = array<i32>} : memref<128xi32, #tpu.memory_space<vmem>>, vector<16xi32>,
    tpu.vector_store %arg11[%swap3A_42], %min3A_41 {strides = array<i32>} : memref<128xi32, #tpu.memory_space<vmem>>, vector<16xi32>,
    %add3A_44 = arith.constant 32 : i32
    %add3A_45 = vector.broadcast %add3A_44 : i32 to vector<16xi32>
    %add3A_46 = arith.addi %add3A_45, %iota3A : vector<16xi32>
    %mul3A_47 = vector.broadcast %max3A_18 : i32 to vector<16xi32>
    %mul3A_48 = arith.muli %add3A_46, %mul3A_47 : vector<16xi32>
    %add3A_49 = arith.constant 0 : i32
    %add3A_50 = vector.broadcast %add3A_49 : i32 to vector<16xi32>
    %add3A_51 = arith.addi %add3A_50, %mul3A_48 : vector<16xi32>
    %min3A_52 = arith.constant 999999 : i32
    %min3A_53 = vector.broadcast %min3A_52 : i32 to vector<16xi32>
    %min3A_54 = arith.minsi %add3A_51, %min3A_53 : vector<16xi32>
    %swap3A_55 = arith.constant 32 : index
    %swap3A_56 = tpu.vector_load %arg11[%swap3A_55] {strides = array<i32>} : memref<128xi32, #tpu.memory_space<vmem>>, vector<16xi32>,
    tpu.vector_store %arg11[%swap3A_55], %min3A_54 {strides = array<i32>} : memref<128xi32, #tpu.memory_space<vmem>>, vector<16xi32>,
    %add3A_57 = arith.constant 48 : i32
    %add3A_58 = vector.broadcast %add3A_57 : i32 to vector<16xi32>
    %add3A_59 = arith.addi %add3A_58, %iota3A : vector<16xi32>
    %mul3A_60 = vector.broadcast %max3A_18 : i32 to vector<16xi32>
    %mul3A_61 = arith.muli %add3A_59, %mul3A_60 : vector<16xi32>
    %add3A_62 = arith.constant 0 : i32
    %add3A_63 = vector.broadcast %add3A_62 : i32 to vector<16xi32>
    %add3A_64 = arith.addi %add3A_63, %mul3A_61 : vector<16xi32>
    %min3A_65 = arith.constant 999999 : i32
    %min3A_66 = vector.broadcast %min3A_65 : i32 to vector<16xi32>
    %min3A_67 = arith.minsi %add3A_64, %min3A_66 : vector<16xi32>
    %swap3A_68 = arith.constant 48 : index
    %swap3A_69 = tpu.vector_load %arg11[%swap3A_68] {strides = array<i32>} : memref<128xi32, #tpu.memory_space<vmem>>, vector<16xi32>,
    tpu.vector_store %arg11[%swap3A_68], %min3A_67 {strides = array<i32>} : memref<128xi32, #tpu.memory_space<vmem>>, vector<16xi32>,
    %add3A_70 = arith.constant 64 : i32
    %add3A_71 = vector.broadcast %add3A_70 : i32 to vector<16xi32>
    %add3A_72 = arith.addi %add3A_71, %iota3A : vector<16xi32>
    %mul3A_73 = vector.broadcast %max3A_18 : i32 to vector<16xi32>
    %mul3A_74 = arith.muli %add3A_72, %mul3A_73 : vector<16xi32>
    %add3A_75 = arith.constant 0 : i32
    %add3A_76 = vector.broadcast %add3A_75 : i32 to vector<16xi32>
    %add3A_77 = arith.addi %add3A_76, %mul3A_74 : vector<16xi32>
    %min3A_78 = arith.constant 999999 : i32
    %min3A_79 = vector.broadcast %min3A_78 : i32 to vector<16xi32>
    %min3A_80 = arith.minsi %add3A_77, %min3A_79 : vector<16xi32>
    %swap3A_81 = arith.constant 64 : index
    %swap3A_82 = tpu.vector_load %arg11[%swap3A_81] {strides = array<i32>} : memref<128xi32, #tpu.memory_space<vmem>>, vector<16xi32>,
    tpu.vector_store %arg11[%swap3A_81], %min3A_80 {strides = array<i32>} : memref<128xi32, #tpu.memory_space<vmem>>, vector<16xi32>,
    %add3A_83 = arith.constant 80 : i32
    %add3A_84 = vector.broadcast %add3A_83 : i32 to vector<16xi32>
    %add3A_85 = arith.addi %add3A_84, %iota3A : vector<16xi32>
    %mul3A_86 = vector.broadcast %max3A_18 : i32 to vector<16xi32>
    %mul3A_87 = arith.muli %add3A_85, %mul3A_86 : vector<16xi32>
    %add3A_88 = arith.constant 0 : i32
    %add3A_89 = vector.broadcast %add3A_88 : i32 to vector<16xi32>
    %add3A_90 = arith.addi %add3A_89, %mul3A_87 : vector<16xi32>
    %min3A_91 = arith.constant 999999 : i32
    %min3A_92 = vector.broadcast %min3A_91 : i32 to vector<16xi32>
    %min3A_93 = arith.minsi %add3A_90, %min3A_92 : vector<16xi32>
    %swap3A_94 = arith.constant 80 : index
    %swap3A_95 = tpu.vector_load %arg11[%swap3A_94] {strides = array<i32>} : memref<128xi32, #tpu.memory_space<vmem>>, vector<16xi32>,
    tpu.vector_store %arg11[%swap3A_94], %min3A_93 {strides = array<i32>} : memref<128xi32, #tpu.memory_space<vmem>>, vector<16xi32>,
    %add3A_96 = arith.constant 96 : i32
    %add3A_97 = vector.broadcast %add3A_96 : i32 to vector<16xi32>
    %add3A_98 = arith.addi %add3A_97, %iota3A : vector<16xi32>
    %mul3A_99 = vector.broadcast %max3A_18 : i32 to vector<16xi32>
    %mul3A_100 = arith.muli %add3A_98, %mul3A_99 : vector<16xi32>
    %add3A_101 = arith.constant 0 : i32
    %add3A_102 = vector.broadcast %add3A_101 : i32 to vector<16xi32>
    %add3A_103 = arith.addi %add3A_102, %mul3A_100 : vector<16xi32>
    %min3A_104 = arith.constant 999999 : i32
    %min3A_105 = vector.broadcast %min3A_104 : i32 to vector<16xi32>
    %min3A_106 = arith.minsi %add3A_103, %min3A_105 : vector<16xi32>
    %swap3A_107 = arith.constant 96 : index
    %swap3A_108 = tpu.vector_load %arg11[%swap3A_107] {strides = array<i32>} : memref<128xi32, #tpu.memory_space<vmem>>, vector<16xi32>,
    tpu.vector_store %arg11[%swap3A_107], %min3A_106 {strides = array<i32>} : memref<128xi32, #tpu.memory_space<vmem>>, vector<16xi32>,
    %add3A_109 = arith.constant 112 : i32
    %add3A_110 = vector.broadcast %add3A_109 : i32 to vector<16xi32>
    %add3A_111 = arith.addi %add3A_110, %iota3A : vector<16xi32>
    %mul3A_112 = vector.broadcast %max3A_18 : i32 to vector<16xi32>
    %mul3A_113 = arith.muli %add3A_111, %mul3A_112 : vector<16xi32>
    %add3A_114 = arith.constant 0 : i32
    %add3A_115 = vector.broadcast %add3A_114 : i32 to vector<16xi32>
    %add3A_116 = arith.addi %add3A_115, %mul3A_113 : vector<16xi32>
    %min3A_117 = arith.constant 999999 : i32
    %min3A_118 = vector.broadcast %min3A_117 : i32 to vector<16xi32>
    %min3A_119 = arith.minsi %add3A_116, %min3A_118 : vector<16xi32>
    %swap3A_120 = arith.constant 112 : index
    %swap3A_121 = tpu.vector_load %arg11[%swap3A_120] {strides = array<i32>} : memref<128xi32, #tpu.memory_space<vmem>>, vector<16xi32>,
    tpu.vector_store %arg11[%swap3A_120], %min3A_119 {strides = array<i32>} : memref<128xi32, #tpu.memory_space<vmem>>, vector<16xi32>,
    %dma_start3A = arith.constant 0 : i32
    %dma_start3A_122 = tpu.memref_slice %arg4[%dma_start3A] : memref<1000000xi32, #tpu.memory_space<hbm>> -> memref<1000000xi32, #tpu.memory_space<hbm>>
    tpu.enqueue_indirect_dma source(%dma_start3A_122 : memref<1000000xi32, #tpu.memory_space<hbm>>) target(%arg12 : memref<128xi32, #tpu.memory_space<vmem>>) offsets(%arg11 : memref<128xi32, #tpu.memory_space<vmem>>) semaphore(%arg18 : memref<!tpu.dma_semaphore, #tpu.memory_space<semaphore_mem>>)
    %dma_wait3A = arith.constant 0 : i32
    %dma_wait3A_123 = tpu.memref_slice %arg4[%dma_wait3A] : memref<1000000xi32, #tpu.memory_space<hbm>> -> memref<1000000xi32, #tpu.memory_space<hbm>>
    tpu.wait_indirect_dma semaphore(%arg18 : memref<!tpu.dma_semaphore, #tpu.memory_space<semaphore_mem>>) src(%dma_wait3A_123 : memref<1000000xi32, #tpu.memory_space<hbm>>) dst(%arg12 : memref<128xi32, #tpu.memory_space<vmem>>)
    %broadcast_in_dim3A_124 = arith.constant 0 : i32
    %broadcast_in_dim3A_125 = vector.broadcast %broadcast_in_dim3A_124 : i32 to vector<16xi32>
    %broadcast_in_dim3A_126 = arith.constant 0 : i32
    %broadcast_in_dim3A_127 = vector.broadcast %broadcast_in_dim3A_126 : i32 to vector<16xi32>
    %get3A = arith.constant 0 : index
    %get3A_128 = tpu.vector_load %arg12[%get3A] {strides = array<i32>} : memref<128xi32, #tpu.memory_space<vmem>>, vector<16xi32>,
    %lt3A = vector.broadcast %mul3A_2 : i32 to vector<16xi32>
    %lt3A_129 = arith.cmpi slt, %get3A_128, %lt3A : vector<16xi32>
    %jit3A = arith.constant 1 : i32
    %jit3A_130 = arith.constant 0 : i32
    %broadcast_in_dim3A_131 = vector.broadcast %jit3A : i32 to vector<16xi32>
    %broadcast_in_dim3A_132 = vector.broadcast %jit3A_130 : i32 to vector<16xi32>
    %select_n3A = arith.select %lt3A_129, %broadcast_in_dim3A_131, %broadcast_in_dim3A_132 : vector<16xi1>, vector<16xi32>
    %add3A_133 = arith.addi %broadcast_in_dim3A_125, %select_n3A : vector<16xi32>
    %lt3A_134 = vector.broadcast %sub3A_9 : i32 to vector<16xi32>
    %lt3A_135 = arith.cmpi slt, %get3A_128, %lt3A_134 : vector<16xi32>
    %jit3A_136 = arith.constant 1 : i32
    %jit3A_137 = arith.constant 0 : i32
    %broadcast_in_dim3A_138 = vector.broadcast %jit3A_136 : i32 to vector<16xi32>
    %broadcast_in_dim3A_139 = vector.broadcast %jit3A_137 : i32 to vector<16xi32>
    %select_n3A_140 = arith.select %lt3A_135, %broadcast_in_dim3A_138, %broadcast_in_dim3A_139 : vector<16xi1>, vector<16xi32>
    %add3A_141 = arith.addi %broadcast_in_dim3A_127, %select_n3A_140 : vector<16xi32>
    %get3A_142 = arith.constant 16 : index
    %get3A_143 = tpu.vector_load %arg12[%get3A_142] {strides = array<i32>} : memref<128xi32, #tpu.memory_space<vmem>>, vector<16xi32>,
    %lt3A_144 = vector.broadcast %mul3A_2 : i32 to vector<16xi32>
    %lt3A_145 = arith.cmpi slt, %get3A_143, %lt3A_144 : vector<16xi32>
    %jit3A_146 = arith.constant 1 : i32
    %jit3A_147 = arith.constant 0 : i32
    %broadcast_in_dim3A_148 = vector.broadcast %jit3A_146 : i32 to vector<16xi32>
    %broadcast_in_dim3A_149 = vector.broadcast %jit3A_147 : i32 to vector<16xi32>
    %select_n3A_150 = arith.select %lt3A_145, %broadcast_in_dim3A_148, %broadcast_in_dim3A_149 : vector<16xi1>, vector<16xi32>
    %add3A_151 = arith.addi %add3A_133, %select_n3A_150 : vector<16xi32>
    %lt3A_152 = vector.broadcast %sub3A_9 : i32 to vector<16xi32>
    %lt3A_153 = arith.cmpi slt, %get3A_143, %lt3A_152 : vector<16xi32>
    %jit3A_154 = arith.constant 1 : i32
    %jit3A_155 = arith.constant 0 : i32
    %broadcast_in_dim3A_156 = vector.broadcast %jit3A_154 : i32 to vector<16xi32>
    %broadcast_in_dim3A_157 = vector.broadcast %jit3A_155 : i32 to vector<16xi32>
    %select_n3A_158 = arith.select %lt3A_153, %broadcast_in_dim3A_156, %broadcast_in_dim3A_157 : vector<16xi1>, vector<16xi32>
    %add3A_159 = arith.addi %add3A_141, %select_n3A_158 : vector<16xi32>
    %get3A_160 = arith.constant 32 : index
    %get3A_161 = tpu.vector_load %arg12[%get3A_160] {strides = array<i32>} : memref<128xi32, #tpu.memory_space<vmem>>, vector<16xi32>,
    %lt3A_162 = vector.broadcast %mul3A_2 : i32 to vector<16xi32>
    %lt3A_163 = arith.cmpi slt, %get3A_161, %lt3A_162 : vector<16xi32>
    %jit3A_164 = arith.constant 1 : i32
    %jit3A_165 = arith.constant 0 : i32
    %broadcast_in_dim3A_166 = vector.broadcast %jit3A_164 : i32 to vector<16xi32>
    %broadcast_in_dim3A_167 = vector.broadcast %jit3A_165 : i32 to vector<16xi32>
    %select_n3A_168 = arith.select %lt3A_163, %broadcast_in_dim3A_166, %broadcast_in_dim3A_167 : vector<16xi1>, vector<16xi32>
    %add3A_169 = arith.addi %add3A_151, %select_n3A_168 : vector<16xi32>
    %lt3A_170 = vector.broadcast %sub3A_9 : i32 to vector<16xi32>
    %lt3A_171 = arith.cmpi slt, %get3A_161, %lt3A_170 : vector<16xi32>
    %jit3A_172 = arith.constant 1 : i32
    %jit3A_173 = arith.constant 0 : i32
    %broadcast_in_dim3A_174 = vector.broadcast %jit3A_172 : i32 to vector<16xi32>
    %broadcast_in_dim3A_175 = vector.broadcast %jit3A_173 : i32 to vector<16xi32>
    %select_n3A_176 = arith.select %lt3A_171, %broadcast_in_dim3A_174, %broadcast_in_dim3A_175 : vector<16xi1>, vector<16xi32>
    %add3A_177 = arith.addi %add3A_159, %select_n3A_176 : vector<16xi32>
    %get3A_178 = arith.constant 48 : index
    %get3A_179 = tpu.vector_load %arg12[%get3A_178] {strides = array<i32>} : memref<128xi32, #tpu.memory_space<vmem>>, vector<16xi32>,
    %lt3A_180 = vector.broadcast %mul3A_2 : i32 to vector<16xi32>
    %lt3A_181 = arith.cmpi slt, %get3A_179, %lt3A_180 : vector<16xi32>
    %jit3A_182 = arith.constant 1 : i32
    %jit3A_183 = arith.constant 0 : i32
    %broadcast_in_dim3A_184 = vector.broadcast %jit3A_182 : i32 to vector<16xi32>
    %broadcast_in_dim3A_185 = vector.broadcast %jit3A_183 : i32 to vector<16xi32>
    %select_n3A_186 = arith.select %lt3A_181, %broadcast_in_dim3A_184, %broadcast_in_dim3A_185 : vector<16xi1>, vector<16xi32>
    %add3A_187 = arith.addi %add3A_169, %select_n3A_186 : vector<16xi32>
    %lt3A_188 = vector.broadcast %sub3A_9 : i32 to vector<16xi32>
    %lt3A_189 = arith.cmpi slt, %get3A_179, %lt3A_188 : vector<16xi32>
    %jit3A_190 = arith.constant 1 : i32
    %jit3A_191 = arith.constant 0 : i32
    %broadcast_in_dim3A_192 = vector.broadcast %jit3A_190 : i32 to vector<16xi32>
    %broadcast_in_dim3A_193 = vector.broadcast %jit3A_191 : i32 to vector<16xi32>
    %select_n3A_194 = arith.select %lt3A_189, %broadcast_in_dim3A_192, %broadcast_in_dim3A_193 : vector<16xi1>, vector<16xi32>
    %add3A_195 = arith.addi %add3A_177, %select_n3A_194 : vector<16xi32>
    %get3A_196 = arith.constant 64 : index
    %get3A_197 = tpu.vector_load %arg12[%get3A_196] {strides = array<i32>} : memref<128xi32, #tpu.memory_space<vmem>>, vector<16xi32>,
    %lt3A_198 = vector.broadcast %mul3A_2 : i32 to vector<16xi32>
    %lt3A_199 = arith.cmpi slt, %get3A_197, %lt3A_198 : vector<16xi32>
    %jit3A_200 = arith.constant 1 : i32
    %jit3A_201 = arith.constant 0 : i32
    %broadcast_in_dim3A_202 = vector.broadcast %jit3A_200 : i32 to vector<16xi32>
    %broadcast_in_dim3A_203 = vector.broadcast %jit3A_201 : i32 to vector<16xi32>
    %select_n3A_204 = arith.select %lt3A_199, %broadcast_in_dim3A_202, %broadcast_in_dim3A_203 : vector<16xi1>, vector<16xi32>
    %add3A_205 = arith.addi %add3A_187, %select_n3A_204 : vector<16xi32>
    %lt3A_206 = vector.broadcast %sub3A_9 : i32 to vector<16xi32>
    %lt3A_207 = arith.cmpi slt, %get3A_197, %lt3A_206 : vector<16xi32>
    %jit3A_208 = arith.constant 1 : i32
    %jit3A_209 = arith.constant 0 : i32
    %broadcast_in_dim3A_210 = vector.broadcast %jit3A_208 : i32 to vector<16xi32>
    %broadcast_in_dim3A_211 = vector.broadcast %jit3A_209 : i32 to vector<16xi32>
    %select_n3A_212 = arith.select %lt3A_207, %broadcast_in_dim3A_210, %broadcast_in_dim3A_211 : vector<16xi1>, vector<16xi32>
    %add3A_213 = arith.addi %add3A_195, %select_n3A_212 : vector<16xi32>
    %get3A_214 = arith.constant 80 : index
    %get3A_215 = tpu.vector_load %arg12[%get3A_214] {strides = array<i32>} : memref<128xi32, #tpu.memory_space<vmem>>, vector<16xi32>,
    %lt3A_216 = vector.broadcast %mul3A_2 : i32 to vector<16xi32>
    %lt3A_217 = arith.cmpi slt, %get3A_215, %lt3A_216 : vector<16xi32>
    %jit3A_218 = arith.constant 1 : i32
    %jit3A_219 = arith.constant 0 : i32
    %broadcast_in_dim3A_220 = vector.broadcast %jit3A_218 : i32 to vector<16xi32>
    %broadcast_in_dim3A_221 = vector.broadcast %jit3A_219 : i32 to vector<16xi32>
    %select_n3A_222 = arith.select %lt3A_217, %broadcast_in_dim3A_220, %broadcast_in_dim3A_221 : vector<16xi1>, vector<16xi32>
    %add3A_223 = arith.addi %add3A_205, %select_n3A_222 : vector<16xi32>
    %lt3A_224 = vector.broadcast %sub3A_9 : i32 to vector<16xi32>
    %lt3A_225 = arith.cmpi slt, %get3A_215, %lt3A_224 : vector<16xi32>
    %jit3A_226 = arith.constant 1 : i32
    %jit3A_227 = arith.constant 0 : i32
    %broadcast_in_dim3A_228 = vector.broadcast %jit3A_226 : i32 to vector<16xi32>
    %broadcast_in_dim3A_229 = vector.broadcast %jit3A_227 : i32 to vector<16xi32>
    %select_n3A_230 = arith.select %lt3A_225, %broadcast_in_dim3A_228, %broadcast_in_dim3A_229 : vector<16xi1>, vector<16xi32>
    %add3A_231 = arith.addi %add3A_213, %select_n3A_230 : vector<16xi32>
    %get3A_232 = arith.constant 96 : index
    %get3A_233 = tpu.vector_load %arg12[%get3A_232] {strides = array<i32>} : memref<128xi32, #tpu.memory_space<vmem>>, vector<16xi32>,
    %lt3A_234 = vector.broadcast %mul3A_2 : i32 to vector<16xi32>
    %lt3A_235 = arith.cmpi slt, %get3A_233, %lt3A_234 : vector<16xi32>
    %jit3A_236 = arith.constant 1 : i32
    %jit3A_237 = arith.constant 0 : i32
    %broadcast_in_dim3A_238 = vector.broadcast %jit3A_236 : i32 to vector<16xi32>
    %broadcast_in_dim3A_239 = vector.broadcast %jit3A_237 : i32 to vector<16xi32>
    %select_n3A_240 = arith.select %lt3A_235, %broadcast_in_dim3A_238, %broadcast_in_dim3A_239 : vector<16xi1>, vector<16xi32>
    %add3A_241 = arith.addi %add3A_223, %select_n3A_240 : vector<16xi32>
    %lt3A_242 = vector.broadcast %sub3A_9 : i32 to vector<16xi32>
    %lt3A_243 = arith.cmpi slt, %get3A_233, %lt3A_242 : vector<16xi32>
    %jit3A_244 = arith.constant 1 : i32
    %jit3A_245 = arith.constant 0 : i32
    %broadcast_in_dim3A_246 = vector.broadcast %jit3A_244 : i32 to vector<16xi32>
    %broadcast_in_dim3A_247 = vector.broadcast %jit3A_245 : i32 to vector<16xi32>
    %select_n3A_248 = arith.select %lt3A_243, %broadcast_in_dim3A_246, %broadcast_in_dim3A_247 : vector<16xi1>, vector<16xi32>
    %add3A_249 = arith.addi %add3A_231, %select_n3A_248 : vector<16xi32>
    %get3A_250 = arith.constant 112 : index
    %get3A_251 = tpu.vector_load %arg12[%get3A_250] {strides = array<i32>} : memref<128xi32, #tpu.memory_space<vmem>>, vector<16xi32>,
    %lt3A_252 = vector.broadcast %mul3A_2 : i32 to vector<16xi32>
    %lt3A_253 = arith.cmpi slt, %get3A_251, %lt3A_252 : vector<16xi32>
    %jit3A_254 = arith.constant 1 : i32
    %jit3A_255 = arith.constant 0 : i32
    %broadcast_in_dim3A_256 = vector.broadcast %jit3A_254 : i32 to vector<16xi32>
    %broadcast_in_dim3A_257 = vector.broadcast %jit3A_255 : i32 to vector<16xi32>
    %select_n3A_258 = arith.select %lt3A_253, %broadcast_in_dim3A_256, %broadcast_in_dim3A_257 : vector<16xi1>, vector<16xi32>
    %add3A_259 = arith.addi %add3A_241, %select_n3A_258 : vector<16xi32>
    %lt3A_260 = vector.broadcast %sub3A_9 : i32 to vector<16xi32>
    %lt3A_261 = arith.cmpi slt, %get3A_251, %lt3A_260 : vector<16xi32>
    %jit3A_262 = arith.constant 1 : i32
    %jit3A_263 = arith.constant 0 : i32
    %broadcast_in_dim3A_264 = vector.broadcast %jit3A_262 : i32 to vector<16xi32>
    %broadcast_in_dim3A_265 = vector.broadcast %jit3A_263 : i32 to vector<16xi32>
    %select_n3A_266 = arith.select %lt3A_261, %broadcast_in_dim3A_264, %broadcast_in_dim3A_265 : vector<16xi1>, vector<16xi32>
    %add3A_267 = arith.addi %add3A_249, %select_n3A_266 : vector<16xi32>
    %reduce_sum3A = arith.constant true
    %reduce_sum3A_268 = vector.broadcast %reduce_sum3A : i1 to vector<16xi1>
    %reduce_sum3A_269 = tpu.scan <sum>, %add3A_259 masked %reduce_sum3A_268 : vector<16xi32>, vector<16xi1> -> vector<16xi32>
    %reduce_sum3A_270 = vector.extract %reduce_sum3A_269[15] : i32 from vector<16xi32>
    %reduce_sum3A_271 = arith.constant true
    %reduce_sum3A_272 = vector.broadcast %reduce_sum3A_271 : i1 to vector<16xi1>
    %reduce_sum3A_273 = tpu.scan <sum>, %add3A_267 masked %reduce_sum3A_272 : vector<16xi32>, vector<16xi1> -> vector<16xi32>
    %reduce_sum3A_274 = vector.extract %reduce_sum3A_273[15] : i32 from vector<16xi32>
    %lt3A_275 = arith.constant 128 : i32
    %lt3A_276 = arith.cmpi slt, %reduce_sum3A_274, %lt3A_275 : i32
    %mul3A_277 = arith.muli %reduce_sum3A_274, %max3A_18 : i32
    %add3A_278 = arith.constant 0 : i32
    %add3A_279 = arith.addi %add3A_278, %mul3A_277 : i32
    %min3A_280 = arith.constant 999999 : i32
    %min3A_281 = arith.minsi %add3A_279, %min3A_280 : i32
    %min3A_282 = arith.constant 1000000 : i32
    %min3A_283 = arith.minsi %min3A_282, %min3A_281 : i32
    %jit3A_284 = arith.constant 1000000 : i32
    %select_n3A_285 = arith.select %lt3A_276, %min3A_283, %jit3A_284 : i32
    %sub3A_286 = arith.constant 1 : i32
    %sub3A_287 = arith.subi %reduce_sum3A_270, %sub3A_286 : i32
    %max3A_288 = arith.constant 0 : i32
    %max3A_289 = arith.maxsi %sub3A_287, %max3A_288 : i32
    %mul3A_290 = arith.muli %max3A_289, %max3A_18 : i32
    %add3A_291 = arith.constant 0 : i32
    %add3A_292 = arith.addi %add3A_291, %mul3A_290 : i32
    %sub3A_293 = arith.subi %select_n3A_285, %add3A_292 : i32
    %add3A_294 = arith.constant 128 : i32
    %add3A_295 = arith.addi %sub3A_293, %add3A_294 : i32
    %sub3A_296 = arith.constant 1 : i32
    %sub3A_297 = arith.subi %add3A_295, %sub3A_296 : i32
    %shift_right_logical3A_298 = arith.constant 7 : i32
    %shift_right_logical3A_299 = arith.shrui %sub3A_297, %shift_right_logical3A_298 : i32
    %max3A_300 = arith.constant 1 : i32
    %max3A_301 = arith.maxsi %shift_right_logical3A_299, %max3A_300 : i32
    %add3A_302 = arith.constant 0 : i32
    %add3A_303 = vector.broadcast %add3A_302 : i32 to vector<16xi32>
    %add3A_304 = arith.addi %add3A_303, %iota3A : vector<16xi32>
    %mul3A_305 = vector.broadcast %max3A_301 : i32 to vector<16xi32>
    %mul3A_306 = arith.muli %add3A_304, %mul3A_305 : vector<16xi32>
    %add3A_307 = vector.broadcast %add3A_292 : i32 to vector<16xi32>
    %add3A_308 = arith.addi %add3A_307, %mul3A_306 : vector<16xi32>
    %min3A_309 = arith.constant 999999 : i32
    %min3A_310 = vector.broadcast %min3A_309 : i32 to vector<16xi32>
    %min3A_311 = arith.minsi %add3A_308, %min3A_310 : vector<16xi32>
    %swap3A_312 = arith.constant 0 : index
    %swap3A_313 = tpu.vector_load %arg11[%swap3A_312] {strides = array<i32>} : memref<128xi32, #tpu.memory_space<vmem>>, vector<16xi32>,
    tpu.vector_store %arg11[%swap3A_312], %min3A_311 {strides = array<i32>} : memref<128xi32, #tpu.memory_space<vmem>>, vector<16xi32>,
    %add3A_314 = arith.constant 16 : i32
    %add3A_315 = vector.broadcast %add3A_314 : i32 to vector<16xi32>
    %add3A_316 = arith.addi %add3A_315, %iota3A : vector<16xi32>
    %mul3A_317 = vector.broadcast %max3A_301 : i32 to vector<16xi32>
    %mul3A_318 = arith.muli %add3A_316, %mul3A_317 : vector<16xi32>
    %add3A_319 = vector.broadcast %add3A_292 : i32 to vector<16xi32>
    %add3A_320 = arith.addi %add3A_319, %mul3A_318 : vector<16xi32>
    %min3A_321 = arith.constant 999999 : i32
    %min3A_322 = vector.broadcast %min3A_321 : i32 to vector<16xi32>
    %min3A_323 = arith.minsi %add3A_320, %min3A_322 : vector<16xi32>
    %swap3A_324 = arith.constant 16 : index
    %swap3A_325 = tpu.vector_load %arg11[%swap3A_324] {strides = array<i32>} : memref<128xi32, #tpu.memory_space<vmem>>, vector<16xi32>,
    tpu.vector_store %arg11[%swap3A_324], %min3A_323 {strides = array<i32>} : memref<128xi32, #tpu.memory_space<vmem>>, vector<16xi32>,
    %add3A_326 = arith.constant 32 : i32
    %add3A_327 = vector.broadcast %add3A_326 : i32 to vector<16xi32>
    %add3A_328 = arith.addi %add3A_327, %iota3A : vector<16xi32>
    %mul3A_329 = vector.broadcast %max3A_301 : i32 to vector<16xi32>
    %mul3A_330 = arith.muli %add3A_328, %mul3A_329 : vector<16xi32>
    %add3A_331 = vector.broadcast %add3A_292 : i32 to vector<16xi32>
    %add3A_332 = arith.addi %add3A_331, %mul3A_330 : vector<16xi32>
    %min3A_333 = arith.constant 999999 : i32
    %min3A_334 = vector.broadcast %min3A_333 : i32 to vector<16xi32>
    %min3A_335 = arith.minsi %add3A_332, %min3A_334 : vector<16xi32>
    %swap3A_336 = arith.constant 32 : index
    %swap3A_337 = tpu.vector_load %arg11[%swap3A_336] {strides = array<i32>} : memref<128xi32, #tpu.memory_space<vmem>>, vector<16xi32>,
    tpu.vector_store %arg11[%swap3A_336], %min3A_335 {strides = array<i32>} : memref<128xi32, #tpu.memory_space<vmem>>, vector<16xi32>,
    %add3A_338 = arith.constant 48 : i32
    %add3A_339 = vector.broadcast %add3A_338 : i32 to vector<16xi32>
    %add3A_340 = arith.addi %add3A_339, %iota3A : vector<16xi32>
    %mul3A_341 = vector.broadcast %max3A_301 : i32 to vector<16xi32>
    %mul3A_342 = arith.muli %add3A_340, %mul3A_341 : vector<16xi32>
    %add3A_343 = vector.broadcast %add3A_292 : i32 to vector<16xi32>
    %add3A_344 = arith.addi %add3A_343, %mul3A_342 : vector<16xi32>
    %min3A_345 = arith.constant 999999 : i32
    %min3A_346 = vector.broadcast %min3A_345 : i32 to vector<16xi32>
    %min3A_347 = arith.minsi %add3A_344, %min3A_346 : vector<16xi32>
    %swap3A_348 = arith.constant 48 : index
    %swap3A_349 = tpu.vector_load %arg11[%swap3A_348] {strides = array<i32>} : memref<128xi32, #tpu.memory_space<vmem>>, vector<16xi32>,
    tpu.vector_store %arg11[%swap3A_348], %min3A_347 {strides = array<i32>} : memref<128xi32, #tpu.memory_space<vmem>>, vector<16xi32>,
    %add3A_350 = arith.constant 64 : i32
    %add3A_351 = vector.broadcast %add3A_350 : i32 to vector<16xi32>
    %add3A_352 = arith.addi %add3A_351, %iota3A : vector<16xi32>
    %mul3A_353 = vector.broadcast %max3A_301 : i32 to vector<16xi32>
    %mul3A_354 = arith.muli %add3A_352, %mul3A_353 : vector<16xi32>
    %add3A_355 = vector.broadcast %add3A_292 : i32 to vector<16xi32>
    %add3A_356 = arith.addi %add3A_355, %mul3A_354 : vector<16xi32>
    %min3A_357 = arith.constant 999999 : i32
    %min3A_358 = vector.broadcast %min3A_357 : i32 to vector<16xi32>
    %min3A_359 = arith.minsi %add3A_356, %min3A_358 : vector<16xi32>
    %swap3A_360 = arith.constant 64 : index
    %swap3A_361 = tpu.vector_load %arg11[%swap3A_360] {strides = array<i32>} : memref<128xi32, #tpu.memory_space<vmem>>, vector<16xi32>,
    tpu.vector_store %arg11[%swap3A_360], %min3A_359 {strides = array<i32>} : memref<128xi32, #tpu.memory_space<vmem>>, vector<16xi32>,
    %add3A_362 = arith.constant 80 : i32
    %add3A_363 = vector.broadcast %add3A_362 : i32 to vector<16xi32>
    %add3A_364 = arith.addi %add3A_363, %iota3A : vector<16xi32>
    %mul3A_365 = vector.broadcast %max3A_301 : i32 to vector<16xi32>
    %mul3A_366 = arith.muli %add3A_364, %mul3A_365 : vector<16xi32>
    %add3A_367 = vector.broadcast %add3A_292 : i32 to vector<16xi32>
    %add3A_368 = arith.addi %add3A_367, %mul3A_366 : vector<16xi32>
    %min3A_369 = arith.constant 999999 : i32
    %min3A_370 = vector.broadcast %min3A_369 : i32 to vector<16xi32>
    %min3A_371 = arith.minsi %add3A_368, %min3A_370 : vector<16xi32>
    %swap3A_372 = arith.constant 80 : index
    %swap3A_373 = tpu.vector_load %arg11[%swap3A_372] {strides = array<i32>} : memref<128xi32, #tpu.memory_space<vmem>>, vector<16xi32>,
    tpu.vector_store %arg11[%swap3A_372], %min3A_371 {strides = array<i32>} : memref<128xi32, #tpu.memory_space<vmem>>, vector<16xi32>,
    %add3A_374 = arith.constant 96 : i32
    %add3A_375 = vector.broadcast %add3A_374 : i32 to vector<16xi32>
    %add3A_376 = arith.addi %add3A_375, %iota3A : vector<16xi32>
    %mul3A_377 = vector.broadcast %max3A_301 : i32 to vector<16xi32>
    %mul3A_378 = arith.muli %add3A_376, %mul3A_377 : vector<16xi32>
    %add3A_379 = vector.broadcast %add3A_292 : i32 to vector<16xi32>
    %add3A_380 = arith.addi %add3A_379, %mul3A_378 : vector<16xi32>
    %min3A_381 = arith.constant 999999 : i32
    %min3A_382 = vector.broadcast %min3A_381 : i32 to vector<16xi32>
    %min3A_383 = arith.minsi %add3A_380, %min3A_382 : vector<16xi32>
    %swap3A_384 = arith.constant 96 : index
    %swap3A_385 = tpu.vector_load %arg11[%swap3A_384] {strides = array<i32>} : memref<128xi32, #tpu.memory_space<vmem>>, vector<16xi32>,
    tpu.vector_store %arg11[%swap3A_384], %min3A_383 {strides = array<i32>} : memref<128xi32, #tpu.memory_space<vmem>>, vector<16xi32>,
    %add3A_386 = arith.constant 112 : i32
    %add3A_387 = vector.broadcast %add3A_386 : i32 to vector<16xi32>
    %add3A_388 = arith.addi %add3A_387, %iota3A : vector<16xi32>
    %mul3A_389 = vector.broadcast %max3A_301 : i32 to vector<16xi32>
    %mul3A_390 = arith.muli %add3A_388, %mul3A_389 : vector<16xi32>
    %add3A_391 = vector.broadcast %add3A_292 : i32 to vector<16xi32>
    %add3A_392 = arith.addi %add3A_391, %mul3A_390 : vector<16xi32>
    %min3A_393 = arith.constant 999999 : i32
    %min3A_394 = vector.broadcast %min3A_393 : i32 to vector<16xi32>
    %min3A_395 = arith.minsi %add3A_392, %min3A_394 : vector<16xi32>
    %swap3A_396 = arith.constant 112 : index
    %swap3A_397 = tpu.vector_load %arg11[%swap3A_396] {strides = array<i32>} : memref<128xi32, #tpu.memory_space<vmem>>, vector<16xi32>,
    tpu.vector_store %arg11[%swap3A_396], %min3A_395 {strides = array<i32>} : memref<128xi32, #tpu.memory_space<vmem>>, vector<16xi32>,
    %dma_start3A_398 = arith.constant 0 : i32
    %dma_start3A_399 = tpu.memref_slice %arg4[%dma_start3A_398] : memref<1000000xi32, #tpu.memory_space<hbm>> -> memref<1000000xi32, #tpu.memory_space<hbm>>
    tpu.enqueue_indirect_dma source(%dma_start3A_399 : memref<1000000xi32, #tpu.memory_space<hbm>>) target(%arg12 : memref<128xi32, #tpu.memory_space<vmem>>) offsets(%arg11 : memref<128xi32, #tpu.memory_space<vmem>>) semaphore(%arg18 : memref<!tpu.dma_semaphore, #tpu.memory_space<semaphore_mem>>)
    %dma_wait3A_400 = arith.constant 0 : i32
    %dma_wait3A_401 = tpu.memref_slice %arg4[%dma_wait3A_400] : memref<1000000xi32, #tpu.memory_space<hbm>> -> memref<1000000xi32, #tpu.memory_space<hbm>>
    tpu.wait_indirect_dma semaphore(%arg18 : memref<!tpu.dma_semaphore, #tpu.memory_space<semaphore_mem>>) src(%dma_wait3A_401 : memref<1000000xi32, #tpu.memory_space<hbm>>) dst(%arg12 : memref<128xi32, #tpu.memory_space<vmem>>)
    %broadcast_in_dim3A_402 = arith.constant 0 : i32
    %broadcast_in_dim3A_403 = vector.broadcast %broadcast_in_dim3A_402 : i32 to vector<16xi32>
    %broadcast_in_dim3A_404 = arith.constant 0 : i32
    %broadcast_in_dim3A_405 = vector.broadcast %broadcast_in_dim3A_404 : i32 to vector<16xi32>
    %get3A_406 = arith.constant 0 : index
    %get3A_407 = tpu.vector_load %arg12[%get3A_406] {strides = array<i32>} : memref<128xi32, #tpu.memory_space<vmem>>, vector<16xi32>,
    %lt3A_408 = vector.broadcast %mul3A_2 : i32 to vector<16xi32>
    %lt3A_409 = arith.cmpi slt, %get3A_407, %lt3A_408 : vector<16xi32>
    %jit3A_410 = arith.constant 1 : i32
    %jit3A_411 = arith.constant 0 : i32
    %broadcast_in_dim3A_412 = vector.broadcast %jit3A_410 : i32 to vector<16xi32>
    %broadcast_in_dim3A_413 = vector.broadcast %jit3A_411 : i32 to vector<16xi32>
    %select_n3A_414 = arith.select %lt3A_409, %broadcast_in_dim3A_412, %broadcast_in_dim3A_413 : vector<16xi1>, vector<16xi32>
    %add3A_415 = arith.addi %broadcast_in_dim3A_403, %select_n3A_414 : vector<16xi32>
    %lt3A_416 = vector.broadcast %sub3A_9 : i32 to vector<16xi32>
    %lt3A_417 = arith.cmpi slt, %get3A_407, %lt3A_416 : vector<16xi32>
    %jit3A_418 = arith.constant 1 : i32
    %jit3A_419 = arith.constant 0 : i32
    %broadcast_in_dim3A_420 = vector.broadcast %jit3A_418 : i32 to vector<16xi32>
    %broadcast_in_dim3A_421 = vector.broadcast %jit3A_419 : i32 to vector<16xi32>
    %select_n3A_422 = arith.select %lt3A_417, %broadcast_in_dim3A_420, %broadcast_in_dim3A_421 : vector<16xi1>, vector<16xi32>
    %add3A_423 = arith.addi %broadcast_in_dim3A_405, %select_n3A_422 : vector<16xi32>
    %get3A_424 = arith.constant 16 : index
    %get3A_425 = tpu.vector_load %arg12[%get3A_424] {strides = array<i32>} : memref<128xi32, #tpu.memory_space<vmem>>, vector<16xi32>,
    %lt3A_426 = vector.broadcast %mul3A_2 : i32 to vector<16xi32>
    %lt3A_427 = arith.cmpi slt, %get3A_425, %lt3A_426 : vector<16xi32>
    %jit3A_428 = arith.constant 1 : i32
    %jit3A_429 = arith.constant 0 : i32
    %broadcast_in_dim3A_430 = vector.broadcast %jit3A_428 : i32 to vector<16xi32>
    %broadcast_in_dim3A_431 = vector.broadcast %jit3A_429 : i32 to vector<16xi32>
    %select_n3A_432 = arith.select %lt3A_427, %broadcast_in_dim3A_430, %broadcast_in_dim3A_431 : vector<16xi1>, vector<16xi32>
    %add3A_433 = arith.addi %add3A_415, %select_n3A_432 : vector<16xi32>
    %lt3A_434 = vector.broadcast %sub3A_9 : i32 to vector<16xi32>
    %lt3A_435 = arith.cmpi slt, %get3A_425, %lt3A_434 : vector<16xi32>
    %jit3A_436 = arith.constant 1 : i32
    %jit3A_437 = arith.constant 0 : i32
    %broadcast_in_dim3A_438 = vector.broadcast %jit3A_436 : i32 to vector<16xi32>
    %broadcast_in_dim3A_439 = vector.broadcast %jit3A_437 : i32 to vector<16xi32>
    %select_n3A_440 = arith.select %lt3A_435, %broadcast_in_dim3A_438, %broadcast_in_dim3A_439 : vector<16xi1>, vector<16xi32>
    %add3A_441 = arith.addi %add3A_423, %select_n3A_440 : vector<16xi32>
    %get3A_442 = arith.constant 32 : index
    %get3A_443 = tpu.vector_load %arg12[%get3A_442] {strides = array<i32>} : memref<128xi32, #tpu.memory_space<vmem>>, vector<16xi32>,
    %lt3A_444 = vector.broadcast %mul3A_2 : i32 to vector<16xi32>
    %lt3A_445 = arith.cmpi slt, %get3A_443, %lt3A_444 : vector<16xi32>
    %jit3A_446 = arith.constant 1 : i32
    %jit3A_447 = arith.constant 0 : i32
    %broadcast_in_dim3A_448 = vector.broadcast %jit3A_446 : i32 to vector<16xi32>
    %broadcast_in_dim3A_449 = vector.broadcast %jit3A_447 : i32 to vector<16xi32>
    %select_n3A_450 = arith.select %lt3A_445, %broadcast_in_dim3A_448, %broadcast_in_dim3A_449 : vector<16xi1>, vector<16xi32>
    %add3A_451 = arith.addi %add3A_433, %select_n3A_450 : vector<16xi32>
    %lt3A_452 = vector.broadcast %sub3A_9 : i32 to vector<16xi32>
    %lt3A_453 = arith.cmpi slt, %get3A_443, %lt3A_452 : vector<16xi32>
    %jit3A_454 = arith.constant 1 : i32
    %jit3A_455 = arith.constant 0 : i32
    %broadcast_in_dim3A_456 = vector.broadcast %jit3A_454 : i32 to vector<16xi32>
    %broadcast_in_dim3A_457 = vector.broadcast %jit3A_455 : i32 to vector<16xi32>
    %select_n3A_458 = arith.select %lt3A_453, %broadcast_in_dim3A_456, %broadcast_in_dim3A_457 : vector<16xi1>, vector<16xi32>
    %add3A_459 = arith.addi %add3A_441, %select_n3A_458 : vector<16xi32>
    %get3A_460 = arith.constant 48 : index
    %get3A_461 = tpu.vector_load %arg12[%get3A_460] {strides = array<i32>} : memref<128xi32, #tpu.memory_space<vmem>>, vector<16xi32>,
    %lt3A_462 = vector.broadcast %mul3A_2 : i32 to vector<16xi32>
    %lt3A_463 = arith.cmpi slt, %get3A_461, %lt3A_462 : vector<16xi32>
    %jit3A_464 = arith.constant 1 : i32
    %jit3A_465 = arith.constant 0 : i32
    %broadcast_in_dim3A_466 = vector.broadcast %jit3A_464 : i32 to vector<16xi32>
    %broadcast_in_dim3A_467 = vector.broadcast %jit3A_465 : i32 to vector<16xi32>
    %select_n3A_468 = arith.select %lt3A_463, %broadcast_in_dim3A_466, %broadcast_in_dim3A_467 : vector<16xi1>, vector<16xi32>
    %add3A_469 = arith.addi %add3A_451, %select_n3A_468 : vector<16xi32>
    %lt3A_470 = vector.broadcast %sub3A_9 : i32 to vector<16xi32>
    %lt3A_471 = arith.cmpi slt, %get3A_461, %lt3A_470 : vector<16xi32>
    %jit3A_472 = arith.constant 1 : i32
    %jit3A_473 = arith.constant 0 : i32
    %broadcast_in_dim3A_474 = vector.broadcast %jit3A_472 : i32 to vector<16xi32>
    %broadcast_in_dim3A_475 = vector.broadcast %jit3A_473 : i32 to vector<16xi32>
    %select_n3A_476 = arith.select %lt3A_471, %broadcast_in_dim3A_474, %broadcast_in_dim3A_475 : vector<16xi1>, vector<16xi32>
    %add3A_477 = arith.addi %add3A_459, %select_n3A_476 : vector<16xi32>
    %get3A_478 = arith.constant 64 : index
    %get3A_479 = tpu.vector_load %arg12[%get3A_478] {strides = array<i32>} : memref<128xi32, #tpu.memory_space<vmem>>, vector<16xi32>,
    %lt3A_480 = vector.broadcast %mul3A_2 : i32 to vector<16xi32>
    %lt3A_481 = arith.cmpi slt, %get3A_479, %lt3A_480 : vector<16xi32>
    %jit3A_482 = arith.constant 1 : i32
    %jit3A_483 = arith.constant 0 : i32
    %broadcast_in_dim3A_484 = vector.broadcast %jit3A_482 : i32 to vector<16xi32>
    %broadcast_in_dim3A_485 = vector.broadcast %jit3A_483 : i32 to vector<16xi32>
    %select_n3A_486 = arith.select %lt3A_481, %broadcast_in_dim3A_484, %broadcast_in_dim3A_485 : vector<16xi1>, vector<16xi32>
    %add3A_487 = arith.addi %add3A_469, %select_n3A_486 : vector<16xi32>
    %lt3A_488 = vector.broadcast %sub3A_9 : i32 to vector<16xi32>
    %lt3A_489 = arith.cmpi slt, %get3A_479, %lt3A_488 : vector<16xi32>
    %jit3A_490 = arith.constant 1 : i32
    %jit3A_491 = arith.constant 0 : i32
    %broadcast_in_dim3A_492 = vector.broadcast %jit3A_490 : i32 to vector<16xi32>
    %broadcast_in_dim3A_493 = vector.broadcast %jit3A_491 : i32 to vector<16xi32>
    %select_n3A_494 = arith.select %lt3A_489, %broadcast_in_dim3A_492, %broadcast_in_dim3A_493 : vector<16xi1>, vector<16xi32>
    %add3A_495 = arith.addi %add3A_477, %select_n3A_494 : vector<16xi32>
    %get3A_496 = arith.constant 80 : index
    %get3A_497 = tpu.vector_load %arg12[%get3A_496] {strides = array<i32>} : memref<128xi32, #tpu.memory_space<vmem>>, vector<16xi32>,
    %lt3A_498 = vector.broadcast %mul3A_2 : i32 to vector<16xi32>
    %lt3A_499 = arith.cmpi slt, %get3A_497, %lt3A_498 : vector<16xi32>
    %jit3A_500 = arith.constant 1 : i32
    %jit3A_501 = arith.constant 0 : i32
    %broadcast_in_dim3A_502 = vector.broadcast %jit3A_500 : i32 to vector<16xi32>
    %broadcast_in_dim3A_503 = vector.broadcast %jit3A_501 : i32 to vector<16xi32>
    %select_n3A_504 = arith.select %lt3A_499, %broadcast_in_dim3A_502, %broadcast_in_dim3A_503 : vector<16xi1>, vector<16xi32>
    %add3A_505 = arith.addi %add3A_487, %select_n3A_504 : vector<16xi32>
    %lt3A_506 = vector.broadcast %sub3A_9 : i32 to vector<16xi32>
    %lt3A_507 = arith.cmpi slt, %get3A_497, %lt3A_506 : vector<16xi32>
    %jit3A_508 = arith.constant 1 : i32
    %jit3A_509 = arith.constant 0 : i32
    %broadcast_in_dim3A_510 = vector.broadcast %jit3A_508 : i32 to vector<16xi32>
    %broadcast_in_dim3A_511 = vector.broadcast %jit3A_509 : i32 to vector<16xi32>
    %select_n3A_512 = arith.select %lt3A_507, %broadcast_in_dim3A_510, %broadcast_in_dim3A_511 : vector<16xi1>, vector<16xi32>
    %add3A_513 = arith.addi %add3A_495, %select_n3A_512 : vector<16xi32>
    %get3A_514 = arith.constant 96 : index
    %get3A_515 = tpu.vector_load %arg12[%get3A_514] {strides = array<i32>} : memref<128xi32, #tpu.memory_space<vmem>>, vector<16xi32>,
    %lt3A_516 = vector.broadcast %mul3A_2 : i32 to vector<16xi32>
    %lt3A_517 = arith.cmpi slt, %get3A_515, %lt3A_516 : vector<16xi32>
    %jit3A_518 = arith.constant 1 : i32
    %jit3A_519 = arith.constant 0 : i32
    %broadcast_in_dim3A_520 = vector.broadcast %jit3A_518 : i32 to vector<16xi32>
    %broadcast_in_dim3A_521 = vector.broadcast %jit3A_519 : i32 to vector<16xi32>
    %select_n3A_522 = arith.select %lt3A_517, %broadcast_in_dim3A_520, %broadcast_in_dim3A_521 : vector<16xi1>, vector<16xi32>
    %add3A_523 = arith.addi %add3A_505, %select_n3A_522 : vector<16xi32>
    %lt3A_524 = vector.broadcast %sub3A_9 : i32 to vector<16xi32>
    %lt3A_525 = arith.cmpi slt, %get3A_515, %lt3A_524 : vector<16xi32>
    %jit3A_526 = arith.constant 1 : i32
    %jit3A_527 = arith.constant 0 : i32
    %broadcast_in_dim3A_528 = vector.broadcast %jit3A_526 : i32 to vector<16xi32>
    %broadcast_in_dim3A_529 = vector.broadcast %jit3A_527 : i32 to vector<16xi32>
    %select_n3A_530 = arith.select %lt3A_525, %broadcast_in_dim3A_528, %broadcast_in_dim3A_529 : vector<16xi1>, vector<16xi32>
    %add3A_531 = arith.addi %add3A_513, %select_n3A_530 : vector<16xi32>
    %get3A_532 = arith.constant 112 : index
    %get3A_533 = tpu.vector_load %arg12[%get3A_532] {strides = array<i32>} : memref<128xi32, #tpu.memory_space<vmem>>, vector<16xi32>,
    %lt3A_534 = vector.broadcast %mul3A_2 : i32 to vector<16xi32>
    %lt3A_535 = arith.cmpi slt, %get3A_533, %lt3A_534 : vector<16xi32>
    %jit3A_536 = arith.constant 1 : i32
    %jit3A_537 = arith.constant 0 : i32
    %broadcast_in_dim3A_538 = vector.broadcast %jit3A_536 : i32 to vector<16xi32>
    %broadcast_in_dim3A_539 = vector.broadcast %jit3A_537 : i32 to vector<16xi32>
    %select_n3A_540 = arith.select %lt3A_535, %broadcast_in_dim3A_538, %broadcast_in_dim3A_539 : vector<16xi1>, vector<16xi32>
    %add3A_541 = arith.addi %add3A_523, %select_n3A_540 : vector<16xi32>
    %lt3A_542 = vector.broadcast %sub3A_9 : i32 to vector<16xi32>
    %lt3A_543 = arith.cmpi slt, %get3A_533, %lt3A_542 : vector<16xi32>
    %jit3A_544 = arith.constant 1 : i32
    %jit3A_545 = arith.constant 0 : i32
    %broadcast_in_dim3A_546 = vector.broadcast %jit3A_544 : i32 to vector<16xi32>
    %broadcast_in_dim3A_547 = vector.broadcast %jit3A_545 : i32 to vector<16xi32>
    %select_n3A_548 = arith.select %lt3A_543, %broadcast_in_dim3A_546, %broadcast_in_dim3A_547 : vector<16xi1>, vector<16xi32>
    %add3A_549 = arith.addi %add3A_531, %select_n3A_548 : vector<16xi32>
    %reduce_sum3A_550 = arith.constant true
    %reduce_sum3A_551 = vector.broadcast %reduce_sum3A_550 : i1 to vector<16xi1>
    %reduce_sum3A_552 = tpu.scan <sum>, %add3A_541 masked %reduce_sum3A_551 : vector<16xi32>, vector<16xi1> -> vector<16xi32>
    %reduce_sum3A_553 = vector.extract %reduce_sum3A_552[15] : i32 from vector<16xi32>
    %reduce_sum3A_554 = arith.constant true
    %reduce_sum3A_555 = vector.broadcast %reduce_sum3A_554 : i1 to vector<16xi1>
    %reduce_sum3A_556 = tpu.scan <sum>, %add3A_549 masked %reduce_sum3A_555 : vector<16xi32>, vector<16xi1> -> vector<16xi32>
    %reduce_sum3A_557 = vector.extract %reduce_sum3A_556[15] : i32 from vector<16xi32>
    %lt3A_558 = arith.constant 128 : i32
    %lt3A_559 = arith.cmpi slt, %reduce_sum3A_557, %lt3A_558 : i32
    %mul3A_560 = arith.muli %reduce_sum3A_557, %max3A_301 : i32
    %add3A_561 = arith.addi %add3A_292, %mul3A_560 : i32
    %min3A_562 = arith.constant 999999 : i32
    %min3A_563 = arith.minsi %add3A_561, %min3A_562 : i32
    %min3A_564 = arith.minsi %select_n3A_285, %min3A_563 : i32
    %select_n3A_565 = arith.select %lt3A_559, %min3A_564, %select_n3A_285 : i32
    %sub3A_566 = arith.constant 1 : i32
    %sub3A_567 = arith.subi %reduce_sum3A_553, %sub3A_566 : i32
    %max3A_568 = arith.constant 0 : i32
    %max3A_569 = arith.maxsi %sub3A_567, %max3A_568 : i32
    %mul3A_570 = arith.muli %max3A_569, %max3A_301 : i32
    %add3A_571 = arith.addi %add3A_292, %mul3A_570 : i32
    %and3A = arith.constant -8 : i32
    %and3A_572 = arith.andi %add3A_571, %and3A : i32
    %min3A_573 = arith.constant 926272 : i32
    %min3A_574 = arith.minsi %and3A_572, %min3A_573 : i32
    %max3A_575 = arith.constant 0 : i32
    %max3A_576 = arith.maxsi %min3A_574, %max3A_575 : i32
    %multiple_of3A = tpu.assume_multiple %max3A_576, 8 : i32
    %sub3A_577 = arith.subi %select_n3A_565, %multiple_of3A : i32
    %add3A_578 = arith.constant 1 : i32
    %add3A_579 = arith.addi %sub3A_577, %add3A_578 : i32
    %le3A = arith.constant 73728 : i32
    %le3A_580 = arith.cmpi sle, %add3A_579, %le3A : i32
    %broadcast_in_dim3A_581 = arith.constant 0 : i32
    %broadcast_in_dim3A_582 = vector.broadcast %broadcast_in_dim3A_581 : i32 to vector<16xi32>
    %add3A_583 = vector.broadcast %add3A_571 : i32 to vector<16xi32>
    %add3A_584 = arith.addi %broadcast_in_dim3A_582, %add3A_583 : vector<16xi32>
    %swap3A_585 = arith.constant 0 : index
    %swap3A_586 = tpu.vector_load %arg8[%swap3A_585] {strides = array<i32>} : memref<336xi32, #tpu.memory_space<vmem>>, vector<16xi32>,
    tpu.vector_store %arg8[%swap3A_585], %add3A_584 {strides = array<i32>} : memref<336xi32, #tpu.memory_space<vmem>>, vector<16xi32>,
    %broadcast_in_dim3A_587 = arith.constant 0 : i32
    %broadcast_in_dim3A_588 = vector.broadcast %broadcast_in_dim3A_587 : i32 to vector<16xi32>
    %add3A_589 = vector.broadcast %select_n3A_565 : i32 to vector<16xi32>
    %add3A_590 = arith.addi %broadcast_in_dim3A_588, %add3A_589 : vector<16xi32>
    %swap3A_591 = arith.constant 0 : index
    %swap3A_592 = tpu.vector_load %arg7[%swap3A_591] {strides = array<i32>} : memref<336xi32, #tpu.memory_space<vmem>>, vector<16xi32>,
    tpu.vector_store %arg7[%swap3A_591], %add3A_590 {strides = array<i32>} : memref<336xi32, #tpu.memory_space<vmem>>, vector<16xi32>,
    %broadcast_in_dim3A_593 = arith.constant 0 : i32
    %broadcast_in_dim3A_594 = vector.broadcast %broadcast_in_dim3A_593 : i32 to vector<16xi32>
    %add3A_595 = vector.broadcast %add3A_571 : i32 to vector<16xi32>
    %add3A_596 = arith.addi %broadcast_in_dim3A_594, %add3A_595 : vector<16xi32>
    %swap3A_597 = arith.constant 16 : index
    %swap3A_598 = tpu.vector_load %arg8[%swap3A_597] {strides = array<i32>} : memref<336xi32, #tpu.memory_space<vmem>>, vector<16xi32>,
    tpu.vector_store %arg8[%swap3A_597], %add3A_596 {strides = array<i32>} : memref<336xi32, #tpu.memory_space<vmem>>, vector<16xi32>,
    %broadcast_in_dim3A_599 = arith.constant 0 : i32
    %broadcast_in_dim3A_600 = vector.broadcast %broadcast_in_dim3A_599 : i32 to vector<16xi32>
    %add3A_601 = vector.broadcast %select_n3A_565 : i32 to vector<16xi32>
    %add3A_602 = arith.addi %broadcast_in_dim3A_600, %add3A_601 : vector<16xi32>
    %swap3A_603 = arith.constant 16 : index
    %swap3A_604 = tpu.vector_load %arg7[%swap3A_603] {strides = array<i32>} : memref<336xi32, #tpu.memory_space<vmem>>, vector<16xi32>,
    tpu.vector_store %arg7[%swap3A_603], %add3A_602 {strides = array<i32>} : memref<336xi32, #tpu.memory_space<vmem>>, vector<16xi32>,
    %broadcast_in_dim3A_605 = arith.constant 0 : i32
    %broadcast_in_dim3A_606 = vector.broadcast %broadcast_in_dim3A_605 : i32 to vector<16xi32>
    %add3A_607 = vector.broadcast %add3A_571 : i32 to vector<16xi32>
    %add3A_608 = arith.addi %broadcast_in_dim3A_606, %add3A_607 : vector<16xi32>
    %swap3A_609 = arith.constant 32 : index
    %swap3A_610 = tpu.vector_load %arg8[%swap3A_609] {strides = array<i32>} : memref<336xi32, #tpu.memory_space<vmem>>, vector<16xi32>,
    tpu.vector_store %arg8[%swap3A_609], %add3A_608 {strides = array<i32>} : memref<336xi32, #tpu.memory_space<vmem>>, vector<16xi32>,
    %broadcast_in_dim3A_611 = arith.constant 0 : i32
    %broadcast_in_dim3A_612 = vector.broadcast %broadcast_in_dim3A_611 : i32 to vector<16xi32>
    %add3A_613 = vector.broadcast %select_n3A_565 : i32 to vector<16xi32>
    %add3A_614 = arith.addi %broadcast_in_dim3A_612, %add3A_613 : vector<16xi32>
    %swap3A_615 = arith.constant 32 : index
    %swap3A_616 = tpu.vector_load %arg7[%swap3A_615] {strides = array<i32>} : memref<336xi32, #tpu.memory_space<vmem>>, vector<16xi32>,
    tpu.vector_store %arg7[%swap3A_615], %add3A_614 {strides = array<i32>} : memref<336xi32, #tpu.memory_space<vmem>>, vector<16xi32>,
    %broadcast_in_dim3A_617 = arith.constant 0 : i32
    %broadcast_in_dim3A_618 = vector.broadcast %broadcast_in_dim3A_617 : i32 to vector<16xi32>
    %add3A_619 = vector.broadcast %add3A_571 : i32 to vector<16xi32>
    %add3A_620 = arith.addi %broadcast_in_dim3A_618, %add3A_619 : vector<16xi32>
    %swap3A_621 = arith.constant 48 : index
    %swap3A_622 = tpu.vector_load %arg8[%swap3A_621] {strides = array<i32>} : memref<336xi32, #tpu.memory_space<vmem>>, vector<16xi32>,
    tpu.vector_store %arg8[%swap3A_621], %add3A_620 {strides = array<i32>} : memref<336xi32, #tpu.memory_space<vmem>>, vector<16xi32>,
    %broadcast_in_dim3A_623 = arith.constant 0 : i32
    %broadcast_in_dim3A_624 = vector.broadcast %broadcast_in_dim3A_623 : i32 to vector<16xi32>
    %add3A_625 = vector.broadcast %select_n3A_565 : i32 to vector<16xi32>
    %add3A_626 = arith.addi %broadcast_in_dim3A_624, %add3A_625 : vector<16xi32>
    %swap3A_627 = arith.constant 48 : index
    %swap3A_628 = tpu.vector_load %arg7[%swap3A_627] {strides = array<i32>} : memref<336xi32, #tpu.memory_space<vmem>>, vector<16xi32>,
    tpu.vector_store %arg7[%swap3A_627], %add3A_626 {strides = array<i32>} : memref<336xi32, #tpu.memory_space<vmem>>, vector<16xi32>,
    %broadcast_in_dim3A_629 = arith.constant 0 : i32
    %broadcast_in_dim3A_630 = vector.broadcast %broadcast_in_dim3A_629 : i32 to vector<16xi32>
    %add3A_631 = vector.broadcast %add3A_571 : i32 to vector<16xi32>
    %add3A_632 = arith.addi %broadcast_in_dim3A_630, %add3A_631 : vector<16xi32>
    %swap3A_633 = arith.constant 64 : index
    %swap3A_634 = tpu.vector_load %arg8[%swap3A_633] {strides = array<i32>} : memref<336xi32, #tpu.memory_space<vmem>>, vector<16xi32>,
    tpu.vector_store %arg8[%swap3A_633], %add3A_632 {strides = array<i32>} : memref<336xi32, #tpu.memory_space<vmem>>, vector<16xi32>,
    %broadcast_in_dim3A_635 = arith.constant 0 : i32
    %broadcast_in_dim3A_636 = vector.broadcast %broadcast_in_dim3A_635 : i32 to vector<16xi32>
    %add3A_637 = vector.broadcast %select_n3A_565 : i32 to vector<16xi32>
    %add3A_638 = arith.addi %broadcast_in_dim3A_636, %add3A_637 : vector<16xi32>
    %swap3A_639 = arith.constant 64 : index
    %swap3A_640 = tpu.vector_load %arg7[%swap3A_639] {strides = array<i32>} : memref<336xi32, #tpu.memory_space<vmem>>, vector<16xi32>,
    tpu.vector_store %arg7[%swap3A_639], %add3A_638 {strides = array<i32>} : memref<336xi32, #tpu.memory_space<vmem>>, vector<16xi32>,
    %broadcast_in_dim3A_641 = arith.constant 0 : i32
    %broadcast_in_dim3A_642 = vector.broadcast %broadcast_in_dim3A_641 : i32 to vector<16xi32>
    %add3A_643 = vector.broadcast %add3A_571 : i32 to vector<16xi32>
    %add3A_644 = arith.addi %broadcast_in_dim3A_642, %add3A_643 : vector<16xi32>
    %swap3A_645 = arith.constant 80 : index
    %swap3A_646 = tpu.vector_load %arg8[%swap3A_645] {strides = array<i32>} : memref<336xi32, #tpu.memory_space<vmem>>, vector<16xi32>,
    tpu.vector_store %arg8[%swap3A_645], %add3A_644 {strides = array<i32>} : memref<336xi32, #tpu.memory_space<vmem>>, vector<16xi32>,
    %broadcast_in_dim3A_647 = arith.constant 0 : i32
    %broadcast_in_dim3A_648 = vector.broadcast %broadcast_in_dim3A_647 : i32 to vector<16xi32>
    %add3A_649 = vector.broadcast %select_n3A_565 : i32 to vector<16xi32>
    %add3A_650 = arith.addi %broadcast_in_dim3A_648, %add3A_649 : vector<16xi32>
    %swap3A_651 = arith.constant 80 : index
    %swap3A_652 = tpu.vector_load %arg7[%swap3A_651] {strides = array<i32>} : memref<336xi32, #tpu.memory_space<vmem>>, vector<16xi32>,
    tpu.vector_store %arg7[%swap3A_651], %add3A_650 {strides = array<i32>} : memref<336xi32, #tpu.memory_space<vmem>>, vector<16xi32>,
    %broadcast_in_dim3A_653 = arith.constant 0 : i32
    %broadcast_in_dim3A_654 = vector.broadcast %broadcast_in_dim3A_653 : i32 to vector<16xi32>
    %add3A_655 = vector.broadcast %add3A_571 : i32 to vector<16xi32>
    %add3A_656 = arith.addi %broadcast_in_dim3A_654, %add3A_655 : vector<16xi32>
    %swap3A_657 = arith.constant 96 : index
    %swap3A_658 = tpu.vector_load %arg8[%swap3A_657] {strides = array<i32>} : memref<336xi32, #tpu.memory_space<vmem>>, vector<16xi32>,
    tpu.vector_store %arg8[%swap3A_657], %add3A_656 {strides = array<i32>} : memref<336xi32, #tpu.memory_space<vmem>>, vector<16xi32>,
    %broadcast_in_dim3A_659 = arith.constant 0 : i32
    %broadcast_in_dim3A_660 = vector.broadcast %broadcast_in_dim3A_659 : i32 to vector<16xi32>
    %add3A_661 = vector.broadcast %select_n3A_565 : i32 to vector<16xi32>
    %add3A_662 = arith.addi %broadcast_in_dim3A_660, %add3A_661 : vector<16xi32>
    %swap3A_663 = arith.constant 96 : index
    %swap3A_664 = tpu.vector_load %arg7[%swap3A_663] {strides = array<i32>} : memref<336xi32, #tpu.memory_space<vmem>>, vector<16xi32>,
    tpu.vector_store %arg7[%swap3A_663], %add3A_662 {strides = array<i32>} : memref<336xi32, #tpu.memory_space<vmem>>, vector<16xi32>,
    %broadcast_in_dim3A_665 = arith.constant 0 : i32
    %broadcast_in_dim3A_666 = vector.broadcast %broadcast_in_dim3A_665 : i32 to vector<16xi32>
    %add3A_667 = vector.broadcast %add3A_571 : i32 to vector<16xi32>
    %add3A_668 = arith.addi %broadcast_in_dim3A_666, %add3A_667 : vector<16xi32>
    %swap3A_669 = arith.constant 112 : index
    %swap3A_670 = tpu.vector_load %arg8[%swap3A_669] {strides = array<i32>} : memref<336xi32, #tpu.memory_space<vmem>>, vector<16xi32>,
    tpu.vector_store %arg8[%swap3A_669], %add3A_668 {strides = array<i32>} : memref<336xi32, #tpu.memory_space<vmem>>, vector<16xi32>,
    %broadcast_in_dim3A_671 = arith.constant 0 : i32
    %broadcast_in_dim3A_672 = vector.broadcast %broadcast_in_dim3A_671 : i32 to vector<16xi32>
    %add3A_673 = vector.broadcast %select_n3A_565 : i32 to vector<16xi32>
    %add3A_674 = arith.addi %broadcast_in_dim3A_672, %add3A_673 : vector<16xi32>
    %swap3A_675 = arith.constant 112 : index
    %swap3A_676 = tpu.vector_load %arg7[%swap3A_675] {strides = array<i32>} : memref<336xi32, #tpu.memory_space<vmem>>, vector<16xi32>,
    tpu.vector_store %arg7[%swap3A_675], %add3A_674 {strides = array<i32>} : memref<336xi32, #tpu.memory_space<vmem>>, vector<16xi32>,
    %broadcast_in_dim3A_677 = arith.constant 0 : i32
    %broadcast_in_dim3A_678 = vector.broadcast %broadcast_in_dim3A_677 : i32 to vector<16xi32>
    %add3A_679 = vector.broadcast %add3A_571 : i32 to vector<16xi32>
    %add3A_680 = arith.addi %broadcast_in_dim3A_678, %add3A_679 : vector<16xi32>
    %swap3A_681 = arith.constant 128 : index
    %swap3A_682 = tpu.vector_load %arg8[%swap3A_681] {strides = array<i32>} : memref<336xi32, #tpu.memory_space<vmem>>, vector<16xi32>,
    tpu.vector_store %arg8[%swap3A_681], %add3A_680 {strides = array<i32>} : memref<336xi32, #tpu.memory_space<vmem>>, vector<16xi32>,
    %broadcast_in_dim3A_683 = arith.constant 0 : i32
    %broadcast_in_dim3A_684 = vector.broadcast %broadcast_in_dim3A_683 : i32 to vector<16xi32>
    %add3A_685 = vector.broadcast %select_n3A_565 : i32 to vector<16xi32>
    %add3A_686 = arith.addi %broadcast_in_dim3A_684, %add3A_685 : vector<16xi32>
    %swap3A_687 = arith.constant 128 : index
    %swap3A_688 = tpu.vector_load %arg7[%swap3A_687] {strides = array<i32>} : memref<336xi32, #tpu.memory_space<vmem>>, vector<16xi32>,
    tpu.vector_store %arg7[%swap3A_687], %add3A_686 {strides = array<i32>} : memref<336xi32, #tpu.memory_space<vmem>>, vector<16xi32>,
    %broadcast_in_dim3A_689 = arith.constant 0 : i32
    %broadcast_in_dim3A_690 = vector.broadcast %broadcast_in_dim3A_689 : i32 to vector<16xi32>
    %add3A_691 = vector.broadcast %add3A_571 : i32 to vector<16xi32>
    %add3A_692 = arith.addi %broadcast_in_dim3A_690, %add3A_691 : vector<16xi32>
    %swap3A_693 = arith.constant 144 : index
    %swap3A_694 = tpu.vector_load %arg8[%swap3A_693] {strides = array<i32>} : memref<336xi32, #tpu.memory_space<vmem>>, vector<16xi32>,
    tpu.vector_store %arg8[%swap3A_693], %add3A_692 {strides = array<i32>} : memref<336xi32, #tpu.memory_space<vmem>>, vector<16xi32>,
    %broadcast_in_dim3A_695 = arith.constant 0 : i32
    %broadcast_in_dim3A_696 = vector.broadcast %broadcast_in_dim3A_695 : i32 to vector<16xi32>
    %add3A_697 = vector.broadcast %select_n3A_565 : i32 to vector<16xi32>
    %add3A_698 = arith.addi %broadcast_in_dim3A_696, %add3A_697 : vector<16xi32>
    %swap3A_699 = arith.constant 144 : index
    %swap3A_700 = tpu.vector_load %arg7[%swap3A_699] {strides = array<i32>} : memref<336xi32, #tpu.memory_space<vmem>>, vector<16xi32>,
    tpu.vector_store %arg7[%swap3A_699], %add3A_698 {strides = array<i32>} : memref<336xi32, #tpu.memory_space<vmem>>, vector<16xi32>,
    %broadcast_in_dim3A_701 = arith.constant 0 : i32
    %broadcast_in_dim3A_702 = vector.broadcast %broadcast_in_dim3A_701 : i32 to vector<16xi32>
    %add3A_703 = vector.broadcast %add3A_571 : i32 to vector<16xi32>
    %add3A_704 = arith.addi %broadcast_in_dim3A_702, %add3A_703 : vector<16xi32>
    %swap3A_705 = arith.constant 160 : index
    %swap3A_706 = tpu.vector_load %arg8[%swap3A_705] {strides = array<i32>} : memref<336xi32, #tpu.memory_space<vmem>>, vector<16xi32>,
    tpu.vector_store %arg8[%swap3A_705], %add3A_704 {strides = array<i32>} : memref<336xi32, #tpu.memory_space<vmem>>, vector<16xi32>,
    %broadcast_in_dim3A_707 = arith.constant 0 : i32
    %broadcast_in_dim3A_708 = vector.broadcast %broadcast_in_dim3A_707 : i32 to vector<16xi32>
    %add3A_709 = vector.broadcast %select_n3A_565 : i32 to vector<16xi32>
    %add3A_710 = arith.addi %broadcast_in_dim3A_708, %add3A_709 : vector<16xi32>
    %swap3A_711 = arith.constant 160 : index
    %swap3A_712 = tpu.vector_load %arg7[%swap3A_711] {strides = array<i32>} : memref<336xi32, #tpu.memory_space<vmem>>, vector<16xi32>,
    tpu.vector_store %arg7[%swap3A_711], %add3A_710 {strides = array<i32>} : memref<336xi32, #tpu.memory_space<vmem>>, vector<16xi32>,
    %broadcast_in_dim3A_713 = arith.constant 0 : i32
    %broadcast_in_dim3A_714 = vector.broadcast %broadcast_in_dim3A_713 : i32 to vector<16xi32>
    %add3A_715 = vector.broadcast %add3A_571 : i32 to vector<16xi32>
    %add3A_716 = arith.addi %broadcast_in_dim3A_714, %add3A_715 : vector<16xi32>
    %swap3A_717 = arith.constant 176 : index
    %swap3A_718 = tpu.vector_load %arg8[%swap3A_717] {strides = array<i32>} : memref<336xi32, #tpu.memory_space<vmem>>, vector<16xi32>,
    tpu.vector_store %arg8[%swap3A_717], %add3A_716 {strides = array<i32>} : memref<336xi32, #tpu.memory_space<vmem>>, vector<16xi32>,
    %broadcast_in_dim3A_719 = arith.constant 0 : i32
    %broadcast_in_dim3A_720 = vector.broadcast %broadcast_in_dim3A_719 : i32 to vector<16xi32>
    %add3A_721 = vector.broadcast %select_n3A_565 : i32 to vector<16xi32>
    %add3A_722 = arith.addi %broadcast_in_dim3A_720, %add3A_721 : vector<16xi32>
    %swap3A_723 = arith.constant 176 : index
    %swap3A_724 = tpu.vector_load %arg7[%swap3A_723] {strides = array<i32>} : memref<336xi32, #tpu.memory_space<vmem>>, vector<16xi32>,
    tpu.vector_store %arg7[%swap3A_723], %add3A_722 {strides = array<i32>} : memref<336xi32, #tpu.memory_space<vmem>>, vector<16xi32>,
    %broadcast_in_dim3A_725 = arith.constant 0 : i32
    %broadcast_in_dim3A_726 = vector.broadcast %broadcast_in_dim3A_725 : i32 to vector<16xi32>
    %add3A_727 = vector.broadcast %add3A_571 : i32 to vector<16xi32>
    %add3A_728 = arith.addi %broadcast_in_dim3A_726, %add3A_727 : vector<16xi32>
    %swap3A_729 = arith.constant 192 : index
    %swap3A_730 = tpu.vector_load %arg8[%swap3A_729] {strides = array<i32>} : memref<336xi32, #tpu.memory_space<vmem>>, vector<16xi32>,
    tpu.vector_store %arg8[%swap3A_729], %add3A_728 {strides = array<i32>} : memref<336xi32, #tpu.memory_space<vmem>>, vector<16xi32>,
    %broadcast_in_dim3A_731 = arith.constant 0 : i32
    %broadcast_in_dim3A_732 = vector.broadcast %broadcast_in_dim3A_731 : i32 to vector<16xi32>
    %add3A_733 = vector.broadcast %select_n3A_565 : i32 to vector<16xi32>
    %add3A_734 = arith.addi %broadcast_in_dim3A_732, %add3A_733 : vector<16xi32>
    %swap3A_735 = arith.constant 192 : index
    %swap3A_736 = tpu.vector_load %arg7[%swap3A_735] {strides = array<i32>} : memref<336xi32, #tpu.memory_space<vmem>>, vector<16xi32>,
    tpu.vector_store %arg7[%swap3A_735], %add3A_734 {strides = array<i32>} : memref<336xi32, #tpu.memory_space<vmem>>, vector<16xi32>,
    %broadcast_in_dim3A_737 = arith.constant 0 : i32
    %broadcast_in_dim3A_738 = vector.broadcast %broadcast_in_dim3A_737 : i32 to vector<16xi32>
    %add3A_739 = vector.broadcast %add3A_571 : i32 to vector<16xi32>
    %add3A_740 = arith.addi %broadcast_in_dim3A_738, %add3A_739 : vector<16xi32>
    %swap3A_741 = arith.constant 208 : index
    %swap3A_742 = tpu.vector_load %arg8[%swap3A_741] {strides = array<i32>} : memref<336xi32, #tpu.memory_space<vmem>>, vector<16xi32>,
    tpu.vector_store %arg8[%swap3A_741], %add3A_740 {strides = array<i32>} : memref<336xi32, #tpu.memory_space<vmem>>, vector<16xi32>,
    %broadcast_in_dim3A_743 = arith.constant 0 : i32
    %broadcast_in_dim3A_744 = vector.broadcast %broadcast_in_dim3A_743 : i32 to vector<16xi32>
    %add3A_745 = vector.broadcast %select_n3A_565 : i32 to vector<16xi32>
    %add3A_746 = arith.addi %broadcast_in_dim3A_744, %add3A_745 : vector<16xi32>
    %swap3A_747 = arith.constant 208 : index
    %swap3A_748 = tpu.vector_load %arg7[%swap3A_747] {strides = array<i32>} : memref<336xi32, #tpu.memory_space<vmem>>, vector<16xi32>,
    tpu.vector_store %arg7[%swap3A_747], %add3A_746 {strides = array<i32>} : memref<336xi32, #tpu.memory_space<vmem>>, vector<16xi32>,
    %broadcast_in_dim3A_749 = arith.constant 0 : i32
    %broadcast_in_dim3A_750 = vector.broadcast %broadcast_in_dim3A_749 : i32 to vector<16xi32>
    %add3A_751 = vector.broadcast %add3A_571 : i32 to vector<16xi32>
    %add3A_752 = arith.addi %broadcast_in_dim3A_750, %add3A_751 : vector<16xi32>
    %swap3A_753 = arith.constant 224 : index
    %swap3A_754 = tpu.vector_load %arg8[%swap3A_753] {strides = array<i32>} : memref<336xi32, #tpu.memory_space<vmem>>, vector<16xi32>,
    tpu.vector_store %arg8[%swap3A_753], %add3A_752 {strides = array<i32>} : memref<336xi32, #tpu.memory_space<vmem>>, vector<16xi32>,
    %broadcast_in_dim3A_755 = arith.constant 0 : i32
    %broadcast_in_dim3A_756 = vector.broadcast %broadcast_in_dim3A_755 : i32 to vector<16xi32>
    %add3A_757 = vector.broadcast %select_n3A_565 : i32 to vector<16xi32>
    %add3A_758 = arith.addi %broadcast_in_dim3A_756, %add3A_757 : vector<16xi32>
    %swap3A_759 = arith.constant 224 : index
    %swap3A_760 = tpu.vector_load %arg7[%swap3A_759] {strides = array<i32>} : memref<336xi32, #tpu.memory_space<vmem>>, vector<16xi32>,
    tpu.vector_store %arg7[%swap3A_759], %add3A_758 {strides = array<i32>} : memref<336xi32, #tpu.memory_space<vmem>>, vector<16xi32>,
    %broadcast_in_dim3A_761 = arith.constant 0 : i32
    %broadcast_in_dim3A_762 = vector.broadcast %broadcast_in_dim3A_761 : i32 to vector<16xi32>
    %add3A_763 = vector.broadcast %add3A_571 : i32 to vector<16xi32>
    %add3A_764 = arith.addi %broadcast_in_dim3A_762, %add3A_763 : vector<16xi32>
    %swap3A_765 = arith.constant 240 : index
    %swap3A_766 = tpu.vector_load %arg8[%swap3A_765] {strides = array<i32>} : memref<336xi32, #tpu.memory_space<vmem>>, vector<16xi32>,
    tpu.vector_store %arg8[%swap3A_765], %add3A_764 {strides = array<i32>} : memref<336xi32, #tpu.memory_space<vmem>>, vector<16xi32>,
    %broadcast_in_dim3A_767 = arith.constant 0 : i32
    %broadcast_in_dim3A_768 = vector.broadcast %broadcast_in_dim3A_767 : i32 to vector<16xi32>
    %add3A_769 = vector.broadcast %select_n3A_565 : i32 to vector<16xi32>
    %add3A_770 = arith.addi %broadcast_in_dim3A_768, %add3A_769 : vector<16xi32>
    %swap3A_771 = arith.constant 240 : index
    %swap3A_772 = tpu.vector_load %arg7[%swap3A_771] {strides = array<i32>} : memref<336xi32, #tpu.memory_space<vmem>>, vector<16xi32>,
    tpu.vector_store %arg7[%swap3A_771], %add3A_770 {strides = array<i32>} : memref<336xi32, #tpu.memory_space<vmem>>, vector<16xi32>,
    %broadcast_in_dim3A_773 = arith.constant 0 : i32
    %broadcast_in_dim3A_774 = vector.broadcast %broadcast_in_dim3A_773 : i32 to vector<16xi32>
    %add3A_775 = vector.broadcast %add3A_571 : i32 to vector<16xi32>
    %add3A_776 = arith.addi %broadcast_in_dim3A_774, %add3A_775 : vector<16xi32>
    %swap3A_777 = arith.constant 256 : index
    %swap3A_778 = tpu.vector_load %arg8[%swap3A_777] {strides = array<i32>} : memref<336xi32, #tpu.memory_space<vmem>>, vector<16xi32>,
    tpu.vector_store %arg8[%swap3A_777], %add3A_776 {strides = array<i32>} : memref<336xi32, #tpu.memory_space<vmem>>, vector<16xi32>,
    %broadcast_in_dim3A_779 = arith.constant 0 : i32
    %broadcast_in_dim3A_780 = vector.broadcast %broadcast_in_dim3A_779 : i32 to vector<16xi32>
    %add3A_781 = vector.broadcast %select_n3A_565 : i32 to vector<16xi32>
    %add3A_782 = arith.addi %broadcast_in_dim3A_780, %add3A_781 : vector<16xi32>
    %swap3A_783 = arith.constant 256 : index
    %swap3A_784 = tpu.vector_load %arg7[%swap3A_783] {strides = array<i32>} : memref<336xi32, #tpu.memory_space<vmem>>, vector<16xi32>,
    tpu.vector_store %arg7[%swap3A_783], %add3A_782 {strides = array<i32>} : memref<336xi32, #tpu.memory_space<vmem>>, vector<16xi32>,
    %broadcast_in_dim3A_785 = arith.constant 0 : i32
    %broadcast_in_dim3A_786 = vector.broadcast %broadcast_in_dim3A_785 : i32 to vector<16xi32>
    %add3A_787 = vector.broadcast %add3A_571 : i32 to vector<16xi32>
    %add3A_788 = arith.addi %broadcast_in_dim3A_786, %add3A_787 : vector<16xi32>
    %swap3A_789 = arith.constant 272 : index
    %swap3A_790 = tpu.vector_load %arg8[%swap3A_789] {strides = array<i32>} : memref<336xi32, #tpu.memory_space<vmem>>, vector<16xi32>,
    tpu.vector_store %arg8[%swap3A_789], %add3A_788 {strides = array<i32>} : memref<336xi32, #tpu.memory_space<vmem>>, vector<16xi32>,
    %broadcast_in_dim3A_791 = arith.constant 0 : i32
    %broadcast_in_dim3A_792 = vector.broadcast %broadcast_in_dim3A_791 : i32 to vector<16xi32>
    %add3A_793 = vector.broadcast %select_n3A_565 : i32 to vector<16xi32>
    %add3A_794 = arith.addi %broadcast_in_dim3A_792, %add3A_793 : vector<16xi32>
    %swap3A_795 = arith.constant 272 : index
    %swap3A_796 = tpu.vector_load %arg7[%swap3A_795] {strides = array<i32>} : memref<336xi32, #tpu.memory_space<vmem>>, vector<16xi32>,
    tpu.vector_store %arg7[%swap3A_795], %add3A_794 {strides = array<i32>} : memref<336xi32, #tpu.memory_space<vmem>>, vector<16xi32>,
    %broadcast_in_dim3A_797 = arith.constant 0 : i32
    %broadcast_in_dim3A_798 = vector.broadcast %broadcast_in_dim3A_797 : i32 to vector<16xi32>
    %add3A_799 = vector.broadcast %add3A_571 : i32 to vector<16xi32>
    %add3A_800 = arith.addi %broadcast_in_dim3A_798, %add3A_799 : vector<16xi32>
    %swap3A_801 = arith.constant 288 : index
    %swap3A_802 = tpu.vector_load %arg8[%swap3A_801] {strides = array<i32>} : memref<336xi32, #tpu.memory_space<vmem>>, vector<16xi32>,
    tpu.vector_store %arg8[%swap3A_801], %add3A_800 {strides = array<i32>} : memref<336xi32, #tpu.memory_space<vmem>>, vector<16xi32>,
    %broadcast_in_dim3A_803 = arith.constant 0 : i32
    %broadcast_in_dim3A_804 = vector.broadcast %broadcast_in_dim3A_803 : i32 to vector<16xi32>
    %add3A_805 = vector.broadcast %select_n3A_565 : i32 to vector<16xi32>
    %add3A_806 = arith.addi %broadcast_in_dim3A_804, %add3A_805 : vector<16xi32>
    %swap3A_807 = arith.constant 288 : index
    %swap3A_808 = tpu.vector_load %arg7[%swap3A_807] {strides = array<i32>} : memref<336xi32, #tpu.memory_space<vmem>>, vector<16xi32>,
    tpu.vector_store %arg7[%swap3A_807], %add3A_806 {strides = array<i32>} : memref<336xi32, #tpu.memory_space<vmem>>, vector<16xi32>,
    %broadcast_in_dim3A_809 = arith.constant 0 : i32
    %broadcast_in_dim3A_810 = vector.broadcast %broadcast_in_dim3A_809 : i32 to vector<16xi32>
    %add3A_811 = vector.broadcast %add3A_571 : i32 to vector<16xi32>
    %add3A_812 = arith.addi %broadcast_in_dim3A_810, %add3A_811 : vector<16xi32>
    %swap3A_813 = arith.constant 304 : index
    %swap3A_814 = tpu.vector_load %arg8[%swap3A_813] {strides = array<i32>} : memref<336xi32, #tpu.memory_space<vmem>>, vector<16xi32>,
    tpu.vector_store %arg8[%swap3A_813], %add3A_812 {strides = array<i32>} : memref<336xi32, #tpu.memory_space<vmem>>, vector<16xi32>,
    %broadcast_in_dim3A_815 = arith.constant 0 : i32
    %broadcast_in_dim3A_816 = vector.broadcast %broadcast_in_dim3A_815 : i32 to vector<16xi32>
    %add3A_817 = vector.broadcast %select_n3A_565 : i32 to vector<16xi32>
    %add3A_818 = arith.addi %broadcast_in_dim3A_816, %add3A_817 : vector<16xi32>
    %swap3A_819 = arith.constant 304 : index
    %swap3A_820 = tpu.vector_load %arg7[%swap3A_819] {strides = array<i32>} : memref<336xi32, #tpu.memory_space<vmem>>, vector<16xi32>,
    tpu.vector_store %arg7[%swap3A_819], %add3A_818 {strides = array<i32>} : memref<336xi32, #tpu.memory_space<vmem>>, vector<16xi32>,
    %broadcast_in_dim3A_821 = arith.constant 0 : i32
    %broadcast_in_dim3A_822 = vector.broadcast %broadcast_in_dim3A_821 : i32 to vector<16xi32>
    %add3A_823 = vector.broadcast %add3A_571 : i32 to vector<16xi32>
    %add3A_824 = arith.addi %broadcast_in_dim3A_822, %add3A_823 : vector<16xi32>
    %swap3A_825 = arith.constant 320 : index
    %swap3A_826 = tpu.vector_load %arg8[%swap3A_825] {strides = array<i32>} : memref<336xi32, #tpu.memory_space<vmem>>, vector<16xi32>,
    tpu.vector_store %arg8[%swap3A_825], %add3A_824 {strides = array<i32>} : memref<336xi32, #tpu.memory_space<vmem>>, vector<16xi32>,
    %broadcast_in_dim3A_827 = arith.constant 0 : i32
    %broadcast_in_dim3A_828 = vector.broadcast %broadcast_in_dim3A_827 : i32 to vector<16xi32>
    %add3A_829 = vector.broadcast %select_n3A_565 : i32 to vector<16xi32>
    %add3A_830 = arith.addi %broadcast_in_dim3A_828, %add3A_829 : vector<16xi32>
    %swap3A_831 = arith.constant 320 : index
    %swap3A_832 = tpu.vector_load %arg7[%swap3A_831] {strides = array<i32>} : memref<336xi32, #tpu.memory_space<vmem>>, vector<16xi32>,
    tpu.vector_store %arg7[%swap3A_831], %add3A_830 {strides = array<i32>} : memref<336xi32, #tpu.memory_space<vmem>>, vector<16xi32>,
    %convert_element_type3A = arith.extui %le3A_580 : i1 to i32
    %cond3A = arith.constant 0 : i32
    %cond3A_833 = arith.cmpi ne, %convert_element_type3A, %cond3A : i32
    scf.if %cond3A_833 {
      %add3A_883 = arith.constant 8192 : i32
      %add3A_884 = arith.addi %add3A_579, %add3A_883 : i32
      %sub3A_885 = arith.constant 1 : i32
      %sub3A_886 = arith.subi %add3A_884, %sub3A_885 : i32
      %shift_right_logical3A_887 = arith.constant 13 : i32
      %shift_right_logical3A_888 = arith.shrui %sub3A_886, %shift_right_logical3A_887 : i32
      %while3A = arith.constant 0 : i32
      %while3A_889 = arith.constant 0 : i32
      %while3A_890 = arith.subi %shift_right_logical3A_888, %while3A_889 : i32
      %while3A_891 = arith.addi %while3A_889, %while3A_890 : i32
      %while3A_892 = arith.constant 1 : i32
      %while3A_893 = arith.divsi %while3A_890, %while3A_892 : i32
      %while3A_894 = arith.muli %while3A_893, %while3A_892 : i32
      %while3A_895 = arith.addi %while3A_889, %while3A_894 : i32
      %while3A_896 = arith.constant 1 : i32
      scf.for %while3A_914 = %while3A_889 to %while3A_895 step %while3A_896  : i32 {
        %mul3A_915 = arith.constant 8192 : i32
        %mul3A_916 = arith.muli %while3A_914, %mul3A_915 : i32
        %multiple_of3A_917 = tpu.assume_multiple %mul3A_916, 8 : i32
        %add3A_918 = arith.addi %multiple_of3A, %multiple_of3A_917 : i32
        %dma_start3A_919 = tpu.memref_slice %arg13[%multiple_of3A_917] : memref<73728xi32, #tpu.memory_space<vmem>> -> memref<8192xi32, #tpu.memory_space<vmem>>
        %dma_start3A_920 = tpu.memref_slice %arg4[%add3A_918] : memref<1000000xi32, #tpu.memory_space<hbm>> -> memref<8192xi32, #tpu.memory_space<hbm>>
        %dma_start3A_921 = tpu.memref_slice %arg13[%multiple_of3A_917] : memref<73728xi32, #tpu.memory_space<vmem>> -> memref<8192xi32, #tpu.memory_space<vmem>>
        %dma_start3A_922 = tpu.memref_slice %arg4[%add3A_918] : memref<1000000xi32, #tpu.memory_space<hbm>> -> memref<8192xi32, #tpu.memory_space<hbm>>
        tpu.enqueue_dma source(%dma_start3A_922 : memref<8192xi32, #tpu.memory_space<hbm>>) target(%dma_start3A_921 : memref<8192xi32, #tpu.memory_space<vmem>>) target_semaphore(%arg19 : memref<!tpu.dma_semaphore, #tpu.memory_space<semaphore_mem>>)
      }
      %while3A_897 = arith.constant 1 : i32
      scf.for %while3A_914 = %while3A_895 to %while3A_891 step %while3A_897  : i32 {
        %mul3A_915 = arith.constant 8192 : i32
        %mul3A_916 = arith.muli %while3A_914, %mul3A_915 : i32
        %multiple_of3A_917 = tpu.assume_multiple %mul3A_916, 8 : i32
        %add3A_918 = arith.addi %multiple_of3A, %multiple_of3A_917 : i32
        %dma_start3A_919 = tpu.memref_slice %arg13[%multiple_of3A_917] : memref<73728xi32, #tpu.memory_space<vmem>> -> memref<8192xi32, #tpu.memory_space<vmem>>
        %dma_start3A_920 = tpu.memref_slice %arg4[%add3A_918] : memref<1000000xi32, #tpu.memory_space<hbm>> -> memref<8192xi32, #tpu.memory_space<hbm>>
        %dma_start3A_921 = tpu.memref_slice %arg13[%multiple_of3A_917] : memref<73728xi32, #tpu.memory_space<vmem>> -> memref<8192xi32, #tpu.memory_space<vmem>>
        %dma_start3A_922 = tpu.memref_slice %arg4[%add3A_918] : memref<1000000xi32, #tpu.memory_space<hbm>> -> memref<8192xi32, #tpu.memory_space<hbm>>
        tpu.enqueue_dma source(%dma_start3A_922 : memref<8192xi32, #tpu.memory_space<hbm>>) target(%dma_start3A_921 : memref<8192xi32, #tpu.memory_space<vmem>>) target_semaphore(%arg19 : memref<!tpu.dma_semaphore, #tpu.memory_space<semaphore_mem>>)
      }
      %while3A_898 = arith.constant 0 : i32
      %while3A_899 = arith.constant 0 : i32
      %while3A_900 = arith.subi %shift_right_logical3A_888, %while3A_899 : i32
      %while3A_901 = arith.addi %while3A_899, %while3A_900 : i32
      %while3A_902 = arith.constant 1 : i32
      %while3A_903 = arith.divsi %while3A_900, %while3A_902 : i32
      %while3A_904 = arith.muli %while3A_903, %while3A_902 : i32
      %while3A_905 = arith.addi %while3A_899, %while3A_904 : i32
      %while3A_906 = arith.constant 1 : i32
      scf.for %while3A_914 = %while3A_899 to %while3A_905 step %while3A_906  : i32 {
        %mul3A_915 = arith.constant 8192 : i32
        %mul3A_916 = arith.muli %while3A_914, %mul3A_915 : i32
        %multiple_of3A_917 = tpu.assume_multiple %mul3A_916, 8 : i32
        %add3A_918 = arith.addi %multiple_of3A, %multiple_of3A_917 : i32
        %dma_wait3A_919 = tpu.memref_slice %arg13[%multiple_of3A_917] : memref<73728xi32, #tpu.memory_space<vmem>> -> memref<8192xi32, #tpu.memory_space<vmem>>
        %dma_wait3A_920 = tpu.memref_slice %arg4[%add3A_918] : memref<1000000xi32, #tpu.memory_space<hbm>> -> memref<8192xi32, #tpu.memory_space<hbm>>
        %dma_wait3A_921 = tpu.memref_slice %arg13[%multiple_of3A_917] : memref<73728xi32, #tpu.memory_space<vmem>> -> memref<8192xi32, #tpu.memory_space<vmem>>
        %dma_wait3A_922 = tpu.memref_slice %arg4[%add3A_918] : memref<1000000xi32, #tpu.memory_space<hbm>> -> memref<8192xi32, #tpu.memory_space<hbm>>
        tpu.wait_dma2 semaphore(%arg19 : memref<!tpu.dma_semaphore, #tpu.memory_space<semaphore_mem>>) src(%dma_wait3A_922 : memref<8192xi32, #tpu.memory_space<hbm>>) dst(%dma_wait3A_921 : memref<8192xi32, #tpu.memory_space<vmem>>)
      }
      %while3A_907 = arith.constant 1 : i32
      scf.for %while3A_914 = %while3A_905 to %while3A_901 step %while3A_907  : i32 {
        %mul3A_915 = arith.constant 8192 : i32
        %mul3A_916 = arith.muli %while3A_914, %mul3A_915 : i32
        %multiple_of3A_917 = tpu.assume_multiple %mul3A_916, 8 : i32
        %add3A_918 = arith.addi %multiple_of3A, %multiple_of3A_917 : i32
        %dma_wait3A_919 = tpu.memref_slice %arg13[%multiple_of3A_917] : memref<73728xi32, #tpu.memory_space<vmem>> -> memref<8192xi32, #tpu.memory_space<vmem>>
        %dma_wait3A_920 = tpu.memref_slice %arg4[%add3A_918] : memref<1000000xi32, #tpu.memory_space<hbm>> -> memref<8192xi32, #tpu.memory_space<hbm>>
        %dma_wait3A_921 = tpu.memref_slice %arg13[%multiple_of3A_917] : memref<73728xi32, #tpu.memory_space<vmem>> -> memref<8192xi32, #tpu.memory_space<vmem>>
        %dma_wait3A_922 = tpu.memref_slice %arg4[%add3A_918] : memref<1000000xi32, #tpu.memory_space<hbm>> -> memref<8192xi32, #tpu.memory_space<hbm>>
        tpu.wait_dma2 semaphore(%arg19 : memref<!tpu.dma_semaphore, #tpu.memory_space<semaphore_mem>>) src(%dma_wait3A_922 : memref<8192xi32, #tpu.memory_space<hbm>>) dst(%dma_wait3A_921 : memref<8192xi32, #tpu.memory_space<vmem>>)
      }
      %scan3A_908 = arith.constant 0 : i32
      %scan3A_909 = arith.constant 0 : i32
      %scan3A_910 = arith.constant 17 : i32
      %scan3A_911 = arith.addi %scan3A_909, %scan3A_910 : i32
      %scan3A_912 = arith.constant 1 : i32
      scf.for %scan3A_914 = %scan3A_909 to %scan3A_911 step %scan3A_912  : i32 {
        %get3A_915 = arith.constant 0 : index
        %get3A_916 = tpu.vector_load %arg8[%get3A_915] {strides = array<i32>} : memref<336xi32, #tpu.memory_space<vmem>>, vector<16xi32>,
        %get3A_917 = arith.constant 0 : index
        %get3A_918 = tpu.vector_load %arg7[%get3A_917] {strides = array<i32>} : memref<336xi32, #tpu.memory_space<vmem>>, vector<16xi32>,
        %add3A_919 = arith.addi %get3A_916, %get3A_918 : vector<16xi32>
        %shift_right_logical3A_920 = arith.constant 1 : i32
        %shift_right_logical3A_921 = vector.broadcast %shift_right_logical3A_920 : i32 to vector<16xi32>
        %shift_right_logical3A_922 = arith.shrui %add3A_919, %shift_right_logical3A_921 : vector<16xi32>
        %sub3A_923 = vector.broadcast %multiple_of3A : i32 to vector<16xi32>
        %sub3A_924 = arith.subi %shift_right_logical3A_922, %sub3A_923 : vector<16xi32>
        %gather3A_925 = tpu.vector_load_idx %arg13[%sub3A_924] : memref<73728xi32, #tpu.memory_space<vmem>>[vector<16xi32>], vector<16xi32>,
        %add3A_926 = arith.constant 0 : i32
        %add3A_927 = arith.addi %mul3A_2, %add3A_926 : i32
        %add3A_928 = vector.broadcast %add3A_927 : i32 to vector<16xi32>
        %add3A_929 = arith.addi %add3A_928, %iota3A : vector<16xi32>
        %lt3A_930 = arith.cmpi slt, %gather3A_925, %add3A_929 : vector<16xi32>
        %add3A_931 = arith.constant 1 : i32
        %add3A_932 = vector.broadcast %add3A_931 : i32 to vector<16xi32>
        %add3A_933 = arith.addi %shift_right_logical3A_922, %add3A_932 : vector<16xi32>
        %select_n3A_934 = arith.select %lt3A_930, %add3A_933, %get3A_916 : vector<16xi1>, vector<16xi32>
        %swap3A_935 = arith.constant 0 : index
        %swap3A_936 = tpu.vector_load %arg8[%swap3A_935] {strides = array<i32>} : memref<336xi32, #tpu.memory_space<vmem>>, vector<16xi32>,
        tpu.vector_store %arg8[%swap3A_935], %select_n3A_934 {strides = array<i32>} : memref<336xi32, #tpu.memory_space<vmem>>, vector<16xi32>,
        %select_n3A_937 = arith.select %lt3A_930, %get3A_918, %shift_right_logical3A_922 : vector<16xi1>, vector<16xi32>
        %swap3A_938 = arith.constant 0 : index
        %swap3A_939 = tpu.vector_load %arg7[%swap3A_938] {strides = array<i32>} : memref<336xi32, #tpu.memory_space<vmem>>, vector<16xi32>,
        tpu.vector_store %arg7[%swap3A_938], %select_n3A_937 {strides = array<i32>} : memref<336xi32, #tpu.memory_space<vmem>>, vector<16xi32>,
        %get3A_940 = arith.constant 16 : index
        %get3A_941 = tpu.vector_load %arg8[%get3A_940] {strides = array<i32>} : memref<336xi32, #tpu.memory_space<vmem>>, vector<16xi32>,
        %get3A_942 = arith.constant 16 : index
        %get3A_943 = tpu.vector_load %arg7[%get3A_942] {strides = array<i32>} : memref<336xi32, #tpu.memory_space<vmem>>, vector<16xi32>,
        %add3A_944 = arith.addi %get3A_941, %get3A_943 : vector<16xi32>
        %shift_right_logical3A_945 = arith.constant 1 : i32
        %shift_right_logical3A_946 = vector.broadcast %shift_right_logical3A_945 : i32 to vector<16xi32>
        %shift_right_logical3A_947 = arith.shrui %add3A_944, %shift_right_logical3A_946 : vector<16xi32>
        %sub3A_948 = vector.broadcast %multiple_of3A : i32 to vector<16xi32>
        %sub3A_949 = arith.subi %shift_right_logical3A_947, %sub3A_948 : vector<16xi32>
        %gather3A_950 = tpu.vector_load_idx %arg13[%sub3A_949] : memref<73728xi32, #tpu.memory_space<vmem>>[vector<16xi32>], vector<16xi32>,
        %add3A_951 = arith.constant 16 : i32
        %add3A_952 = arith.addi %mul3A_2, %add3A_951 : i32
        %add3A_953 = vector.broadcast %add3A_952 : i32 to vector<16xi32>
        %add3A_954 = arith.addi %add3A_953, %iota3A : vector<16xi32>
        %lt3A_955 = arith.cmpi slt, %gather3A_950, %add3A_954 : vector<16xi32>
        %add3A_956 = arith.constant 1 : i32
        %add3A_957 = vector.broadcast %add3A_956 : i32 to vector<16xi32>
        %add3A_958 = arith.addi %shift_right_logical3A_947, %add3A_957 : vector<16xi32>
        %select_n3A_959 = arith.select %lt3A_955, %add3A_958, %get3A_941 : vector<16xi1>, vector<16xi32>
        %swap3A_960 = arith.constant 16 : index
        %swap3A_961 = tpu.vector_load %arg8[%swap3A_960] {strides = array<i32>} : memref<336xi32, #tpu.memory_space<vmem>>, vector<16xi32>,
        tpu.vector_store %arg8[%swap3A_960], %select_n3A_959 {strides = array<i32>} : memref<336xi32, #tpu.memory_space<vmem>>, vector<16xi32>,
        %select_n3A_962 = arith.select %lt3A_955, %get3A_943, %shift_right_logical3A_947 : vector<16xi1>, vector<16xi32>
        %swap3A_963 = arith.constant 16 : index
        %swap3A_964 = tpu.vector_load %arg7[%swap3A_963] {strides = array<i32>} : memref<336xi32, #tpu.memory_space<vmem>>, vector<16xi32>,
        tpu.vector_store %arg7[%swap3A_963], %select_n3A_962 {strides = array<i32>} : memref<336xi32, #tpu.memory_space<vmem>>, vector<16xi32>,
        %get3A_965 = arith.constant 32 : index
        %get3A_966 = tpu.vector_load %arg8[%get3A_965] {strides = array<i32>} : memref<336xi32, #tpu.memory_space<vmem>>, vector<16xi32>,
        %get3A_967 = arith.constant 32 : index
        %get3A_968 = tpu.vector_load %arg7[%get3A_967] {strides = array<i32>} : memref<336xi32, #tpu.memory_space<vmem>>, vector<16xi32>,
        %add3A_969 = arith.addi %get3A_966, %get3A_968 : vector<16xi32>
        %shift_right_logical3A_970 = arith.constant 1 : i32
        %shift_right_logical3A_971 = vector.broadcast %shift_right_logical3A_970 : i32 to vector<16xi32>
        %shift_right_logical3A_972 = arith.shrui %add3A_969, %shift_right_logical3A_971 : vector<16xi32>
        %sub3A_973 = vector.broadcast %multiple_of3A : i32 to vector<16xi32>
        %sub3A_974 = arith.subi %shift_right_logical3A_972, %sub3A_973 : vector<16xi32>
        %gather3A_975 = tpu.vector_load_idx %arg13[%sub3A_974] : memref<73728xi32, #tpu.memory_space<vmem>>[vector<16xi32>], vector<16xi32>,
        %add3A_976 = arith.constant 32 : i32
        %add3A_977 = arith.addi %mul3A_2, %add3A_976 : i32
        %add3A_978 = vector.broadcast %add3A_977 : i32 to vector<16xi32>
        %add3A_979 = arith.addi %add3A_978, %iota3A : vector<16xi32>
        %lt3A_980 = arith.cmpi slt, %gather3A_975, %add3A_979 : vector<16xi32>
        %add3A_981 = arith.constant 1 : i32
        %add3A_982 = vector.broadcast %add3A_981 : i32 to vector<16xi32>
        %add3A_983 = arith.addi %shift_right_logical3A_972, %add3A_982 : vector<16xi32>
        %select_n3A_984 = arith.select %lt3A_980, %add3A_983, %get3A_966 : vector<16xi1>, vector<16xi32>
        %swap3A_985 = arith.constant 32 : index
        %swap3A_986 = tpu.vector_load %arg8[%swap3A_985] {strides = array<i32>} : memref<336xi32, #tpu.memory_space<vmem>>, vector<16xi32>,
        tpu.vector_store %arg8[%swap3A_985], %select_n3A_984 {strides = array<i32>} : memref<336xi32, #tpu.memory_space<vmem>>, vector<16xi32>,
        %select_n3A_987 = arith.select %lt3A_980, %get3A_968, %shift_right_logical3A_972 : vector<16xi1>, vector<16xi32>
        %swap3A_988 = arith.constant 32 : index
        %swap3A_989 = tpu.vector_load %arg7[%swap3A_988] {strides = array<i32>} : memref<336xi32, #tpu.memory_space<vmem>>, vector<16xi32>,
        tpu.vector_store %arg7[%swap3A_988], %select_n3A_987 {strides = array<i32>} : memref<336xi32, #tpu.memory_space<vmem>>, vector<16xi32>,
        %get3A_990 = arith.constant 48 : index
        %get3A_991 = tpu.vector_load %arg8[%get3A_990] {strides = array<i32>} : memref<336xi32, #tpu.memory_space<vmem>>, vector<16xi32>,
        %get3A_992 = arith.constant 48 : index
        %get3A_993 = tpu.vector_load %arg7[%get3A_992] {strides = array<i32>} : memref<336xi32, #tpu.memory_space<vmem>>, vector<16xi32>,
        %add3A_994 = arith.addi %get3A_991, %get3A_993 : vector<16xi32>
        %shift_right_logical3A_995 = arith.constant 1 : i32
        %shift_right_logical3A_996 = vector.broadcast %shift_right_logical3A_995 : i32 to vector<16xi32>
        %shift_right_logical3A_997 = arith.shrui %add3A_994, %shift_right_logical3A_996 : vector<16xi32>
        %sub3A_998 = vector.broadcast %multiple_of3A : i32 to vector<16xi32>
        %sub3A_999 = arith.subi %shift_right_logical3A_997, %sub3A_998 : vector<16xi32>
        %gather3A_1000 = tpu.vector_load_idx %arg13[%sub3A_999] : memref<73728xi32, #tpu.memory_space<vmem>>[vector<16xi32>], vector<16xi32>,
        %add3A_1001 = arith.constant 48 : i32
        %add3A_1002 = arith.addi %mul3A_2, %add3A_1001 : i32
        %add3A_1003 = vector.broadcast %add3A_1002 : i32 to vector<16xi32>
        %add3A_1004 = arith.addi %add3A_1003, %iota3A : vector<16xi32>
        %lt3A_1005 = arith.cmpi slt, %gather3A_1000, %add3A_1004 : vector<16xi32>
        %add3A_1006 = arith.constant 1 : i32
        %add3A_1007 = vector.broadcast %add3A_1006 : i32 to vector<16xi32>
        %add3A_1008 = arith.addi %shift_right_logical3A_997, %add3A_1007 : vector<16xi32>
        %select_n3A_1009 = arith.select %lt3A_1005, %add3A_1008, %get3A_991 : vector<16xi1>, vector<16xi32>
        %swap3A_1010 = arith.constant 48 : index
        %swap3A_1011 = tpu.vector_load %arg8[%swap3A_1010] {strides = array<i32>} : memref<336xi32, #tpu.memory_space<vmem>>, vector<16xi32>,
        tpu.vector_store %arg8[%swap3A_1010], %select_n3A_1009 {strides = array<i32>} : memref<336xi32, #tpu.memory_space<vmem>>, vector<16xi32>,
        %select_n3A_1012 = arith.select %lt3A_1005, %get3A_993, %shift_right_logical3A_997 : vector<16xi1>, vector<16xi32>
        %swap3A_1013 = arith.constant 48 : index
        %swap3A_1014 = tpu.vector_load %arg7[%swap3A_1013] {strides = array<i32>} : memref<336xi32, #tpu.memory_space<vmem>>, vector<16xi32>,
        tpu.vector_store %arg7[%swap3A_1013], %select_n3A_1012 {strides = array<i32>} : memref<336xi32, #tpu.memory_space<vmem>>, vector<16xi32>,
        %get3A_1015 = arith.constant 64 : index
        %get3A_1016 = tpu.vector_load %arg8[%get3A_1015] {strides = array<i32>} : memref<336xi32, #tpu.memory_space<vmem>>, vector<16xi32>,
        %get3A_1017 = arith.constant 64 : index
        %get3A_1018 = tpu.vector_load %arg7[%get3A_1017] {strides = array<i32>} : memref<336xi32, #tpu.memory_space<vmem>>, vector<16xi32>,
        %add3A_1019 = arith.addi %get3A_1016, %get3A_1018 : vector<16xi32>
        %shift_right_logical3A_1020 = arith.constant 1 : i32
        %shift_right_logical3A_1021 = vector.broadcast %shift_right_logical3A_1020 : i32 to vector<16xi32>
        %shift_right_logical3A_1022 = arith.shrui %add3A_1019, %shift_right_logical3A_1021 : vector<16xi32>
        %sub3A_1023 = vector.broadcast %multiple_of3A : i32 to vector<16xi32>
        %sub3A_1024 = arith.subi %shift_right_logical3A_1022, %sub3A_1023 : vector<16xi32>
        %gather3A_1025 = tpu.vector_load_idx %arg13[%sub3A_1024] : memref<73728xi32, #tpu.memory_space<vmem>>[vector<16xi32>], vector<16xi32>,
        %add3A_1026 = arith.constant 64 : i32
        %add3A_1027 = arith.addi %mul3A_2, %add3A_1026 : i32
        %add3A_1028 = vector.broadcast %add3A_1027 : i32 to vector<16xi32>
        %add3A_1029 = arith.addi %add3A_1028, %iota3A : vector<16xi32>
        %lt3A_1030 = arith.cmpi slt, %gather3A_1025, %add3A_1029 : vector<16xi32>
        %add3A_1031 = arith.constant 1 : i32
        %add3A_1032 = vector.broadcast %add3A_1031 : i32 to vector<16xi32>
        %add3A_1033 = arith.addi %shift_right_logical3A_1022, %add3A_1032 : vector<16xi32>
        %select_n3A_1034 = arith.select %lt3A_1030, %add3A_1033, %get3A_1016 : vector<16xi1>, vector<16xi32>
        %swap3A_1035 = arith.constant 64 : index
        %swap3A_1036 = tpu.vector_load %arg8[%swap3A_1035] {strides = array<i32>} : memref<336xi32, #tpu.memory_space<vmem>>, vector<16xi32>,
        tpu.vector_store %arg8[%swap3A_1035], %select_n3A_1034 {strides = array<i32>} : memref<336xi32, #tpu.memory_space<vmem>>, vector<16xi32>,
        %select_n3A_1037 = arith.select %lt3A_1030, %get3A_1018, %shift_right_logical3A_1022 : vector<16xi1>, vector<16xi32>
        %swap3A_1038 = arith.constant 64 : index
        %swap3A_1039 = tpu.vector_load %arg7[%swap3A_1038] {strides = array<i32>} : memref<336xi32, #tpu.memory_space<vmem>>, vector<16xi32>,
        tpu.vector_store %arg7[%swap3A_1038], %select_n3A_1037 {strides = array<i32>} : memref<336xi32, #tpu.memory_space<vmem>>, vector<16xi32>,
        %get3A_1040 = arith.constant 80 : index
        %get3A_1041 = tpu.vector_load %arg8[%get3A_1040] {strides = array<i32>} : memref<336xi32, #tpu.memory_space<vmem>>, vector<16xi32>,
        %get3A_1042 = arith.constant 80 : index
        %get3A_1043 = tpu.vector_load %arg7[%get3A_1042] {strides = array<i32>} : memref<336xi32, #tpu.memory_space<vmem>>, vector<16xi32>,
        %add3A_1044 = arith.addi %get3A_1041, %get3A_1043 : vector<16xi32>
        %shift_right_logical3A_1045 = arith.constant 1 : i32
        %shift_right_logical3A_1046 = vector.broadcast %shift_right_logical3A_1045 : i32 to vector<16xi32>
        %shift_right_logical3A_1047 = arith.shrui %add3A_1044, %shift_right_logical3A_1046 : vector<16xi32>
        %sub3A_1048 = vector.broadcast %multiple_of3A : i32 to vector<16xi32>
        %sub3A_1049 = arith.subi %shift_right_logical3A_1047, %sub3A_1048 : vector<16xi32>
        %gather3A_1050 = tpu.vector_load_idx %arg13[%sub3A_1049] : memref<73728xi32, #tpu.memory_space<vmem>>[vector<16xi32>], vector<16xi32>,
        %add3A_1051 = arith.constant 80 : i32
        %add3A_1052 = arith.addi %mul3A_2, %add3A_1051 : i32
        %add3A_1053 = vector.broadcast %add3A_1052 : i32 to vector<16xi32>
        %add3A_1054 = arith.addi %add3A_1053, %iota3A : vector<16xi32>
        %lt3A_1055 = arith.cmpi slt, %gather3A_1050, %add3A_1054 : vector<16xi32>
        %add3A_1056 = arith.constant 1 : i32
        %add3A_1057 = vector.broadcast %add3A_1056 : i32 to vector<16xi32>
        %add3A_1058 = arith.addi %shift_right_logical3A_1047, %add3A_1057 : vector<16xi32>
        %select_n3A_1059 = arith.select %lt3A_1055, %add3A_1058, %get3A_1041 : vector<16xi1>, vector<16xi32>
        %swap3A_1060 = arith.constant 80 : index
        %swap3A_1061 = tpu.vector_load %arg8[%swap3A_1060] {strides = array<i32>} : memref<336xi32, #tpu.memory_space<vmem>>, vector<16xi32>,
        tpu.vector_store %arg8[%swap3A_1060], %select_n3A_1059 {strides = array<i32>} : memref<336xi32, #tpu.memory_space<vmem>>, vector<16xi32>,
        %select_n3A_1062 = arith.select %lt3A_1055, %get3A_1043, %shift_right_logical3A_1047 : vector<16xi1>, vector<16xi32>
        %swap3A_1063 = arith.constant 80 : index
        %swap3A_1064 = tpu.vector_load %arg7[%swap3A_1063] {strides = array<i32>} : memref<336xi32, #tpu.memory_space<vmem>>, vector<16xi32>,
        tpu.vector_store %arg7[%swap3A_1063], %select_n3A_1062 {strides = array<i32>} : memref<336xi32, #tpu.memory_space<vmem>>, vector<16xi32>,
        %get3A_1065 = arith.constant 96 : index
        %get3A_1066 = tpu.vector_load %arg8[%get3A_1065] {strides = array<i32>} : memref<336xi32, #tpu.memory_space<vmem>>, vector<16xi32>,
        %get3A_1067 = arith.constant 96 : index
        %get3A_1068 = tpu.vector_load %arg7[%get3A_1067] {strides = array<i32>} : memref<336xi32, #tpu.memory_space<vmem>>, vector<16xi32>,
        %add3A_1069 = arith.addi %get3A_1066, %get3A_1068 : vector<16xi32>
        %shift_right_logical3A_1070 = arith.constant 1 : i32
        %shift_right_logical3A_1071 = vector.broadcast %shift_right_logical3A_1070 : i32 to vector<16xi32>
        %shift_right_logical3A_1072 = arith.shrui %add3A_1069, %shift_right_logical3A_1071 : vector<16xi32>
        %sub3A_1073 = vector.broadcast %multiple_of3A : i32 to vector<16xi32>
        %sub3A_1074 = arith.subi %shift_right_logical3A_1072, %sub3A_1073 : vector<16xi32>
        %gather3A_1075 = tpu.vector_load_idx %arg13[%sub3A_1074] : memref<73728xi32, #tpu.memory_space<vmem>>[vector<16xi32>], vector<16xi32>,
        %add3A_1076 = arith.constant 96 : i32
        %add3A_1077 = arith.addi %mul3A_2, %add3A_1076 : i32
        %add3A_1078 = vector.broadcast %add3A_1077 : i32 to vector<16xi32>
        %add3A_1079 = arith.addi %add3A_1078, %iota3A : vector<16xi32>
        %lt3A_1080 = arith.cmpi slt, %gather3A_1075, %add3A_1079 : vector<16xi32>
        %add3A_1081 = arith.constant 1 : i32
        %add3A_1082 = vector.broadcast %add3A_1081 : i32 to vector<16xi32>
        %add3A_1083 = arith.addi %shift_right_logical3A_1072, %add3A_1082 : vector<16xi32>
        %select_n3A_1084 = arith.select %lt3A_1080, %add3A_1083, %get3A_1066 : vector<16xi1>, vector<16xi32>
        %swap3A_1085 = arith.constant 96 : index
        %swap3A_1086 = tpu.vector_load %arg8[%swap3A_1085] {strides = array<i32>} : memref<336xi32, #tpu.memory_space<vmem>>, vector<16xi32>,
        tpu.vector_store %arg8[%swap3A_1085], %select_n3A_1084 {strides = array<i32>} : memref<336xi32, #tpu.memory_space<vmem>>, vector<16xi32>,
        %select_n3A_1087 = arith.select %lt3A_1080, %get3A_1068, %shift_right_logical3A_1072 : vector<16xi1>, vector<16xi32>
        %swap3A_1088 = arith.constant 96 : index
        %swap3A_1089 = tpu.vector_load %arg7[%swap3A_1088] {strides = array<i32>} : memref<336xi32, #tpu.memory_space<vmem>>, vector<16xi32>,
        tpu.vector_store %arg7[%swap3A_1088], %select_n3A_1087 {strides = array<i32>} : memref<336xi32, #tpu.memory_space<vmem>>, vector<16xi32>,
        %get3A_1090 = arith.constant 112 : index
        %get3A_1091 = tpu.vector_load %arg8[%get3A_1090] {strides = array<i32>} : memref<336xi32, #tpu.memory_space<vmem>>, vector<16xi32>,
        %get3A_1092 = arith.constant 112 : index
        %get3A_1093 = tpu.vector_load %arg7[%get3A_1092] {strides = array<i32>} : memref<336xi32, #tpu.memory_space<vmem>>, vector<16xi32>,
        %add3A_1094 = arith.addi %get3A_1091, %get3A_1093 : vector<16xi32>
        %shift_right_logical3A_1095 = arith.constant 1 : i32
        %shift_right_logical3A_1096 = vector.broadcast %shift_right_logical3A_1095 : i32 to vector<16xi32>
        %shift_right_logical3A_1097 = arith.shrui %add3A_1094, %shift_right_logical3A_1096 : vector<16xi32>
        %sub3A_1098 = vector.broadcast %multiple_of3A : i32 to vector<16xi32>
        %sub3A_1099 = arith.subi %shift_right_logical3A_1097, %sub3A_1098 : vector<16xi32>
        %gather3A_1100 = tpu.vector_load_idx %arg13[%sub3A_1099] : memref<73728xi32, #tpu.memory_space<vmem>>[vector<16xi32>], vector<16xi32>,
        %add3A_1101 = arith.constant 112 : i32
        %add3A_1102 = arith.addi %mul3A_2, %add3A_1101 : i32
        %add3A_1103 = vector.broadcast %add3A_1102 : i32 to vector<16xi32>
        %add3A_1104 = arith.addi %add3A_1103, %iota3A : vector<16xi32>
        %lt3A_1105 = arith.cmpi slt, %gather3A_1100, %add3A_1104 : vector<16xi32>
        %add3A_1106 = arith.constant 1 : i32
        %add3A_1107 = vector.broadcast %add3A_1106 : i32 to vector<16xi32>
        %add3A_1108 = arith.addi %shift_right_logical3A_1097, %add3A_1107 : vector<16xi32>
        %select_n3A_1109 = arith.select %lt3A_1105, %add3A_1108, %get3A_1091 : vector<16xi1>, vector<16xi32>
        %swap3A_1110 = arith.constant 112 : index
        %swap3A_1111 = tpu.vector_load %arg8[%swap3A_1110] {strides = array<i32>} : memref<336xi32, #tpu.memory_space<vmem>>, vector<16xi32>,
        tpu.vector_store %arg8[%swap3A_1110], %select_n3A_1109 {strides = array<i32>} : memref<336xi32, #tpu.memory_space<vmem>>, vector<16xi32>,
        %select_n3A_1112 = arith.select %lt3A_1105, %get3A_1093, %shift_right_logical3A_1097 : vector<16xi1>, vector<16xi32>
        %swap3A_1113 = arith.constant 112 : index
        %swap3A_1114 = tpu.vector_load %arg7[%swap3A_1113] {strides = array<i32>} : memref<336xi32, #tpu.memory_space<vmem>>, vector<16xi32>,
        tpu.vector_store %arg7[%swap3A_1113], %select_n3A_1112 {strides = array<i32>} : memref<336xi32, #tpu.memory_space<vmem>>, vector<16xi32>,
        %get3A_1115 = arith.constant 128 : index
        %get3A_1116 = tpu.vector_load %arg8[%get3A_1115] {strides = array<i32>} : memref<336xi32, #tpu.memory_space<vmem>>, vector<16xi32>,
        %get3A_1117 = arith.constant 128 : index
        %get3A_1118 = tpu.vector_load %arg7[%get3A_1117] {strides = array<i32>} : memref<336xi32, #tpu.memory_space<vmem>>, vector<16xi32>,
        %add3A_1119 = arith.addi %get3A_1116, %get3A_1118 : vector<16xi32>
        %shift_right_logical3A_1120 = arith.constant 1 : i32
        %shift_right_logical3A_1121 = vector.broadcast %shift_right_logical3A_1120 : i32 to vector<16xi32>
        %shift_right_logical3A_1122 = arith.shrui %add3A_1119, %shift_right_logical3A_1121 : vector<16xi32>
        %sub3A_1123 = vector.broadcast %multiple_of3A : i32 to vector<16xi32>
        %sub3A_1124 = arith.subi %shift_right_logical3A_1122, %sub3A_1123 : vector<16xi32>
        %gather3A_1125 = tpu.vector_load_idx %arg13[%sub3A_1124] : memref<73728xi32, #tpu.memory_space<vmem>>[vector<16xi32>], vector<16xi32>,
        %add3A_1126 = arith.constant 128 : i32
        %add3A_1127 = arith.addi %mul3A_2, %add3A_1126 : i32
        %add3A_1128 = vector.broadcast %add3A_1127 : i32 to vector<16xi32>
        %add3A_1129 = arith.addi %add3A_1128, %iota3A : vector<16xi32>
        %lt3A_1130 = arith.cmpi slt, %gather3A_1125, %add3A_1129 : vector<16xi32>
        %add3A_1131 = arith.constant 1 : i32
        %add3A_1132 = vector.broadcast %add3A_1131 : i32 to vector<16xi32>
        %add3A_1133 = arith.addi %shift_right_logical3A_1122, %add3A_1132 : vector<16xi32>
        %select_n3A_1134 = arith.select %lt3A_1130, %add3A_1133, %get3A_1116 : vector<16xi1>, vector<16xi32>
        %swap3A_1135 = arith.constant 128 : index
        %swap3A_1136 = tpu.vector_load %arg8[%swap3A_1135] {strides = array<i32>} : memref<336xi32, #tpu.memory_space<vmem>>, vector<16xi32>,
        tpu.vector_store %arg8[%swap3A_1135], %select_n3A_1134 {strides = array<i32>} : memref<336xi32, #tpu.memory_space<vmem>>, vector<16xi32>,
        %select_n3A_1137 = arith.select %lt3A_1130, %get3A_1118, %shift_right_logical3A_1122 : vector<16xi1>, vector<16xi32>
        %swap3A_1138 = arith.constant 128 : index
        %swap3A_1139 = tpu.vector_load %arg7[%swap3A_1138] {strides = array<i32>} : memref<336xi32, #tpu.memory_space<vmem>>, vector<16xi32>,
        tpu.vector_store %arg7[%swap3A_1138], %select_n3A_1137 {strides = array<i32>} : memref<336xi32, #tpu.memory_space<vmem>>, vector<16xi32>,
        %get3A_1140 = arith.constant 144 : index
        %get3A_1141 = tpu.vector_load %arg8[%get3A_1140] {strides = array<i32>} : memref<336xi32, #tpu.memory_space<vmem>>, vector<16xi32>,
        %get3A_1142 = arith.constant 144 : index
        %get3A_1143 = tpu.vector_load %arg7[%get3A_1142] {strides = array<i32>} : memref<336xi32, #tpu.memory_space<vmem>>, vector<16xi32>,
        %add3A_1144 = arith.addi %get3A_1141, %get3A_1143 : vector<16xi32>
        %shift_right_logical3A_1145 = arith.constant 1 : i32
        %shift_right_logical3A_1146 = vector.broadcast %shift_right_logical3A_1145 : i32 to vector<16xi32>
        %shift_right_logical3A_1147 = arith.shrui %add3A_1144, %shift_right_logical3A_1146 : vector<16xi32>
        %sub3A_1148 = vector.broadcast %multiple_of3A : i32 to vector<16xi32>
        %sub3A_1149 = arith.subi %shift_right_logical3A_1147, %sub3A_1148 : vector<16xi32>
        %gather3A_1150 = tpu.vector_load_idx %arg13[%sub3A_1149] : memref<73728xi32, #tpu.memory_space<vmem>>[vector<16xi32>], vector<16xi32>,
        %add3A_1151 = arith.constant 144 : i32
        %add3A_1152 = arith.addi %mul3A_2, %add3A_1151 : i32
        %add3A_1153 = vector.broadcast %add3A_1152 : i32 to vector<16xi32>
        %add3A_1154 = arith.addi %add3A_1153, %iota3A : vector<16xi32>
        %lt3A_1155 = arith.cmpi slt, %gather3A_1150, %add3A_1154 : vector<16xi32>
        %add3A_1156 = arith.constant 1 : i32
        %add3A_1157 = vector.broadcast %add3A_1156 : i32 to vector<16xi32>
        %add3A_1158 = arith.addi %shift_right_logical3A_1147, %add3A_1157 : vector<16xi32>
        %select_n3A_1159 = arith.select %lt3A_1155, %add3A_1158, %get3A_1141 : vector<16xi1>, vector<16xi32>
        %swap3A_1160 = arith.constant 144 : index
        %swap3A_1161 = tpu.vector_load %arg8[%swap3A_1160] {strides = array<i32>} : memref<336xi32, #tpu.memory_space<vmem>>, vector<16xi32>,
        tpu.vector_store %arg8[%swap3A_1160], %select_n3A_1159 {strides = array<i32>} : memref<336xi32, #tpu.memory_space<vmem>>, vector<16xi32>,
        %select_n3A_1162 = arith.select %lt3A_1155, %get3A_1143, %shift_right_logical3A_1147 : vector<16xi1>, vector<16xi32>
        %swap3A_1163 = arith.constant 144 : index
        %swap3A_1164 = tpu.vector_load %arg7[%swap3A_1163] {strides = array<i32>} : memref<336xi32, #tpu.memory_space<vmem>>, vector<16xi32>,
        tpu.vector_store %arg7[%swap3A_1163], %select_n3A_1162 {strides = array<i32>} : memref<336xi32, #tpu.memory_space<vmem>>, vector<16xi32>,
        %get3A_1165 = arith.constant 160 : index
        %get3A_1166 = tpu.vector_load %arg8[%get3A_1165] {strides = array<i32>} : memref<336xi32, #tpu.memory_space<vmem>>, vector<16xi32>,
        %get3A_1167 = arith.constant 160 : index
        %get3A_1168 = tpu.vector_load %arg7[%get3A_1167] {strides = array<i32>} : memref<336xi32, #tpu.memory_space<vmem>>, vector<16xi32>,
        %add3A_1169 = arith.addi %get3A_1166, %get3A_1168 : vector<16xi32>
        %shift_right_logical3A_1170 = arith.constant 1 : i32
        %shift_right_logical3A_1171 = vector.broadcast %shift_right_logical3A_1170 : i32 to vector<16xi32>
        %shift_right_logical3A_1172 = arith.shrui %add3A_1169, %shift_right_logical3A_1171 : vector<16xi32>
        %sub3A_1173 = vector.broadcast %multiple_of3A : i32 to vector<16xi32>
        %sub3A_1174 = arith.subi %shift_right_logical3A_1172, %sub3A_1173 : vector<16xi32>
        %gather3A_1175 = tpu.vector_load_idx %arg13[%sub3A_1174] : memref<73728xi32, #tpu.memory_space<vmem>>[vector<16xi32>], vector<16xi32>,
        %add3A_1176 = arith.constant 160 : i32
        %add3A_1177 = arith.addi %mul3A_2, %add3A_1176 : i32
        %add3A_1178 = vector.broadcast %add3A_1177 : i32 to vector<16xi32>
        %add3A_1179 = arith.addi %add3A_1178, %iota3A : vector<16xi32>
        %lt3A_1180 = arith.cmpi slt, %gather3A_1175, %add3A_1179 : vector<16xi32>
        %add3A_1181 = arith.constant 1 : i32
        %add3A_1182 = vector.broadcast %add3A_1181 : i32 to vector<16xi32>
        %add3A_1183 = arith.addi %shift_right_logical3A_1172, %add3A_1182 : vector<16xi32>
        %select_n3A_1184 = arith.select %lt3A_1180, %add3A_1183, %get3A_1166 : vector<16xi1>, vector<16xi32>
        %swap3A_1185 = arith.constant 160 : index
        %swap3A_1186 = tpu.vector_load %arg8[%swap3A_1185] {strides = array<i32>} : memref<336xi32, #tpu.memory_space<vmem>>, vector<16xi32>,
        tpu.vector_store %arg8[%swap3A_1185], %select_n3A_1184 {strides = array<i32>} : memref<336xi32, #tpu.memory_space<vmem>>, vector<16xi32>,
        %select_n3A_1187 = arith.select %lt3A_1180, %get3A_1168, %shift_right_logical3A_1172 : vector<16xi1>, vector<16xi32>
        %swap3A_1188 = arith.constant 160 : index
        %swap3A_1189 = tpu.vector_load %arg7[%swap3A_1188] {strides = array<i32>} : memref<336xi32, #tpu.memory_space<vmem>>, vector<16xi32>,
        tpu.vector_store %arg7[%swap3A_1188], %select_n3A_1187 {strides = array<i32>} : memref<336xi32, #tpu.memory_space<vmem>>, vector<16xi32>,
        %get3A_1190 = arith.constant 176 : index
        %get3A_1191 = tpu.vector_load %arg8[%get3A_1190] {strides = array<i32>} : memref<336xi32, #tpu.memory_space<vmem>>, vector<16xi32>,
        %get3A_1192 = arith.constant 176 : index
        %get3A_1193 = tpu.vector_load %arg7[%get3A_1192] {strides = array<i32>} : memref<336xi32, #tpu.memory_space<vmem>>, vector<16xi32>,
        %add3A_1194 = arith.addi %get3A_1191, %get3A_1193 : vector<16xi32>
        %shift_right_logical3A_1195 = arith.constant 1 : i32
        %shift_right_logical3A_1196 = vector.broadcast %shift_right_logical3A_1195 : i32 to vector<16xi32>
        %shift_right_logical3A_1197 = arith.shrui %add3A_1194, %shift_right_logical3A_1196 : vector<16xi32>
        %sub3A_1198 = vector.broadcast %multiple_of3A : i32 to vector<16xi32>
        %sub3A_1199 = arith.subi %shift_right_logical3A_1197, %sub3A_1198 : vector<16xi32>
        %gather3A_1200 = tpu.vector_load_idx %arg13[%sub3A_1199] : memref<73728xi32, #tpu.memory_space<vmem>>[vector<16xi32>], vector<16xi32>,
        %add3A_1201 = arith.constant 176 : i32
        %add3A_1202 = arith.addi %mul3A_2, %add3A_1201 : i32
        %add3A_1203 = vector.broadcast %add3A_1202 : i32 to vector<16xi32>
        %add3A_1204 = arith.addi %add3A_1203, %iota3A : vector<16xi32>
        %lt3A_1205 = arith.cmpi slt, %gather3A_1200, %add3A_1204 : vector<16xi32>
        %add3A_1206 = arith.constant 1 : i32
        %add3A_1207 = vector.broadcast %add3A_1206 : i32 to vector<16xi32>
        %add3A_1208 = arith.addi %shift_right_logical3A_1197, %add3A_1207 : vector<16xi32>
        %select_n3A_1209 = arith.select %lt3A_1205, %add3A_1208, %get3A_1191 : vector<16xi1>, vector<16xi32>
        %swap3A_1210 = arith.constant 176 : index
        %swap3A_1211 = tpu.vector_load %arg8[%swap3A_1210] {strides = array<i32>} : memref<336xi32, #tpu.memory_space<vmem>>, vector<16xi32>,
        tpu.vector_store %arg8[%swap3A_1210], %select_n3A_1209 {strides = array<i32>} : memref<336xi32, #tpu.memory_space<vmem>>, vector<16xi32>,
        %select_n3A_1212 = arith.select %lt3A_1205, %get3A_1193, %shift_right_logical3A_1197 : vector<16xi1>, vector<16xi32>
        %swap3A_1213 = arith.constant 176 : index
        %swap3A_1214 = tpu.vector_load %arg7[%swap3A_1213] {strides = array<i32>} : memref<336xi32, #tpu.memory_space<vmem>>, vector<16xi32>,
        tpu.vector_store %arg7[%swap3A_1213], %select_n3A_1212 {strides = array<i32>} : memref<336xi32, #tpu.memory_space<vmem>>, vector<16xi32>,
        %get3A_1215 = arith.constant 192 : index
        %get3A_1216 = tpu.vector_load %arg8[%get3A_1215] {strides = array<i32>} : memref<336xi32, #tpu.memory_space<vmem>>, vector<16xi32>,
        %get3A_1217 = arith.constant 192 : index
        %get3A_1218 = tpu.vector_load %arg7[%get3A_1217] {strides = array<i32>} : memref<336xi32, #tpu.memory_space<vmem>>, vector<16xi32>,
        %add3A_1219 = arith.addi %get3A_1216, %get3A_1218 : vector<16xi32>
        %shift_right_logical3A_1220 = arith.constant 1 : i32
        %shift_right_logical3A_1221 = vector.broadcast %shift_right_logical3A_1220 : i32 to vector<16xi32>
        %shift_right_logical3A_1222 = arith.shrui %add3A_1219, %shift_right_logical3A_1221 : vector<16xi32>
        %sub3A_1223 = vector.broadcast %multiple_of3A : i32 to vector<16xi32>
        %sub3A_1224 = arith.subi %shift_right_logical3A_1222, %sub3A_1223 : vector<16xi32>
        %gather3A_1225 = tpu.vector_load_idx %arg13[%sub3A_1224] : memref<73728xi32, #tpu.memory_space<vmem>>[vector<16xi32>], vector<16xi32>,
        %add3A_1226 = arith.constant 192 : i32
        %add3A_1227 = arith.addi %mul3A_2, %add3A_1226 : i32
        %add3A_1228 = vector.broadcast %add3A_1227 : i32 to vector<16xi32>
        %add3A_1229 = arith.addi %add3A_1228, %iota3A : vector<16xi32>
        %lt3A_1230 = arith.cmpi slt, %gather3A_1225, %add3A_1229 : vector<16xi32>
        %add3A_1231 = arith.constant 1 : i32
        %add3A_1232 = vector.broadcast %add3A_1231 : i32 to vector<16xi32>
        %add3A_1233 = arith.addi %shift_right_logical3A_1222, %add3A_1232 : vector<16xi32>
        %select_n3A_1234 = arith.select %lt3A_1230, %add3A_1233, %get3A_1216 : vector<16xi1>, vector<16xi32>
        %swap3A_1235 = arith.constant 192 : index
        %swap3A_1236 = tpu.vector_load %arg8[%swap3A_1235] {strides = array<i32>} : memref<336xi32, #tpu.memory_space<vmem>>, vector<16xi32>,
        tpu.vector_store %arg8[%swap3A_1235], %select_n3A_1234 {strides = array<i32>} : memref<336xi32, #tpu.memory_space<vmem>>, vector<16xi32>,
        %select_n3A_1237 = arith.select %lt3A_1230, %get3A_1218, %shift_right_logical3A_1222 : vector<16xi1>, vector<16xi32>
        %swap3A_1238 = arith.constant 192 : index
        %swap3A_1239 = tpu.vector_load %arg7[%swap3A_1238] {strides = array<i32>} : memref<336xi32, #tpu.memory_space<vmem>>, vector<16xi32>,
        tpu.vector_store %arg7[%swap3A_1238], %select_n3A_1237 {strides = array<i32>} : memref<336xi32, #tpu.memory_space<vmem>>, vector<16xi32>,
        %get3A_1240 = arith.constant 208 : index
        %get3A_1241 = tpu.vector_load %arg8[%get3A_1240] {strides = array<i32>} : memref<336xi32, #tpu.memory_space<vmem>>, vector<16xi32>,
        %get3A_1242 = arith.constant 208 : index
        %get3A_1243 = tpu.vector_load %arg7[%get3A_1242] {strides = array<i32>} : memref<336xi32, #tpu.memory_space<vmem>>, vector<16xi32>,
        %add3A_1244 = arith.addi %get3A_1241, %get3A_1243 : vector<16xi32>
        %shift_right_logical3A_1245 = arith.constant 1 : i32
        %shift_right_logical3A_1246 = vector.broadcast %shift_right_logical3A_1245 : i32 to vector<16xi32>
        %shift_right_logical3A_1247 = arith.shrui %add3A_1244, %shift_right_logical3A_1246 : vector<16xi32>
        %sub3A_1248 = vector.broadcast %multiple_of3A : i32 to vector<16xi32>
        %sub3A_1249 = arith.subi %shift_right_logical3A_1247, %sub3A_1248 : vector<16xi32>
        %gather3A_1250 = tpu.vector_load_idx %arg13[%sub3A_1249] : memref<73728xi32, #tpu.memory_space<vmem>>[vector<16xi32>], vector<16xi32>,
        %add3A_1251 = arith.constant 208 : i32
        %add3A_1252 = arith.addi %mul3A_2, %add3A_1251 : i32
        %add3A_1253 = vector.broadcast %add3A_1252 : i32 to vector<16xi32>
        %add3A_1254 = arith.addi %add3A_1253, %iota3A : vector<16xi32>
        %lt3A_1255 = arith.cmpi slt, %gather3A_1250, %add3A_1254 : vector<16xi32>
        %add3A_1256 = arith.constant 1 : i32
        %add3A_1257 = vector.broadcast %add3A_1256 : i32 to vector<16xi32>
        %add3A_1258 = arith.addi %shift_right_logical3A_1247, %add3A_1257 : vector<16xi32>
        %select_n3A_1259 = arith.select %lt3A_1255, %add3A_1258, %get3A_1241 : vector<16xi1>, vector<16xi32>
        %swap3A_1260 = arith.constant 208 : index
        %swap3A_1261 = tpu.vector_load %arg8[%swap3A_1260] {strides = array<i32>} : memref<336xi32, #tpu.memory_space<vmem>>, vector<16xi32>,
        tpu.vector_store %arg8[%swap3A_1260], %select_n3A_1259 {strides = array<i32>} : memref<336xi32, #tpu.memory_space<vmem>>, vector<16xi32>,
        %select_n3A_1262 = arith.select %lt3A_1255, %get3A_1243, %shift_right_logical3A_1247 : vector<16xi1>, vector<16xi32>
        %swap3A_1263 = arith.constant 208 : index
        %swap3A_1264 = tpu.vector_load %arg7[%swap3A_1263] {strides = array<i32>} : memref<336xi32, #tpu.memory_space<vmem>>, vector<16xi32>,
        tpu.vector_store %arg7[%swap3A_1263], %select_n3A_1262 {strides = array<i32>} : memref<336xi32, #tpu.memory_space<vmem>>, vector<16xi32>,
        %get3A_1265 = arith.constant 224 : index
        %get3A_1266 = tpu.vector_load %arg8[%get3A_1265] {strides = array<i32>} : memref<336xi32, #tpu.memory_space<vmem>>, vector<16xi32>,
        %get3A_1267 = arith.constant 224 : index
        %get3A_1268 = tpu.vector_load %arg7[%get3A_1267] {strides = array<i32>} : memref<336xi32, #tpu.memory_space<vmem>>, vector<16xi32>,
        %add3A_1269 = arith.addi %get3A_1266, %get3A_1268 : vector<16xi32>
        %shift_right_logical3A_1270 = arith.constant 1 : i32
        %shift_right_logical3A_1271 = vector.broadcast %shift_right_logical3A_1270 : i32 to vector<16xi32>
        %shift_right_logical3A_1272 = arith.shrui %add3A_1269, %shift_right_logical3A_1271 : vector<16xi32>
        %sub3A_1273 = vector.broadcast %multiple_of3A : i32 to vector<16xi32>
        %sub3A_1274 = arith.subi %shift_right_logical3A_1272, %sub3A_1273 : vector<16xi32>
        %gather3A_1275 = tpu.vector_load_idx %arg13[%sub3A_1274] : memref<73728xi32, #tpu.memory_space<vmem>>[vector<16xi32>], vector<16xi32>,
        %add3A_1276 = arith.constant 224 : i32
        %add3A_1277 = arith.addi %mul3A_2, %add3A_1276 : i32
        %add3A_1278 = vector.broadcast %add3A_1277 : i32 to vector<16xi32>
        %add3A_1279 = arith.addi %add3A_1278, %iota3A : vector<16xi32>
        %lt3A_1280 = arith.cmpi slt, %gather3A_1275, %add3A_1279 : vector<16xi32>
        %add3A_1281 = arith.constant 1 : i32
        %add3A_1282 = vector.broadcast %add3A_1281 : i32 to vector<16xi32>
        %add3A_1283 = arith.addi %shift_right_logical3A_1272, %add3A_1282 : vector<16xi32>
        %select_n3A_1284 = arith.select %lt3A_1280, %add3A_1283, %get3A_1266 : vector<16xi1>, vector<16xi32>
        %swap3A_1285 = arith.constant 224 : index
        %swap3A_1286 = tpu.vector_load %arg8[%swap3A_1285] {strides = array<i32>} : memref<336xi32, #tpu.memory_space<vmem>>, vector<16xi32>,
        tpu.vector_store %arg8[%swap3A_1285], %select_n3A_1284 {strides = array<i32>} : memref<336xi32, #tpu.memory_space<vmem>>, vector<16xi32>,
        %select_n3A_1287 = arith.select %lt3A_1280, %get3A_1268, %shift_right_logical3A_1272 : vector<16xi1>, vector<16xi32>
        %swap3A_1288 = arith.constant 224 : index
        %swap3A_1289 = tpu.vector_load %arg7[%swap3A_1288] {strides = array<i32>} : memref<336xi32, #tpu.memory_space<vmem>>, vector<16xi32>,
        tpu.vector_store %arg7[%swap3A_1288], %select_n3A_1287 {strides = array<i32>} : memref<336xi32, #tpu.memory_space<vmem>>, vector<16xi32>,
        %get3A_1290 = arith.constant 240 : index
        %get3A_1291 = tpu.vector_load %arg8[%get3A_1290] {strides = array<i32>} : memref<336xi32, #tpu.memory_space<vmem>>, vector<16xi32>,
        %get3A_1292 = arith.constant 240 : index
        %get3A_1293 = tpu.vector_load %arg7[%get3A_1292] {strides = array<i32>} : memref<336xi32, #tpu.memory_space<vmem>>, vector<16xi32>,
        %add3A_1294 = arith.addi %get3A_1291, %get3A_1293 : vector<16xi32>
        %shift_right_logical3A_1295 = arith.constant 1 : i32
        %shift_right_logical3A_1296 = vector.broadcast %shift_right_logical3A_1295 : i32 to vector<16xi32>
        %shift_right_logical3A_1297 = arith.shrui %add3A_1294, %shift_right_logical3A_1296 : vector<16xi32>
        %sub3A_1298 = vector.broadcast %multiple_of3A : i32 to vector<16xi32>
        %sub3A_1299 = arith.subi %shift_right_logical3A_1297, %sub3A_1298 : vector<16xi32>
        %gather3A_1300 = tpu.vector_load_idx %arg13[%sub3A_1299] : memref<73728xi32, #tpu.memory_space<vmem>>[vector<16xi32>], vector<16xi32>,
        %add3A_1301 = arith.constant 240 : i32
        %add3A_1302 = arith.addi %mul3A_2, %add3A_1301 : i32
        %add3A_1303 = vector.broadcast %add3A_1302 : i32 to vector<16xi32>
        %add3A_1304 = arith.addi %add3A_1303, %iota3A : vector<16xi32>
        %lt3A_1305 = arith.cmpi slt, %gather3A_1300, %add3A_1304 : vector<16xi32>
        %add3A_1306 = arith.constant 1 : i32
        %add3A_1307 = vector.broadcast %add3A_1306 : i32 to vector<16xi32>
        %add3A_1308 = arith.addi %shift_right_logical3A_1297, %add3A_1307 : vector<16xi32>
        %select_n3A_1309 = arith.select %lt3A_1305, %add3A_1308, %get3A_1291 : vector<16xi1>, vector<16xi32>
        %swap3A_1310 = arith.constant 240 : index
        %swap3A_1311 = tpu.vector_load %arg8[%swap3A_1310] {strides = array<i32>} : memref<336xi32, #tpu.memory_space<vmem>>, vector<16xi32>,
        tpu.vector_store %arg8[%swap3A_1310], %select_n3A_1309 {strides = array<i32>} : memref<336xi32, #tpu.memory_space<vmem>>, vector<16xi32>,
        %select_n3A_1312 = arith.select %lt3A_1305, %get3A_1293, %shift_right_logical3A_1297 : vector<16xi1>, vector<16xi32>
        %swap3A_1313 = arith.constant 240 : index
        %swap3A_1314 = tpu.vector_load %arg7[%swap3A_1313] {strides = array<i32>} : memref<336xi32, #tpu.memory_space<vmem>>, vector<16xi32>,
        tpu.vector_store %arg7[%swap3A_1313], %select_n3A_1312 {strides = array<i32>} : memref<336xi32, #tpu.memory_space<vmem>>, vector<16xi32>,
        %get3A_1315 = arith.constant 256 : index
        %get3A_1316 = tpu.vector_load %arg8[%get3A_1315] {strides = array<i32>} : memref<336xi32, #tpu.memory_space<vmem>>, vector<16xi32>,
        %get3A_1317 = arith.constant 256 : index
        %get3A_1318 = tpu.vector_load %arg7[%get3A_1317] {strides = array<i32>} : memref<336xi32, #tpu.memory_space<vmem>>, vector<16xi32>,
        %add3A_1319 = arith.addi %get3A_1316, %get3A_1318 : vector<16xi32>
        %shift_right_logical3A_1320 = arith.constant 1 : i32
        %shift_right_logical3A_1321 = vector.broadcast %shift_right_logical3A_1320 : i32 to vector<16xi32>
        %shift_right_logical3A_1322 = arith.shrui %add3A_1319, %shift_right_logical3A_1321 : vector<16xi32>
        %sub3A_1323 = vector.broadcast %multiple_of3A : i32 to vector<16xi32>
        %sub3A_1324 = arith.subi %shift_right_logical3A_1322, %sub3A_1323 : vector<16xi32>
        %gather3A_1325 = tpu.vector_load_idx %arg13[%sub3A_1324] : memref<73728xi32, #tpu.memory_space<vmem>>[vector<16xi32>], vector<16xi32>,
        %add3A_1326 = arith.constant 256 : i32
        %add3A_1327 = arith.addi %mul3A_2, %add3A_1326 : i32
        %add3A_1328 = vector.broadcast %add3A_1327 : i32 to vector<16xi32>
        %add3A_1329 = arith.addi %add3A_1328, %iota3A : vector<16xi32>
        %lt3A_1330 = arith.cmpi slt, %gather3A_1325, %add3A_1329 : vector<16xi32>
        %add3A_1331 = arith.constant 1 : i32
        %add3A_1332 = vector.broadcast %add3A_1331 : i32 to vector<16xi32>
        %add3A_1333 = arith.addi %shift_right_logical3A_1322, %add3A_1332 : vector<16xi32>
        %select_n3A_1334 = arith.select %lt3A_1330, %add3A_1333, %get3A_1316 : vector<16xi1>, vector<16xi32>
        %swap3A_1335 = arith.constant 256 : index
        %swap3A_1336 = tpu.vector_load %arg8[%swap3A_1335] {strides = array<i32>} : memref<336xi32, #tpu.memory_space<vmem>>, vector<16xi32>,
        tpu.vector_store %arg8[%swap3A_1335], %select_n3A_1334 {strides = array<i32>} : memref<336xi32, #tpu.memory_space<vmem>>, vector<16xi32>,
        %select_n3A_1337 = arith.select %lt3A_1330, %get3A_1318, %shift_right_logical3A_1322 : vector<16xi1>, vector<16xi32>
        %swap3A_1338 = arith.constant 256 : index
        %swap3A_1339 = tpu.vector_load %arg7[%swap3A_1338] {strides = array<i32>} : memref<336xi32, #tpu.memory_space<vmem>>, vector<16xi32>,
        tpu.vector_store %arg7[%swap3A_1338], %select_n3A_1337 {strides = array<i32>} : memref<336xi32, #tpu.memory_space<vmem>>, vector<16xi32>,
        %get3A_1340 = arith.constant 272 : index
        %get3A_1341 = tpu.vector_load %arg8[%get3A_1340] {strides = array<i32>} : memref<336xi32, #tpu.memory_space<vmem>>, vector<16xi32>,
        %get3A_1342 = arith.constant 272 : index
        %get3A_1343 = tpu.vector_load %arg7[%get3A_1342] {strides = array<i32>} : memref<336xi32, #tpu.memory_space<vmem>>, vector<16xi32>,
        %add3A_1344 = arith.addi %get3A_1341, %get3A_1343 : vector<16xi32>
        %shift_right_logical3A_1345 = arith.constant 1 : i32
        %shift_right_logical3A_1346 = vector.broadcast %shift_right_logical3A_1345 : i32 to vector<16xi32>
        %shift_right_logical3A_1347 = arith.shrui %add3A_1344, %shift_right_logical3A_1346 : vector<16xi32>
        %sub3A_1348 = vector.broadcast %multiple_of3A : i32 to vector<16xi32>
        %sub3A_1349 = arith.subi %shift_right_logical3A_1347, %sub3A_1348 : vector<16xi32>
        %gather3A_1350 = tpu.vector_load_idx %arg13[%sub3A_1349] : memref<73728xi32, #tpu.memory_space<vmem>>[vector<16xi32>], vector<16xi32>,
        %add3A_1351 = arith.constant 272 : i32
        %add3A_1352 = arith.addi %mul3A_2, %add3A_1351 : i32
        %add3A_1353 = vector.broadcast %add3A_1352 : i32 to vector<16xi32>
        %add3A_1354 = arith.addi %add3A_1353, %iota3A : vector<16xi32>
        %lt3A_1355 = arith.cmpi slt, %gather3A_1350, %add3A_1354 : vector<16xi32>
        %add3A_1356 = arith.constant 1 : i32
        %add3A_1357 = vector.broadcast %add3A_1356 : i32 to vector<16xi32>
        %add3A_1358 = arith.addi %shift_right_logical3A_1347, %add3A_1357 : vector<16xi32>
        %select_n3A_1359 = arith.select %lt3A_1355, %add3A_1358, %get3A_1341 : vector<16xi1>, vector<16xi32>
        %swap3A_1360 = arith.constant 272 : index
        %swap3A_1361 = tpu.vector_load %arg8[%swap3A_1360] {strides = array<i32>} : memref<336xi32, #tpu.memory_space<vmem>>, vector<16xi32>,
        tpu.vector_store %arg8[%swap3A_1360], %select_n3A_1359 {strides = array<i32>} : memref<336xi32, #tpu.memory_space<vmem>>, vector<16xi32>,
        %select_n3A_1362 = arith.select %lt3A_1355, %get3A_1343, %shift_right_logical3A_1347 : vector<16xi1>, vector<16xi32>
        %swap3A_1363 = arith.constant 272 : index
        %swap3A_1364 = tpu.vector_load %arg7[%swap3A_1363] {strides = array<i32>} : memref<336xi32, #tpu.memory_space<vmem>>, vector<16xi32>,
        tpu.vector_store %arg7[%swap3A_1363], %select_n3A_1362 {strides = array<i32>} : memref<336xi32, #tpu.memory_space<vmem>>, vector<16xi32>,
        %get3A_1365 = arith.constant 288 : index
        %get3A_1366 = tpu.vector_load %arg8[%get3A_1365] {strides = array<i32>} : memref<336xi32, #tpu.memory_space<vmem>>, vector<16xi32>,
        %get3A_1367 = arith.constant 288 : index
        %get3A_1368 = tpu.vector_load %arg7[%get3A_1367] {strides = array<i32>} : memref<336xi32, #tpu.memory_space<vmem>>, vector<16xi32>,
        %add3A_1369 = arith.addi %get3A_1366, %get3A_1368 : vector<16xi32>
        %shift_right_logical3A_1370 = arith.constant 1 : i32
        %shift_right_logical3A_1371 = vector.broadcast %shift_right_logical3A_1370 : i32 to vector<16xi32>
        %shift_right_logical3A_1372 = arith.shrui %add3A_1369, %shift_right_logical3A_1371 : vector<16xi32>
        %sub3A_1373 = vector.broadcast %multiple_of3A : i32 to vector<16xi32>
        %sub3A_1374 = arith.subi %shift_right_logical3A_1372, %sub3A_1373 : vector<16xi32>
        %gather3A_1375 = tpu.vector_load_idx %arg13[%sub3A_1374] : memref<73728xi32, #tpu.memory_space<vmem>>[vector<16xi32>], vector<16xi32>,
        %add3A_1376 = arith.constant 288 : i32
        %add3A_1377 = arith.addi %mul3A_2, %add3A_1376 : i32
        %add3A_1378 = vector.broadcast %add3A_1377 : i32 to vector<16xi32>
        %add3A_1379 = arith.addi %add3A_1378, %iota3A : vector<16xi32>
        %lt3A_1380 = arith.cmpi slt, %gather3A_1375, %add3A_1379 : vector<16xi32>
        %add3A_1381 = arith.constant 1 : i32
        %add3A_1382 = vector.broadcast %add3A_1381 : i32 to vector<16xi32>
        %add3A_1383 = arith.addi %shift_right_logical3A_1372, %add3A_1382 : vector<16xi32>
        %select_n3A_1384 = arith.select %lt3A_1380, %add3A_1383, %get3A_1366 : vector<16xi1>, vector<16xi32>
        %swap3A_1385 = arith.constant 288 : index
        %swap3A_1386 = tpu.vector_load %arg8[%swap3A_1385] {strides = array<i32>} : memref<336xi32, #tpu.memory_space<vmem>>, vector<16xi32>,
        tpu.vector_store %arg8[%swap3A_1385], %select_n3A_1384 {strides = array<i32>} : memref<336xi32, #tpu.memory_space<vmem>>, vector<16xi32>,
        %select_n3A_1387 = arith.select %lt3A_1380, %get3A_1368, %shift_right_logical3A_1372 : vector<16xi1>, vector<16xi32>
        %swap3A_1388 = arith.constant 288 : index
        %swap3A_1389 = tpu.vector_load %arg7[%swap3A_1388] {strides = array<i32>} : memref<336xi32, #tpu.memory_space<vmem>>, vector<16xi32>,
        tpu.vector_store %arg7[%swap3A_1388], %select_n3A_1387 {strides = array<i32>} : memref<336xi32, #tpu.memory_space<vmem>>, vector<16xi32>,
        %get3A_1390 = arith.constant 304 : index
        %get3A_1391 = tpu.vector_load %arg8[%get3A_1390] {strides = array<i32>} : memref<336xi32, #tpu.memory_space<vmem>>, vector<16xi32>,
        %get3A_1392 = arith.constant 304 : index
        %get3A_1393 = tpu.vector_load %arg7[%get3A_1392] {strides = array<i32>} : memref<336xi32, #tpu.memory_space<vmem>>, vector<16xi32>,
        %add3A_1394 = arith.addi %get3A_1391, %get3A_1393 : vector<16xi32>
        %shift_right_logical3A_1395 = arith.constant 1 : i32
        %shift_right_logical3A_1396 = vector.broadcast %shift_right_logical3A_1395 : i32 to vector<16xi32>
        %shift_right_logical3A_1397 = arith.shrui %add3A_1394, %shift_right_logical3A_1396 : vector<16xi32>
        %sub3A_1398 = vector.broadcast %multiple_of3A : i32 to vector<16xi32>
        %sub3A_1399 = arith.subi %shift_right_logical3A_1397, %sub3A_1398 : vector<16xi32>
        %gather3A_1400 = tpu.vector_load_idx %arg13[%sub3A_1399] : memref<73728xi32, #tpu.memory_space<vmem>>[vector<16xi32>], vector<16xi32>,
        %add3A_1401 = arith.constant 304 : i32
        %add3A_1402 = arith.addi %mul3A_2, %add3A_1401 : i32
        %add3A_1403 = vector.broadcast %add3A_1402 : i32 to vector<16xi32>
        %add3A_1404 = arith.addi %add3A_1403, %iota3A : vector<16xi32>
        %lt3A_1405 = arith.cmpi slt, %gather3A_1400, %add3A_1404 : vector<16xi32>
        %add3A_1406 = arith.constant 1 : i32
        %add3A_1407 = vector.broadcast %add3A_1406 : i32 to vector<16xi32>
        %add3A_1408 = arith.addi %shift_right_logical3A_1397, %add3A_1407 : vector<16xi32>
        %select_n3A_1409 = arith.select %lt3A_1405, %add3A_1408, %get3A_1391 : vector<16xi1>, vector<16xi32>
        %swap3A_1410 = arith.constant 304 : index
        %swap3A_1411 = tpu.vector_load %arg8[%swap3A_1410] {strides = array<i32>} : memref<336xi32, #tpu.memory_space<vmem>>, vector<16xi32>,
        tpu.vector_store %arg8[%swap3A_1410], %select_n3A_1409 {strides = array<i32>} : memref<336xi32, #tpu.memory_space<vmem>>, vector<16xi32>,
        %select_n3A_1412 = arith.select %lt3A_1405, %get3A_1393, %shift_right_logical3A_1397 : vector<16xi1>, vector<16xi32>
        %swap3A_1413 = arith.constant 304 : index
        %swap3A_1414 = tpu.vector_load %arg7[%swap3A_1413] {strides = array<i32>} : memref<336xi32, #tpu.memory_space<vmem>>, vector<16xi32>,
        tpu.vector_store %arg7[%swap3A_1413], %select_n3A_1412 {strides = array<i32>} : memref<336xi32, #tpu.memory_space<vmem>>, vector<16xi32>,
        %get3A_1415 = arith.constant 320 : index
        %get3A_1416 = tpu.vector_load %arg8[%get3A_1415] {strides = array<i32>} : memref<336xi32, #tpu.memory_space<vmem>>, vector<16xi32>,
        %get3A_1417 = arith.constant 320 : index
        %get3A_1418 = tpu.vector_load %arg7[%get3A_1417] {strides = array<i32>} : memref<336xi32, #tpu.memory_space<vmem>>, vector<16xi32>,
        %add3A_1419 = arith.addi %get3A_1416, %get3A_1418 : vector<16xi32>
        %shift_right_logical3A_1420 = arith.constant 1 : i32
        %shift_right_logical3A_1421 = vector.broadcast %shift_right_logical3A_1420 : i32 to vector<16xi32>
        %shift_right_logical3A_1422 = arith.shrui %add3A_1419, %shift_right_logical3A_1421 : vector<16xi32>
        %sub3A_1423 = vector.broadcast %multiple_of3A : i32 to vector<16xi32>
        %sub3A_1424 = arith.subi %shift_right_logical3A_1422, %sub3A_1423 : vector<16xi32>
        %gather3A_1425 = tpu.vector_load_idx %arg13[%sub3A_1424] : memref<73728xi32, #tpu.memory_space<vmem>>[vector<16xi32>], vector<16xi32>,
        %add3A_1426 = arith.constant 320 : i32
        %add3A_1427 = arith.addi %mul3A_2, %add3A_1426 : i32
        %add3A_1428 = vector.broadcast %add3A_1427 : i32 to vector<16xi32>
        %add3A_1429 = arith.addi %add3A_1428, %iota3A : vector<16xi32>
        %lt3A_1430 = arith.cmpi slt, %gather3A_1425, %add3A_1429 : vector<16xi32>
        %add3A_1431 = arith.constant 1 : i32
        %add3A_1432 = vector.broadcast %add3A_1431 : i32 to vector<16xi32>
        %add3A_1433 = arith.addi %shift_right_logical3A_1422, %add3A_1432 : vector<16xi32>
        %select_n3A_1434 = arith.select %lt3A_1430, %add3A_1433, %get3A_1416 : vector<16xi1>, vector<16xi32>
        %swap3A_1435 = arith.constant 320 : index
        %swap3A_1436 = tpu.vector_load %arg8[%swap3A_1435] {strides = array<i32>} : memref<336xi32, #tpu.memory_space<vmem>>, vector<16xi32>,
        tpu.vector_store %arg8[%swap3A_1435], %select_n3A_1434 {strides = array<i32>} : memref<336xi32, #tpu.memory_space<vmem>>, vector<16xi32>,
        %select_n3A_1437 = arith.select %lt3A_1430, %get3A_1418, %shift_right_logical3A_1422 : vector<16xi1>, vector<16xi32>
        %swap3A_1438 = arith.constant 320 : index
        %swap3A_1439 = tpu.vector_load %arg7[%swap3A_1438] {strides = array<i32>} : memref<336xi32, #tpu.memory_space<vmem>>, vector<16xi32>,
        tpu.vector_store %arg7[%swap3A_1438], %select_n3A_1437 {strides = array<i32>} : memref<336xi32, #tpu.memory_space<vmem>>, vector<16xi32>,
      }
      %scan3A_913 = arith.constant 17 : i32
    } else {
    }
    %not3A = arith.constant true
    %not3A_834 = arith.xori %le3A_580, %not3A : i1
    %convert_element_type3A_835 = arith.extui %not3A_834 : i1 to i32
    %cond3A_836 = arith.constant 0 : i32
    %cond3A_837 = arith.cmpi ne, %convert_element_type3A_835, %cond3A_836 : i32
    scf.if %cond3A_837 {
      %scan3A_883 = arith.constant 0 : i32
      %scan3A_884 = arith.constant 0 : i32
      %scan3A_885 = arith.constant 20 : i32
      %scan3A_886 = arith.addi %scan3A_884, %scan3A_885 : i32
      %scan3A_887 = arith.constant 1 : i32
      scf.for %scan3A_889 = %scan3A_884 to %scan3A_886 step %scan3A_887  : i32 {
        %get3A_890 = arith.constant 0 : index
        %get3A_891 = tpu.vector_load %arg8[%get3A_890] {strides = array<i32>} : memref<336xi32, #tpu.memory_space<vmem>>, vector<16xi32>,
        %get3A_892 = arith.constant 0 : index
        %get3A_893 = tpu.vector_load %arg7[%get3A_892] {strides = array<i32>} : memref<336xi32, #tpu.memory_space<vmem>>, vector<16xi32>,
        %add3A_894 = arith.addi %get3A_891, %get3A_893 : vector<16xi32>
        %shift_right_logical3A_895 = arith.constant 1 : i32
        %shift_right_logical3A_896 = vector.broadcast %shift_right_logical3A_895 : i32 to vector<16xi32>
        %shift_right_logical3A_897 = arith.shrui %add3A_894, %shift_right_logical3A_896 : vector<16xi32>
        %min3A_898 = arith.constant 999999 : i32
        %min3A_899 = vector.broadcast %min3A_898 : i32 to vector<16xi32>
        %min3A_900 = arith.minsi %shift_right_logical3A_897, %min3A_899 : vector<16xi32>
        %swap3A_901 = arith.constant 0 : i32
        %swap3A_902 = arith.index_cast %swap3A_901 : i32 to index
        %swap3A_903 = arith.constant 0 : index
        %swap3A_904 = tpu.vector_load %arg9[%swap3A_902, %swap3A_903] {strides = array<i32>} : memref<3x112xi32, #tpu.memory_space<vmem>>, vector<16xi32>,
        tpu.vector_store %arg9[%swap3A_902, %swap3A_903], %min3A_900 {strides = array<i32>} : memref<3x112xi32, #tpu.memory_space<vmem>>, vector<16xi32>,
        %get3A_905 = arith.constant 16 : index
        %get3A_906 = tpu.vector_load %arg8[%get3A_905] {strides = array<i32>} : memref<336xi32, #tpu.memory_space<vmem>>, vector<16xi32>,
        %get3A_907 = arith.constant 16 : index
        %get3A_908 = tpu.vector_load %arg7[%get3A_907] {strides = array<i32>} : memref<336xi32, #tpu.memory_space<vmem>>, vector<16xi32>,
        %add3A_909 = arith.addi %get3A_906, %get3A_908 : vector<16xi32>
        %shift_right_logical3A_910 = arith.constant 1 : i32
        %shift_right_logical3A_911 = vector.broadcast %shift_right_logical3A_910 : i32 to vector<16xi32>
        %shift_right_logical3A_912 = arith.shrui %add3A_909, %shift_right_logical3A_911 : vector<16xi32>
        %min3A_913 = arith.constant 999999 : i32
        %min3A_914 = vector.broadcast %min3A_913 : i32 to vector<16xi32>
        %min3A_915 = arith.minsi %shift_right_logical3A_912, %min3A_914 : vector<16xi32>
        %swap3A_916 = arith.constant 0 : i32
        %swap3A_917 = arith.index_cast %swap3A_916 : i32 to index
        %swap3A_918 = arith.constant 16 : index
        %swap3A_919 = tpu.vector_load %arg9[%swap3A_917, %swap3A_918] {strides = array<i32>} : memref<3x112xi32, #tpu.memory_space<vmem>>, vector<16xi32>,
        tpu.vector_store %arg9[%swap3A_917, %swap3A_918], %min3A_915 {strides = array<i32>} : memref<3x112xi32, #tpu.memory_space<vmem>>, vector<16xi32>,
        %get3A_920 = arith.constant 32 : index
        %get3A_921 = tpu.vector_load %arg8[%get3A_920] {strides = array<i32>} : memref<336xi32, #tpu.memory_space<vmem>>, vector<16xi32>,
        %get3A_922 = arith.constant 32 : index
        %get3A_923 = tpu.vector_load %arg7[%get3A_922] {strides = array<i32>} : memref<336xi32, #tpu.memory_space<vmem>>, vector<16xi32>,
        %add3A_924 = arith.addi %get3A_921, %get3A_923 : vector<16xi32>
        %shift_right_logical3A_925 = arith.constant 1 : i32
        %shift_right_logical3A_926 = vector.broadcast %shift_right_logical3A_925 : i32 to vector<16xi32>
        %shift_right_logical3A_927 = arith.shrui %add3A_924, %shift_right_logical3A_926 : vector<16xi32>
        %min3A_928 = arith.constant 999999 : i32
        %min3A_929 = vector.broadcast %min3A_928 : i32 to vector<16xi32>
        %min3A_930 = arith.minsi %shift_right_logical3A_927, %min3A_929 : vector<16xi32>
        %swap3A_931 = arith.constant 0 : i32
        %swap3A_932 = arith.index_cast %swap3A_931 : i32 to index
        %swap3A_933 = arith.constant 32 : index
        %swap3A_934 = tpu.vector_load %arg9[%swap3A_932, %swap3A_933] {strides = array<i32>} : memref<3x112xi32, #tpu.memory_space<vmem>>, vector<16xi32>,
        tpu.vector_store %arg9[%swap3A_932, %swap3A_933], %min3A_930 {strides = array<i32>} : memref<3x112xi32, #tpu.memory_space<vmem>>, vector<16xi32>,
        %get3A_935 = arith.constant 48 : index
        %get3A_936 = tpu.vector_load %arg8[%get3A_935] {strides = array<i32>} : memref<336xi32, #tpu.memory_space<vmem>>, vector<16xi32>,
        %get3A_937 = arith.constant 48 : index
        %get3A_938 = tpu.vector_load %arg7[%get3A_937] {strides = array<i32>} : memref<336xi32, #tpu.memory_space<vmem>>, vector<16xi32>,
        %add3A_939 = arith.addi %get3A_936, %get3A_938 : vector<16xi32>
        %shift_right_logical3A_940 = arith.constant 1 : i32
        %shift_right_logical3A_941 = vector.broadcast %shift_right_logical3A_940 : i32 to vector<16xi32>
        %shift_right_logical3A_942 = arith.shrui %add3A_939, %shift_right_logical3A_941 : vector<16xi32>
        %min3A_943 = arith.constant 999999 : i32
        %min3A_944 = vector.broadcast %min3A_943 : i32 to vector<16xi32>
        %min3A_945 = arith.minsi %shift_right_logical3A_942, %min3A_944 : vector<16xi32>
        %swap3A_946 = arith.constant 0 : i32
        %swap3A_947 = arith.index_cast %swap3A_946 : i32 to index
        %swap3A_948 = arith.constant 48 : index
        %swap3A_949 = tpu.vector_load %arg9[%swap3A_947, %swap3A_948] {strides = array<i32>} : memref<3x112xi32, #tpu.memory_space<vmem>>, vector<16xi32>,
        tpu.vector_store %arg9[%swap3A_947, %swap3A_948], %min3A_945 {strides = array<i32>} : memref<3x112xi32, #tpu.memory_space<vmem>>, vector<16xi32>,
        %get3A_950 = arith.constant 64 : index
        %get3A_951 = tpu.vector_load %arg8[%get3A_950] {strides = array<i32>} : memref<336xi32, #tpu.memory_space<vmem>>, vector<16xi32>,
        %get3A_952 = arith.constant 64 : index
        %get3A_953 = tpu.vector_load %arg7[%get3A_952] {strides = array<i32>} : memref<336xi32, #tpu.memory_space<vmem>>, vector<16xi32>,
        %add3A_954 = arith.addi %get3A_951, %get3A_953 : vector<16xi32>
        %shift_right_logical3A_955 = arith.constant 1 : i32
        %shift_right_logical3A_956 = vector.broadcast %shift_right_logical3A_955 : i32 to vector<16xi32>
        %shift_right_logical3A_957 = arith.shrui %add3A_954, %shift_right_logical3A_956 : vector<16xi32>
        %min3A_958 = arith.constant 999999 : i32
        %min3A_959 = vector.broadcast %min3A_958 : i32 to vector<16xi32>
        %min3A_960 = arith.minsi %shift_right_logical3A_957, %min3A_959 : vector<16xi32>
        %swap3A_961 = arith.constant 0 : i32
        %swap3A_962 = arith.index_cast %swap3A_961 : i32 to index
        %swap3A_963 = arith.constant 64 : index
        %swap3A_964 = tpu.vector_load %arg9[%swap3A_962, %swap3A_963] {strides = array<i32>} : memref<3x112xi32, #tpu.memory_space<vmem>>, vector<16xi32>,
        tpu.vector_store %arg9[%swap3A_962, %swap3A_963], %min3A_960 {strides = array<i32>} : memref<3x112xi32, #tpu.memory_space<vmem>>, vector<16xi32>,
        %get3A_965 = arith.constant 80 : index
        %get3A_966 = tpu.vector_load %arg8[%get3A_965] {strides = array<i32>} : memref<336xi32, #tpu.memory_space<vmem>>, vector<16xi32>,
        %get3A_967 = arith.constant 80 : index
        %get3A_968 = tpu.vector_load %arg7[%get3A_967] {strides = array<i32>} : memref<336xi32, #tpu.memory_space<vmem>>, vector<16xi32>,
        %add3A_969 = arith.addi %get3A_966, %get3A_968 : vector<16xi32>
        %shift_right_logical3A_970 = arith.constant 1 : i32
        %shift_right_logical3A_971 = vector.broadcast %shift_right_logical3A_970 : i32 to vector<16xi32>
        %shift_right_logical3A_972 = arith.shrui %add3A_969, %shift_right_logical3A_971 : vector<16xi32>
        %min3A_973 = arith.constant 999999 : i32
        %min3A_974 = vector.broadcast %min3A_973 : i32 to vector<16xi32>
        %min3A_975 = arith.minsi %shift_right_logical3A_972, %min3A_974 : vector<16xi32>
        %swap3A_976 = arith.constant 0 : i32
        %swap3A_977 = arith.index_cast %swap3A_976 : i32 to index
        %swap3A_978 = arith.constant 80 : index
        %swap3A_979 = tpu.vector_load %arg9[%swap3A_977, %swap3A_978] {strides = array<i32>} : memref<3x112xi32, #tpu.memory_space<vmem>>, vector<16xi32>,
        tpu.vector_store %arg9[%swap3A_977, %swap3A_978], %min3A_975 {strides = array<i32>} : memref<3x112xi32, #tpu.memory_space<vmem>>, vector<16xi32>,
        %get3A_980 = arith.constant 96 : index
        %get3A_981 = tpu.vector_load %arg8[%get3A_980] {strides = array<i32>} : memref<336xi32, #tpu.memory_space<vmem>>, vector<16xi32>,
        %get3A_982 = arith.constant 96 : index
        %get3A_983 = tpu.vector_load %arg7[%get3A_982] {strides = array<i32>} : memref<336xi32, #tpu.memory_space<vmem>>, vector<16xi32>,
        %add3A_984 = arith.addi %get3A_981, %get3A_983 : vector<16xi32>
        %shift_right_logical3A_985 = arith.constant 1 : i32
        %shift_right_logical3A_986 = vector.broadcast %shift_right_logical3A_985 : i32 to vector<16xi32>
        %shift_right_logical3A_987 = arith.shrui %add3A_984, %shift_right_logical3A_986 : vector<16xi32>
        %min3A_988 = arith.constant 999999 : i32
        %min3A_989 = vector.broadcast %min3A_988 : i32 to vector<16xi32>
        %min3A_990 = arith.minsi %shift_right_logical3A_987, %min3A_989 : vector<16xi32>
        %swap3A_991 = arith.constant 0 : i32
        %swap3A_992 = arith.index_cast %swap3A_991 : i32 to index
        %swap3A_993 = arith.constant 96 : index
        %swap3A_994 = tpu.vector_load %arg9[%swap3A_992, %swap3A_993] {strides = array<i32>} : memref<3x112xi32, #tpu.memory_space<vmem>>, vector<16xi32>,
        tpu.vector_store %arg9[%swap3A_992, %swap3A_993], %min3A_990 {strides = array<i32>} : memref<3x112xi32, #tpu.memory_space<vmem>>, vector<16xi32>,
        %get3A_995 = arith.constant 112 : index
        %get3A_996 = tpu.vector_load %arg8[%get3A_995] {strides = array<i32>} : memref<336xi32, #tpu.memory_space<vmem>>, vector<16xi32>,
        %get3A_997 = arith.constant 112 : index
        %get3A_998 = tpu.vector_load %arg7[%get3A_997] {strides = array<i32>} : memref<336xi32, #tpu.memory_space<vmem>>, vector<16xi32>,
        %add3A_999 = arith.addi %get3A_996, %get3A_998 : vector<16xi32>
        %shift_right_logical3A_1000 = arith.constant 1 : i32
        %shift_right_logical3A_1001 = vector.broadcast %shift_right_logical3A_1000 : i32 to vector<16xi32>
        %shift_right_logical3A_1002 = arith.shrui %add3A_999, %shift_right_logical3A_1001 : vector<16xi32>
        %min3A_1003 = arith.constant 999999 : i32
        %min3A_1004 = vector.broadcast %min3A_1003 : i32 to vector<16xi32>
        %min3A_1005 = arith.minsi %shift_right_logical3A_1002, %min3A_1004 : vector<16xi32>
        %swap3A_1006 = arith.constant 1 : i32
        %swap3A_1007 = arith.index_cast %swap3A_1006 : i32 to index
        %swap3A_1008 = arith.constant 0 : index
        %swap3A_1009 = tpu.vector_load %arg9[%swap3A_1007, %swap3A_1008] {strides = array<i32>} : memref<3x112xi32, #tpu.memory_space<vmem>>, vector<16xi32>,
        tpu.vector_store %arg9[%swap3A_1007, %swap3A_1008], %min3A_1005 {strides = array<i32>} : memref<3x112xi32, #tpu.memory_space<vmem>>, vector<16xi32>,
        %get3A_1010 = arith.constant 128 : index
        %get3A_1011 = tpu.vector_load %arg8[%get3A_1010] {strides = array<i32>} : memref<336xi32, #tpu.memory_space<vmem>>, vector<16xi32>,
        %get3A_1012 = arith.constant 128 : index
        %get3A_1013 = tpu.vector_load %arg7[%get3A_1012] {strides = array<i32>} : memref<336xi32, #tpu.memory_space<vmem>>, vector<16xi32>,
        %add3A_1014 = arith.addi %get3A_1011, %get3A_1013 : vector<16xi32>
        %shift_right_logical3A_1015 = arith.constant 1 : i32
        %shift_right_logical3A_1016 = vector.broadcast %shift_right_logical3A_1015 : i32 to vector<16xi32>
        %shift_right_logical3A_1017 = arith.shrui %add3A_1014, %shift_right_logical3A_1016 : vector<16xi32>
        %min3A_1018 = arith.constant 999999 : i32
        %min3A_1019 = vector.broadcast %min3A_1018 : i32 to vector<16xi32>
        %min3A_1020 = arith.minsi %shift_right_logical3A_1017, %min3A_1019 : vector<16xi32>
        %swap3A_1021 = arith.constant 1 : i32
        %swap3A_1022 = arith.index_cast %swap3A_1021 : i32 to index
        %swap3A_1023 = arith.constant 16 : index
        %swap3A_1024 = tpu.vector_load %arg9[%swap3A_1022, %swap3A_1023] {strides = array<i32>} : memref<3x112xi32, #tpu.memory_space<vmem>>, vector<16xi32>,
        tpu.vector_store %arg9[%swap3A_1022, %swap3A_1023], %min3A_1020 {strides = array<i32>} : memref<3x112xi32, #tpu.memory_space<vmem>>, vector<16xi32>,
        %get3A_1025 = arith.constant 144 : index
        %get3A_1026 = tpu.vector_load %arg8[%get3A_1025] {strides = array<i32>} : memref<336xi32, #tpu.memory_space<vmem>>, vector<16xi32>,
        %get3A_1027 = arith.constant 144 : index
        %get3A_1028 = tpu.vector_load %arg7[%get3A_1027] {strides = array<i32>} : memref<336xi32, #tpu.memory_space<vmem>>, vector<16xi32>,
        %add3A_1029 = arith.addi %get3A_1026, %get3A_1028 : vector<16xi32>
        %shift_right_logical3A_1030 = arith.constant 1 : i32
        %shift_right_logical3A_1031 = vector.broadcast %shift_right_logical3A_1030 : i32 to vector<16xi32>
        %shift_right_logical3A_1032 = arith.shrui %add3A_1029, %shift_right_logical3A_1031 : vector<16xi32>
        %min3A_1033 = arith.constant 999999 : i32
        %min3A_1034 = vector.broadcast %min3A_1033 : i32 to vector<16xi32>
        %min3A_1035 = arith.minsi %shift_right_logical3A_1032, %min3A_1034 : vector<16xi32>
        %swap3A_1036 = arith.constant 1 : i32
        %swap3A_1037 = arith.index_cast %swap3A_1036 : i32 to index
        %swap3A_1038 = arith.constant 32 : index
        %swap3A_1039 = tpu.vector_load %arg9[%swap3A_1037, %swap3A_1038] {strides = array<i32>} : memref<3x112xi32, #tpu.memory_space<vmem>>, vector<16xi32>,
        tpu.vector_store %arg9[%swap3A_1037, %swap3A_1038], %min3A_1035 {strides = array<i32>} : memref<3x112xi32, #tpu.memory_space<vmem>>, vector<16xi32>,
        %get3A_1040 = arith.constant 160 : index
        %get3A_1041 = tpu.vector_load %arg8[%get3A_1040] {strides = array<i32>} : memref<336xi32, #tpu.memory_space<vmem>>, vector<16xi32>,
        %get3A_1042 = arith.constant 160 : index
        %get3A_1043 = tpu.vector_load %arg7[%get3A_1042] {strides = array<i32>} : memref<336xi32, #tpu.memory_space<vmem>>, vector<16xi32>,
        %add3A_1044 = arith.addi %get3A_1041, %get3A_1043 : vector<16xi32>
        %shift_right_logical3A_1045 = arith.constant 1 : i32
        %shift_right_logical3A_1046 = vector.broadcast %shift_right_logical3A_1045 : i32 to vector<16xi32>
        %shift_right_logical3A_1047 = arith.shrui %add3A_1044, %shift_right_logical3A_1046 : vector<16xi32>
        %min3A_1048 = arith.constant 999999 : i32
        %min3A_1049 = vector.broadcast %min3A_1048 : i32 to vector<16xi32>
        %min3A_1050 = arith.minsi %shift_right_logical3A_1047, %min3A_1049 : vector<16xi32>
        %swap3A_1051 = arith.constant 1 : i32
        %swap3A_1052 = arith.index_cast %swap3A_1051 : i32 to index
        %swap3A_1053 = arith.constant 48 : index
        %swap3A_1054 = tpu.vector_load %arg9[%swap3A_1052, %swap3A_1053] {strides = array<i32>} : memref<3x112xi32, #tpu.memory_space<vmem>>, vector<16xi32>,
        tpu.vector_store %arg9[%swap3A_1052, %swap3A_1053], %min3A_1050 {strides = array<i32>} : memref<3x112xi32, #tpu.memory_space<vmem>>, vector<16xi32>,
        %get3A_1055 = arith.constant 176 : index
        %get3A_1056 = tpu.vector_load %arg8[%get3A_1055] {strides = array<i32>} : memref<336xi32, #tpu.memory_space<vmem>>, vector<16xi32>,
        %get3A_1057 = arith.constant 176 : index
        %get3A_1058 = tpu.vector_load %arg7[%get3A_1057] {strides = array<i32>} : memref<336xi32, #tpu.memory_space<vmem>>, vector<16xi32>,
        %add3A_1059 = arith.addi %get3A_1056, %get3A_1058 : vector<16xi32>
        %shift_right_logical3A_1060 = arith.constant 1 : i32
        %shift_right_logical3A_1061 = vector.broadcast %shift_right_logical3A_1060 : i32 to vector<16xi32>
        %shift_right_logical3A_1062 = arith.shrui %add3A_1059, %shift_right_logical3A_1061 : vector<16xi32>
        %min3A_1063 = arith.constant 999999 : i32
        %min3A_1064 = vector.broadcast %min3A_1063 : i32 to vector<16xi32>
        %min3A_1065 = arith.minsi %shift_right_logical3A_1062, %min3A_1064 : vector<16xi32>
        %swap3A_1066 = arith.constant 1 : i32
        %swap3A_1067 = arith.index_cast %swap3A_1066 : i32 to index
        %swap3A_1068 = arith.constant 64 : index
        %swap3A_1069 = tpu.vector_load %arg9[%swap3A_1067, %swap3A_1068] {strides = array<i32>} : memref<3x112xi32, #tpu.memory_space<vmem>>, vector<16xi32>,
        tpu.vector_store %arg9[%swap3A_1067, %swap3A_1068], %min3A_1065 {strides = array<i32>} : memref<3x112xi32, #tpu.memory_space<vmem>>, vector<16xi32>,
        %get3A_1070 = arith.constant 192 : index
        %get3A_1071 = tpu.vector_load %arg8[%get3A_1070] {strides = array<i32>} : memref<336xi32, #tpu.memory_space<vmem>>, vector<16xi32>,
        %get3A_1072 = arith.constant 192 : index
        %get3A_1073 = tpu.vector_load %arg7[%get3A_1072] {strides = array<i32>} : memref<336xi32, #tpu.memory_space<vmem>>, vector<16xi32>,
        %add3A_1074 = arith.addi %get3A_1071, %get3A_1073 : vector<16xi32>
        %shift_right_logical3A_1075 = arith.constant 1 : i32
        %shift_right_logical3A_1076 = vector.broadcast %shift_right_logical3A_1075 : i32 to vector<16xi32>
        %shift_right_logical3A_1077 = arith.shrui %add3A_1074, %shift_right_logical3A_1076 : vector<16xi32>
        %min3A_1078 = arith.constant 999999 : i32
        %min3A_1079 = vector.broadcast %min3A_1078 : i32 to vector<16xi32>
        %min3A_1080 = arith.minsi %shift_right_logical3A_1077, %min3A_1079 : vector<16xi32>
        %swap3A_1081 = arith.constant 1 : i32
        %swap3A_1082 = arith.index_cast %swap3A_1081 : i32 to index
        %swap3A_1083 = arith.constant 80 : index
        %swap3A_1084 = tpu.vector_load %arg9[%swap3A_1082, %swap3A_1083] {strides = array<i32>} : memref<3x112xi32, #tpu.memory_space<vmem>>, vector<16xi32>,
        tpu.vector_store %arg9[%swap3A_1082, %swap3A_1083], %min3A_1080 {strides = array<i32>} : memref<3x112xi32, #tpu.memory_space<vmem>>, vector<16xi32>,
        %get3A_1085 = arith.constant 208 : index
        %get3A_1086 = tpu.vector_load %arg8[%get3A_1085] {strides = array<i32>} : memref<336xi32, #tpu.memory_space<vmem>>, vector<16xi32>,
        %get3A_1087 = arith.constant 208 : index
        %get3A_1088 = tpu.vector_load %arg7[%get3A_1087] {strides = array<i32>} : memref<336xi32, #tpu.memory_space<vmem>>, vector<16xi32>,
        %add3A_1089 = arith.addi %get3A_1086, %get3A_1088 : vector<16xi32>
        %shift_right_logical3A_1090 = arith.constant 1 : i32
        %shift_right_logical3A_1091 = vector.broadcast %shift_right_logical3A_1090 : i32 to vector<16xi32>
        %shift_right_logical3A_1092 = arith.shrui %add3A_1089, %shift_right_logical3A_1091 : vector<16xi32>
        %min3A_1093 = arith.constant 999999 : i32
        %min3A_1094 = vector.broadcast %min3A_1093 : i32 to vector<16xi32>
        %min3A_1095 = arith.minsi %shift_right_logical3A_1092, %min3A_1094 : vector<16xi32>
        %swap3A_1096 = arith.constant 1 : i32
        %swap3A_1097 = arith.index_cast %swap3A_1096 : i32 to index
        %swap3A_1098 = arith.constant 96 : index
        %swap3A_1099 = tpu.vector_load %arg9[%swap3A_1097, %swap3A_1098] {strides = array<i32>} : memref<3x112xi32, #tpu.memory_space<vmem>>, vector<16xi32>,
        tpu.vector_store %arg9[%swap3A_1097, %swap3A_1098], %min3A_1095 {strides = array<i32>} : memref<3x112xi32, #tpu.memory_space<vmem>>, vector<16xi32>,
        %get3A_1100 = arith.constant 224 : index
        %get3A_1101 = tpu.vector_load %arg8[%get3A_1100] {strides = array<i32>} : memref<336xi32, #tpu.memory_space<vmem>>, vector<16xi32>,
        %get3A_1102 = arith.constant 224 : index
        %get3A_1103 = tpu.vector_load %arg7[%get3A_1102] {strides = array<i32>} : memref<336xi32, #tpu.memory_space<vmem>>, vector<16xi32>,
        %add3A_1104 = arith.addi %get3A_1101, %get3A_1103 : vector<16xi32>
        %shift_right_logical3A_1105 = arith.constant 1 : i32
        %shift_right_logical3A_1106 = vector.broadcast %shift_right_logical3A_1105 : i32 to vector<16xi32>
        %shift_right_logical3A_1107 = arith.shrui %add3A_1104, %shift_right_logical3A_1106 : vector<16xi32>
        %min3A_1108 = arith.constant 999999 : i32
        %min3A_1109 = vector.broadcast %min3A_1108 : i32 to vector<16xi32>
        %min3A_1110 = arith.minsi %shift_right_logical3A_1107, %min3A_1109 : vector<16xi32>
        %swap3A_1111 = arith.constant 2 : i32
        %swap3A_1112 = arith.index_cast %swap3A_1111 : i32 to index
        %swap3A_1113 = arith.constant 0 : index
        %swap3A_1114 = tpu.vector_load %arg9[%swap3A_1112, %swap3A_1113] {strides = array<i32>} : memref<3x112xi32, #tpu.memory_space<vmem>>, vector<16xi32>,
        tpu.vector_store %arg9[%swap3A_1112, %swap3A_1113], %min3A_1110 {strides = array<i32>} : memref<3x112xi32, #tpu.memory_space<vmem>>, vector<16xi32>,
        %get3A_1115 = arith.constant 240 : index
        %get3A_1116 = tpu.vector_load %arg8[%get3A_1115] {strides = array<i32>} : memref<336xi32, #tpu.memory_space<vmem>>, vector<16xi32>,
        %get3A_1117 = arith.constant 240 : index
        %get3A_1118 = tpu.vector_load %arg7[%get3A_1117] {strides = array<i32>} : memref<336xi32, #tpu.memory_space<vmem>>, vector<16xi32>,
        %add3A_1119 = arith.addi %get3A_1116, %get3A_1118 : vector<16xi32>
        %shift_right_logical3A_1120 = arith.constant 1 : i32
        %shift_right_logical3A_1121 = vector.broadcast %shift_right_logical3A_1120 : i32 to vector<16xi32>
        %shift_right_logical3A_1122 = arith.shrui %add3A_1119, %shift_right_logical3A_1121 : vector<16xi32>
        %min3A_1123 = arith.constant 999999 : i32
        %min3A_1124 = vector.broadcast %min3A_1123 : i32 to vector<16xi32>
        %min3A_1125 = arith.minsi %shift_right_logical3A_1122, %min3A_1124 : vector<16xi32>
        %swap3A_1126 = arith.constant 2 : i32
        %swap3A_1127 = arith.index_cast %swap3A_1126 : i32 to index
        %swap3A_1128 = arith.constant 16 : index
        %swap3A_1129 = tpu.vector_load %arg9[%swap3A_1127, %swap3A_1128] {strides = array<i32>} : memref<3x112xi32, #tpu.memory_space<vmem>>, vector<16xi32>,
        tpu.vector_store %arg9[%swap3A_1127, %swap3A_1128], %min3A_1125 {strides = array<i32>} : memref<3x112xi32, #tpu.memory_space<vmem>>, vector<16xi32>,
        %get3A_1130 = arith.constant 256 : index
        %get3A_1131 = tpu.vector_load %arg8[%get3A_1130] {strides = array<i32>} : memref<336xi32, #tpu.memory_space<vmem>>, vector<16xi32>,
        %get3A_1132 = arith.constant 256 : index
        %get3A_1133 = tpu.vector_load %arg7[%get3A_1132] {strides = array<i32>} : memref<336xi32, #tpu.memory_space<vmem>>, vector<16xi32>,
        %add3A_1134 = arith.addi %get3A_1131, %get3A_1133 : vector<16xi32>
        %shift_right_logical3A_1135 = arith.constant 1 : i32
        %shift_right_logical3A_1136 = vector.broadcast %shift_right_logical3A_1135 : i32 to vector<16xi32>
        %shift_right_logical3A_1137 = arith.shrui %add3A_1134, %shift_right_logical3A_1136 : vector<16xi32>
        %min3A_1138 = arith.constant 999999 : i32
        %min3A_1139 = vector.broadcast %min3A_1138 : i32 to vector<16xi32>
        %min3A_1140 = arith.minsi %shift_right_logical3A_1137, %min3A_1139 : vector<16xi32>
        %swap3A_1141 = arith.constant 2 : i32
        %swap3A_1142 = arith.index_cast %swap3A_1141 : i32 to index
        %swap3A_1143 = arith.constant 32 : index
        %swap3A_1144 = tpu.vector_load %arg9[%swap3A_1142, %swap3A_1143] {strides = array<i32>} : memref<3x112xi32, #tpu.memory_space<vmem>>, vector<16xi32>,
        tpu.vector_store %arg9[%swap3A_1142, %swap3A_1143], %min3A_1140 {strides = array<i32>} : memref<3x112xi32, #tpu.memory_space<vmem>>, vector<16xi32>,
        %get3A_1145 = arith.constant 272 : index
        %get3A_1146 = tpu.vector_load %arg8[%get3A_1145] {strides = array<i32>} : memref<336xi32, #tpu.memory_space<vmem>>, vector<16xi32>,
        %get3A_1147 = arith.constant 272 : index
        %get3A_1148 = tpu.vector_load %arg7[%get3A_1147] {strides = array<i32>} : memref<336xi32, #tpu.memory_space<vmem>>, vector<16xi32>,
        %add3A_1149 = arith.addi %get3A_1146, %get3A_1148 : vector<16xi32>
        %shift_right_logical3A_1150 = arith.constant 1 : i32
        %shift_right_logical3A_1151 = vector.broadcast %shift_right_logical3A_1150 : i32 to vector<16xi32>
        %shift_right_logical3A_1152 = arith.shrui %add3A_1149, %shift_right_logical3A_1151 : vector<16xi32>
        %min3A_1153 = arith.constant 999999 : i32
        %min3A_1154 = vector.broadcast %min3A_1153 : i32 to vector<16xi32>
        %min3A_1155 = arith.minsi %shift_right_logical3A_1152, %min3A_1154 : vector<16xi32>
        %swap3A_1156 = arith.constant 2 : i32
        %swap3A_1157 = arith.index_cast %swap3A_1156 : i32 to index
        %swap3A_1158 = arith.constant 48 : index
        %swap3A_1159 = tpu.vector_load %arg9[%swap3A_1157, %swap3A_1158] {strides = array<i32>} : memref<3x112xi32, #tpu.memory_space<vmem>>, vector<16xi32>,
        tpu.vector_store %arg9[%swap3A_1157, %swap3A_1158], %min3A_1155 {strides = array<i32>} : memref<3x112xi32, #tpu.memory_space<vmem>>, vector<16xi32>,
        %get3A_1160 = arith.constant 288 : index
        %get3A_1161 = tpu.vector_load %arg8[%get3A_1160] {strides = array<i32>} : memref<336xi32, #tpu.memory_space<vmem>>, vector<16xi32>,
        %get3A_1162 = arith.constant 288 : index
        %get3A_1163 = tpu.vector_load %arg7[%get3A_1162] {strides = array<i32>} : memref<336xi32, #tpu.memory_space<vmem>>, vector<16xi32>,
        %add3A_1164 = arith.addi %get3A_1161, %get3A_1163 : vector<16xi32>
        %shift_right_logical3A_1165 = arith.constant 1 : i32
        %shift_right_logical3A_1166 = vector.broadcast %shift_right_logical3A_1165 : i32 to vector<16xi32>
        %shift_right_logical3A_1167 = arith.shrui %add3A_1164, %shift_right_logical3A_1166 : vector<16xi32>
        %min3A_1168 = arith.constant 999999 : i32
        %min3A_1169 = vector.broadcast %min3A_1168 : i32 to vector<16xi32>
        %min3A_1170 = arith.minsi %shift_right_logical3A_1167, %min3A_1169 : vector<16xi32>
        %swap3A_1171 = arith.constant 2 : i32
        %swap3A_1172 = arith.index_cast %swap3A_1171 : i32 to index
        %swap3A_1173 = arith.constant 64 : index
        %swap3A_1174 = tpu.vector_load %arg9[%swap3A_1172, %swap3A_1173] {strides = array<i32>} : memref<3x112xi32, #tpu.memory_space<vmem>>, vector<16xi32>,
        tpu.vector_store %arg9[%swap3A_1172, %swap3A_1173], %min3A_1170 {strides = array<i32>} : memref<3x112xi32, #tpu.memory_space<vmem>>, vector<16xi32>,
        %get3A_1175 = arith.constant 304 : index
        %get3A_1176 = tpu.vector_load %arg8[%get3A_1175] {strides = array<i32>} : memref<336xi32, #tpu.memory_space<vmem>>, vector<16xi32>,
        %get3A_1177 = arith.constant 304 : index
        %get3A_1178 = tpu.vector_load %arg7[%get3A_1177] {strides = array<i32>} : memref<336xi32, #tpu.memory_space<vmem>>, vector<16xi32>,
        %add3A_1179 = arith.addi %get3A_1176, %get3A_1178 : vector<16xi32>
        %shift_right_logical3A_1180 = arith.constant 1 : i32
        %shift_right_logical3A_1181 = vector.broadcast %shift_right_logical3A_1180 : i32 to vector<16xi32>
        %shift_right_logical3A_1182 = arith.shrui %add3A_1179, %shift_right_logical3A_1181 : vector<16xi32>
        %min3A_1183 = arith.constant 999999 : i32
        %min3A_1184 = vector.broadcast %min3A_1183 : i32 to vector<16xi32>
        %min3A_1185 = arith.minsi %shift_right_logical3A_1182, %min3A_1184 : vector<16xi32>
        %swap3A_1186 = arith.constant 2 : i32
        %swap3A_1187 = arith.index_cast %swap3A_1186 : i32 to index
        %swap3A_1188 = arith.constant 80 : index
        %swap3A_1189 = tpu.vector_load %arg9[%swap3A_1187, %swap3A_1188] {strides = array<i32>} : memref<3x112xi32, #tpu.memory_space<vmem>>, vector<16xi32>,
        tpu.vector_store %arg9[%swap3A_1187, %swap3A_1188], %min3A_1185 {strides = array<i32>} : memref<3x112xi32, #tpu.memory_space<vmem>>, vector<16xi32>,
        %get3A_1190 = arith.constant 320 : index
        %get3A_1191 = tpu.vector_load %arg8[%get3A_1190] {strides = array<i32>} : memref<336xi32, #tpu.memory_space<vmem>>, vector<16xi32>,
        %get3A_1192 = arith.constant 320 : index
        %get3A_1193 = tpu.vector_load %arg7[%get3A_1192] {strides = array<i32>} : memref<336xi32, #tpu.memory_space<vmem>>, vector<16xi32>,
        %add3A_1194 = arith.addi %get3A_1191, %get3A_1193 : vector<16xi32>
        %shift_right_logical3A_1195 = arith.constant 1 : i32
        %shift_right_logical3A_1196 = vector.broadcast %shift_right_logical3A_1195 : i32 to vector<16xi32>
        %shift_right_logical3A_1197 = arith.shrui %add3A_1194, %shift_right_logical3A_1196 : vector<16xi32>
        %min3A_1198 = arith.constant 999999 : i32
        %min3A_1199 = vector.broadcast %min3A_1198 : i32 to vector<16xi32>
        %min3A_1200 = arith.minsi %shift_right_logical3A_1197, %min3A_1199 : vector<16xi32>
        %swap3A_1201 = arith.constant 2 : i32
        %swap3A_1202 = arith.index_cast %swap3A_1201 : i32 to index
        %swap3A_1203 = arith.constant 96 : index
        %swap3A_1204 = tpu.vector_load %arg9[%swap3A_1202, %swap3A_1203] {strides = array<i32>} : memref<3x112xi32, #tpu.memory_space<vmem>>, vector<16xi32>,
        tpu.vector_store %arg9[%swap3A_1202, %swap3A_1203], %min3A_1200 {strides = array<i32>} : memref<3x112xi32, #tpu.memory_space<vmem>>, vector<16xi32>,
        %dma_start3A_1205 = arith.constant 0 : i32
        %dma_start3A_1206 = arith.constant 0 : i32
        %dma_start3A_1207 = arith.constant 0 : i32
        %dma_start3A_1208 = tpu.memref_slice %arg10[%dma_start3A_1206, %dma_start3A_1207] : memref<3x112xi32, #tpu.memory_space<vmem>> -> memref<1x112xi32, #tpu.memory_space<vmem>>
        %dma_start3A_1209 = tpu.memref_squeeze %dma_start3A_1208 : memref<1x112xi32, #tpu.memory_space<vmem>> -> memref<112xi32, #tpu.memory_space<vmem>>
        %dma_start3A_1210 = arith.constant 0 : i32
        %dma_start3A_1211 = tpu.memref_slice %arg9[%dma_start3A_1205, %dma_start3A_1210] : memref<3x112xi32, #tpu.memory_space<vmem>> -> memref<1x112xi32, #tpu.memory_space<vmem>>
        %dma_start3A_1212 = tpu.memref_squeeze %dma_start3A_1211 : memref<1x112xi32, #tpu.memory_space<vmem>> -> memref<112xi32, #tpu.memory_space<vmem>>
        %dma_start3A_1213 = arith.constant 0 : i32
        %dma_start3A_1214 = tpu.memref_slice %arg4[%dma_start3A_1213] : memref<1000000xi32, #tpu.memory_space<hbm>> -> memref<1000000xi32, #tpu.memory_space<hbm>>
        tpu.enqueue_indirect_dma source(%dma_start3A_1214 : memref<1000000xi32, #tpu.memory_space<hbm>>) target(%dma_start3A_1209 : memref<112xi32, #tpu.memory_space<vmem>>) offsets(%dma_start3A_1212 : memref<112xi32, #tpu.memory_space<vmem>>) semaphore(%arg18 : memref<!tpu.dma_semaphore, #tpu.memory_space<semaphore_mem>>)
        %dma_start3A_1215 = arith.constant 1 : i32
        %dma_start3A_1216 = arith.constant 1 : i32
        %dma_start3A_1217 = arith.constant 0 : i32
        %dma_start3A_1218 = tpu.memref_slice %arg10[%dma_start3A_1216, %dma_start3A_1217] : memref<3x112xi32, #tpu.memory_space<vmem>> -> memref<1x112xi32, #tpu.memory_space<vmem>>
        %dma_start3A_1219 = tpu.memref_squeeze %dma_start3A_1218 : memref<1x112xi32, #tpu.memory_space<vmem>> -> memref<112xi32, #tpu.memory_space<vmem>>
        %dma_start3A_1220 = arith.constant 0 : i32
        %dma_start3A_1221 = tpu.memref_slice %arg9[%dma_start3A_1215, %dma_start3A_1220] : memref<3x112xi32, #tpu.memory_space<vmem>> -> memref<1x112xi32, #tpu.memory_space<vmem>>
        %dma_start3A_1222 = tpu.memref_squeeze %dma_start3A_1221 : memref<1x112xi32, #tpu.memory_space<vmem>> -> memref<112xi32, #tpu.memory_space<vmem>>
        %dma_start3A_1223 = arith.constant 0 : i32
        %dma_start3A_1224 = tpu.memref_slice %arg4[%dma_start3A_1223] : memref<1000000xi32, #tpu.memory_space<hbm>> -> memref<1000000xi32, #tpu.memory_space<hbm>>
        tpu.enqueue_indirect_dma source(%dma_start3A_1224 : memref<1000000xi32, #tpu.memory_space<hbm>>) target(%dma_start3A_1219 : memref<112xi32, #tpu.memory_space<vmem>>) offsets(%dma_start3A_1222 : memref<112xi32, #tpu.memory_space<vmem>>) semaphore(%arg18 : memref<!tpu.dma_semaphore, #tpu.memory_space<semaphore_mem>>)
        %dma_start3A_1225 = arith.constant 2 : i32
        %dma_start3A_1226 = arith.constant 2 : i32
        %dma_start3A_1227 = arith.constant 0 : i32
        %dma_start3A_1228 = tpu.memref_slice %arg10[%dma_start3A_1226, %dma_start3A_1227] : memref<3x112xi32, #tpu.memory_space<vmem>> -> memref<1x112xi32, #tpu.memory_space<vmem>>
        %dma_start3A_1229 = tpu.memref_squeeze %dma_start3A_1228 : memref<1x112xi32, #tpu.memory_space<vmem>> -> memref<112xi32, #tpu.memory_space<vmem>>
        %dma_start3A_1230 = arith.constant 0 : i32
        %dma_start3A_1231 = tpu.memref_slice %arg9[%dma_start3A_1225, %dma_start3A_1230] : memref<3x112xi32, #tpu.memory_space<vmem>> -> memref<1x112xi32, #tpu.memory_space<vmem>>
        %dma_start3A_1232 = tpu.memref_squeeze %dma_start3A_1231 : memref<1x112xi32, #tpu.memory_space<vmem>> -> memref<112xi32, #tpu.memory_space<vmem>>
        %dma_start3A_1233 = arith.constant 0 : i32
        %dma_start3A_1234 = tpu.memref_slice %arg4[%dma_start3A_1233] : memref<1000000xi32, #tpu.memory_space<hbm>> -> memref<1000000xi32, #tpu.memory_space<hbm>>
        tpu.enqueue_indirect_dma source(%dma_start3A_1234 : memref<1000000xi32, #tpu.memory_space<hbm>>) target(%dma_start3A_1229 : memref<112xi32, #tpu.memory_space<vmem>>) offsets(%dma_start3A_1232 : memref<112xi32, #tpu.memory_space<vmem>>) semaphore(%arg18 : memref<!tpu.dma_semaphore, #tpu.memory_space<semaphore_mem>>)
        %dma_wait3A_1235 = arith.constant 0 : i32
        %dma_wait3A_1236 = arith.constant 0 : i32
        %dma_wait3A_1237 = arith.constant 0 : i32
        %dma_wait3A_1238 = tpu.memref_slice %arg10[%dma_wait3A_1236, %dma_wait3A_1237] : memref<3x112xi32, #tpu.memory_space<vmem>> -> memref<1x112xi32, #tpu.memory_space<vmem>>
        %dma_wait3A_1239 = tpu.memref_squeeze %dma_wait3A_1238 : memref<1x112xi32, #tpu.memory_space<vmem>> -> memref<112xi32, #tpu.memory_space<vmem>>
        %dma_wait3A_1240 = arith.constant 0 : i32
        %dma_wait3A_1241 = tpu.memref_slice %arg9[%dma_wait3A_1235, %dma_wait3A_1240] : memref<3x112xi32, #tpu.memory_space<vmem>> -> memref<1x112xi32, #tpu.memory_space<vmem>>
        %dma_wait3A_1242 = tpu.memref_squeeze %dma_wait3A_1241 : memref<1x112xi32, #tpu.memory_space<vmem>> -> memref<112xi32, #tpu.memory_space<vmem>>
        %dma_wait3A_1243 = arith.constant 0 : i32
        %dma_wait3A_1244 = tpu.memref_slice %arg4[%dma_wait3A_1243] : memref<1000000xi32, #tpu.memory_space<hbm>> -> memref<1000000xi32, #tpu.memory_space<hbm>>
        tpu.wait_indirect_dma semaphore(%arg18 : memref<!tpu.dma_semaphore, #tpu.memory_space<semaphore_mem>>) src(%dma_wait3A_1244 : memref<1000000xi32, #tpu.memory_space<hbm>>) dst(%dma_wait3A_1239 : memref<112xi32, #tpu.memory_space<vmem>>)
        %dma_wait3A_1245 = arith.constant 1 : i32
        %dma_wait3A_1246 = arith.constant 1 : i32
        %dma_wait3A_1247 = arith.constant 0 : i32
        %dma_wait3A_1248 = tpu.memref_slice %arg10[%dma_wait3A_1246, %dma_wait3A_1247] : memref<3x112xi32, #tpu.memory_space<vmem>> -> memref<1x112xi32, #tpu.memory_space<vmem>>
        %dma_wait3A_1249 = tpu.memref_squeeze %dma_wait3A_1248 : memref<1x112xi32, #tpu.memory_space<vmem>> -> memref<112xi32, #tpu.memory_space<vmem>>
        %dma_wait3A_1250 = arith.constant 0 : i32
        %dma_wait3A_1251 = tpu.memref_slice %arg9[%dma_wait3A_1245, %dma_wait3A_1250] : memref<3x112xi32, #tpu.memory_space<vmem>> -> memref<1x112xi32, #tpu.memory_space<vmem>>
        %dma_wait3A_1252 = tpu.memref_squeeze %dma_wait3A_1251 : memref<1x112xi32, #tpu.memory_space<vmem>> -> memref<112xi32, #tpu.memory_space<vmem>>
        %dma_wait3A_1253 = arith.constant 0 : i32
        %dma_wait3A_1254 = tpu.memref_slice %arg4[%dma_wait3A_1253] : memref<1000000xi32, #tpu.memory_space<hbm>> -> memref<1000000xi32, #tpu.memory_space<hbm>>
        tpu.wait_indirect_dma semaphore(%arg18 : memref<!tpu.dma_semaphore, #tpu.memory_space<semaphore_mem>>) src(%dma_wait3A_1254 : memref<1000000xi32, #tpu.memory_space<hbm>>) dst(%dma_wait3A_1249 : memref<112xi32, #tpu.memory_space<vmem>>)
        %dma_wait3A_1255 = arith.constant 2 : i32
        %dma_wait3A_1256 = arith.constant 2 : i32
        %dma_wait3A_1257 = arith.constant 0 : i32
        %dma_wait3A_1258 = tpu.memref_slice %arg10[%dma_wait3A_1256, %dma_wait3A_1257] : memref<3x112xi32, #tpu.memory_space<vmem>> -> memref<1x112xi32, #tpu.memory_space<vmem>>
        %dma_wait3A_1259 = tpu.memref_squeeze %dma_wait3A_1258 : memref<1x112xi32, #tpu.memory_space<vmem>> -> memref<112xi32, #tpu.memory_space<vmem>>
        %dma_wait3A_1260 = arith.constant 0 : i32
        %dma_wait3A_1261 = tpu.memref_slice %arg9[%dma_wait3A_1255, %dma_wait3A_1260] : memref<3x112xi32, #tpu.memory_space<vmem>> -> memref<1x112xi32, #tpu.memory_space<vmem>>
        %dma_wait3A_1262 = tpu.memref_squeeze %dma_wait3A_1261 : memref<1x112xi32, #tpu.memory_space<vmem>> -> memref<112xi32, #tpu.memory_space<vmem>>
        %dma_wait3A_1263 = arith.constant 0 : i32
        %dma_wait3A_1264 = tpu.memref_slice %arg4[%dma_wait3A_1263] : memref<1000000xi32, #tpu.memory_space<hbm>> -> memref<1000000xi32, #tpu.memory_space<hbm>>
        tpu.wait_indirect_dma semaphore(%arg18 : memref<!tpu.dma_semaphore, #tpu.memory_space<semaphore_mem>>) src(%dma_wait3A_1264 : memref<1000000xi32, #tpu.memory_space<hbm>>) dst(%dma_wait3A_1259 : memref<112xi32, #tpu.memory_space<vmem>>)
        %get3A_1265 = arith.constant 0 : index
        %get3A_1266 = tpu.vector_load %arg8[%get3A_1265] {strides = array<i32>} : memref<336xi32, #tpu.memory_space<vmem>>, vector<16xi32>,
        %get3A_1267 = arith.constant 0 : index
        %get3A_1268 = tpu.vector_load %arg7[%get3A_1267] {strides = array<i32>} : memref<336xi32, #tpu.memory_space<vmem>>, vector<16xi32>,
        %add3A_1269 = arith.addi %get3A_1266, %get3A_1268 : vector<16xi32>
        %shift_right_logical3A_1270 = arith.constant 1 : i32
        %shift_right_logical3A_1271 = vector.broadcast %shift_right_logical3A_1270 : i32 to vector<16xi32>
        %shift_right_logical3A_1272 = arith.shrui %add3A_1269, %shift_right_logical3A_1271 : vector<16xi32>
        %get3A_1273 = arith.constant 0 : i32
        %get3A_1274 = arith.index_cast %get3A_1273 : i32 to index
        %get3A_1275 = arith.constant 0 : index
        %get3A_1276 = tpu.vector_load %arg10[%get3A_1274, %get3A_1275] {strides = array<i32>} : memref<3x112xi32, #tpu.memory_space<vmem>>, vector<16xi32>,
        %add3A_1277 = arith.constant 0 : i32
        %add3A_1278 = arith.addi %mul3A_2, %add3A_1277 : i32
        %add3A_1279 = vector.broadcast %add3A_1278 : i32 to vector<16xi32>
        %add3A_1280 = arith.addi %add3A_1279, %iota3A : vector<16xi32>
        %lt3A_1281 = arith.cmpi slt, %get3A_1276, %add3A_1280 : vector<16xi32>
        %add3A_1282 = arith.constant 1 : i32
        %add3A_1283 = vector.broadcast %add3A_1282 : i32 to vector<16xi32>
        %add3A_1284 = arith.addi %shift_right_logical3A_1272, %add3A_1283 : vector<16xi32>
        %select_n3A_1285 = arith.select %lt3A_1281, %add3A_1284, %get3A_1266 : vector<16xi1>, vector<16xi32>
        %swap3A_1286 = arith.constant 0 : index
        %swap3A_1287 = tpu.vector_load %arg8[%swap3A_1286] {strides = array<i32>} : memref<336xi32, #tpu.memory_space<vmem>>, vector<16xi32>,
        tpu.vector_store %arg8[%swap3A_1286], %select_n3A_1285 {strides = array<i32>} : memref<336xi32, #tpu.memory_space<vmem>>, vector<16xi32>,
        %select_n3A_1288 = arith.select %lt3A_1281, %get3A_1268, %shift_right_logical3A_1272 : vector<16xi1>, vector<16xi32>
        %swap3A_1289 = arith.constant 0 : index
        %swap3A_1290 = tpu.vector_load %arg7[%swap3A_1289] {strides = array<i32>} : memref<336xi32, #tpu.memory_space<vmem>>, vector<16xi32>,
        tpu.vector_store %arg7[%swap3A_1289], %select_n3A_1288 {strides = array<i32>} : memref<336xi32, #tpu.memory_space<vmem>>, vector<16xi32>,
        %get3A_1291 = arith.constant 16 : index
        %get3A_1292 = tpu.vector_load %arg8[%get3A_1291] {strides = array<i32>} : memref<336xi32, #tpu.memory_space<vmem>>, vector<16xi32>,
        %get3A_1293 = arith.constant 16 : index
        %get3A_1294 = tpu.vector_load %arg7[%get3A_1293] {strides = array<i32>} : memref<336xi32, #tpu.memory_space<vmem>>, vector<16xi32>,
        %add3A_1295 = arith.addi %get3A_1292, %get3A_1294 : vector<16xi32>
        %shift_right_logical3A_1296 = arith.constant 1 : i32
        %shift_right_logical3A_1297 = vector.broadcast %shift_right_logical3A_1296 : i32 to vector<16xi32>
        %shift_right_logical3A_1298 = arith.shrui %add3A_1295, %shift_right_logical3A_1297 : vector<16xi32>
        %get3A_1299 = arith.constant 0 : i32
        %get3A_1300 = arith.index_cast %get3A_1299 : i32 to index
        %get3A_1301 = arith.constant 16 : index
        %get3A_1302 = tpu.vector_load %arg10[%get3A_1300, %get3A_1301] {strides = array<i32>} : memref<3x112xi32, #tpu.memory_space<vmem>>, vector<16xi32>,
        %add3A_1303 = arith.constant 16 : i32
        %add3A_1304 = arith.addi %mul3A_2, %add3A_1303 : i32
        %add3A_1305 = vector.broadcast %add3A_1304 : i32 to vector<16xi32>
        %add3A_1306 = arith.addi %add3A_1305, %iota3A : vector<16xi32>
        %lt3A_1307 = arith.cmpi slt, %get3A_1302, %add3A_1306 : vector<16xi32>
        %add3A_1308 = arith.constant 1 : i32
        %add3A_1309 = vector.broadcast %add3A_1308 : i32 to vector<16xi32>
        %add3A_1310 = arith.addi %shift_right_logical3A_1298, %add3A_1309 : vector<16xi32>
        %select_n3A_1311 = arith.select %lt3A_1307, %add3A_1310, %get3A_1292 : vector<16xi1>, vector<16xi32>
        %swap3A_1312 = arith.constant 16 : index
        %swap3A_1313 = tpu.vector_load %arg8[%swap3A_1312] {strides = array<i32>} : memref<336xi32, #tpu.memory_space<vmem>>, vector<16xi32>,
        tpu.vector_store %arg8[%swap3A_1312], %select_n3A_1311 {strides = array<i32>} : memref<336xi32, #tpu.memory_space<vmem>>, vector<16xi32>,
        %select_n3A_1314 = arith.select %lt3A_1307, %get3A_1294, %shift_right_logical3A_1298 : vector<16xi1>, vector<16xi32>
        %swap3A_1315 = arith.constant 16 : index
        %swap3A_1316 = tpu.vector_load %arg7[%swap3A_1315] {strides = array<i32>} : memref<336xi32, #tpu.memory_space<vmem>>, vector<16xi32>,
        tpu.vector_store %arg7[%swap3A_1315], %select_n3A_1314 {strides = array<i32>} : memref<336xi32, #tpu.memory_space<vmem>>, vector<16xi32>,
        %get3A_1317 = arith.constant 32 : index
        %get3A_1318 = tpu.vector_load %arg8[%get3A_1317] {strides = array<i32>} : memref<336xi32, #tpu.memory_space<vmem>>, vector<16xi32>,
        %get3A_1319 = arith.constant 32 : index
        %get3A_1320 = tpu.vector_load %arg7[%get3A_1319] {strides = array<i32>} : memref<336xi32, #tpu.memory_space<vmem>>, vector<16xi32>,
        %add3A_1321 = arith.addi %get3A_1318, %get3A_1320 : vector<16xi32>
        %shift_right_logical3A_1322 = arith.constant 1 : i32
        %shift_right_logical3A_1323 = vector.broadcast %shift_right_logical3A_1322 : i32 to vector<16xi32>
        %shift_right_logical3A_1324 = arith.shrui %add3A_1321, %shift_right_logical3A_1323 : vector<16xi32>
        %get3A_1325 = arith.constant 0 : i32
        %get3A_1326 = arith.index_cast %get3A_1325 : i32 to index
        %get3A_1327 = arith.constant 32 : index
        %get3A_1328 = tpu.vector_load %arg10[%get3A_1326, %get3A_1327] {strides = array<i32>} : memref<3x112xi32, #tpu.memory_space<vmem>>, vector<16xi32>,
        %add3A_1329 = arith.constant 32 : i32
        %add3A_1330 = arith.addi %mul3A_2, %add3A_1329 : i32
        %add3A_1331 = vector.broadcast %add3A_1330 : i32 to vector<16xi32>
        %add3A_1332 = arith.addi %add3A_1331, %iota3A : vector<16xi32>
        %lt3A_1333 = arith.cmpi slt, %get3A_1328, %add3A_1332 : vector<16xi32>
        %add3A_1334 = arith.constant 1 : i32
        %add3A_1335 = vector.broadcast %add3A_1334 : i32 to vector<16xi32>
        %add3A_1336 = arith.addi %shift_right_logical3A_1324, %add3A_1335 : vector<16xi32>
        %select_n3A_1337 = arith.select %lt3A_1333, %add3A_1336, %get3A_1318 : vector<16xi1>, vector<16xi32>
        %swap3A_1338 = arith.constant 32 : index
        %swap3A_1339 = tpu.vector_load %arg8[%swap3A_1338] {strides = array<i32>} : memref<336xi32, #tpu.memory_space<vmem>>, vector<16xi32>,
        tpu.vector_store %arg8[%swap3A_1338], %select_n3A_1337 {strides = array<i32>} : memref<336xi32, #tpu.memory_space<vmem>>, vector<16xi32>,
        %select_n3A_1340 = arith.select %lt3A_1333, %get3A_1320, %shift_right_logical3A_1324 : vector<16xi1>, vector<16xi32>
        %swap3A_1341 = arith.constant 32 : index
        %swap3A_1342 = tpu.vector_load %arg7[%swap3A_1341] {strides = array<i32>} : memref<336xi32, #tpu.memory_space<vmem>>, vector<16xi32>,
        tpu.vector_store %arg7[%swap3A_1341], %select_n3A_1340 {strides = array<i32>} : memref<336xi32, #tpu.memory_space<vmem>>, vector<16xi32>,
        %get3A_1343 = arith.constant 48 : index
        %get3A_1344 = tpu.vector_load %arg8[%get3A_1343] {strides = array<i32>} : memref<336xi32, #tpu.memory_space<vmem>>, vector<16xi32>,
        %get3A_1345 = arith.constant 48 : index
        %get3A_1346 = tpu.vector_load %arg7[%get3A_1345] {strides = array<i32>} : memref<336xi32, #tpu.memory_space<vmem>>, vector<16xi32>,
        %add3A_1347 = arith.addi %get3A_1344, %get3A_1346 : vector<16xi32>
        %shift_right_logical3A_1348 = arith.constant 1 : i32
        %shift_right_logical3A_1349 = vector.broadcast %shift_right_logical3A_1348 : i32 to vector<16xi32>
        %shift_right_logical3A_1350 = arith.shrui %add3A_1347, %shift_right_logical3A_1349 : vector<16xi32>
        %get3A_1351 = arith.constant 0 : i32
        %get3A_1352 = arith.index_cast %get3A_1351 : i32 to index
        %get3A_1353 = arith.constant 48 : index
        %get3A_1354 = tpu.vector_load %arg10[%get3A_1352, %get3A_1353] {strides = array<i32>} : memref<3x112xi32, #tpu.memory_space<vmem>>, vector<16xi32>,
        %add3A_1355 = arith.constant 48 : i32
        %add3A_1356 = arith.addi %mul3A_2, %add3A_1355 : i32
        %add3A_1357 = vector.broadcast %add3A_1356 : i32 to vector<16xi32>
        %add3A_1358 = arith.addi %add3A_1357, %iota3A : vector<16xi32>
        %lt3A_1359 = arith.cmpi slt, %get3A_1354, %add3A_1358 : vector<16xi32>
        %add3A_1360 = arith.constant 1 : i32
        %add3A_1361 = vector.broadcast %add3A_1360 : i32 to vector<16xi32>
        %add3A_1362 = arith.addi %shift_right_logical3A_1350, %add3A_1361 : vector<16xi32>
        %select_n3A_1363 = arith.select %lt3A_1359, %add3A_1362, %get3A_1344 : vector<16xi1>, vector<16xi32>
        %swap3A_1364 = arith.constant 48 : index
        %swap3A_1365 = tpu.vector_load %arg8[%swap3A_1364] {strides = array<i32>} : memref<336xi32, #tpu.memory_space<vmem>>, vector<16xi32>,
        tpu.vector_store %arg8[%swap3A_1364], %select_n3A_1363 {strides = array<i32>} : memref<336xi32, #tpu.memory_space<vmem>>, vector<16xi32>,
        %select_n3A_1366 = arith.select %lt3A_1359, %get3A_1346, %shift_right_logical3A_1350 : vector<16xi1>, vector<16xi32>
        %swap3A_1367 = arith.constant 48 : index
        %swap3A_1368 = tpu.vector_load %arg7[%swap3A_1367] {strides = array<i32>} : memref<336xi32, #tpu.memory_space<vmem>>, vector<16xi32>,
        tpu.vector_store %arg7[%swap3A_1367], %select_n3A_1366 {strides = array<i32>} : memref<336xi32, #tpu.memory_space<vmem>>, vector<16xi32>,
        %get3A_1369 = arith.constant 64 : index
        %get3A_1370 = tpu.vector_load %arg8[%get3A_1369] {strides = array<i32>} : memref<336xi32, #tpu.memory_space<vmem>>, vector<16xi32>,
        %get3A_1371 = arith.constant 64 : index
        %get3A_1372 = tpu.vector_load %arg7[%get3A_1371] {strides = array<i32>} : memref<336xi32, #tpu.memory_space<vmem>>, vector<16xi32>,
        %add3A_1373 = arith.addi %get3A_1370, %get3A_1372 : vector<16xi32>
        %shift_right_logical3A_1374 = arith.constant 1 : i32
        %shift_right_logical3A_1375 = vector.broadcast %shift_right_logical3A_1374 : i32 to vector<16xi32>
        %shift_right_logical3A_1376 = arith.shrui %add3A_1373, %shift_right_logical3A_1375 : vector<16xi32>
        %get3A_1377 = arith.constant 0 : i32
        %get3A_1378 = arith.index_cast %get3A_1377 : i32 to index
        %get3A_1379 = arith.constant 64 : index
        %get3A_1380 = tpu.vector_load %arg10[%get3A_1378, %get3A_1379] {strides = array<i32>} : memref<3x112xi32, #tpu.memory_space<vmem>>, vector<16xi32>,
        %add3A_1381 = arith.constant 64 : i32
        %add3A_1382 = arith.addi %mul3A_2, %add3A_1381 : i32
        %add3A_1383 = vector.broadcast %add3A_1382 : i32 to vector<16xi32>
        %add3A_1384 = arith.addi %add3A_1383, %iota3A : vector<16xi32>
        %lt3A_1385 = arith.cmpi slt, %get3A_1380, %add3A_1384 : vector<16xi32>
        %add3A_1386 = arith.constant 1 : i32
        %add3A_1387 = vector.broadcast %add3A_1386 : i32 to vector<16xi32>
        %add3A_1388 = arith.addi %shift_right_logical3A_1376, %add3A_1387 : vector<16xi32>
        %select_n3A_1389 = arith.select %lt3A_1385, %add3A_1388, %get3A_1370 : vector<16xi1>, vector<16xi32>
        %swap3A_1390 = arith.constant 64 : index
        %swap3A_1391 = tpu.vector_load %arg8[%swap3A_1390] {strides = array<i32>} : memref<336xi32, #tpu.memory_space<vmem>>, vector<16xi32>,
        tpu.vector_store %arg8[%swap3A_1390], %select_n3A_1389 {strides = array<i32>} : memref<336xi32, #tpu.memory_space<vmem>>, vector<16xi32>,
        %select_n3A_1392 = arith.select %lt3A_1385, %get3A_1372, %shift_right_logical3A_1376 : vector<16xi1>, vector<16xi32>
        %swap3A_1393 = arith.constant 64 : index
        %swap3A_1394 = tpu.vector_load %arg7[%swap3A_1393] {strides = array<i32>} : memref<336xi32, #tpu.memory_space<vmem>>, vector<16xi32>,
        tpu.vector_store %arg7[%swap3A_1393], %select_n3A_1392 {strides = array<i32>} : memref<336xi32, #tpu.memory_space<vmem>>, vector<16xi32>,
        %get3A_1395 = arith.constant 80 : index
        %get3A_1396 = tpu.vector_load %arg8[%get3A_1395] {strides = array<i32>} : memref<336xi32, #tpu.memory_space<vmem>>, vector<16xi32>,
        %get3A_1397 = arith.constant 80 : index
        %get3A_1398 = tpu.vector_load %arg7[%get3A_1397] {strides = array<i32>} : memref<336xi32, #tpu.memory_space<vmem>>, vector<16xi32>,
        %add3A_1399 = arith.addi %get3A_1396, %get3A_1398 : vector<16xi32>
        %shift_right_logical3A_1400 = arith.constant 1 : i32
        %shift_right_logical3A_1401 = vector.broadcast %shift_right_logical3A_1400 : i32 to vector<16xi32>
        %shift_right_logical3A_1402 = arith.shrui %add3A_1399, %shift_right_logical3A_1401 : vector<16xi32>
        %get3A_1403 = arith.constant 0 : i32
        %get3A_1404 = arith.index_cast %get3A_1403 : i32 to index
        %get3A_1405 = arith.constant 80 : index
        %get3A_1406 = tpu.vector_load %arg10[%get3A_1404, %get3A_1405] {strides = array<i32>} : memref<3x112xi32, #tpu.memory_space<vmem>>, vector<16xi32>,
        %add3A_1407 = arith.constant 80 : i32
        %add3A_1408 = arith.addi %mul3A_2, %add3A_1407 : i32
        %add3A_1409 = vector.broadcast %add3A_1408 : i32 to vector<16xi32>
        %add3A_1410 = arith.addi %add3A_1409, %iota3A : vector<16xi32>
        %lt3A_1411 = arith.cmpi slt, %get3A_1406, %add3A_1410 : vector<16xi32>
        %add3A_1412 = arith.constant 1 : i32
        %add3A_1413 = vector.broadcast %add3A_1412 : i32 to vector<16xi32>
        %add3A_1414 = arith.addi %shift_right_logical3A_1402, %add3A_1413 : vector<16xi32>
        %select_n3A_1415 = arith.select %lt3A_1411, %add3A_1414, %get3A_1396 : vector<16xi1>, vector<16xi32>
        %swap3A_1416 = arith.constant 80 : index
        %swap3A_1417 = tpu.vector_load %arg8[%swap3A_1416] {strides = array<i32>} : memref<336xi32, #tpu.memory_space<vmem>>, vector<16xi32>,
        tpu.vector_store %arg8[%swap3A_1416], %select_n3A_1415 {strides = array<i32>} : memref<336xi32, #tpu.memory_space<vmem>>, vector<16xi32>,
        %select_n3A_1418 = arith.select %lt3A_1411, %get3A_1398, %shift_right_logical3A_1402 : vector<16xi1>, vector<16xi32>
        %swap3A_1419 = arith.constant 80 : index
        %swap3A_1420 = tpu.vector_load %arg7[%swap3A_1419] {strides = array<i32>} : memref<336xi32, #tpu.memory_space<vmem>>, vector<16xi32>,
        tpu.vector_store %arg7[%swap3A_1419], %select_n3A_1418 {strides = array<i32>} : memref<336xi32, #tpu.memory_space<vmem>>, vector<16xi32>,
        %get3A_1421 = arith.constant 96 : index
        %get3A_1422 = tpu.vector_load %arg8[%get3A_1421] {strides = array<i32>} : memref<336xi32, #tpu.memory_space<vmem>>, vector<16xi32>,
        %get3A_1423 = arith.constant 96 : index
        %get3A_1424 = tpu.vector_load %arg7[%get3A_1423] {strides = array<i32>} : memref<336xi32, #tpu.memory_space<vmem>>, vector<16xi32>,
        %add3A_1425 = arith.addi %get3A_1422, %get3A_1424 : vector<16xi32>
        %shift_right_logical3A_1426 = arith.constant 1 : i32
        %shift_right_logical3A_1427 = vector.broadcast %shift_right_logical3A_1426 : i32 to vector<16xi32>
        %shift_right_logical3A_1428 = arith.shrui %add3A_1425, %shift_right_logical3A_1427 : vector<16xi32>
        %get3A_1429 = arith.constant 0 : i32
        %get3A_1430 = arith.index_cast %get3A_1429 : i32 to index
        %get3A_1431 = arith.constant 96 : index
        %get3A_1432 = tpu.vector_load %arg10[%get3A_1430, %get3A_1431] {strides = array<i32>} : memref<3x112xi32, #tpu.memory_space<vmem>>, vector<16xi32>,
        %add3A_1433 = arith.constant 96 : i32
        %add3A_1434 = arith.addi %mul3A_2, %add3A_1433 : i32
        %add3A_1435 = vector.broadcast %add3A_1434 : i32 to vector<16xi32>
        %add3A_1436 = arith.addi %add3A_1435, %iota3A : vector<16xi32>
        %lt3A_1437 = arith.cmpi slt, %get3A_1432, %add3A_1436 : vector<16xi32>
        %add3A_1438 = arith.constant 1 : i32
        %add3A_1439 = vector.broadcast %add3A_1438 : i32 to vector<16xi32>
        %add3A_1440 = arith.addi %shift_right_logical3A_1428, %add3A_1439 : vector<16xi32>
        %select_n3A_1441 = arith.select %lt3A_1437, %add3A_1440, %get3A_1422 : vector<16xi1>, vector<16xi32>
        %swap3A_1442 = arith.constant 96 : index
        %swap3A_1443 = tpu.vector_load %arg8[%swap3A_1442] {strides = array<i32>} : memref<336xi32, #tpu.memory_space<vmem>>, vector<16xi32>,
        tpu.vector_store %arg8[%swap3A_1442], %select_n3A_1441 {strides = array<i32>} : memref<336xi32, #tpu.memory_space<vmem>>, vector<16xi32>,
        %select_n3A_1444 = arith.select %lt3A_1437, %get3A_1424, %shift_right_logical3A_1428 : vector<16xi1>, vector<16xi32>
        %swap3A_1445 = arith.constant 96 : index
        %swap3A_1446 = tpu.vector_load %arg7[%swap3A_1445] {strides = array<i32>} : memref<336xi32, #tpu.memory_space<vmem>>, vector<16xi32>,
        tpu.vector_store %arg7[%swap3A_1445], %select_n3A_1444 {strides = array<i32>} : memref<336xi32, #tpu.memory_space<vmem>>, vector<16xi32>,
        %get3A_1447 = arith.constant 112 : index
        %get3A_1448 = tpu.vector_load %arg8[%get3A_1447] {strides = array<i32>} : memref<336xi32, #tpu.memory_space<vmem>>, vector<16xi32>,
        %get3A_1449 = arith.constant 112 : index
        %get3A_1450 = tpu.vector_load %arg7[%get3A_1449] {strides = array<i32>} : memref<336xi32, #tpu.memory_space<vmem>>, vector<16xi32>,
        %add3A_1451 = arith.addi %get3A_1448, %get3A_1450 : vector<16xi32>
        %shift_right_logical3A_1452 = arith.constant 1 : i32
        %shift_right_logical3A_1453 = vector.broadcast %shift_right_logical3A_1452 : i32 to vector<16xi32>
        %shift_right_logical3A_1454 = arith.shrui %add3A_1451, %shift_right_logical3A_1453 : vector<16xi32>
        %get3A_1455 = arith.constant 1 : i32
        %get3A_1456 = arith.index_cast %get3A_1455 : i32 to index
        %get3A_1457 = arith.constant 0 : index
        %get3A_1458 = tpu.vector_load %arg10[%get3A_1456, %get3A_1457] {strides = array<i32>} : memref<3x112xi32, #tpu.memory_space<vmem>>, vector<16xi32>,
        %add3A_1459 = arith.constant 112 : i32
        %add3A_1460 = arith.addi %mul3A_2, %add3A_1459 : i32
        %add3A_1461 = vector.broadcast %add3A_1460 : i32 to vector<16xi32>
        %add3A_1462 = arith.addi %add3A_1461, %iota3A : vector<16xi32>
        %lt3A_1463 = arith.cmpi slt, %get3A_1458, %add3A_1462 : vector<16xi32>
        %add3A_1464 = arith.constant 1 : i32
        %add3A_1465 = vector.broadcast %add3A_1464 : i32 to vector<16xi32>
        %add3A_1466 = arith.addi %shift_right_logical3A_1454, %add3A_1465 : vector<16xi32>
        %select_n3A_1467 = arith.select %lt3A_1463, %add3A_1466, %get3A_1448 : vector<16xi1>, vector<16xi32>
        %swap3A_1468 = arith.constant 112 : index
        %swap3A_1469 = tpu.vector_load %arg8[%swap3A_1468] {strides = array<i32>} : memref<336xi32, #tpu.memory_space<vmem>>, vector<16xi32>,
        tpu.vector_store %arg8[%swap3A_1468], %select_n3A_1467 {strides = array<i32>} : memref<336xi32, #tpu.memory_space<vmem>>, vector<16xi32>,
        %select_n3A_1470 = arith.select %lt3A_1463, %get3A_1450, %shift_right_logical3A_1454 : vector<16xi1>, vector<16xi32>
        %swap3A_1471 = arith.constant 112 : index
        %swap3A_1472 = tpu.vector_load %arg7[%swap3A_1471] {strides = array<i32>} : memref<336xi32, #tpu.memory_space<vmem>>, vector<16xi32>,
        tpu.vector_store %arg7[%swap3A_1471], %select_n3A_1470 {strides = array<i32>} : memref<336xi32, #tpu.memory_space<vmem>>, vector<16xi32>,
        %get3A_1473 = arith.constant 128 : index
        %get3A_1474 = tpu.vector_load %arg8[%get3A_1473] {strides = array<i32>} : memref<336xi32, #tpu.memory_space<vmem>>, vector<16xi32>,
        %get3A_1475 = arith.constant 128 : index
        %get3A_1476 = tpu.vector_load %arg7[%get3A_1475] {strides = array<i32>} : memref<336xi32, #tpu.memory_space<vmem>>, vector<16xi32>,
        %add3A_1477 = arith.addi %get3A_1474, %get3A_1476 : vector<16xi32>
        %shift_right_logical3A_1478 = arith.constant 1 : i32
        %shift_right_logical3A_1479 = vector.broadcast %shift_right_logical3A_1478 : i32 to vector<16xi32>
        %shift_right_logical3A_1480 = arith.shrui %add3A_1477, %shift_right_logical3A_1479 : vector<16xi32>
        %get3A_1481 = arith.constant 1 : i32
        %get3A_1482 = arith.index_cast %get3A_1481 : i32 to index
        %get3A_1483 = arith.constant 16 : index
        %get3A_1484 = tpu.vector_load %arg10[%get3A_1482, %get3A_1483] {strides = array<i32>} : memref<3x112xi32, #tpu.memory_space<vmem>>, vector<16xi32>,
        %add3A_1485 = arith.constant 128 : i32
        %add3A_1486 = arith.addi %mul3A_2, %add3A_1485 : i32
        %add3A_1487 = vector.broadcast %add3A_1486 : i32 to vector<16xi32>
        %add3A_1488 = arith.addi %add3A_1487, %iota3A : vector<16xi32>
        %lt3A_1489 = arith.cmpi slt, %get3A_1484, %add3A_1488 : vector<16xi32>
        %add3A_1490 = arith.constant 1 : i32
        %add3A_1491 = vector.broadcast %add3A_1490 : i32 to vector<16xi32>
        %add3A_1492 = arith.addi %shift_right_logical3A_1480, %add3A_1491 : vector<16xi32>
        %select_n3A_1493 = arith.select %lt3A_1489, %add3A_1492, %get3A_1474 : vector<16xi1>, vector<16xi32>
        %swap3A_1494 = arith.constant 128 : index
        %swap3A_1495 = tpu.vector_load %arg8[%swap3A_1494] {strides = array<i32>} : memref<336xi32, #tpu.memory_space<vmem>>, vector<16xi32>,
        tpu.vector_store %arg8[%swap3A_1494], %select_n3A_1493 {strides = array<i32>} : memref<336xi32, #tpu.memory_space<vmem>>, vector<16xi32>,
        %select_n3A_1496 = arith.select %lt3A_1489, %get3A_1476, %shift_right_logical3A_1480 : vector<16xi1>, vector<16xi32>
        %swap3A_1497 = arith.constant 128 : index
        %swap3A_1498 = tpu.vector_load %arg7[%swap3A_1497] {strides = array<i32>} : memref<336xi32, #tpu.memory_space<vmem>>, vector<16xi32>,
        tpu.vector_store %arg7[%swap3A_1497], %select_n3A_1496 {strides = array<i32>} : memref<336xi32, #tpu.memory_space<vmem>>, vector<16xi32>,
        %get3A_1499 = arith.constant 144 : index
        %get3A_1500 = tpu.vector_load %arg8[%get3A_1499] {strides = array<i32>} : memref<336xi32, #tpu.memory_space<vmem>>, vector<16xi32>,
        %get3A_1501 = arith.constant 144 : index
        %get3A_1502 = tpu.vector_load %arg7[%get3A_1501] {strides = array<i32>} : memref<336xi32, #tpu.memory_space<vmem>>, vector<16xi32>,
        %add3A_1503 = arith.addi %get3A_1500, %get3A_1502 : vector<16xi32>
        %shift_right_logical3A_1504 = arith.constant 1 : i32
        %shift_right_logical3A_1505 = vector.broadcast %shift_right_logical3A_1504 : i32 to vector<16xi32>
        %shift_right_logical3A_1506 = arith.shrui %add3A_1503, %shift_right_logical3A_1505 : vector<16xi32>
        %get3A_1507 = arith.constant 1 : i32
        %get3A_1508 = arith.index_cast %get3A_1507 : i32 to index
        %get3A_1509 = arith.constant 32 : index
        %get3A_1510 = tpu.vector_load %arg10[%get3A_1508, %get3A_1509] {strides = array<i32>} : memref<3x112xi32, #tpu.memory_space<vmem>>, vector<16xi32>,
        %add3A_1511 = arith.constant 144 : i32
        %add3A_1512 = arith.addi %mul3A_2, %add3A_1511 : i32
        %add3A_1513 = vector.broadcast %add3A_1512 : i32 to vector<16xi32>
        %add3A_1514 = arith.addi %add3A_1513, %iota3A : vector<16xi32>
        %lt3A_1515 = arith.cmpi slt, %get3A_1510, %add3A_1514 : vector<16xi32>
        %add3A_1516 = arith.constant 1 : i32
        %add3A_1517 = vector.broadcast %add3A_1516 : i32 to vector<16xi32>
        %add3A_1518 = arith.addi %shift_right_logical3A_1506, %add3A_1517 : vector<16xi32>
        %select_n3A_1519 = arith.select %lt3A_1515, %add3A_1518, %get3A_1500 : vector<16xi1>, vector<16xi32>
        %swap3A_1520 = arith.constant 144 : index
        %swap3A_1521 = tpu.vector_load %arg8[%swap3A_1520] {strides = array<i32>} : memref<336xi32, #tpu.memory_space<vmem>>, vector<16xi32>,
        tpu.vector_store %arg8[%swap3A_1520], %select_n3A_1519 {strides = array<i32>} : memref<336xi32, #tpu.memory_space<vmem>>, vector<16xi32>,
        %select_n3A_1522 = arith.select %lt3A_1515, %get3A_1502, %shift_right_logical3A_1506 : vector<16xi1>, vector<16xi32>
        %swap3A_1523 = arith.constant 144 : index
        %swap3A_1524 = tpu.vector_load %arg7[%swap3A_1523] {strides = array<i32>} : memref<336xi32, #tpu.memory_space<vmem>>, vector<16xi32>,
        tpu.vector_store %arg7[%swap3A_1523], %select_n3A_1522 {strides = array<i32>} : memref<336xi32, #tpu.memory_space<vmem>>, vector<16xi32>,
        %get3A_1525 = arith.constant 160 : index
        %get3A_1526 = tpu.vector_load %arg8[%get3A_1525] {strides = array<i32>} : memref<336xi32, #tpu.memory_space<vmem>>, vector<16xi32>,
        %get3A_1527 = arith.constant 160 : index
        %get3A_1528 = tpu.vector_load %arg7[%get3A_1527] {strides = array<i32>} : memref<336xi32, #tpu.memory_space<vmem>>, vector<16xi32>,
        %add3A_1529 = arith.addi %get3A_1526, %get3A_1528 : vector<16xi32>
        %shift_right_logical3A_1530 = arith.constant 1 : i32
        %shift_right_logical3A_1531 = vector.broadcast %shift_right_logical3A_1530 : i32 to vector<16xi32>
        %shift_right_logical3A_1532 = arith.shrui %add3A_1529, %shift_right_logical3A_1531 : vector<16xi32>
        %get3A_1533 = arith.constant 1 : i32
        %get3A_1534 = arith.index_cast %get3A_1533 : i32 to index
        %get3A_1535 = arith.constant 48 : index
        %get3A_1536 = tpu.vector_load %arg10[%get3A_1534, %get3A_1535] {strides = array<i32>} : memref<3x112xi32, #tpu.memory_space<vmem>>, vector<16xi32>,
        %add3A_1537 = arith.constant 160 : i32
        %add3A_1538 = arith.addi %mul3A_2, %add3A_1537 : i32
        %add3A_1539 = vector.broadcast %add3A_1538 : i32 to vector<16xi32>
        %add3A_1540 = arith.addi %add3A_1539, %iota3A : vector<16xi32>
        %lt3A_1541 = arith.cmpi slt, %get3A_1536, %add3A_1540 : vector<16xi32>
        %add3A_1542 = arith.constant 1 : i32
        %add3A_1543 = vector.broadcast %add3A_1542 : i32 to vector<16xi32>
        %add3A_1544 = arith.addi %shift_right_logical3A_1532, %add3A_1543 : vector<16xi32>
        %select_n3A_1545 = arith.select %lt3A_1541, %add3A_1544, %get3A_1526 : vector<16xi1>, vector<16xi32>
        %swap3A_1546 = arith.constant 160 : index
        %swap3A_1547 = tpu.vector_load %arg8[%swap3A_1546] {strides = array<i32>} : memref<336xi32, #tpu.memory_space<vmem>>, vector<16xi32>,
        tpu.vector_store %arg8[%swap3A_1546], %select_n3A_1545 {strides = array<i32>} : memref<336xi32, #tpu.memory_space<vmem>>, vector<16xi32>,
        %select_n3A_1548 = arith.select %lt3A_1541, %get3A_1528, %shift_right_logical3A_1532 : vector<16xi1>, vector<16xi32>
        %swap3A_1549 = arith.constant 160 : index
        %swap3A_1550 = tpu.vector_load %arg7[%swap3A_1549] {strides = array<i32>} : memref<336xi32, #tpu.memory_space<vmem>>, vector<16xi32>,
        tpu.vector_store %arg7[%swap3A_1549], %select_n3A_1548 {strides = array<i32>} : memref<336xi32, #tpu.memory_space<vmem>>, vector<16xi32>,
        %get3A_1551 = arith.constant 176 : index
        %get3A_1552 = tpu.vector_load %arg8[%get3A_1551] {strides = array<i32>} : memref<336xi32, #tpu.memory_space<vmem>>, vector<16xi32>,
        %get3A_1553 = arith.constant 176 : index
        %get3A_1554 = tpu.vector_load %arg7[%get3A_1553] {strides = array<i32>} : memref<336xi32, #tpu.memory_space<vmem>>, vector<16xi32>,
        %add3A_1555 = arith.addi %get3A_1552, %get3A_1554 : vector<16xi32>
        %shift_right_logical3A_1556 = arith.constant 1 : i32
        %shift_right_logical3A_1557 = vector.broadcast %shift_right_logical3A_1556 : i32 to vector<16xi32>
        %shift_right_logical3A_1558 = arith.shrui %add3A_1555, %shift_right_logical3A_1557 : vector<16xi32>
        %get3A_1559 = arith.constant 1 : i32
        %get3A_1560 = arith.index_cast %get3A_1559 : i32 to index
        %get3A_1561 = arith.constant 64 : index
        %get3A_1562 = tpu.vector_load %arg10[%get3A_1560, %get3A_1561] {strides = array<i32>} : memref<3x112xi32, #tpu.memory_space<vmem>>, vector<16xi32>,
        %add3A_1563 = arith.constant 176 : i32
        %add3A_1564 = arith.addi %mul3A_2, %add3A_1563 : i32
        %add3A_1565 = vector.broadcast %add3A_1564 : i32 to vector<16xi32>
        %add3A_1566 = arith.addi %add3A_1565, %iota3A : vector<16xi32>
        %lt3A_1567 = arith.cmpi slt, %get3A_1562, %add3A_1566 : vector<16xi32>
        %add3A_1568 = arith.constant 1 : i32
        %add3A_1569 = vector.broadcast %add3A_1568 : i32 to vector<16xi32>
        %add3A_1570 = arith.addi %shift_right_logical3A_1558, %add3A_1569 : vector<16xi32>
        %select_n3A_1571 = arith.select %lt3A_1567, %add3A_1570, %get3A_1552 : vector<16xi1>, vector<16xi32>
        %swap3A_1572 = arith.constant 176 : index
        %swap3A_1573 = tpu.vector_load %arg8[%swap3A_1572] {strides = array<i32>} : memref<336xi32, #tpu.memory_space<vmem>>, vector<16xi32>,
        tpu.vector_store %arg8[%swap3A_1572], %select_n3A_1571 {strides = array<i32>} : memref<336xi32, #tpu.memory_space<vmem>>, vector<16xi32>,
        %select_n3A_1574 = arith.select %lt3A_1567, %get3A_1554, %shift_right_logical3A_1558 : vector<16xi1>, vector<16xi32>
        %swap3A_1575 = arith.constant 176 : index
        %swap3A_1576 = tpu.vector_load %arg7[%swap3A_1575] {strides = array<i32>} : memref<336xi32, #tpu.memory_space<vmem>>, vector<16xi32>,
        tpu.vector_store %arg7[%swap3A_1575], %select_n3A_1574 {strides = array<i32>} : memref<336xi32, #tpu.memory_space<vmem>>, vector<16xi32>,
        %get3A_1577 = arith.constant 192 : index
        %get3A_1578 = tpu.vector_load %arg8[%get3A_1577] {strides = array<i32>} : memref<336xi32, #tpu.memory_space<vmem>>, vector<16xi32>,
        %get3A_1579 = arith.constant 192 : index
        %get3A_1580 = tpu.vector_load %arg7[%get3A_1579] {strides = array<i32>} : memref<336xi32, #tpu.memory_space<vmem>>, vector<16xi32>,
        %add3A_1581 = arith.addi %get3A_1578, %get3A_1580 : vector<16xi32>
        %shift_right_logical3A_1582 = arith.constant 1 : i32
        %shift_right_logical3A_1583 = vector.broadcast %shift_right_logical3A_1582 : i32 to vector<16xi32>
        %shift_right_logical3A_1584 = arith.shrui %add3A_1581, %shift_right_logical3A_1583 : vector<16xi32>
        %get3A_1585 = arith.constant 1 : i32
        %get3A_1586 = arith.index_cast %get3A_1585 : i32 to index
        %get3A_1587 = arith.constant 80 : index
        %get3A_1588 = tpu.vector_load %arg10[%get3A_1586, %get3A_1587] {strides = array<i32>} : memref<3x112xi32, #tpu.memory_space<vmem>>, vector<16xi32>,
        %add3A_1589 = arith.constant 192 : i32
        %add3A_1590 = arith.addi %mul3A_2, %add3A_1589 : i32
        %add3A_1591 = vector.broadcast %add3A_1590 : i32 to vector<16xi32>
        %add3A_1592 = arith.addi %add3A_1591, %iota3A : vector<16xi32>
        %lt3A_1593 = arith.cmpi slt, %get3A_1588, %add3A_1592 : vector<16xi32>
        %add3A_1594 = arith.constant 1 : i32
        %add3A_1595 = vector.broadcast %add3A_1594 : i32 to vector<16xi32>
        %add3A_1596 = arith.addi %shift_right_logical3A_1584, %add3A_1595 : vector<16xi32>
        %select_n3A_1597 = arith.select %lt3A_1593, %add3A_1596, %get3A_1578 : vector<16xi1>, vector<16xi32>
        %swap3A_1598 = arith.constant 192 : index
        %swap3A_1599 = tpu.vector_load %arg8[%swap3A_1598] {strides = array<i32>} : memref<336xi32, #tpu.memory_space<vmem>>, vector<16xi32>,
        tpu.vector_store %arg8[%swap3A_1598], %select_n3A_1597 {strides = array<i32>} : memref<336xi32, #tpu.memory_space<vmem>>, vector<16xi32>,
        %select_n3A_1600 = arith.select %lt3A_1593, %get3A_1580, %shift_right_logical3A_1584 : vector<16xi1>, vector<16xi32>
        %swap3A_1601 = arith.constant 192 : index
        %swap3A_1602 = tpu.vector_load %arg7[%swap3A_1601] {strides = array<i32>} : memref<336xi32, #tpu.memory_space<vmem>>, vector<16xi32>,
        tpu.vector_store %arg7[%swap3A_1601], %select_n3A_1600 {strides = array<i32>} : memref<336xi32, #tpu.memory_space<vmem>>, vector<16xi32>,
        %get3A_1603 = arith.constant 208 : index
        %get3A_1604 = tpu.vector_load %arg8[%get3A_1603] {strides = array<i32>} : memref<336xi32, #tpu.memory_space<vmem>>, vector<16xi32>,
        %get3A_1605 = arith.constant 208 : index
        %get3A_1606 = tpu.vector_load %arg7[%get3A_1605] {strides = array<i32>} : memref<336xi32, #tpu.memory_space<vmem>>, vector<16xi32>,
        %add3A_1607 = arith.addi %get3A_1604, %get3A_1606 : vector<16xi32>
        %shift_right_logical3A_1608 = arith.constant 1 : i32
        %shift_right_logical3A_1609 = vector.broadcast %shift_right_logical3A_1608 : i32 to vector<16xi32>
        %shift_right_logical3A_1610 = arith.shrui %add3A_1607, %shift_right_logical3A_1609 : vector<16xi32>
        %get3A_1611 = arith.constant 1 : i32
        %get3A_1612 = arith.index_cast %get3A_1611 : i32 to index
        %get3A_1613 = arith.constant 96 : index
        %get3A_1614 = tpu.vector_load %arg10[%get3A_1612, %get3A_1613] {strides = array<i32>} : memref<3x112xi32, #tpu.memory_space<vmem>>, vector<16xi32>,
        %add3A_1615 = arith.constant 208 : i32
        %add3A_1616 = arith.addi %mul3A_2, %add3A_1615 : i32
        %add3A_1617 = vector.broadcast %add3A_1616 : i32 to vector<16xi32>
        %add3A_1618 = arith.addi %add3A_1617, %iota3A : vector<16xi32>
        %lt3A_1619 = arith.cmpi slt, %get3A_1614, %add3A_1618 : vector<16xi32>
        %add3A_1620 = arith.constant 1 : i32
        %add3A_1621 = vector.broadcast %add3A_1620 : i32 to vector<16xi32>
        %add3A_1622 = arith.addi %shift_right_logical3A_1610, %add3A_1621 : vector<16xi32>
        %select_n3A_1623 = arith.select %lt3A_1619, %add3A_1622, %get3A_1604 : vector<16xi1>, vector<16xi32>
        %swap3A_1624 = arith.constant 208 : index
        %swap3A_1625 = tpu.vector_load %arg8[%swap3A_1624] {strides = array<i32>} : memref<336xi32, #tpu.memory_space<vmem>>, vector<16xi32>,
        tpu.vector_store %arg8[%swap3A_1624], %select_n3A_1623 {strides = array<i32>} : memref<336xi32, #tpu.memory_space<vmem>>, vector<16xi32>,
        %select_n3A_1626 = arith.select %lt3A_1619, %get3A_1606, %shift_right_logical3A_1610 : vector<16xi1>, vector<16xi32>
        %swap3A_1627 = arith.constant 208 : index
        %swap3A_1628 = tpu.vector_load %arg7[%swap3A_1627] {strides = array<i32>} : memref<336xi32, #tpu.memory_space<vmem>>, vector<16xi32>,
        tpu.vector_store %arg7[%swap3A_1627], %select_n3A_1626 {strides = array<i32>} : memref<336xi32, #tpu.memory_space<vmem>>, vector<16xi32>,
        %get3A_1629 = arith.constant 224 : index
        %get3A_1630 = tpu.vector_load %arg8[%get3A_1629] {strides = array<i32>} : memref<336xi32, #tpu.memory_space<vmem>>, vector<16xi32>,
        %get3A_1631 = arith.constant 224 : index
        %get3A_1632 = tpu.vector_load %arg7[%get3A_1631] {strides = array<i32>} : memref<336xi32, #tpu.memory_space<vmem>>, vector<16xi32>,
        %add3A_1633 = arith.addi %get3A_1630, %get3A_1632 : vector<16xi32>
        %shift_right_logical3A_1634 = arith.constant 1 : i32
        %shift_right_logical3A_1635 = vector.broadcast %shift_right_logical3A_1634 : i32 to vector<16xi32>
        %shift_right_logical3A_1636 = arith.shrui %add3A_1633, %shift_right_logical3A_1635 : vector<16xi32>
        %get3A_1637 = arith.constant 2 : i32
        %get3A_1638 = arith.index_cast %get3A_1637 : i32 to index
        %get3A_1639 = arith.constant 0 : index
        %get3A_1640 = tpu.vector_load %arg10[%get3A_1638, %get3A_1639] {strides = array<i32>} : memref<3x112xi32, #tpu.memory_space<vmem>>, vector<16xi32>,
        %add3A_1641 = arith.constant 224 : i32
        %add3A_1642 = arith.addi %mul3A_2, %add3A_1641 : i32
        %add3A_1643 = vector.broadcast %add3A_1642 : i32 to vector<16xi32>
        %add3A_1644 = arith.addi %add3A_1643, %iota3A : vector<16xi32>
        %lt3A_1645 = arith.cmpi slt, %get3A_1640, %add3A_1644 : vector<16xi32>
        %add3A_1646 = arith.constant 1 : i32
        %add3A_1647 = vector.broadcast %add3A_1646 : i32 to vector<16xi32>
        %add3A_1648 = arith.addi %shift_right_logical3A_1636, %add3A_1647 : vector<16xi32>
        %select_n3A_1649 = arith.select %lt3A_1645, %add3A_1648, %get3A_1630 : vector<16xi1>, vector<16xi32>
        %swap3A_1650 = arith.constant 224 : index
        %swap3A_1651 = tpu.vector_load %arg8[%swap3A_1650] {strides = array<i32>} : memref<336xi32, #tpu.memory_space<vmem>>, vector<16xi32>,
        tpu.vector_store %arg8[%swap3A_1650], %select_n3A_1649 {strides = array<i32>} : memref<336xi32, #tpu.memory_space<vmem>>, vector<16xi32>,
        %select_n3A_1652 = arith.select %lt3A_1645, %get3A_1632, %shift_right_logical3A_1636 : vector<16xi1>, vector<16xi32>
        %swap3A_1653 = arith.constant 224 : index
        %swap3A_1654 = tpu.vector_load %arg7[%swap3A_1653] {strides = array<i32>} : memref<336xi32, #tpu.memory_space<vmem>>, vector<16xi32>,
        tpu.vector_store %arg7[%swap3A_1653], %select_n3A_1652 {strides = array<i32>} : memref<336xi32, #tpu.memory_space<vmem>>, vector<16xi32>,
        %get3A_1655 = arith.constant 240 : index
        %get3A_1656 = tpu.vector_load %arg8[%get3A_1655] {strides = array<i32>} : memref<336xi32, #tpu.memory_space<vmem>>, vector<16xi32>,
        %get3A_1657 = arith.constant 240 : index
        %get3A_1658 = tpu.vector_load %arg7[%get3A_1657] {strides = array<i32>} : memref<336xi32, #tpu.memory_space<vmem>>, vector<16xi32>,
        %add3A_1659 = arith.addi %get3A_1656, %get3A_1658 : vector<16xi32>
        %shift_right_logical3A_1660 = arith.constant 1 : i32
        %shift_right_logical3A_1661 = vector.broadcast %shift_right_logical3A_1660 : i32 to vector<16xi32>
        %shift_right_logical3A_1662 = arith.shrui %add3A_1659, %shift_right_logical3A_1661 : vector<16xi32>
        %get3A_1663 = arith.constant 2 : i32
        %get3A_1664 = arith.index_cast %get3A_1663 : i32 to index
        %get3A_1665 = arith.constant 16 : index
        %get3A_1666 = tpu.vector_load %arg10[%get3A_1664, %get3A_1665] {strides = array<i32>} : memref<3x112xi32, #tpu.memory_space<vmem>>, vector<16xi32>,
        %add3A_1667 = arith.constant 240 : i32
        %add3A_1668 = arith.addi %mul3A_2, %add3A_1667 : i32
        %add3A_1669 = vector.broadcast %add3A_1668 : i32 to vector<16xi32>
        %add3A_1670 = arith.addi %add3A_1669, %iota3A : vector<16xi32>
        %lt3A_1671 = arith.cmpi slt, %get3A_1666, %add3A_1670 : vector<16xi32>
        %add3A_1672 = arith.constant 1 : i32
        %add3A_1673 = vector.broadcast %add3A_1672 : i32 to vector<16xi32>
        %add3A_1674 = arith.addi %shift_right_logical3A_1662, %add3A_1673 : vector<16xi32>
        %select_n3A_1675 = arith.select %lt3A_1671, %add3A_1674, %get3A_1656 : vector<16xi1>, vector<16xi32>
        %swap3A_1676 = arith.constant 240 : index
        %swap3A_1677 = tpu.vector_load %arg8[%swap3A_1676] {strides = array<i32>} : memref<336xi32, #tpu.memory_space<vmem>>, vector<16xi32>,
        tpu.vector_store %arg8[%swap3A_1676], %select_n3A_1675 {strides = array<i32>} : memref<336xi32, #tpu.memory_space<vmem>>, vector<16xi32>,
        %select_n3A_1678 = arith.select %lt3A_1671, %get3A_1658, %shift_right_logical3A_1662 : vector<16xi1>, vector<16xi32>
        %swap3A_1679 = arith.constant 240 : index
        %swap3A_1680 = tpu.vector_load %arg7[%swap3A_1679] {strides = array<i32>} : memref<336xi32, #tpu.memory_space<vmem>>, vector<16xi32>,
        tpu.vector_store %arg7[%swap3A_1679], %select_n3A_1678 {strides = array<i32>} : memref<336xi32, #tpu.memory_space<vmem>>, vector<16xi32>,
        %get3A_1681 = arith.constant 256 : index
        %get3A_1682 = tpu.vector_load %arg8[%get3A_1681] {strides = array<i32>} : memref<336xi32, #tpu.memory_space<vmem>>, vector<16xi32>,
        %get3A_1683 = arith.constant 256 : index
        %get3A_1684 = tpu.vector_load %arg7[%get3A_1683] {strides = array<i32>} : memref<336xi32, #tpu.memory_space<vmem>>, vector<16xi32>,
        %add3A_1685 = arith.addi %get3A_1682, %get3A_1684 : vector<16xi32>
        %shift_right_logical3A_1686 = arith.constant 1 : i32
        %shift_right_logical3A_1687 = vector.broadcast %shift_right_logical3A_1686 : i32 to vector<16xi32>
        %shift_right_logical3A_1688 = arith.shrui %add3A_1685, %shift_right_logical3A_1687 : vector<16xi32>
        %get3A_1689 = arith.constant 2 : i32
        %get3A_1690 = arith.index_cast %get3A_1689 : i32 to index
        %get3A_1691 = arith.constant 32 : index
        %get3A_1692 = tpu.vector_load %arg10[%get3A_1690, %get3A_1691] {strides = array<i32>} : memref<3x112xi32, #tpu.memory_space<vmem>>, vector<16xi32>,
        %add3A_1693 = arith.constant 256 : i32
        %add3A_1694 = arith.addi %mul3A_2, %add3A_1693 : i32
        %add3A_1695 = vector.broadcast %add3A_1694 : i32 to vector<16xi32>
        %add3A_1696 = arith.addi %add3A_1695, %iota3A : vector<16xi32>
        %lt3A_1697 = arith.cmpi slt, %get3A_1692, %add3A_1696 : vector<16xi32>
        %add3A_1698 = arith.constant 1 : i32
        %add3A_1699 = vector.broadcast %add3A_1698 : i32 to vector<16xi32>
        %add3A_1700 = arith.addi %shift_right_logical3A_1688, %add3A_1699 : vector<16xi32>
        %select_n3A_1701 = arith.select %lt3A_1697, %add3A_1700, %get3A_1682 : vector<16xi1>, vector<16xi32>
        %swap3A_1702 = arith.constant 256 : index
        %swap3A_1703 = tpu.vector_load %arg8[%swap3A_1702] {strides = array<i32>} : memref<336xi32, #tpu.memory_space<vmem>>, vector<16xi32>,
        tpu.vector_store %arg8[%swap3A_1702], %select_n3A_1701 {strides = array<i32>} : memref<336xi32, #tpu.memory_space<vmem>>, vector<16xi32>,
        %select_n3A_1704 = arith.select %lt3A_1697, %get3A_1684, %shift_right_logical3A_1688 : vector<16xi1>, vector<16xi32>
        %swap3A_1705 = arith.constant 256 : index
        %swap3A_1706 = tpu.vector_load %arg7[%swap3A_1705] {strides = array<i32>} : memref<336xi32, #tpu.memory_space<vmem>>, vector<16xi32>,
        tpu.vector_store %arg7[%swap3A_1705], %select_n3A_1704 {strides = array<i32>} : memref<336xi32, #tpu.memory_space<vmem>>, vector<16xi32>,
        %get3A_1707 = arith.constant 272 : index
        %get3A_1708 = tpu.vector_load %arg8[%get3A_1707] {strides = array<i32>} : memref<336xi32, #tpu.memory_space<vmem>>, vector<16xi32>,
        %get3A_1709 = arith.constant 272 : index
        %get3A_1710 = tpu.vector_load %arg7[%get3A_1709] {strides = array<i32>} : memref<336xi32, #tpu.memory_space<vmem>>, vector<16xi32>,
        %add3A_1711 = arith.addi %get3A_1708, %get3A_1710 : vector<16xi32>
        %shift_right_logical3A_1712 = arith.constant 1 : i32
        %shift_right_logical3A_1713 = vector.broadcast %shift_right_logical3A_1712 : i32 to vector<16xi32>
        %shift_right_logical3A_1714 = arith.shrui %add3A_1711, %shift_right_logical3A_1713 : vector<16xi32>
        %get3A_1715 = arith.constant 2 : i32
        %get3A_1716 = arith.index_cast %get3A_1715 : i32 to index
        %get3A_1717 = arith.constant 48 : index
        %get3A_1718 = tpu.vector_load %arg10[%get3A_1716, %get3A_1717] {strides = array<i32>} : memref<3x112xi32, #tpu.memory_space<vmem>>, vector<16xi32>,
        %add3A_1719 = arith.constant 272 : i32
        %add3A_1720 = arith.addi %mul3A_2, %add3A_1719 : i32
        %add3A_1721 = vector.broadcast %add3A_1720 : i32 to vector<16xi32>
        %add3A_1722 = arith.addi %add3A_1721, %iota3A : vector<16xi32>
        %lt3A_1723 = arith.cmpi slt, %get3A_1718, %add3A_1722 : vector<16xi32>
        %add3A_1724 = arith.constant 1 : i32
        %add3A_1725 = vector.broadcast %add3A_1724 : i32 to vector<16xi32>
        %add3A_1726 = arith.addi %shift_right_logical3A_1714, %add3A_1725 : vector<16xi32>
        %select_n3A_1727 = arith.select %lt3A_1723, %add3A_1726, %get3A_1708 : vector<16xi1>, vector<16xi32>
        %swap3A_1728 = arith.constant 272 : index
        %swap3A_1729 = tpu.vector_load %arg8[%swap3A_1728] {strides = array<i32>} : memref<336xi32, #tpu.memory_space<vmem>>, vector<16xi32>,
        tpu.vector_store %arg8[%swap3A_1728], %select_n3A_1727 {strides = array<i32>} : memref<336xi32, #tpu.memory_space<vmem>>, vector<16xi32>,
        %select_n3A_1730 = arith.select %lt3A_1723, %get3A_1710, %shift_right_logical3A_1714 : vector<16xi1>, vector<16xi32>
        %swap3A_1731 = arith.constant 272 : index
        %swap3A_1732 = tpu.vector_load %arg7[%swap3A_1731] {strides = array<i32>} : memref<336xi32, #tpu.memory_space<vmem>>, vector<16xi32>,
        tpu.vector_store %arg7[%swap3A_1731], %select_n3A_1730 {strides = array<i32>} : memref<336xi32, #tpu.memory_space<vmem>>, vector<16xi32>,
        %get3A_1733 = arith.constant 288 : index
        %get3A_1734 = tpu.vector_load %arg8[%get3A_1733] {strides = array<i32>} : memref<336xi32, #tpu.memory_space<vmem>>, vector<16xi32>,
        %get3A_1735 = arith.constant 288 : index
        %get3A_1736 = tpu.vector_load %arg7[%get3A_1735] {strides = array<i32>} : memref<336xi32, #tpu.memory_space<vmem>>, vector<16xi32>,
        %add3A_1737 = arith.addi %get3A_1734, %get3A_1736 : vector<16xi32>
        %shift_right_logical3A_1738 = arith.constant 1 : i32
        %shift_right_logical3A_1739 = vector.broadcast %shift_right_logical3A_1738 : i32 to vector<16xi32>
        %shift_right_logical3A_1740 = arith.shrui %add3A_1737, %shift_right_logical3A_1739 : vector<16xi32>
        %get3A_1741 = arith.constant 2 : i32
        %get3A_1742 = arith.index_cast %get3A_1741 : i32 to index
        %get3A_1743 = arith.constant 64 : index
        %get3A_1744 = tpu.vector_load %arg10[%get3A_1742, %get3A_1743] {strides = array<i32>} : memref<3x112xi32, #tpu.memory_space<vmem>>, vector<16xi32>,
        %add3A_1745 = arith.constant 288 : i32
        %add3A_1746 = arith.addi %mul3A_2, %add3A_1745 : i32
        %add3A_1747 = vector.broadcast %add3A_1746 : i32 to vector<16xi32>
        %add3A_1748 = arith.addi %add3A_1747, %iota3A : vector<16xi32>
        %lt3A_1749 = arith.cmpi slt, %get3A_1744, %add3A_1748 : vector<16xi32>
        %add3A_1750 = arith.constant 1 : i32
        %add3A_1751 = vector.broadcast %add3A_1750 : i32 to vector<16xi32>
        %add3A_1752 = arith.addi %shift_right_logical3A_1740, %add3A_1751 : vector<16xi32>
        %select_n3A_1753 = arith.select %lt3A_1749, %add3A_1752, %get3A_1734 : vector<16xi1>, vector<16xi32>
        %swap3A_1754 = arith.constant 288 : index
        %swap3A_1755 = tpu.vector_load %arg8[%swap3A_1754] {strides = array<i32>} : memref<336xi32, #tpu.memory_space<vmem>>, vector<16xi32>,
        tpu.vector_store %arg8[%swap3A_1754], %select_n3A_1753 {strides = array<i32>} : memref<336xi32, #tpu.memory_space<vmem>>, vector<16xi32>,
        %select_n3A_1756 = arith.select %lt3A_1749, %get3A_1736, %shift_right_logical3A_1740 : vector<16xi1>, vector<16xi32>
        %swap3A_1757 = arith.constant 288 : index
        %swap3A_1758 = tpu.vector_load %arg7[%swap3A_1757] {strides = array<i32>} : memref<336xi32, #tpu.memory_space<vmem>>, vector<16xi32>,
        tpu.vector_store %arg7[%swap3A_1757], %select_n3A_1756 {strides = array<i32>} : memref<336xi32, #tpu.memory_space<vmem>>, vector<16xi32>,
        %get3A_1759 = arith.constant 304 : index
        %get3A_1760 = tpu.vector_load %arg8[%get3A_1759] {strides = array<i32>} : memref<336xi32, #tpu.memory_space<vmem>>, vector<16xi32>,
        %get3A_1761 = arith.constant 304 : index
        %get3A_1762 = tpu.vector_load %arg7[%get3A_1761] {strides = array<i32>} : memref<336xi32, #tpu.memory_space<vmem>>, vector<16xi32>,
        %add3A_1763 = arith.addi %get3A_1760, %get3A_1762 : vector<16xi32>
        %shift_right_logical3A_1764 = arith.constant 1 : i32
        %shift_right_logical3A_1765 = vector.broadcast %shift_right_logical3A_1764 : i32 to vector<16xi32>
        %shift_right_logical3A_1766 = arith.shrui %add3A_1763, %shift_right_logical3A_1765 : vector<16xi32>
        %get3A_1767 = arith.constant 2 : i32
        %get3A_1768 = arith.index_cast %get3A_1767 : i32 to index
        %get3A_1769 = arith.constant 80 : index
        %get3A_1770 = tpu.vector_load %arg10[%get3A_1768, %get3A_1769] {strides = array<i32>} : memref<3x112xi32, #tpu.memory_space<vmem>>, vector<16xi32>,
        %add3A_1771 = arith.constant 304 : i32
        %add3A_1772 = arith.addi %mul3A_2, %add3A_1771 : i32
        %add3A_1773 = vector.broadcast %add3A_1772 : i32 to vector<16xi32>
        %add3A_1774 = arith.addi %add3A_1773, %iota3A : vector<16xi32>
        %lt3A_1775 = arith.cmpi slt, %get3A_1770, %add3A_1774 : vector<16xi32>
        %add3A_1776 = arith.constant 1 : i32
        %add3A_1777 = vector.broadcast %add3A_1776 : i32 to vector<16xi32>
        %add3A_1778 = arith.addi %shift_right_logical3A_1766, %add3A_1777 : vector<16xi32>
        %select_n3A_1779 = arith.select %lt3A_1775, %add3A_1778, %get3A_1760 : vector<16xi1>, vector<16xi32>
        %swap3A_1780 = arith.constant 304 : index
        %swap3A_1781 = tpu.vector_load %arg8[%swap3A_1780] {strides = array<i32>} : memref<336xi32, #tpu.memory_space<vmem>>, vector<16xi32>,
        tpu.vector_store %arg8[%swap3A_1780], %select_n3A_1779 {strides = array<i32>} : memref<336xi32, #tpu.memory_space<vmem>>, vector<16xi32>,
        %select_n3A_1782 = arith.select %lt3A_1775, %get3A_1762, %shift_right_logical3A_1766 : vector<16xi1>, vector<16xi32>
        %swap3A_1783 = arith.constant 304 : index
        %swap3A_1784 = tpu.vector_load %arg7[%swap3A_1783] {strides = array<i32>} : memref<336xi32, #tpu.memory_space<vmem>>, vector<16xi32>,
        tpu.vector_store %arg7[%swap3A_1783], %select_n3A_1782 {strides = array<i32>} : memref<336xi32, #tpu.memory_space<vmem>>, vector<16xi32>,
        %get3A_1785 = arith.constant 320 : index
        %get3A_1786 = tpu.vector_load %arg8[%get3A_1785] {strides = array<i32>} : memref<336xi32, #tpu.memory_space<vmem>>, vector<16xi32>,
        %get3A_1787 = arith.constant 320 : index
        %get3A_1788 = tpu.vector_load %arg7[%get3A_1787] {strides = array<i32>} : memref<336xi32, #tpu.memory_space<vmem>>, vector<16xi32>,
        %add3A_1789 = arith.addi %get3A_1786, %get3A_1788 : vector<16xi32>
        %shift_right_logical3A_1790 = arith.constant 1 : i32
        %shift_right_logical3A_1791 = vector.broadcast %shift_right_logical3A_1790 : i32 to vector<16xi32>
        %shift_right_logical3A_1792 = arith.shrui %add3A_1789, %shift_right_logical3A_1791 : vector<16xi32>
        %get3A_1793 = arith.constant 2 : i32
        %get3A_1794 = arith.index_cast %get3A_1793 : i32 to index
        %get3A_1795 = arith.constant 96 : index
        %get3A_1796 = tpu.vector_load %arg10[%get3A_1794, %get3A_1795] {strides = array<i32>} : memref<3x112xi32, #tpu.memory_space<vmem>>, vector<16xi32>,
        %add3A_1797 = arith.constant 320 : i32
        %add3A_1798 = arith.addi %mul3A_2, %add3A_1797 : i32
        %add3A_1799 = vector.broadcast %add3A_1798 : i32 to vector<16xi32>
        %add3A_1800 = arith.addi %add3A_1799, %iota3A : vector<16xi32>
        %lt3A_1801 = arith.cmpi slt, %get3A_1796, %add3A_1800 : vector<16xi32>
        %add3A_1802 = arith.constant 1 : i32
        %add3A_1803 = vector.broadcast %add3A_1802 : i32 to vector<16xi32>
        %add3A_1804 = arith.addi %shift_right_logical3A_1792, %add3A_1803 : vector<16xi32>
        %select_n3A_1805 = arith.select %lt3A_1801, %add3A_1804, %get3A_1786 : vector<16xi1>, vector<16xi32>
        %swap3A_1806 = arith.constant 320 : index
        %swap3A_1807 = tpu.vector_load %arg8[%swap3A_1806] {strides = array<i32>} : memref<336xi32, #tpu.memory_space<vmem>>, vector<16xi32>,
        tpu.vector_store %arg8[%swap3A_1806], %select_n3A_1805 {strides = array<i32>} : memref<336xi32, #tpu.memory_space<vmem>>, vector<16xi32>,
        %select_n3A_1808 = arith.select %lt3A_1801, %get3A_1788, %shift_right_logical3A_1792 : vector<16xi1>, vector<16xi32>
        %swap3A_1809 = arith.constant 320 : index
        %swap3A_1810 = tpu.vector_load %arg7[%swap3A_1809] {strides = array<i32>} : memref<336xi32, #tpu.memory_space<vmem>>, vector<16xi32>,
        tpu.vector_store %arg7[%swap3A_1809], %select_n3A_1808 {strides = array<i32>} : memref<336xi32, #tpu.memory_space<vmem>>, vector<16xi32>,
      }
      %scan3A_888 = arith.constant 20 : i32
    } else {
    }
    %broadcast_in_dim3A_838 = arith.constant -2147483648 : i32
    %broadcast_in_dim3A_839 = vector.broadcast %broadcast_in_dim3A_838 : i32 to vector<16xi32>
    %add3A_840 = arith.constant 0 : i32
    %add3A_841 = vector.broadcast %add3A_840 : i32 to vector<16xi32>
    %add3A_842 = arith.addi %add3A_841, %iota3A : vector<16xi32>
    %gather3A = tpu.vector_load_idx %arg7[%add3A_842] : memref<336xi32, #tpu.memory_space<vmem>>[vector<16xi32>], vector<16xi32>,
    %add3A_843 = arith.constant 1 : i32
    %add3A_844 = vector.broadcast %add3A_843 : i32 to vector<16xi32>
    %add3A_845 = arith.addi %add3A_842, %add3A_844 : vector<16xi32>
    %gather3A_846 = tpu.vector_load_idx %arg7[%add3A_845] : memref<336xi32, #tpu.memory_space<vmem>>[vector<16xi32>], vector<16xi32>,
    %reduce_min3A = arith.constant true
    %reduce_min3A_847 = vector.broadcast %reduce_min3A : i1 to vector<16xi1>
    %reduce_min3A_848 = arith.constant -2147483648 : i32
    %reduce_min3A_849 = vector.broadcast %reduce_min3A_848 : i32 to vector<16xi32>
    %reduce_min3A_850 = arith.xori %gather3A, %reduce_min3A_849 : vector<16xi32>
    %reduce_min3A_851 = tpu.scan <min>, %reduce_min3A_850 masked %reduce_min3A_847 : vector<16xi32>, vector<16xi1> -> vector<16xi32>
    %reduce_min3A_852 = arith.xori %reduce_min3A_851, %reduce_min3A_849 : vector<16xi32>
    %reduce_min3A_853 = vector.extract %reduce_min3A_852[15] : i32 from vector<16xi32>
    %and3A_854 = arith.constant -8 : i32
    %and3A_855 = arith.andi %reduce_min3A_853, %and3A_854 : i32
    %min3A_856 = arith.constant 995904 : i32
    %min3A_857 = arith.minsi %and3A_855, %min3A_856 : i32
    %max3A_858 = arith.constant 0 : i32
    %max3A_859 = arith.maxsi %min3A_857, %max3A_858 : i32
    %multiple_of3A_860 = tpu.assume_multiple %max3A_859, 8 : i32
    %multiple_of3A_861 = arith.constant 0 : i32
    %multiple_of3A_862 = tpu.assume_multiple %multiple_of3A_861, 4096 : i32
    %dma_start3A_863 = tpu.memref_slice %arg14[%multiple_of3A_862] : memref<8192xf32, #tpu.memory_space<vmem>> -> memref<4096xf32, #tpu.memory_space<vmem>>
    %dma_start3A_864 = tpu.memref_slice %arg2[%multiple_of3A_860] : memref<1000000xf32, #tpu.memory_space<hbm>> -> memref<4096xf32, #tpu.memory_space<hbm>>
    %dma_start3A_865 = tpu.memref_slice %arg14[%multiple_of3A_862] : memref<8192xf32, #tpu.memory_space<vmem>> -> memref<4096xf32, #tpu.memory_space<vmem>>
    %dma_start3A_866 = tpu.memref_slice %arg2[%multiple_of3A_860] : memref<1000000xf32, #tpu.memory_space<hbm>> -> memref<4096xf32, #tpu.memory_space<hbm>>
    tpu.enqueue_dma source(%dma_start3A_866 : memref<4096xf32, #tpu.memory_space<hbm>>) target(%dma_start3A_865 : memref<4096xf32, #tpu.memory_space<vmem>>) target_semaphore(%arg18 : memref<!tpu.dma_semaphore, #tpu.memory_space<semaphore_mem>>)
    %multiple_of3A_867 = arith.constant 0 : i32
    %multiple_of3A_868 = tpu.assume_multiple %multiple_of3A_867, 4096 : i32
    %dma_start3A_869 = tpu.memref_slice %arg15[%multiple_of3A_868] : memref<8192xf32, #tpu.memory_space<vmem>> -> memref<4096xf32, #tpu.memory_space<vmem>>
    %dma_start3A_870 = tpu.memref_slice %arg3[%multiple_of3A_860] : memref<1000000xf32, #tpu.memory_space<hbm>> -> memref<4096xf32, #tpu.memory_space<hbm>>
    %dma_start3A_871 = tpu.memref_slice %arg15[%multiple_of3A_868] : memref<8192xf32, #tpu.memory_space<vmem>> -> memref<4096xf32, #tpu.memory_space<vmem>>
    %dma_start3A_872 = tpu.memref_slice %arg3[%multiple_of3A_860] : memref<1000000xf32, #tpu.memory_space<hbm>> -> memref<4096xf32, #tpu.memory_space<hbm>>
    tpu.enqueue_dma source(%dma_start3A_872 : memref<4096xf32, #tpu.memory_space<hbm>>) target(%dma_start3A_871 : memref<4096xf32, #tpu.memory_space<vmem>>) target_semaphore(%arg19 : memref<!tpu.dma_semaphore, #tpu.memory_space<semaphore_mem>>)
    %scan3A = arith.constant -2147483648 : i32
    %scan3A_873 = arith.constant 0 : i32
    %scan3A_874 = arith.constant 20 : i32
    %scan3A_875 = arith.addi %scan3A_873, %scan3A_874 : i32
    %scan3A_876 = arith.constant 1 : i32
    %scan3A_877:2 = scf.for %scan3A_883 = %scan3A_873 to %scan3A_875 step %scan3A_876 iter_args(%scan3A_884 = %broadcast_in_dim3A_6, %scan3A_885 = %broadcast_in_dim3A_6) -> (vector<16xf32>, vector<16xf32>)  : i32 {
      %rem3A = arith.constant 2 : i32
      %rem3A_886 = arith.remsi %scan3A_883, %rem3A : i32
      %add3A_887 = arith.constant 1 : i32
      %add3A_888 = arith.addi %scan3A_883, %add3A_887 : i32
      %lt3A_889 = arith.constant 20 : i32
      %lt3A_890 = arith.cmpi slt, %add3A_888, %lt3A_889 : i32
      %convert_element_type3A_891 = arith.extui %lt3A_890 : i1 to i32
      %cond3A_892 = arith.constant 0 : i32
      %cond3A_893 = arith.cmpi ne, %convert_element_type3A_891, %cond3A_892 : i32
      scf.if %cond3A_893 {
        %add3A_1266 = arith.constant 1 : i32
        %add3A_1267 = arith.addi %scan3A_883, %add3A_1266 : i32
        %add3A_1268 = arith.constant 1 : i32
        %add3A_1269 = arith.addi %scan3A_883, %add3A_1268 : i32
        %rem3A_1270 = arith.constant 2 : i32
        %rem3A_1271 = arith.remsi %add3A_1269, %rem3A_1270 : i32
        %mul3A_1272 = arith.constant 16 : i32
        %mul3A_1273 = arith.muli %add3A_1267, %mul3A_1272 : i32
        %add3A_1274 = vector.broadcast %mul3A_1273 : i32 to vector<16xi32>
        %add3A_1275 = arith.addi %add3A_1274, %iota3A : vector<16xi32>
        %gather3A_1276 = tpu.vector_load_idx %arg7[%add3A_1275] : memref<336xi32, #tpu.memory_space<vmem>>[vector<16xi32>], vector<16xi32>,
        %add3A_1277 = arith.constant 1 : i32
        %add3A_1278 = vector.broadcast %add3A_1277 : i32 to vector<16xi32>
        %add3A_1279 = arith.addi %add3A_1275, %add3A_1278 : vector<16xi32>
        %gather3A_1280 = tpu.vector_load_idx %arg7[%add3A_1279] : memref<336xi32, #tpu.memory_space<vmem>>[vector<16xi32>], vector<16xi32>,
        %reduce_min3A_1281 = arith.constant true
        %reduce_min3A_1282 = vector.broadcast %reduce_min3A_1281 : i1 to vector<16xi1>
        %reduce_min3A_1283 = arith.constant -2147483648 : i32
        %reduce_min3A_1284 = vector.broadcast %reduce_min3A_1283 : i32 to vector<16xi32>
        %reduce_min3A_1285 = arith.xori %gather3A_1276, %reduce_min3A_1284 : vector<16xi32>
        %reduce_min3A_1286 = tpu.scan <min>, %reduce_min3A_1285 masked %reduce_min3A_1282 : vector<16xi32>, vector<16xi1> -> vector<16xi32>
        %reduce_min3A_1287 = arith.xori %reduce_min3A_1286, %reduce_min3A_1284 : vector<16xi32>
        %reduce_min3A_1288 = vector.extract %reduce_min3A_1287[15] : i32 from vector<16xi32>
        %and3A_1289 = arith.constant -8 : i32
        %and3A_1290 = arith.andi %reduce_min3A_1288, %and3A_1289 : i32
        %min3A_1291 = arith.constant 995904 : i32
        %min3A_1292 = arith.minsi %and3A_1290, %min3A_1291 : i32
        %max3A_1293 = arith.constant 0 : i32
        %max3A_1294 = arith.maxsi %min3A_1292, %max3A_1293 : i32
        %multiple_of3A_1295 = tpu.assume_multiple %max3A_1294, 8 : i32
        %mul3A_1296 = arith.constant 4096 : i32
        %mul3A_1297 = arith.muli %rem3A_1271, %mul3A_1296 : i32
        %multiple_of3A_1298 = tpu.assume_multiple %mul3A_1297, 4096 : i32
        %dma_start3A_1299 = tpu.memref_slice %arg14[%multiple_of3A_1298] : memref<8192xf32, #tpu.memory_space<vmem>> -> memref<4096xf32, #tpu.memory_space<vmem>>
        %dma_start3A_1300 = tpu.memref_slice %arg2[%multiple_of3A_1295] : memref<1000000xf32, #tpu.memory_space<hbm>> -> memref<4096xf32, #tpu.memory_space<hbm>>
        %dma_start3A_1301 = tpu.memref_slice %arg14[%multiple_of3A_1298] : memref<8192xf32, #tpu.memory_space<vmem>> -> memref<4096xf32, #tpu.memory_space<vmem>>
        %dma_start3A_1302 = tpu.memref_slice %arg2[%multiple_of3A_1295] : memref<1000000xf32, #tpu.memory_space<hbm>> -> memref<4096xf32, #tpu.memory_space<hbm>>
        tpu.enqueue_dma source(%dma_start3A_1302 : memref<4096xf32, #tpu.memory_space<hbm>>) target(%dma_start3A_1301 : memref<4096xf32, #tpu.memory_space<vmem>>) target_semaphore(%arg18 : memref<!tpu.dma_semaphore, #tpu.memory_space<semaphore_mem>>)
        %mul3A_1303 = arith.constant 4096 : i32
        %mul3A_1304 = arith.muli %rem3A_1271, %mul3A_1303 : i32
        %multiple_of3A_1305 = tpu.assume_multiple %mul3A_1304, 4096 : i32
        %dma_start3A_1306 = tpu.memref_slice %arg15[%multiple_of3A_1305] : memref<8192xf32, #tpu.memory_space<vmem>> -> memref<4096xf32, #tpu.memory_space<vmem>>
        %dma_start3A_1307 = tpu.memref_slice %arg3[%multiple_of3A_1295] : memref<1000000xf32, #tpu.memory_space<hbm>> -> memref<4096xf32, #tpu.memory_space<hbm>>
        %dma_start3A_1308 = tpu.memref_slice %arg15[%multiple_of3A_1305] : memref<8192xf32, #tpu.memory_space<vmem>> -> memref<4096xf32, #tpu.memory_space<vmem>>
        %dma_start3A_1309 = tpu.memref_slice %arg3[%multiple_of3A_1295] : memref<1000000xf32, #tpu.memory_space<hbm>> -> memref<4096xf32, #tpu.memory_space<hbm>>
        tpu.enqueue_dma source(%dma_start3A_1309 : memref<4096xf32, #tpu.memory_space<hbm>>) target(%dma_start3A_1308 : memref<4096xf32, #tpu.memory_space<vmem>>) target_semaphore(%arg19 : memref<!tpu.dma_semaphore, #tpu.memory_space<semaphore_mem>>)
      } else {
      }
      %mul3A_894 = arith.constant 16 : i32
      %mul3A_895 = arith.muli %scan3A_883, %mul3A_894 : i32
      %add3A_896 = arith.addi %mul3A_2, %mul3A_895 : i32
      %add3A_897 = vector.broadcast %add3A_896 : i32 to vector<16xi32>
      %add3A_898 = arith.addi %add3A_897, %iota3A : vector<16xi32>
      %mul3A_899 = arith.constant 16 : i32
      %mul3A_900 = arith.muli %scan3A_883, %mul3A_899 : i32
      %add3A_901 = vector.broadcast %mul3A_900 : i32 to vector<16xi32>
      %add3A_902 = arith.addi %add3A_901, %iota3A : vector<16xi32>
      %gather3A_903 = tpu.vector_load_idx %arg7[%add3A_902] : memref<336xi32, #tpu.memory_space<vmem>>[vector<16xi32>], vector<16xi32>,
      %add3A_904 = arith.constant 1 : i32
      %add3A_905 = vector.broadcast %add3A_904 : i32 to vector<16xi32>
      %add3A_906 = arith.addi %add3A_902, %add3A_905 : vector<16xi32>
      %gather3A_907 = tpu.vector_load_idx %arg7[%add3A_906] : memref<336xi32, #tpu.memory_space<vmem>>[vector<16xi32>], vector<16xi32>,
      %reduce_min3A_908 = arith.constant true
      %reduce_min3A_909 = vector.broadcast %reduce_min3A_908 : i1 to vector<16xi1>
      %reduce_min3A_910 = arith.constant -2147483648 : i32
      %reduce_min3A_911 = vector.broadcast %reduce_min3A_910 : i32 to vector<16xi32>
      %reduce_min3A_912 = arith.xori %gather3A_903, %reduce_min3A_911 : vector<16xi32>
      %reduce_min3A_913 = tpu.scan <min>, %reduce_min3A_912 masked %reduce_min3A_909 : vector<16xi32>, vector<16xi1> -> vector<16xi32>
      %reduce_min3A_914 = arith.xori %reduce_min3A_913, %reduce_min3A_911 : vector<16xi32>
      %reduce_min3A_915 = vector.extract %reduce_min3A_914[15] : i32 from vector<16xi32>
      %and3A_916 = arith.constant -8 : i32
      %and3A_917 = arith.andi %reduce_min3A_915, %and3A_916 : i32
      %min3A_918 = arith.constant 995904 : i32
      %min3A_919 = arith.minsi %and3A_917, %min3A_918 : i32
      %max3A_920 = arith.constant 0 : i32
      %max3A_921 = arith.maxsi %min3A_919, %max3A_920 : i32
      %multiple_of3A_922 = tpu.assume_multiple %max3A_921, 8 : i32
      %mul3A_923 = arith.constant 4096 : i32
      %mul3A_924 = arith.muli %rem3A_886, %mul3A_923 : i32
      %multiple_of3A_925 = tpu.assume_multiple %mul3A_924, 4096 : i32
      %mul3A_926 = arith.constant 4096 : i32
      %mul3A_927 = arith.muli %rem3A_886, %mul3A_926 : i32
      %multiple_of3A_928 = tpu.assume_multiple %mul3A_927, 4096 : i32
      %dma_wait3A_929 = tpu.memref_slice %arg14[%multiple_of3A_925] : memref<8192xf32, #tpu.memory_space<vmem>> -> memref<4096xf32, #tpu.memory_space<vmem>>
      %dma_wait3A_930 = tpu.memref_slice %arg2[%multiple_of3A_922] : memref<1000000xf32, #tpu.memory_space<hbm>> -> memref<4096xf32, #tpu.memory_space<hbm>>
      %dma_wait3A_931 = tpu.memref_slice %arg14[%multiple_of3A_925] : memref<8192xf32, #tpu.memory_space<vmem>> -> memref<4096xf32, #tpu.memory_space<vmem>>
      %dma_wait3A_932 = tpu.memref_slice %arg2[%multiple_of3A_922] : memref<1000000xf32, #tpu.memory_space<hbm>> -> memref<4096xf32, #tpu.memory_space<hbm>>
      tpu.wait_dma2 semaphore(%arg18 : memref<!tpu.dma_semaphore, #tpu.memory_space<semaphore_mem>>) src(%dma_wait3A_932 : memref<4096xf32, #tpu.memory_space<hbm>>) dst(%dma_wait3A_931 : memref<4096xf32, #tpu.memory_space<vmem>>)
      %dma_wait3A_933 = tpu.memref_slice %arg15[%multiple_of3A_928] : memref<8192xf32, #tpu.memory_space<vmem>> -> memref<4096xf32, #tpu.memory_space<vmem>>
      %dma_wait3A_934 = tpu.memref_slice %arg3[%multiple_of3A_922] : memref<1000000xf32, #tpu.memory_space<hbm>> -> memref<4096xf32, #tpu.memory_space<hbm>>
      %dma_wait3A_935 = tpu.memref_slice %arg15[%multiple_of3A_928] : memref<8192xf32, #tpu.memory_space<vmem>> -> memref<4096xf32, #tpu.memory_space<vmem>>
      %dma_wait3A_936 = tpu.memref_slice %arg3[%multiple_of3A_922] : memref<1000000xf32, #tpu.memory_space<hbm>> -> memref<4096xf32, #tpu.memory_space<hbm>>
      tpu.wait_dma2 semaphore(%arg19 : memref<!tpu.dma_semaphore, #tpu.memory_space<semaphore_mem>>) src(%dma_wait3A_936 : memref<4096xf32, #tpu.memory_space<hbm>>) dst(%dma_wait3A_935 : memref<4096xf32, #tpu.memory_space<vmem>>)
      %sub3A_937 = arith.subi %gather3A_907, %gather3A_903 : vector<16xi32>
      %reduce_max3A = arith.constant true
      %reduce_max3A_938 = vector.broadcast %reduce_max3A : i1 to vector<16xi1>
      %reduce_max3A_939 = arith.constant -2147483648 : i32
      %reduce_max3A_940 = vector.broadcast %reduce_max3A_939 : i32 to vector<16xi32>
      %reduce_max3A_941 = arith.xori %sub3A_937, %reduce_max3A_940 : vector<16xi32>
      %reduce_max3A_942 = tpu.scan <max>, %reduce_max3A_941 masked %reduce_max3A_938 : vector<16xi32>, vector<16xi1> -> vector<16xi32>
      %reduce_max3A_943 = arith.xori %reduce_max3A_942, %reduce_max3A_940 : vector<16xi32>
      %reduce_max3A_944 = vector.extract %reduce_max3A_943[15] : i32 from vector<16xi32>
      %sub3A_945 = vector.broadcast %multiple_of3A_922 : i32 to vector<16xi32>
      %sub3A_946 = arith.subi %gather3A_903, %sub3A_945 : vector<16xi32>
      %add3A_947 = arith.addi %sub3A_946, %sub3A_937 : vector<16xi32>
      %min3A_948 = arith.constant 4096 : i32
      %min3A_949 = vector.broadcast %min3A_948 : i32 to vector<16xi32>
      %min3A_950 = arith.minsi %add3A_947, %min3A_949 : vector<16xi32>
      %add3A_951 = arith.constant 1 : i32
      %add3A_952 = arith.addi %reduce_max3A_944, %add3A_951 : i32
      %shift_right_logical3A_953 = arith.constant 1 : i32
      %shift_right_logical3A_954 = arith.shrui %add3A_952, %shift_right_logical3A_953 : i32
      %while3A = arith.constant 0 : i32
      %while3A_955 = arith.subi %shift_right_logical3A_954, %while3A : i32
      %while3A_956 = arith.addi %while3A, %while3A_955 : i32
      %while3A_957 = arith.constant 1 : i32
      %while3A_958 = arith.divsi %while3A_955, %while3A_957 : i32
      %while3A_959 = arith.muli %while3A_958, %while3A_957 : i32
      %while3A_960 = arith.addi %while3A, %while3A_959 : i32
      %while3A_961 = arith.constant 1 : i32
      %while3A_962:20 = scf.for %while3A_1266 = %while3A to %while3A_960 step %while3A_961 iter_args(%while3A_1267 = %broadcast_in_dim3A_839, %while3A_1268 = %broadcast_in_dim3A_839, %while3A_1269 = %broadcast_in_dim3A_839, %while3A_1270 = %broadcast_in_dim3A_839, %while3A_1271 = %broadcast_in_dim3A_839, %while3A_1272 = %broadcast_in_dim3A_839, %while3A_1273 = %broadcast_in_dim3A_839, %while3A_1274 = %broadcast_in_dim3A_839, %while3A_1275 = %broadcast_in_dim3A_839, %while3A_1276 = %broadcast_in_dim3A_839, %while3A_1277 = %broadcast_in_dim3A_839, %while3A_1278 = %broadcast_in_dim3A_839, %while3A_1279 = %broadcast_in_dim3A_839, %while3A_1280 = %broadcast_in_dim3A_839, %while3A_1281 = %broadcast_in_dim3A_839, %while3A_1282 = %broadcast_in_dim3A_839, %while3A_1283 = %broadcast_in_dim3A_839, %while3A_1284 = %broadcast_in_dim3A_839, %while3A_1285 = %broadcast_in_dim3A_839, %while3A_1286 = %broadcast_in_dim3A_839) -> (vector<16xi32>, vector<16xi32>, vector<16xi32>, vector<16xi32>, vector<16xi32>, vector<16xi32>, vector<16xi32>, vector<16xi32>, vector<16xi32>, vector<16xi32>, vector<16xi32>, vector<16xi32>, vector<16xi32>, vector<16xi32>, vector<16xi32>, vector<16xi32>, vector<16xi32>, vector<16xi32>, vector<16xi32>, vector<16xi32>)  : i32 {
        %mul3A_1287 = arith.constant 2 : i32
        %mul3A_1288 = arith.muli %while3A_1266, %mul3A_1287 : i32
        %add3A_1289 = arith.constant 0 : i32
        %add3A_1290 = arith.addi %mul3A_1288, %add3A_1289 : i32
        %add3A_1291 = vector.broadcast %add3A_1290 : i32 to vector<16xi32>
        %add3A_1292 = arith.addi %sub3A_946, %add3A_1291 : vector<16xi32>
        %lt3A_1293 = arith.cmpi slt, %add3A_1292, %min3A_950 : vector<16xi32>
        %min3A_1294 = arith.constant 4095 : i32
        %min3A_1295 = vector.broadcast %min3A_1294 : i32 to vector<16xi32>
        %min3A_1296 = arith.minsi %add3A_1292, %min3A_1295 : vector<16xi32>
        %gather3A_1297 = tpu.memref_slice %arg14[%multiple_of3A_925] : memref<8192xf32, #tpu.memory_space<vmem>> -> memref<4096xf32, #tpu.memory_space<vmem>>
        %gather3A_1298 = tpu.vector_load_idx %gather3A_1297[%min3A_1296] : memref<4096xf32, #tpu.memory_space<vmem>>[vector<16xi32>], vector<16xf32>,
        %gather3A_1299 = tpu.memref_slice %arg15[%multiple_of3A_928] : memref<8192xf32, #tpu.memory_space<vmem>> -> memref<4096xf32, #tpu.memory_space<vmem>>
        %gather3A_1300 = tpu.vector_load_idx %gather3A_1299[%min3A_1296] : memref<4096xf32, #tpu.memory_space<vmem>>[vector<16xi32>], vector<16xf32>,
        %bitcast3A = vector.bitcast %gather3A_1298 : vector<16xf32> to vector<16xi32>
        %lt3A_1301 = arith.constant 0 : i32
        %lt3A_1302 = vector.broadcast %lt3A_1301 : i32 to vector<16xi32>
        %lt3A_1303 = arith.cmpi slt, %bitcast3A, %lt3A_1302 : vector<16xi32>
        %xor3A = arith.constant 2147483647 : i32
        %xor3A_1304 = vector.broadcast %xor3A : i32 to vector<16xi32>
        %xor3A_1305 = arith.xori %bitcast3A, %xor3A_1304 : vector<16xi32>
        %select_n3A_1306 = arith.select %lt3A_1303, %xor3A_1305, %bitcast3A : vector<16xi1>, vector<16xi32>
        %and3A_1307 = arith.constant -4096 : i32
        %and3A_1308 = vector.broadcast %and3A_1307 : i32 to vector<16xi32>
        %and3A_1309 = arith.andi %select_n3A_1306, %and3A_1308 : vector<16xi32>
        %or3A = arith.ori %and3A_1309, %min3A_1296 : vector<16xi32>
        %select_n3A_1310 = arith.select %lt3A_1293, %or3A, %broadcast_in_dim3A_839 : vector<16xi1>, vector<16xi32>
        %bitcast3A_1311 = vector.bitcast %gather3A_1300 : vector<16xf32> to vector<16xi32>
        %and3A_1312 = arith.constant -4096 : i32
        %and3A_1313 = vector.broadcast %and3A_1312 : i32 to vector<16xi32>
        %and3A_1314 = arith.andi %bitcast3A_1311, %and3A_1313 : vector<16xi32>
        %or3A_1315 = arith.ori %and3A_1314, %min3A_1296 : vector<16xi32>
        %select_n3A_1316 = arith.select %lt3A_1293, %or3A_1315, %broadcast_in_dim3A_839 : vector<16xi1>, vector<16xi32>
        %max3A_1317 = arith.maxsi %while3A_1267, %select_n3A_1310 : vector<16xi32>
        %min3A_1318 = arith.minsi %while3A_1267, %select_n3A_1310 : vector<16xi32>
        %max3A_1319 = arith.maxsi %while3A_1268, %min3A_1318 : vector<16xi32>
        %min3A_1320 = arith.minsi %while3A_1268, %min3A_1318 : vector<16xi32>
        %max3A_1321 = arith.maxsi %while3A_1269, %min3A_1320 : vector<16xi32>
        %min3A_1322 = arith.minsi %while3A_1269, %min3A_1320 : vector<16xi32>
        %max3A_1323 = arith.maxsi %while3A_1270, %min3A_1322 : vector<16xi32>
        %min3A_1324 = arith.minsi %while3A_1270, %min3A_1322 : vector<16xi32>
        %max3A_1325 = arith.maxsi %while3A_1271, %min3A_1324 : vector<16xi32>
        %min3A_1326 = arith.minsi %while3A_1271, %min3A_1324 : vector<16xi32>
        %max3A_1327 = arith.maxsi %while3A_1272, %min3A_1326 : vector<16xi32>
        %min3A_1328 = arith.minsi %while3A_1272, %min3A_1326 : vector<16xi32>
        %max3A_1329 = arith.maxsi %while3A_1273, %min3A_1328 : vector<16xi32>
        %min3A_1330 = arith.minsi %while3A_1273, %min3A_1328 : vector<16xi32>
        %max3A_1331 = arith.maxsi %while3A_1274, %min3A_1330 : vector<16xi32>
        %min3A_1332 = arith.minsi %while3A_1274, %min3A_1330 : vector<16xi32>
        %max3A_1333 = arith.maxsi %while3A_1275, %min3A_1332 : vector<16xi32>
        %min3A_1334 = arith.minsi %while3A_1275, %min3A_1332 : vector<16xi32>
        %max3A_1335 = arith.maxsi %while3A_1276, %min3A_1334 : vector<16xi32>
        %min3A_1336 = arith.minsi %while3A_1276, %min3A_1334 : vector<16xi32>
        %max3A_1337 = arith.maxsi %while3A_1277, %select_n3A_1316 : vector<16xi32>
        %min3A_1338 = arith.minsi %while3A_1277, %select_n3A_1316 : vector<16xi32>
        %max3A_1339 = arith.maxsi %while3A_1278, %min3A_1338 : vector<16xi32>
        %min3A_1340 = arith.minsi %while3A_1278, %min3A_1338 : vector<16xi32>
        %max3A_1341 = arith.maxsi %while3A_1279, %min3A_1340 : vector<16xi32>
        %min3A_1342 = arith.minsi %while3A_1279, %min3A_1340 : vector<16xi32>
        %max3A_1343 = arith.maxsi %while3A_1280, %min3A_1342 : vector<16xi32>
        %min3A_1344 = arith.minsi %while3A_1280, %min3A_1342 : vector<16xi32>
        %max3A_1345 = arith.maxsi %while3A_1281, %min3A_1344 : vector<16xi32>
        %min3A_1346 = arith.minsi %while3A_1281, %min3A_1344 : vector<16xi32>
        %max3A_1347 = arith.maxsi %while3A_1282, %min3A_1346 : vector<16xi32>
        %min3A_1348 = arith.minsi %while3A_1282, %min3A_1346 : vector<16xi32>
        %max3A_1349 = arith.maxsi %while3A_1283, %min3A_1348 : vector<16xi32>
        %min3A_1350 = arith.minsi %while3A_1283, %min3A_1348 : vector<16xi32>
        %max3A_1351 = arith.maxsi %while3A_1284, %min3A_1350 : vector<16xi32>
        %min3A_1352 = arith.minsi %while3A_1284, %min3A_1350 : vector<16xi32>
        %max3A_1353 = arith.maxsi %while3A_1285, %min3A_1352 : vector<16xi32>
        %min3A_1354 = arith.minsi %while3A_1285, %min3A_1352 : vector<16xi32>
        %max3A_1355 = arith.maxsi %while3A_1286, %min3A_1354 : vector<16xi32>
        %min3A_1356 = arith.minsi %while3A_1286, %min3A_1354 : vector<16xi32>
        %add3A_1357 = arith.constant 1 : i32
        %add3A_1358 = arith.addi %mul3A_1288, %add3A_1357 : i32
        %add3A_1359 = vector.broadcast %add3A_1358 : i32 to vector<16xi32>
        %add3A_1360 = arith.addi %sub3A_946, %add3A_1359 : vector<16xi32>
        %lt3A_1361 = arith.cmpi slt, %add3A_1360, %min3A_950 : vector<16xi32>
        %min3A_1362 = arith.constant 4095 : i32
        %min3A_1363 = vector.broadcast %min3A_1362 : i32 to vector<16xi32>
        %min3A_1364 = arith.minsi %add3A_1360, %min3A_1363 : vector<16xi32>
        %gather3A_1365 = tpu.memref_slice %arg14[%multiple_of3A_925] : memref<8192xf32, #tpu.memory_space<vmem>> -> memref<4096xf32, #tpu.memory_space<vmem>>
        %gather3A_1366 = tpu.vector_load_idx %gather3A_1365[%min3A_1364] : memref<4096xf32, #tpu.memory_space<vmem>>[vector<16xi32>], vector<16xf32>,
        %gather3A_1367 = tpu.memref_slice %arg15[%multiple_of3A_928] : memref<8192xf32, #tpu.memory_space<vmem>> -> memref<4096xf32, #tpu.memory_space<vmem>>
        %gather3A_1368 = tpu.vector_load_idx %gather3A_1367[%min3A_1364] : memref<4096xf32, #tpu.memory_space<vmem>>[vector<16xi32>], vector<16xf32>,
        %bitcast3A_1369 = vector.bitcast %gather3A_1366 : vector<16xf32> to vector<16xi32>
        %lt3A_1370 = arith.constant 0 : i32
        %lt3A_1371 = vector.broadcast %lt3A_1370 : i32 to vector<16xi32>
        %lt3A_1372 = arith.cmpi slt, %bitcast3A_1369, %lt3A_1371 : vector<16xi32>
        %xor3A_1373 = arith.constant 2147483647 : i32
        %xor3A_1374 = vector.broadcast %xor3A_1373 : i32 to vector<16xi32>
        %xor3A_1375 = arith.xori %bitcast3A_1369, %xor3A_1374 : vector<16xi32>
        %select_n3A_1376 = arith.select %lt3A_1372, %xor3A_1375, %bitcast3A_1369 : vector<16xi1>, vector<16xi32>
        %and3A_1377 = arith.constant -4096 : i32
        %and3A_1378 = vector.broadcast %and3A_1377 : i32 to vector<16xi32>
        %and3A_1379 = arith.andi %select_n3A_1376, %and3A_1378 : vector<16xi32>
        %or3A_1380 = arith.ori %and3A_1379, %min3A_1364 : vector<16xi32>
        %select_n3A_1381 = arith.select %lt3A_1361, %or3A_1380, %broadcast_in_dim3A_839 : vector<16xi1>, vector<16xi32>
        %bitcast3A_1382 = vector.bitcast %gather3A_1368 : vector<16xf32> to vector<16xi32>
        %and3A_1383 = arith.constant -4096 : i32
        %and3A_1384 = vector.broadcast %and3A_1383 : i32 to vector<16xi32>
        %and3A_1385 = arith.andi %bitcast3A_1382, %and3A_1384 : vector<16xi32>
        %or3A_1386 = arith.ori %and3A_1385, %min3A_1364 : vector<16xi32>
        %select_n3A_1387 = arith.select %lt3A_1361, %or3A_1386, %broadcast_in_dim3A_839 : vector<16xi1>, vector<16xi32>
        %max3A_1388 = arith.maxsi %max3A_1317, %select_n3A_1381 : vector<16xi32>
        %min3A_1389 = arith.minsi %max3A_1317, %select_n3A_1381 : vector<16xi32>
        %max3A_1390 = arith.maxsi %max3A_1319, %min3A_1389 : vector<16xi32>
        %min3A_1391 = arith.minsi %max3A_1319, %min3A_1389 : vector<16xi32>
        %max3A_1392 = arith.maxsi %max3A_1321, %min3A_1391 : vector<16xi32>
        %min3A_1393 = arith.minsi %max3A_1321, %min3A_1391 : vector<16xi32>
        %max3A_1394 = arith.maxsi %max3A_1323, %min3A_1393 : vector<16xi32>
        %min3A_1395 = arith.minsi %max3A_1323, %min3A_1393 : vector<16xi32>
        %max3A_1396 = arith.maxsi %max3A_1325, %min3A_1395 : vector<16xi32>
        %min3A_1397 = arith.minsi %max3A_1325, %min3A_1395 : vector<16xi32>
        %max3A_1398 = arith.maxsi %max3A_1327, %min3A_1397 : vector<16xi32>
        %min3A_1399 = arith.minsi %max3A_1327, %min3A_1397 : vector<16xi32>
        %max3A_1400 = arith.maxsi %max3A_1329, %min3A_1399 : vector<16xi32>
        %min3A_1401 = arith.minsi %max3A_1329, %min3A_1399 : vector<16xi32>
        %max3A_1402 = arith.maxsi %max3A_1331, %min3A_1401 : vector<16xi32>
        %min3A_1403 = arith.minsi %max3A_1331, %min3A_1401 : vector<16xi32>
        %max3A_1404 = arith.maxsi %max3A_1333, %min3A_1403 : vector<16xi32>
        %min3A_1405 = arith.minsi %max3A_1333, %min3A_1403 : vector<16xi32>
        %max3A_1406 = arith.maxsi %max3A_1335, %min3A_1405 : vector<16xi32>
        %min3A_1407 = arith.minsi %max3A_1335, %min3A_1405 : vector<16xi32>
        %max3A_1408 = arith.maxsi %max3A_1337, %select_n3A_1387 : vector<16xi32>
        %min3A_1409 = arith.minsi %max3A_1337, %select_n3A_1387 : vector<16xi32>
        %max3A_1410 = arith.maxsi %max3A_1339, %min3A_1409 : vector<16xi32>
        %min3A_1411 = arith.minsi %max3A_1339, %min3A_1409 : vector<16xi32>
        %max3A_1412 = arith.maxsi %max3A_1341, %min3A_1411 : vector<16xi32>
        %min3A_1413 = arith.minsi %max3A_1341, %min3A_1411 : vector<16xi32>
        %max3A_1414 = arith.maxsi %max3A_1343, %min3A_1413 : vector<16xi32>
        %min3A_1415 = arith.minsi %max3A_1343, %min3A_1413 : vector<16xi32>
        %max3A_1416 = arith.maxsi %max3A_1345, %min3A_1415 : vector<16xi32>
        %min3A_1417 = arith.minsi %max3A_1345, %min3A_1415 : vector<16xi32>
        %max3A_1418 = arith.maxsi %max3A_1347, %min3A_1417 : vector<16xi32>
        %min3A_1419 = arith.minsi %max3A_1347, %min3A_1417 : vector<16xi32>
        %max3A_1420 = arith.maxsi %max3A_1349, %min3A_1419 : vector<16xi32>
        %min3A_1421 = arith.minsi %max3A_1349, %min3A_1419 : vector<16xi32>
        %max3A_1422 = arith.maxsi %max3A_1351, %min3A_1421 : vector<16xi32>
        %min3A_1423 = arith.minsi %max3A_1351, %min3A_1421 : vector<16xi32>
        %max3A_1424 = arith.maxsi %max3A_1353, %min3A_1423 : vector<16xi32>
        %min3A_1425 = arith.minsi %max3A_1353, %min3A_1423 : vector<16xi32>
        %max3A_1426 = arith.maxsi %max3A_1355, %min3A_1425 : vector<16xi32>
        %min3A_1427 = arith.minsi %max3A_1355, %min3A_1425 : vector<16xi32>
        scf.yield %max3A_1388, %max3A_1390, %max3A_1392, %max3A_1394, %max3A_1396, %max3A_1398, %max3A_1400, %max3A_1402, %max3A_1404, %max3A_1406, %max3A_1408, %max3A_1410, %max3A_1412, %max3A_1414, %max3A_1416, %max3A_1418, %max3A_1420, %max3A_1422, %max3A_1424, %max3A_1426 : vector<16xi32>, vector<16xi32>, vector<16xi32>, vector<16xi32>, vector<16xi32>, vector<16xi32>, vector<16xi32>, vector<16xi32>, vector<16xi32>, vector<16xi32>, vector<16xi32>, vector<16xi32>, vector<16xi32>, vector<16xi32>, vector<16xi32>, vector<16xi32>, vector<16xi32>, vector<16xi32>, vector<16xi32>, vector<16xi32>
      }
      %while3A_963 = arith.constant 1 : i32
      %while3A_964:20 = scf.for %while3A_1266 = %while3A_960 to %while3A_956 step %while3A_963 iter_args(%while3A_1267 = %while3A_962#0, %while3A_1268 = %while3A_962#1, %while3A_1269 = %while3A_962#2, %while3A_1270 = %while3A_962#3, %while3A_1271 = %while3A_962#4, %while3A_1272 = %while3A_962#5, %while3A_1273 = %while3A_962#6, %while3A_1274 = %while3A_962#7, %while3A_1275 = %while3A_962#8, %while3A_1276 = %while3A_962#9, %while3A_1277 = %while3A_962#10, %while3A_1278 = %while3A_962#11, %while3A_1279 = %while3A_962#12, %while3A_1280 = %while3A_962#13, %while3A_1281 = %while3A_962#14, %while3A_1282 = %while3A_962#15, %while3A_1283 = %while3A_962#16, %while3A_1284 = %while3A_962#17, %while3A_1285 = %while3A_962#18, %while3A_1286 = %while3A_962#19) -> (vector<16xi32>, vector<16xi32>, vector<16xi32>, vector<16xi32>, vector<16xi32>, vector<16xi32>, vector<16xi32>, vector<16xi32>, vector<16xi32>, vector<16xi32>, vector<16xi32>, vector<16xi32>, vector<16xi32>, vector<16xi32>, vector<16xi32>, vector<16xi32>, vector<16xi32>, vector<16xi32>, vector<16xi32>, vector<16xi32>)  : i32 {
        %mul3A_1287 = arith.constant 2 : i32
        %mul3A_1288 = arith.muli %while3A_1266, %mul3A_1287 : i32
        %add3A_1289 = arith.constant 0 : i32
        %add3A_1290 = arith.addi %mul3A_1288, %add3A_1289 : i32
        %add3A_1291 = vector.broadcast %add3A_1290 : i32 to vector<16xi32>
        %add3A_1292 = arith.addi %sub3A_946, %add3A_1291 : vector<16xi32>
        %lt3A_1293 = arith.cmpi slt, %add3A_1292, %min3A_950 : vector<16xi32>
        %min3A_1294 = arith.constant 4095 : i32
        %min3A_1295 = vector.broadcast %min3A_1294 : i32 to vector<16xi32>
        %min3A_1296 = arith.minsi %add3A_1292, %min3A_1295 : vector<16xi32>
        %gather3A_1297 = tpu.memref_slice %arg14[%multiple_of3A_925] : memref<8192xf32, #tpu.memory_space<vmem>> -> memref<4096xf32, #tpu.memory_space<vmem>>
        %gather3A_1298 = tpu.vector_load_idx %gather3A_1297[%min3A_1296] : memref<4096xf32, #tpu.memory_space<vmem>>[vector<16xi32>], vector<16xf32>,
        %gather3A_1299 = tpu.memref_slice %arg15[%multiple_of3A_928] : memref<8192xf32, #tpu.memory_space<vmem>> -> memref<4096xf32, #tpu.memory_space<vmem>>
        %gather3A_1300 = tpu.vector_load_idx %gather3A_1299[%min3A_1296] : memref<4096xf32, #tpu.memory_space<vmem>>[vector<16xi32>], vector<16xf32>,
        %bitcast3A = vector.bitcast %gather3A_1298 : vector<16xf32> to vector<16xi32>
        %lt3A_1301 = arith.constant 0 : i32
        %lt3A_1302 = vector.broadcast %lt3A_1301 : i32 to vector<16xi32>
        %lt3A_1303 = arith.cmpi slt, %bitcast3A, %lt3A_1302 : vector<16xi32>
        %xor3A = arith.constant 2147483647 : i32
        %xor3A_1304 = vector.broadcast %xor3A : i32 to vector<16xi32>
        %xor3A_1305 = arith.xori %bitcast3A, %xor3A_1304 : vector<16xi32>
        %select_n3A_1306 = arith.select %lt3A_1303, %xor3A_1305, %bitcast3A : vector<16xi1>, vector<16xi32>
        %and3A_1307 = arith.constant -4096 : i32
        %and3A_1308 = vector.broadcast %and3A_1307 : i32 to vector<16xi32>
        %and3A_1309 = arith.andi %select_n3A_1306, %and3A_1308 : vector<16xi32>
        %or3A = arith.ori %and3A_1309, %min3A_1296 : vector<16xi32>
        %select_n3A_1310 = arith.select %lt3A_1293, %or3A, %broadcast_in_dim3A_839 : vector<16xi1>, vector<16xi32>
        %bitcast3A_1311 = vector.bitcast %gather3A_1300 : vector<16xf32> to vector<16xi32>
        %and3A_1312 = arith.constant -4096 : i32
        %and3A_1313 = vector.broadcast %and3A_1312 : i32 to vector<16xi32>
        %and3A_1314 = arith.andi %bitcast3A_1311, %and3A_1313 : vector<16xi32>
        %or3A_1315 = arith.ori %and3A_1314, %min3A_1296 : vector<16xi32>
        %select_n3A_1316 = arith.select %lt3A_1293, %or3A_1315, %broadcast_in_dim3A_839 : vector<16xi1>, vector<16xi32>
        %max3A_1317 = arith.maxsi %while3A_1267, %select_n3A_1310 : vector<16xi32>
        %min3A_1318 = arith.minsi %while3A_1267, %select_n3A_1310 : vector<16xi32>
        %max3A_1319 = arith.maxsi %while3A_1268, %min3A_1318 : vector<16xi32>
        %min3A_1320 = arith.minsi %while3A_1268, %min3A_1318 : vector<16xi32>
        %max3A_1321 = arith.maxsi %while3A_1269, %min3A_1320 : vector<16xi32>
        %min3A_1322 = arith.minsi %while3A_1269, %min3A_1320 : vector<16xi32>
        %max3A_1323 = arith.maxsi %while3A_1270, %min3A_1322 : vector<16xi32>
        %min3A_1324 = arith.minsi %while3A_1270, %min3A_1322 : vector<16xi32>
        %max3A_1325 = arith.maxsi %while3A_1271, %min3A_1324 : vector<16xi32>
        %min3A_1326 = arith.minsi %while3A_1271, %min3A_1324 : vector<16xi32>
        %max3A_1327 = arith.maxsi %while3A_1272, %min3A_1326 : vector<16xi32>
        %min3A_1328 = arith.minsi %while3A_1272, %min3A_1326 : vector<16xi32>
        %max3A_1329 = arith.maxsi %while3A_1273, %min3A_1328 : vector<16xi32>
        %min3A_1330 = arith.minsi %while3A_1273, %min3A_1328 : vector<16xi32>
        %max3A_1331 = arith.maxsi %while3A_1274, %min3A_1330 : vector<16xi32>
        %min3A_1332 = arith.minsi %while3A_1274, %min3A_1330 : vector<16xi32>
        %max3A_1333 = arith.maxsi %while3A_1275, %min3A_1332 : vector<16xi32>
        %min3A_1334 = arith.minsi %while3A_1275, %min3A_1332 : vector<16xi32>
        %max3A_1335 = arith.maxsi %while3A_1276, %min3A_1334 : vector<16xi32>
        %min3A_1336 = arith.minsi %while3A_1276, %min3A_1334 : vector<16xi32>
        %max3A_1337 = arith.maxsi %while3A_1277, %select_n3A_1316 : vector<16xi32>
        %min3A_1338 = arith.minsi %while3A_1277, %select_n3A_1316 : vector<16xi32>
        %max3A_1339 = arith.maxsi %while3A_1278, %min3A_1338 : vector<16xi32>
        %min3A_1340 = arith.minsi %while3A_1278, %min3A_1338 : vector<16xi32>
        %max3A_1341 = arith.maxsi %while3A_1279, %min3A_1340 : vector<16xi32>
        %min3A_1342 = arith.minsi %while3A_1279, %min3A_1340 : vector<16xi32>
        %max3A_1343 = arith.maxsi %while3A_1280, %min3A_1342 : vector<16xi32>
        %min3A_1344 = arith.minsi %while3A_1280, %min3A_1342 : vector<16xi32>
        %max3A_1345 = arith.maxsi %while3A_1281, %min3A_1344 : vector<16xi32>
        %min3A_1346 = arith.minsi %while3A_1281, %min3A_1344 : vector<16xi32>
        %max3A_1347 = arith.maxsi %while3A_1282, %min3A_1346 : vector<16xi32>
        %min3A_1348 = arith.minsi %while3A_1282, %min3A_1346 : vector<16xi32>
        %max3A_1349 = arith.maxsi %while3A_1283, %min3A_1348 : vector<16xi32>
        %min3A_1350 = arith.minsi %while3A_1283, %min3A_1348 : vector<16xi32>
        %max3A_1351 = arith.maxsi %while3A_1284, %min3A_1350 : vector<16xi32>
        %min3A_1352 = arith.minsi %while3A_1284, %min3A_1350 : vector<16xi32>
        %max3A_1353 = arith.maxsi %while3A_1285, %min3A_1352 : vector<16xi32>
        %min3A_1354 = arith.minsi %while3A_1285, %min3A_1352 : vector<16xi32>
        %max3A_1355 = arith.maxsi %while3A_1286, %min3A_1354 : vector<16xi32>
        %min3A_1356 = arith.minsi %while3A_1286, %min3A_1354 : vector<16xi32>
        %add3A_1357 = arith.constant 1 : i32
        %add3A_1358 = arith.addi %mul3A_1288, %add3A_1357 : i32
        %add3A_1359 = vector.broadcast %add3A_1358 : i32 to vector<16xi32>
        %add3A_1360 = arith.addi %sub3A_946, %add3A_1359 : vector<16xi32>
        %lt3A_1361 = arith.cmpi slt, %add3A_1360, %min3A_950 : vector<16xi32>
        %min3A_1362 = arith.constant 4095 : i32
        %min3A_1363 = vector.broadcast %min3A_1362 : i32 to vector<16xi32>
        %min3A_1364 = arith.minsi %add3A_1360, %min3A_1363 : vector<16xi32>
        %gather3A_1365 = tpu.memref_slice %arg14[%multiple_of3A_925] : memref<8192xf32, #tpu.memory_space<vmem>> -> memref<4096xf32, #tpu.memory_space<vmem>>
        %gather3A_1366 = tpu.vector_load_idx %gather3A_1365[%min3A_1364] : memref<4096xf32, #tpu.memory_space<vmem>>[vector<16xi32>], vector<16xf32>,
        %gather3A_1367 = tpu.memref_slice %arg15[%multiple_of3A_928] : memref<8192xf32, #tpu.memory_space<vmem>> -> memref<4096xf32, #tpu.memory_space<vmem>>
        %gather3A_1368 = tpu.vector_load_idx %gather3A_1367[%min3A_1364] : memref<4096xf32, #tpu.memory_space<vmem>>[vector<16xi32>], vector<16xf32>,
        %bitcast3A_1369 = vector.bitcast %gather3A_1366 : vector<16xf32> to vector<16xi32>
        %lt3A_1370 = arith.constant 0 : i32
        %lt3A_1371 = vector.broadcast %lt3A_1370 : i32 to vector<16xi32>
        %lt3A_1372 = arith.cmpi slt, %bitcast3A_1369, %lt3A_1371 : vector<16xi32>
        %xor3A_1373 = arith.constant 2147483647 : i32
        %xor3A_1374 = vector.broadcast %xor3A_1373 : i32 to vector<16xi32>
        %xor3A_1375 = arith.xori %bitcast3A_1369, %xor3A_1374 : vector<16xi32>
        %select_n3A_1376 = arith.select %lt3A_1372, %xor3A_1375, %bitcast3A_1369 : vector<16xi1>, vector<16xi32>
        %and3A_1377 = arith.constant -4096 : i32
        %and3A_1378 = vector.broadcast %and3A_1377 : i32 to vector<16xi32>
        %and3A_1379 = arith.andi %select_n3A_1376, %and3A_1378 : vector<16xi32>
        %or3A_1380 = arith.ori %and3A_1379, %min3A_1364 : vector<16xi32>
        %select_n3A_1381 = arith.select %lt3A_1361, %or3A_1380, %broadcast_in_dim3A_839 : vector<16xi1>, vector<16xi32>
        %bitcast3A_1382 = vector.bitcast %gather3A_1368 : vector<16xf32> to vector<16xi32>
        %and3A_1383 = arith.constant -4096 : i32
        %and3A_1384 = vector.broadcast %and3A_1383 : i32 to vector<16xi32>
        %and3A_1385 = arith.andi %bitcast3A_1382, %and3A_1384 : vector<16xi32>
        %or3A_1386 = arith.ori %and3A_1385, %min3A_1364 : vector<16xi32>
        %select_n3A_1387 = arith.select %lt3A_1361, %or3A_1386, %broadcast_in_dim3A_839 : vector<16xi1>, vector<16xi32>
        %max3A_1388 = arith.maxsi %max3A_1317, %select_n3A_1381 : vector<16xi32>
        %min3A_1389 = arith.minsi %max3A_1317, %select_n3A_1381 : vector<16xi32>
        %max3A_1390 = arith.maxsi %max3A_1319, %min3A_1389 : vector<16xi32>
        %min3A_1391 = arith.minsi %max3A_1319, %min3A_1389 : vector<16xi32>
        %max3A_1392 = arith.maxsi %max3A_1321, %min3A_1391 : vector<16xi32>
        %min3A_1393 = arith.minsi %max3A_1321, %min3A_1391 : vector<16xi32>
        %max3A_1394 = arith.maxsi %max3A_1323, %min3A_1393 : vector<16xi32>
        %min3A_1395 = arith.minsi %max3A_1323, %min3A_1393 : vector<16xi32>
        %max3A_1396 = arith.maxsi %max3A_1325, %min3A_1395 : vector<16xi32>
        %min3A_1397 = arith.minsi %max3A_1325, %min3A_1395 : vector<16xi32>
        %max3A_1398 = arith.maxsi %max3A_1327, %min3A_1397 : vector<16xi32>
        %min3A_1399 = arith.minsi %max3A_1327, %min3A_1397 : vector<16xi32>
        %max3A_1400 = arith.maxsi %max3A_1329, %min3A_1399 : vector<16xi32>
        %min3A_1401 = arith.minsi %max3A_1329, %min3A_1399 : vector<16xi32>
        %max3A_1402 = arith.maxsi %max3A_1331, %min3A_1401 : vector<16xi32>
        %min3A_1403 = arith.minsi %max3A_1331, %min3A_1401 : vector<16xi32>
        %max3A_1404 = arith.maxsi %max3A_1333, %min3A_1403 : vector<16xi32>
        %min3A_1405 = arith.minsi %max3A_1333, %min3A_1403 : vector<16xi32>
        %max3A_1406 = arith.maxsi %max3A_1335, %min3A_1405 : vector<16xi32>
        %min3A_1407 = arith.minsi %max3A_1335, %min3A_1405 : vector<16xi32>
        %max3A_1408 = arith.maxsi %max3A_1337, %select_n3A_1387 : vector<16xi32>
        %min3A_1409 = arith.minsi %max3A_1337, %select_n3A_1387 : vector<16xi32>
        %max3A_1410 = arith.maxsi %max3A_1339, %min3A_1409 : vector<16xi32>
        %min3A_1411 = arith.minsi %max3A_1339, %min3A_1409 : vector<16xi32>
        %max3A_1412 = arith.maxsi %max3A_1341, %min3A_1411 : vector<16xi32>
        %min3A_1413 = arith.minsi %max3A_1341, %min3A_1411 : vector<16xi32>
        %max3A_1414 = arith.maxsi %max3A_1343, %min3A_1413 : vector<16xi32>
        %min3A_1415 = arith.minsi %max3A_1343, %min3A_1413 : vector<16xi32>
        %max3A_1416 = arith.maxsi %max3A_1345, %min3A_1415 : vector<16xi32>
        %min3A_1417 = arith.minsi %max3A_1345, %min3A_1415 : vector<16xi32>
        %max3A_1418 = arith.maxsi %max3A_1347, %min3A_1417 : vector<16xi32>
        %min3A_1419 = arith.minsi %max3A_1347, %min3A_1417 : vector<16xi32>
        %max3A_1420 = arith.maxsi %max3A_1349, %min3A_1419 : vector<16xi32>
        %min3A_1421 = arith.minsi %max3A_1349, %min3A_1419 : vector<16xi32>
        %max3A_1422 = arith.maxsi %max3A_1351, %min3A_1421 : vector<16xi32>
        %min3A_1423 = arith.minsi %max3A_1351, %min3A_1421 : vector<16xi32>
        %max3A_1424 = arith.maxsi %max3A_1353, %min3A_1423 : vector<16xi32>
        %min3A_1425 = arith.minsi %max3A_1353, %min3A_1423 : vector<16xi32>
        %max3A_1426 = arith.maxsi %max3A_1355, %min3A_1425 : vector<16xi32>
        %min3A_1427 = arith.minsi %max3A_1355, %min3A_1425 : vector<16xi32>
        scf.yield %max3A_1388, %max3A_1390, %max3A_1392, %max3A_1394, %max3A_1396, %max3A_1398, %max3A_1400, %max3A_1402, %max3A_1404, %max3A_1406, %max3A_1408, %max3A_1410, %max3A_1412, %max3A_1414, %max3A_1416, %max3A_1418, %max3A_1420, %max3A_1422, %max3A_1424, %max3A_1426 : vector<16xi32>, vector<16xi32>, vector<16xi32>, vector<16xi32>, vector<16xi32>, vector<16xi32>, vector<16xi32>, vector<16xi32>, vector<16xi32>, vector<16xi32>, vector<16xi32>, vector<16xi32>, vector<16xi32>, vector<16xi32>, vector<16xi32>, vector<16xi32>, vector<16xi32>, vector<16xi32>, vector<16xi32>, vector<16xi32>
      }
      %and3A_965 = arith.constant 4095 : i32
      %and3A_966 = vector.broadcast %and3A_965 : i32 to vector<16xi32>
      %and3A_967 = arith.andi %while3A_964#0, %and3A_966 : vector<16xi32>
      %and3A_968 = arith.constant 4095 : i32
      %and3A_969 = vector.broadcast %and3A_968 : i32 to vector<16xi32>
      %and3A_970 = arith.andi %while3A_964#10, %and3A_969 : vector<16xi32>
      %gather3A_971 = tpu.memref_slice %arg15[%multiple_of3A_928] : memref<8192xf32, #tpu.memory_space<vmem>> -> memref<4096xf32, #tpu.memory_space<vmem>>
      %gather3A_972 = tpu.vector_load_idx %gather3A_971[%and3A_967] : memref<4096xf32, #tpu.memory_space<vmem>>[vector<16xi32>], vector<16xf32>,
      %gather3A_973 = tpu.memref_slice %arg15[%multiple_of3A_928] : memref<8192xf32, #tpu.memory_space<vmem>> -> memref<4096xf32, #tpu.memory_space<vmem>>
      %gather3A_974 = tpu.vector_load_idx %gather3A_973[%and3A_970] : memref<4096xf32, #tpu.memory_space<vmem>>[vector<16xi32>], vector<16xf32>,
      %ne3A = vector.broadcast %scan3A : i32 to vector<16xi32>
      %ne3A_975 = arith.cmpi ne, %while3A_964#0, %ne3A : vector<16xi32>
      %jit3A_976 = arith.constant 0.000000e+00 : f32
      %broadcast_in_dim3A_977 = vector.broadcast %jit3A_976 : f32 to vector<16xf32>
      %select_n3A_978 = arith.select %ne3A_975, %gather3A_972, %broadcast_in_dim3A_977 : vector<16xi1>, vector<16xf32>
      %mul3A_979 = arith.constant 1.000000e+00 : f32
      %mul3A_980 = vector.broadcast %mul3A_979 : f32 to vector<16xf32>
      %mul3A_981 = arith.mulf %select_n3A_978, %mul3A_980 : vector<16xf32>
      %add3A_982 = arith.addf %broadcast_in_dim3A_6, %mul3A_981 : vector<16xf32>
      %ne3A_983 = vector.broadcast %scan3A : i32 to vector<16xi32>
      %ne3A_984 = arith.cmpi ne, %while3A_964#10, %ne3A_983 : vector<16xi32>
      %jit3A_985 = arith.constant 0.000000e+00 : f32
      %broadcast_in_dim3A_986 = vector.broadcast %jit3A_985 : f32 to vector<16xf32>
      %select_n3A_987 = arith.select %ne3A_984, %gather3A_974, %broadcast_in_dim3A_986 : vector<16xi1>, vector<16xf32>
      %mul3A_988 = arith.constant 1.000000e+00 : f32
      %mul3A_989 = vector.broadcast %mul3A_988 : f32 to vector<16xf32>
      %mul3A_990 = arith.mulf %select_n3A_987, %mul3A_989 : vector<16xf32>
      %add3A_991 = arith.addf %broadcast_in_dim3A_6, %mul3A_990 : vector<16xf32>
      %and3A_992 = arith.constant 4095 : i32
      %and3A_993 = vector.broadcast %and3A_992 : i32 to vector<16xi32>
      %and3A_994 = arith.andi %while3A_964#1, %and3A_993 : vector<16xi32>
      %and3A_995 = arith.constant 4095 : i32
      %and3A_996 = vector.broadcast %and3A_995 : i32 to vector<16xi32>
      %and3A_997 = arith.andi %while3A_964#11, %and3A_996 : vector<16xi32>
      %gather3A_998 = tpu.memref_slice %arg15[%multiple_of3A_928] : memref<8192xf32, #tpu.memory_space<vmem>> -> memref<4096xf32, #tpu.memory_space<vmem>>
      %gather3A_999 = tpu.vector_load_idx %gather3A_998[%and3A_994] : memref<4096xf32, #tpu.memory_space<vmem>>[vector<16xi32>], vector<16xf32>,
      %gather3A_1000 = tpu.memref_slice %arg15[%multiple_of3A_928] : memref<8192xf32, #tpu.memory_space<vmem>> -> memref<4096xf32, #tpu.memory_space<vmem>>
      %gather3A_1001 = tpu.vector_load_idx %gather3A_1000[%and3A_997] : memref<4096xf32, #tpu.memory_space<vmem>>[vector<16xi32>], vector<16xf32>,
      %ne3A_1002 = vector.broadcast %scan3A : i32 to vector<16xi32>
      %ne3A_1003 = arith.cmpi ne, %while3A_964#1, %ne3A_1002 : vector<16xi32>
      %jit3A_1004 = arith.constant 0.000000e+00 : f32
      %broadcast_in_dim3A_1005 = vector.broadcast %jit3A_1004 : f32 to vector<16xf32>
      %select_n3A_1006 = arith.select %ne3A_1003, %gather3A_999, %broadcast_in_dim3A_1005 : vector<16xi1>, vector<16xf32>
      %mul3A_1007 = arith.constant 0.630929768 : f32
      %mul3A_1008 = vector.broadcast %mul3A_1007 : f32 to vector<16xf32>
      %mul3A_1009 = arith.mulf %select_n3A_1006, %mul3A_1008 : vector<16xf32>
      %add3A_1010 = arith.addf %add3A_982, %mul3A_1009 : vector<16xf32>
      %ne3A_1011 = vector.broadcast %scan3A : i32 to vector<16xi32>
      %ne3A_1012 = arith.cmpi ne, %while3A_964#11, %ne3A_1011 : vector<16xi32>
      %jit3A_1013 = arith.constant 0.000000e+00 : f32
      %broadcast_in_dim3A_1014 = vector.broadcast %jit3A_1013 : f32 to vector<16xf32>
      %select_n3A_1015 = arith.select %ne3A_1012, %gather3A_1001, %broadcast_in_dim3A_1014 : vector<16xi1>, vector<16xf32>
      %mul3A_1016 = arith.constant 0.630929768 : f32
      %mul3A_1017 = vector.broadcast %mul3A_1016 : f32 to vector<16xf32>
      %mul3A_1018 = arith.mulf %select_n3A_1015, %mul3A_1017 : vector<16xf32>
      %add3A_1019 = arith.addf %add3A_991, %mul3A_1018 : vector<16xf32>
      %and3A_1020 = arith.constant 4095 : i32
      %and3A_1021 = vector.broadcast %and3A_1020 : i32 to vector<16xi32>
      %and3A_1022 = arith.andi %while3A_964#2, %and3A_1021 : vector<16xi32>
      %and3A_1023 = arith.constant 4095 : i32
      %and3A_1024 = vector.broadcast %and3A_1023 : i32 to vector<16xi32>
      %and3A_1025 = arith.andi %while3A_964#12, %and3A_1024 : vector<16xi32>
      %gather3A_1026 = tpu.memref_slice %arg15[%multiple_of3A_928] : memref<8192xf32, #tpu.memory_space<vmem>> -> memref<4096xf32, #tpu.memory_space<vmem>>
      %gather3A_1027 = tpu.vector_load_idx %gather3A_1026[%and3A_1022] : memref<4096xf32, #tpu.memory_space<vmem>>[vector<16xi32>], vector<16xf32>,
      %gather3A_1028 = tpu.memref_slice %arg15[%multiple_of3A_928] : memref<8192xf32, #tpu.memory_space<vmem>> -> memref<4096xf32, #tpu.memory_space<vmem>>
      %gather3A_1029 = tpu.vector_load_idx %gather3A_1028[%and3A_1025] : memref<4096xf32, #tpu.memory_space<vmem>>[vector<16xi32>], vector<16xf32>,
      %ne3A_1030 = vector.broadcast %scan3A : i32 to vector<16xi32>
      %ne3A_1031 = arith.cmpi ne, %while3A_964#2, %ne3A_1030 : vector<16xi32>
      %jit3A_1032 = arith.constant 0.000000e+00 : f32
      %broadcast_in_dim3A_1033 = vector.broadcast %jit3A_1032 : f32 to vector<16xf32>
      %select_n3A_1034 = arith.select %ne3A_1031, %gather3A_1027, %broadcast_in_dim3A_1033 : vector<16xi1>, vector<16xf32>
      %mul3A_1035 = arith.constant 5.000000e-01 : f32
      %mul3A_1036 = vector.broadcast %mul3A_1035 : f32 to vector<16xf32>
      %mul3A_1037 = arith.mulf %select_n3A_1034, %mul3A_1036 : vector<16xf32>
      %add3A_1038 = arith.addf %add3A_1010, %mul3A_1037 : vector<16xf32>
      %ne3A_1039 = vector.broadcast %scan3A : i32 to vector<16xi32>
      %ne3A_1040 = arith.cmpi ne, %while3A_964#12, %ne3A_1039 : vector<16xi32>
      %jit3A_1041 = arith.constant 0.000000e+00 : f32
      %broadcast_in_dim3A_1042 = vector.broadcast %jit3A_1041 : f32 to vector<16xf32>
      %select_n3A_1043 = arith.select %ne3A_1040, %gather3A_1029, %broadcast_in_dim3A_1042 : vector<16xi1>, vector<16xf32>
      %mul3A_1044 = arith.constant 5.000000e-01 : f32
      %mul3A_1045 = vector.broadcast %mul3A_1044 : f32 to vector<16xf32>
      %mul3A_1046 = arith.mulf %select_n3A_1043, %mul3A_1045 : vector<16xf32>
      %add3A_1047 = arith.addf %add3A_1019, %mul3A_1046 : vector<16xf32>
      %and3A_1048 = arith.constant 4095 : i32
      %and3A_1049 = vector.broadcast %and3A_1048 : i32 to vector<16xi32>
      %and3A_1050 = arith.andi %while3A_964#3, %and3A_1049 : vector<16xi32>
      %and3A_1051 = arith.constant 4095 : i32
      %and3A_1052 = vector.broadcast %and3A_1051 : i32 to vector<16xi32>
      %and3A_1053 = arith.andi %while3A_964#13, %and3A_1052 : vector<16xi32>
      %gather3A_1054 = tpu.memref_slice %arg15[%multiple_of3A_928] : memref<8192xf32, #tpu.memory_space<vmem>> -> memref<4096xf32, #tpu.memory_space<vmem>>
      %gather3A_1055 = tpu.vector_load_idx %gather3A_1054[%and3A_1050] : memref<4096xf32, #tpu.memory_space<vmem>>[vector<16xi32>], vector<16xf32>,
      %gather3A_1056 = tpu.memref_slice %arg15[%multiple_of3A_928] : memref<8192xf32, #tpu.memory_space<vmem>> -> memref<4096xf32, #tpu.memory_space<vmem>>
      %gather3A_1057 = tpu.vector_load_idx %gather3A_1056[%and3A_1053] : memref<4096xf32, #tpu.memory_space<vmem>>[vector<16xi32>], vector<16xf32>,
      %ne3A_1058 = vector.broadcast %scan3A : i32 to vector<16xi32>
      %ne3A_1059 = arith.cmpi ne, %while3A_964#3, %ne3A_1058 : vector<16xi32>
      %jit3A_1060 = arith.constant 0.000000e+00 : f32
      %broadcast_in_dim3A_1061 = vector.broadcast %jit3A_1060 : f32 to vector<16xf32>
      %select_n3A_1062 = arith.select %ne3A_1059, %gather3A_1055, %broadcast_in_dim3A_1061 : vector<16xi1>, vector<16xf32>
      %mul3A_1063 = arith.constant 0.43067655 : f32
      %mul3A_1064 = vector.broadcast %mul3A_1063 : f32 to vector<16xf32>
      %mul3A_1065 = arith.mulf %select_n3A_1062, %mul3A_1064 : vector<16xf32>
      %add3A_1066 = arith.addf %add3A_1038, %mul3A_1065 : vector<16xf32>
      %ne3A_1067 = vector.broadcast %scan3A : i32 to vector<16xi32>
      %ne3A_1068 = arith.cmpi ne, %while3A_964#13, %ne3A_1067 : vector<16xi32>
      %jit3A_1069 = arith.constant 0.000000e+00 : f32
      %broadcast_in_dim3A_1070 = vector.broadcast %jit3A_1069 : f32 to vector<16xf32>
      %select_n3A_1071 = arith.select %ne3A_1068, %gather3A_1057, %broadcast_in_dim3A_1070 : vector<16xi1>, vector<16xf32>
      %mul3A_1072 = arith.constant 0.43067655 : f32
      %mul3A_1073 = vector.broadcast %mul3A_1072 : f32 to vector<16xf32>
      %mul3A_1074 = arith.mulf %select_n3A_1071, %mul3A_1073 : vector<16xf32>
      %add3A_1075 = arith.addf %add3A_1047, %mul3A_1074 : vector<16xf32>
      %and3A_1076 = arith.constant 4095 : i32
      %and3A_1077 = vector.broadcast %and3A_1076 : i32 to vector<16xi32>
      %and3A_1078 = arith.andi %while3A_964#4, %and3A_1077 : vector<16xi32>
      %and3A_1079 = arith.constant 4095 : i32
      %and3A_1080 = vector.broadcast %and3A_1079 : i32 to vector<16xi32>
      %and3A_1081 = arith.andi %while3A_964#14, %and3A_1080 : vector<16xi32>
      %gather3A_1082 = tpu.memref_slice %arg15[%multiple_of3A_928] : memref<8192xf32, #tpu.memory_space<vmem>> -> memref<4096xf32, #tpu.memory_space<vmem>>
      %gather3A_1083 = tpu.vector_load_idx %gather3A_1082[%and3A_1078] : memref<4096xf32, #tpu.memory_space<vmem>>[vector<16xi32>], vector<16xf32>,
      %gather3A_1084 = tpu.memref_slice %arg15[%multiple_of3A_928] : memref<8192xf32, #tpu.memory_space<vmem>> -> memref<4096xf32, #tpu.memory_space<vmem>>
      %gather3A_1085 = tpu.vector_load_idx %gather3A_1084[%and3A_1081] : memref<4096xf32, #tpu.memory_space<vmem>>[vector<16xi32>], vector<16xf32>,
      %ne3A_1086 = vector.broadcast %scan3A : i32 to vector<16xi32>
      %ne3A_1087 = arith.cmpi ne, %while3A_964#4, %ne3A_1086 : vector<16xi32>
      %jit3A_1088 = arith.constant 0.000000e+00 : f32
      %broadcast_in_dim3A_1089 = vector.broadcast %jit3A_1088 : f32 to vector<16xf32>
      %select_n3A_1090 = arith.select %ne3A_1087, %gather3A_1083, %broadcast_in_dim3A_1089 : vector<16xi1>, vector<16xf32>
      %mul3A_1091 = arith.constant 0.386852801 : f32
      %mul3A_1092 = vector.broadcast %mul3A_1091 : f32 to vector<16xf32>
      %mul3A_1093 = arith.mulf %select_n3A_1090, %mul3A_1092 : vector<16xf32>
      %add3A_1094 = arith.addf %add3A_1066, %mul3A_1093 : vector<16xf32>
      %ne3A_1095 = vector.broadcast %scan3A : i32 to vector<16xi32>
      %ne3A_1096 = arith.cmpi ne, %while3A_964#14, %ne3A_1095 : vector<16xi32>
      %jit3A_1097 = arith.constant 0.000000e+00 : f32
      %broadcast_in_dim3A_1098 = vector.broadcast %jit3A_1097 : f32 to vector<16xf32>
      %select_n3A_1099 = arith.select %ne3A_1096, %gather3A_1085, %broadcast_in_dim3A_1098 : vector<16xi1>, vector<16xf32>
      %mul3A_1100 = arith.constant 0.386852801 : f32
      %mul3A_1101 = vector.broadcast %mul3A_1100 : f32 to vector<16xf32>
      %mul3A_1102 = arith.mulf %select_n3A_1099, %mul3A_1101 : vector<16xf32>
      %add3A_1103 = arith.addf %add3A_1075, %mul3A_1102 : vector<16xf32>
      %and3A_1104 = arith.constant 4095 : i32
      %and3A_1105 = vector.broadcast %and3A_1104 : i32 to vector<16xi32>
      %and3A_1106 = arith.andi %while3A_964#5, %and3A_1105 : vector<16xi32>
      %and3A_1107 = arith.constant 4095 : i32
      %and3A_1108 = vector.broadcast %and3A_1107 : i32 to vector<16xi32>
      %and3A_1109 = arith.andi %while3A_964#15, %and3A_1108 : vector<16xi32>
      %gather3A_1110 = tpu.memref_slice %arg15[%multiple_of3A_928] : memref<8192xf32, #tpu.memory_space<vmem>> -> memref<4096xf32, #tpu.memory_space<vmem>>
      %gather3A_1111 = tpu.vector_load_idx %gather3A_1110[%and3A_1106] : memref<4096xf32, #tpu.memory_space<vmem>>[vector<16xi32>], vector<16xf32>,
      %gather3A_1112 = tpu.memref_slice %arg15[%multiple_of3A_928] : memref<8192xf32, #tpu.memory_space<vmem>> -> memref<4096xf32, #tpu.memory_space<vmem>>
      %gather3A_1113 = tpu.vector_load_idx %gather3A_1112[%and3A_1109] : memref<4096xf32, #tpu.memory_space<vmem>>[vector<16xi32>], vector<16xf32>,
      %ne3A_1114 = vector.broadcast %scan3A : i32 to vector<16xi32>
      %ne3A_1115 = arith.cmpi ne, %while3A_964#5, %ne3A_1114 : vector<16xi32>
      %jit3A_1116 = arith.constant 0.000000e+00 : f32
      %broadcast_in_dim3A_1117 = vector.broadcast %jit3A_1116 : f32 to vector<16xf32>
      %select_n3A_1118 = arith.select %ne3A_1115, %gather3A_1111, %broadcast_in_dim3A_1117 : vector<16xi1>, vector<16xf32>
      %mul3A_1119 = arith.constant 0.356207192 : f32
      %mul3A_1120 = vector.broadcast %mul3A_1119 : f32 to vector<16xf32>
      %mul3A_1121 = arith.mulf %select_n3A_1118, %mul3A_1120 : vector<16xf32>
      %add3A_1122 = arith.addf %add3A_1094, %mul3A_1121 : vector<16xf32>
      %ne3A_1123 = vector.broadcast %scan3A : i32 to vector<16xi32>
      %ne3A_1124 = arith.cmpi ne, %while3A_964#15, %ne3A_1123 : vector<16xi32>
      %jit3A_1125 = arith.constant 0.000000e+00 : f32
      %broadcast_in_dim3A_1126 = vector.broadcast %jit3A_1125 : f32 to vector<16xf32>
      %select_n3A_1127 = arith.select %ne3A_1124, %gather3A_1113, %broadcast_in_dim3A_1126 : vector<16xi1>, vector<16xf32>
      %mul3A_1128 = arith.constant 0.356207192 : f32
      %mul3A_1129 = vector.broadcast %mul3A_1128 : f32 to vector<16xf32>
      %mul3A_1130 = arith.mulf %select_n3A_1127, %mul3A_1129 : vector<16xf32>
      %add3A_1131 = arith.addf %add3A_1103, %mul3A_1130 : vector<16xf32>
      %and3A_1132 = arith.constant 4095 : i32
      %and3A_1133 = vector.broadcast %and3A_1132 : i32 to vector<16xi32>
      %and3A_1134 = arith.andi %while3A_964#6, %and3A_1133 : vector<16xi32>
      %and3A_1135 = arith.constant 4095 : i32
      %and3A_1136 = vector.broadcast %and3A_1135 : i32 to vector<16xi32>
      %and3A_1137 = arith.andi %while3A_964#16, %and3A_1136 : vector<16xi32>
      %gather3A_1138 = tpu.memref_slice %arg15[%multiple_of3A_928] : memref<8192xf32, #tpu.memory_space<vmem>> -> memref<4096xf32, #tpu.memory_space<vmem>>
      %gather3A_1139 = tpu.vector_load_idx %gather3A_1138[%and3A_1134] : memref<4096xf32, #tpu.memory_space<vmem>>[vector<16xi32>], vector<16xf32>,
      %gather3A_1140 = tpu.memref_slice %arg15[%multiple_of3A_928] : memref<8192xf32, #tpu.memory_space<vmem>> -> memref<4096xf32, #tpu.memory_space<vmem>>
      %gather3A_1141 = tpu.vector_load_idx %gather3A_1140[%and3A_1137] : memref<4096xf32, #tpu.memory_space<vmem>>[vector<16xi32>], vector<16xf32>,
      %ne3A_1142 = vector.broadcast %scan3A : i32 to vector<16xi32>
      %ne3A_1143 = arith.cmpi ne, %while3A_964#6, %ne3A_1142 : vector<16xi32>
      %jit3A_1144 = arith.constant 0.000000e+00 : f32
      %broadcast_in_dim3A_1145 = vector.broadcast %jit3A_1144 : f32 to vector<16xf32>
      %select_n3A_1146 = arith.select %ne3A_1143, %gather3A_1139, %broadcast_in_dim3A_1145 : vector<16xi1>, vector<16xf32>
      %mul3A_1147 = arith.constant 0.333333343 : f32
      %mul3A_1148 = vector.broadcast %mul3A_1147 : f32 to vector<16xf32>
      %mul3A_1149 = arith.mulf %select_n3A_1146, %mul3A_1148 : vector<16xf32>
      %add3A_1150 = arith.addf %add3A_1122, %mul3A_1149 : vector<16xf32>
      %ne3A_1151 = vector.broadcast %scan3A : i32 to vector<16xi32>
      %ne3A_1152 = arith.cmpi ne, %while3A_964#16, %ne3A_1151 : vector<16xi32>
      %jit3A_1153 = arith.constant 0.000000e+00 : f32
      %broadcast_in_dim3A_1154 = vector.broadcast %jit3A_1153 : f32 to vector<16xf32>
      %select_n3A_1155 = arith.select %ne3A_1152, %gather3A_1141, %broadcast_in_dim3A_1154 : vector<16xi1>, vector<16xf32>
      %mul3A_1156 = arith.constant 0.333333343 : f32
      %mul3A_1157 = vector.broadcast %mul3A_1156 : f32 to vector<16xf32>
      %mul3A_1158 = arith.mulf %select_n3A_1155, %mul3A_1157 : vector<16xf32>
      %add3A_1159 = arith.addf %add3A_1131, %mul3A_1158 : vector<16xf32>
      %and3A_1160 = arith.constant 4095 : i32
      %and3A_1161 = vector.broadcast %and3A_1160 : i32 to vector<16xi32>
      %and3A_1162 = arith.andi %while3A_964#7, %and3A_1161 : vector<16xi32>
      %and3A_1163 = arith.constant 4095 : i32
      %and3A_1164 = vector.broadcast %and3A_1163 : i32 to vector<16xi32>
      %and3A_1165 = arith.andi %while3A_964#17, %and3A_1164 : vector<16xi32>
      %gather3A_1166 = tpu.memref_slice %arg15[%multiple_of3A_928] : memref<8192xf32, #tpu.memory_space<vmem>> -> memref<4096xf32, #tpu.memory_space<vmem>>
      %gather3A_1167 = tpu.vector_load_idx %gather3A_1166[%and3A_1162] : memref<4096xf32, #tpu.memory_space<vmem>>[vector<16xi32>], vector<16xf32>,
      %gather3A_1168 = tpu.memref_slice %arg15[%multiple_of3A_928] : memref<8192xf32, #tpu.memory_space<vmem>> -> memref<4096xf32, #tpu.memory_space<vmem>>
      %gather3A_1169 = tpu.vector_load_idx %gather3A_1168[%and3A_1165] : memref<4096xf32, #tpu.memory_space<vmem>>[vector<16xi32>], vector<16xf32>,
      %ne3A_1170 = vector.broadcast %scan3A : i32 to vector<16xi32>
      %ne3A_1171 = arith.cmpi ne, %while3A_964#7, %ne3A_1170 : vector<16xi32>
      %jit3A_1172 = arith.constant 0.000000e+00 : f32
      %broadcast_in_dim3A_1173 = vector.broadcast %jit3A_1172 : f32 to vector<16xf32>
      %select_n3A_1174 = arith.select %ne3A_1171, %gather3A_1167, %broadcast_in_dim3A_1173 : vector<16xi1>, vector<16xf32>
      %mul3A_1175 = arith.constant 0.315464884 : f32
      %mul3A_1176 = vector.broadcast %mul3A_1175 : f32 to vector<16xf32>
      %mul3A_1177 = arith.mulf %select_n3A_1174, %mul3A_1176 : vector<16xf32>
      %add3A_1178 = arith.addf %add3A_1150, %mul3A_1177 : vector<16xf32>
      %ne3A_1179 = vector.broadcast %scan3A : i32 to vector<16xi32>
      %ne3A_1180 = arith.cmpi ne, %while3A_964#17, %ne3A_1179 : vector<16xi32>
      %jit3A_1181 = arith.constant 0.000000e+00 : f32
      %broadcast_in_dim3A_1182 = vector.broadcast %jit3A_1181 : f32 to vector<16xf32>
      %select_n3A_1183 = arith.select %ne3A_1180, %gather3A_1169, %broadcast_in_dim3A_1182 : vector<16xi1>, vector<16xf32>
      %mul3A_1184 = arith.constant 0.315464884 : f32
      %mul3A_1185 = vector.broadcast %mul3A_1184 : f32 to vector<16xf32>
      %mul3A_1186 = arith.mulf %select_n3A_1183, %mul3A_1185 : vector<16xf32>
      %add3A_1187 = arith.addf %add3A_1159, %mul3A_1186 : vector<16xf32>
      %and3A_1188 = arith.constant 4095 : i32
      %and3A_1189 = vector.broadcast %and3A_1188 : i32 to vector<16xi32>
      %and3A_1190 = arith.andi %while3A_964#8, %and3A_1189 : vector<16xi32>
      %and3A_1191 = arith.constant 4095 : i32
      %and3A_1192 = vector.broadcast %and3A_1191 : i32 to vector<16xi32>
      %and3A_1193 = arith.andi %while3A_964#18, %and3A_1192 : vector<16xi32>
      %gather3A_1194 = tpu.memref_slice %arg15[%multiple_of3A_928] : memref<8192xf32, #tpu.memory_space<vmem>> -> memref<4096xf32, #tpu.memory_space<vmem>>
      %gather3A_1195 = tpu.vector_load_idx %gather3A_1194[%and3A_1190] : memref<4096xf32, #tpu.memory_space<vmem>>[vector<16xi32>], vector<16xf32>,
      %gather3A_1196 = tpu.memref_slice %arg15[%multiple_of3A_928] : memref<8192xf32, #tpu.memory_space<vmem>> -> memref<4096xf32, #tpu.memory_space<vmem>>
      %gather3A_1197 = tpu.vector_load_idx %gather3A_1196[%and3A_1193] : memref<4096xf32, #tpu.memory_space<vmem>>[vector<16xi32>], vector<16xf32>,
      %ne3A_1198 = vector.broadcast %scan3A : i32 to vector<16xi32>
      %ne3A_1199 = arith.cmpi ne, %while3A_964#8, %ne3A_1198 : vector<16xi32>
      %jit3A_1200 = arith.constant 0.000000e+00 : f32
      %broadcast_in_dim3A_1201 = vector.broadcast %jit3A_1200 : f32 to vector<16xf32>
      %select_n3A_1202 = arith.select %ne3A_1199, %gather3A_1195, %broadcast_in_dim3A_1201 : vector<16xi1>, vector<16xf32>
      %mul3A_1203 = arith.constant 3.010300e-01 : f32
      %mul3A_1204 = vector.broadcast %mul3A_1203 : f32 to vector<16xf32>
      %mul3A_1205 = arith.mulf %select_n3A_1202, %mul3A_1204 : vector<16xf32>
      %add3A_1206 = arith.addf %add3A_1178, %mul3A_1205 : vector<16xf32>
      %ne3A_1207 = vector.broadcast %scan3A : i32 to vector<16xi32>
      %ne3A_1208 = arith.cmpi ne, %while3A_964#18, %ne3A_1207 : vector<16xi32>
      %jit3A_1209 = arith.constant 0.000000e+00 : f32
      %broadcast_in_dim3A_1210 = vector.broadcast %jit3A_1209 : f32 to vector<16xf32>
      %select_n3A_1211 = arith.select %ne3A_1208, %gather3A_1197, %broadcast_in_dim3A_1210 : vector<16xi1>, vector<16xf32>
      %mul3A_1212 = arith.constant 3.010300e-01 : f32
      %mul3A_1213 = vector.broadcast %mul3A_1212 : f32 to vector<16xf32>
      %mul3A_1214 = arith.mulf %select_n3A_1211, %mul3A_1213 : vector<16xf32>
      %add3A_1215 = arith.addf %add3A_1187, %mul3A_1214 : vector<16xf32>
      %and3A_1216 = arith.constant 4095 : i32
      %and3A_1217 = vector.broadcast %and3A_1216 : i32 to vector<16xi32>
      %and3A_1218 = arith.andi %while3A_964#9, %and3A_1217 : vector<16xi32>
      %and3A_1219 = arith.constant 4095 : i32
      %and3A_1220 = vector.broadcast %and3A_1219 : i32 to vector<16xi32>
      %and3A_1221 = arith.andi %while3A_964#19, %and3A_1220 : vector<16xi32>
      %gather3A_1222 = tpu.memref_slice %arg15[%multiple_of3A_928] : memref<8192xf32, #tpu.memory_space<vmem>> -> memref<4096xf32, #tpu.memory_space<vmem>>
      %gather3A_1223 = tpu.vector_load_idx %gather3A_1222[%and3A_1218] : memref<4096xf32, #tpu.memory_space<vmem>>[vector<16xi32>], vector<16xf32>,
      %gather3A_1224 = tpu.memref_slice %arg15[%multiple_of3A_928] : memref<8192xf32, #tpu.memory_space<vmem>> -> memref<4096xf32, #tpu.memory_space<vmem>>
      %gather3A_1225 = tpu.vector_load_idx %gather3A_1224[%and3A_1221] : memref<4096xf32, #tpu.memory_space<vmem>>[vector<16xi32>], vector<16xf32>,
      %ne3A_1226 = vector.broadcast %scan3A : i32 to vector<16xi32>
      %ne3A_1227 = arith.cmpi ne, %while3A_964#9, %ne3A_1226 : vector<16xi32>
      %jit3A_1228 = arith.constant 0.000000e+00 : f32
      %broadcast_in_dim3A_1229 = vector.broadcast %jit3A_1228 : f32 to vector<16xf32>
      %select_n3A_1230 = arith.select %ne3A_1227, %gather3A_1223, %broadcast_in_dim3A_1229 : vector<16xi1>, vector<16xf32>
      %mul3A_1231 = arith.constant 0.289064825 : f32
      %mul3A_1232 = vector.broadcast %mul3A_1231 : f32 to vector<16xf32>
      %mul3A_1233 = arith.mulf %select_n3A_1230, %mul3A_1232 : vector<16xf32>
      %add3A_1234 = arith.addf %add3A_1206, %mul3A_1233 : vector<16xf32>
      %ne3A_1235 = vector.broadcast %scan3A : i32 to vector<16xi32>
      %ne3A_1236 = arith.cmpi ne, %while3A_964#19, %ne3A_1235 : vector<16xi32>
      %jit3A_1237 = arith.constant 0.000000e+00 : f32
      %broadcast_in_dim3A_1238 = vector.broadcast %jit3A_1237 : f32 to vector<16xf32>
      %select_n3A_1239 = arith.select %ne3A_1236, %gather3A_1225, %broadcast_in_dim3A_1238 : vector<16xi1>, vector<16xf32>
      %mul3A_1240 = arith.constant 0.289064825 : f32
      %mul3A_1241 = vector.broadcast %mul3A_1240 : f32 to vector<16xf32>
      %mul3A_1242 = arith.mulf %select_n3A_1239, %mul3A_1241 : vector<16xf32>
      %add3A_1243 = arith.addf %add3A_1215, %mul3A_1242 : vector<16xf32>
      %gt3A = arith.constant 0 : i32
      %gt3A_1244 = vector.broadcast %gt3A : i32 to vector<16xi32>
      %gt3A_1245 = arith.cmpi sgt, %sub3A_937, %gt3A_1244 : vector<16xi32>
      %gt3A_1246 = arith.constant 0.000000e+00 : f32
      %gt3A_1247 = vector.broadcast %gt3A_1246 : f32 to vector<16xf32>
      %gt3A_1248 = arith.cmpf ogt, %add3A_1243, %gt3A_1247 : vector<16xf32>
      %and3A_1249 = arith.andi %gt3A_1245, %gt3A_1248 : vector<16xi1>
      %lt3A_1250 = vector.broadcast %min3A_5 : i32 to vector<16xi32>
      %lt3A_1251 = arith.cmpi slt, %add3A_898, %lt3A_1250 : vector<16xi32>
      %and3A_1252 = arith.andi %and3A_1249, %lt3A_1251 : vector<16xi1>
      %jit3A_1253 = arith.constant 1.000000e+00 : f32
      %broadcast_in_dim3A_1254 = vector.broadcast %jit3A_1253 : f32 to vector<16xf32>
      %select_n3A_1255 = arith.select %and3A_1252, %add3A_1243, %broadcast_in_dim3A_1254 : vector<16xi1>, vector<16xf32>
      %div3A = arith.divf %add3A_1234, %select_n3A_1255 : vector<16xf32>
      %jit3A_1256 = arith.constant 0.000000e+00 : f32
      %broadcast_in_dim3A_1257 = vector.broadcast %jit3A_1256 : f32 to vector<16xf32>
      %select_n3A_1258 = arith.select %and3A_1252, %div3A, %broadcast_in_dim3A_1257 : vector<16xi1>, vector<16xf32>
      %add3A_1259 = arith.addf %scan3A_884, %select_n3A_1258 : vector<16xf32>
      %jit3A_1260 = arith.constant 1.000000e+00 : f32
      %jit3A_1261 = arith.constant 0.000000e+00 : f32
      %broadcast_in_dim3A_1262 = vector.broadcast %jit3A_1260 : f32 to vector<16xf32>
      %broadcast_in_dim3A_1263 = vector.broadcast %jit3A_1261 : f32 to vector<16xf32>
      %select_n3A_1264 = arith.select %and3A_1252, %broadcast_in_dim3A_1262, %broadcast_in_dim3A_1263 : vector<16xi1>, vector<16xf32>
      %add3A_1265 = arith.addf %scan3A_885, %select_n3A_1264 : vector<16xf32>
      scf.yield %add3A_1259, %add3A_1265 : vector<16xf32>, vector<16xf32>
    }
    %scan3A_878 = arith.constant 20 : i32
    %swap3A_879 = arith.constant 0 : index
    %swap3A_880 = tpu.vector_load %arg16[%swap3A_879] {strides = array<i32>} : memref<16xf32, #tpu.memory_space<vmem>>, vector<16xf32>,
    tpu.vector_store %arg16[%swap3A_879], %scan3A_877#0 {strides = array<i32>} : memref<16xf32, #tpu.memory_space<vmem>>, vector<16xf32>,
    %swap3A_881 = arith.constant 0 : index
    %swap3A_882 = tpu.vector_load %arg17[%swap3A_881] {strides = array<i32>} : memref<16xf32, #tpu.memory_space<vmem>>, vector<16xf32>,
    tpu.vector_store %arg17[%swap3A_881], %scan3A_877#1 {strides = array<i32>} : memref<16xf32, #tpu.memory_space<vmem>>, vector<16xf32>,
    "tpu.region"() ({
      %run_scoped3A = tpu.sem_alloc : memref<!tpu.dma_semaphore, #tpu.memory_space<semaphore_mem>>
      %dma_start3A_883 = arith.constant 0 : i32
      %dma_start3A_884 = tpu.memref_slice %arg5[%add3A, %dma_start3A_883] : memref<32x16xf32, #tpu.memory_space<hbm>> -> memref<1x16xf32, #tpu.memory_space<hbm>>
      %dma_start3A_885 = tpu.memref_squeeze %dma_start3A_884 : memref<1x16xf32, #tpu.memory_space<hbm>> -> memref<16xf32, #tpu.memory_space<hbm>>
      %dma_start3A_886 = arith.constant 0 : i32
      %dma_start3A_887 = tpu.memref_slice %arg5[%add3A, %dma_start3A_886] : memref<32x16xf32, #tpu.memory_space<hbm>> -> memref<1x16xf32, #tpu.memory_space<hbm>>
      %dma_start3A_888 = tpu.memref_squeeze %dma_start3A_887 : memref<1x16xf32, #tpu.memory_space<hbm>> -> memref<16xf32, #tpu.memory_space<hbm>>
      tpu.enqueue_dma source(%arg16 : memref<16xf32, #tpu.memory_space<vmem>>) target(%dma_start3A_888 : memref<16xf32, #tpu.memory_space<hbm>>) target_semaphore(%run_scoped3A : memref<!tpu.dma_semaphore, #tpu.memory_space<semaphore_mem>>)
      %dma_wait3A_889 = arith.constant 0 : i32
      %dma_wait3A_890 = tpu.memref_slice %arg5[%add3A, %dma_wait3A_889] : memref<32x16xf32, #tpu.memory_space<hbm>> -> memref<1x16xf32, #tpu.memory_space<hbm>>
      %dma_wait3A_891 = tpu.memref_squeeze %dma_wait3A_890 : memref<1x16xf32, #tpu.memory_space<hbm>> -> memref<16xf32, #tpu.memory_space<hbm>>
      %dma_wait3A_892 = arith.constant 0 : i32
      %dma_wait3A_893 = tpu.memref_slice %arg5[%add3A, %dma_wait3A_892] : memref<32x16xf32, #tpu.memory_space<hbm>> -> memref<1x16xf32, #tpu.memory_space<hbm>>
      %dma_wait3A_894 = tpu.memref_squeeze %dma_wait3A_893 : memref<1x16xf32, #tpu.memory_space<hbm>> -> memref<16xf32, #tpu.memory_space<hbm>>
      tpu.wait_dma2 semaphore(%run_scoped3A : memref<!tpu.dma_semaphore, #tpu.memory_space<semaphore_mem>>) src(%arg16 : memref<16xf32, #tpu.memory_space<vmem>>) dst(%dma_wait3A_894 : memref<16xf32, #tpu.memory_space<hbm>>)
      tpu.yield
    }) : () -> ()
    "tpu.region"() ({
      %run_scoped3A = tpu.sem_alloc : memref<!tpu.dma_semaphore, #tpu.memory_space<semaphore_mem>>
      %dma_start3A_883 = arith.constant 0 : i32
      %dma_start3A_884 = tpu.memref_slice %arg6[%add3A, %dma_start3A_883] : memref<32x16xf32, #tpu.memory_space<hbm>> -> memref<1x16xf32, #tpu.memory_space<hbm>>
      %dma_start3A_885 = tpu.memref_squeeze %dma_start3A_884 : memref<1x16xf32, #tpu.memory_space<hbm>> -> memref<16xf32, #tpu.memory_space<hbm>>
      %dma_start3A_886 = arith.constant 0 : i32
      %dma_start3A_887 = tpu.memref_slice %arg6[%add3A, %dma_start3A_886] : memref<32x16xf32, #tpu.memory_space<hbm>> -> memref<1x16xf32, #tpu.memory_space<hbm>>
      %dma_start3A_888 = tpu.memref_squeeze %dma_start3A_887 : memref<1x16xf32, #tpu.memory_space<hbm>> -> memref<16xf32, #tpu.memory_space<hbm>>
      tpu.enqueue_dma source(%arg17 : memref<16xf32, #tpu.memory_space<vmem>>) target(%dma_start3A_888 : memref<16xf32, #tpu.memory_space<hbm>>) target_semaphore(%run_scoped3A : memref<!tpu.dma_semaphore, #tpu.memory_space<semaphore_mem>>)
      %dma_wait3A_889 = arith.constant 0 : i32
      %dma_wait3A_890 = tpu.memref_slice %arg6[%add3A, %dma_wait3A_889] : memref<32x16xf32, #tpu.memory_space<hbm>> -> memref<1x16xf32, #tpu.memory_space<hbm>>
      %dma_wait3A_891 = tpu.memref_squeeze %dma_wait3A_890 : memref<1x16xf32, #tpu.memory_space<hbm>> -> memref<16xf32, #tpu.memory_space<hbm>>
      %dma_wait3A_892 = arith.constant 0 : i32
      %dma_wait3A_893 = tpu.memref_slice %arg6[%add3A, %dma_wait3A_892] : memref<32x16xf32, #tpu.memory_space<hbm>> -> memref<1x16xf32, #tpu.memory_space<hbm>>
      %dma_wait3A_894 = tpu.memref_squeeze %dma_wait3A_893 : memref<1x16xf32, #tpu.memory_space<hbm>> -> memref<16xf32, #tpu.memory_space<hbm>>
      tpu.wait_dma2 semaphore(%run_scoped3A : memref<!tpu.dma_semaphore, #tpu.memory_space<semaphore_mem>>) src(%arg17 : memref<16xf32, #tpu.memory_space<vmem>>) dst(%dma_wait3A_894 : memref<16xf32, #tpu.memory_space<hbm>>)
      tpu.yield
    }) : () -> ()
    return
  }
}

</mosaic_0001>

<sc_bundles>
// kernel: kernel.3.cloned.1.call-start
scs
__scs_entry_jumppad:
0x0: {  	(pc) =	sbr.rel $0x88, $3  }
0x1: {  	(tag) =	ssettag $0x0;
	lr =	simm.s32 $0x1  }
0x2: {  	[smem:$0x3F9E] =	sst lr;
	_ =	strace $0xD0000000  }
0x3: {  	_ = 	snop  }
0x4: {  	_ = 	snop  }
0x5: {  	_ = 	snop  }
0x6: {  	_ = 	snop  }
0x7: {  	_ = 	snop  }
__scs_overlays_trampoline_lowered:
0x8: {  	[smem:$0x3FAD] =	sst s0  }
0x9: {  	[smem:$0x3FAE] =	sst s1  }
0xa: {  	[smem:$0x3FAF] =	sst s2  }
0xb: {  	[smem:$0x3FB0] =	sst s3  }
0xc: {  	[smem:$0x3FB1] =	sst s4  }
0xd: {  	[smem:$0x3FB2] =	sst s5  }
0xe: {  	[smem:$0x3FB3] =	sst s6  }
0xf: {  	[smem:$0x3FB4] =	sst s7  }
0x10: {  	[smem:$0x3FB5] =	sst s8  }
0x11: {  	[smem:$0x3FB6] =	sst s9;
	s0 =	simm.s32 @!p0 $0x0  }
0x12: {  	s1 =	sld [smem:$0x3F9C];
	s0 =	simm.s32 @p0 $0x1  }
0x13: {  	[smem:$0x3FB7] =	sst s0;
	s0 =	simm.s32 @!p1 $0x0  }
0x14: {  	s2 =	sld [smem:$0x3F9B];
	s0 =	simm.s32 @p1 $0x1  }
0x15: {  	[smem:$0x3FB8] =	sst s0;
	s0 =	simm.s32 @!p2 $0x0  }
0x16: {  	s3 =	sld [smem:$0x3FDB];
	s0 =	simm.s32 @p2 $0x1  }
0x17: {  	s4 =	simm.s32 $0x1BF5;
	[smem:$0x3FBA] =	sst s0  }
0x18: {  	s0 =	sld [smem:$0x3F9D];
	_ =	swait.ge [sflag:s4], $0x0  }
0x19: {  	s7 =	sld [smem:$0x3F9E]  }
0x1a: {  	s8 =	sadd.s32 $0xFFFFE003, lr  }
0x1b: {  	s9 =	sadd.s32 $0xFFFFFEF7, lr;
	s5 =	simm.s32 $0xFFFFFFFF;
	p2 =	slt.u32 s8, $0xFFFFF086  }
0x1c: {  	p1 =	slt.u32 s9, $0xF7A;
	s5 =	simm.s32 @!p2 $0x0  }
0x1d: {  	s5 =	simm.s32 @p1 $0x1;
	p0 =	seq.s32 s7, s2  }
0x1e: {  	s7 =	smul.u32 @!p0 $0xF7A, s2;
	p2 =	seq.s32 @!p0 s5, $0x0  }
0x1f: {  	s9 =	smul.u32 $0xF7A, s1;
	s8 =	simm.s32 @!p0 $0x1BF5;
	p2 =	por !p2, p0  }
0x20: {  	[sflag:s8] =	ssyncset.s32 @!p0 $0xFFFFF086;
	s6 =	sadd.s32 @!p0 s3, s7;
	s7 =	simm.s32 @!p0 $0x108  }
0x21: {  	s3 =	sadd.s32 s3, s9;
	s6 =	sadd.s32 @!p0 $0x88, s6;
	s7 =	simm.s32 @p2 $0x1082  }
0x22: {  	[simem:s7], [sflag:s8] =	dma.local @!p0 [hbm:s6], $0xF7A  }
0x23: {  	s9 =	sor.u32 $0xD0000000, s2;
	s6 =	simm.s32 $0x108;
	_ =	swait.ge @!p0 [sflag:s8], $0x0  }
0x24: {  	s3 =	sadd.s32 $0x88, s3;
	s6 =	simm.s32 @!p1 $0x1082;
	[sflag:s4] =	ssyncset.s32 $0xFFFFF086  }
0x25: {  	[simem:s6], [sflag:s4] =	dma.local [hbm:s3], $0xF7A  }
0x26: {  	[smem:$0x3F9E] =	sst s1;
	(tag) =	ssettag s2;
	_ =	strace s9  }
0x27: {  	s1 =	sld [smem:$0x3FAE]  }
0x28: {  	s2 =	sld [smem:$0x3FAF]  }
0x29: {  	s4 =	sld [smem:$0x3FB1]  }
0x2a: {  	p0 =	seq.s32 s5, $0x0;
	s5 =	sld [smem:$0x3FB2]  }
0x2b: {  	s6 =	sld [smem:$0x3FB3]  }
0x2c: {  	s7 =	sld [smem:$0x3FB4]  }
0x2d: {  	s3 =	simm.s32 $0x108;
	s8 =	sld [smem:$0x3FB5]  }
0x2e: {  	s3 =	simm.s32 @!p0 $0x1082;
	s9 =	sld [smem:$0x3FB6]  }
0x2f: {  	lr =	sadd.s32 s0, s3;
	s0 =	sld [smem:$0x3FAD]  }
0x30: {  	s3 =	sld [smem:$0x3FB0]  }
0x31: {  	[smem:$0x3FB9] =	sst s10  }
0x32: {  	s10 =	sld [smem:$0x3FB7];
	_ =	sdelay $0x3  }
0x33: {  	p0 =	seq.s32 s10, $0x1;
	s10 =	sld [smem:$0x3FB9];
	_ =	sdelay $0x3  }
0x34: {  	[smem:$0x3FB9] =	sst s10  }
0x35: {  	s10 =	sld [smem:$0x3FB8];
	_ =	sdelay $0x3  }
0x36: {  	p1 =	seq.s32 s10, $0x1;
	s10 =	sld [smem:$0x3FB9];
	_ =	sdelay $0x3  }
0x37: {  	[smem:$0x3FB9] =	sst s10  }
0x38: {  	s10 =	sld [smem:$0x3FBA]  }
0x39: {  	_ = 	snop;
	(pc) =	sbr.ind lr, $3  }
0x3a: {  	_ = 	snop  }
0x3b: {  	_ = 	snop  }
0x3c: {  	p2 =	seq.s32 s10, $0x1;
	s10 =	sld [smem:$0x3FB9]  }
0x3d: {  	_ =	shalt  }
0x3e: {  	_ =	shalt  }
0x3f: {  	_ =	shalt  }
0x40: {  	_ =	shalt  }
0x41: {  	_ =	shalt  }
0x42: {  	_ =	shalt  }
0x43: {  	_ =	shalt  }
0x44: {  	_ =	shalt  }
0x45: {  	_ =	shalt  }
0x46: {  	_ =	shalt  }
0x47: {  	_ =	shalt  }
0x48: {  	_ =	shalt  }
0x49: {  	_ =	shalt  }
0x4a: {  	_ =	shalt  }
0x4b: {  	_ =	shalt  }
0x4c: {  	_ =	shalt  }
0x4d: {  	_ =	shalt  }
0x4e: {  	_ =	shalt  }
0x4f: {  	_ =	shalt  }
0x50: {  	_ =	shalt  }
0x51: {  	_ =	shalt  }
0x52: {  	_ =	shalt  }
0x53: {  	_ =	shalt  }
0x54: {  	_ =	shalt  }
0x55: {  	_ =	shalt  }
0x56: {  	_ =	shalt  }
0x57: {  	_ =	shalt  }
0x58: {  	_ =	shalt  }
0x59: {  	_ =	shalt  }
0x5a: {  	_ =	shalt  }
0x5b: {  	_ =	shalt  }
0x5c: {  	_ =	shalt  }
0x5d: {  	_ =	shalt  }
0x5e: {  	_ =	shalt  }
0x5f: {  	_ =	shalt  }
0x60: {  	_ =	shalt  }
0x61: {  	_ =	shalt  }
0x62: {  	_ =	shalt  }
0x63: {  	_ =	shalt  }
0x64: {  	_ =	shalt  }
0x65: {  	_ =	shalt  }
0x66: {  	_ =	shalt  }
0x67: {  	_ =	shalt  }
0x68: {  	_ =	shalt  }
0x69: {  	_ =	shalt  }
0x6a: {  	_ =	shalt  }
0x6b: {  	_ =	shalt  }
0x6c: {  	_ =	shalt  }
0x6d: {  	_ =	shalt  }
0x6e: {  	_ =	shalt  }
0x6f: {  	_ =	shalt  }
0x70: {  	_ =	shalt  }
0x71: {  	_ =	shalt  }
0x72: {  	_ =	shalt  }
0x73: {  	_ =	shalt  }
0x74: {  	_ =	shalt  }
0x75: {  	_ =	shalt  }
0x76: {  	_ =	shalt  }
0x77: {  	_ =	shalt  }
0x78: {  	_ =	shalt  }
0x79: {  	_ =	shalt  }
0x7a: {  	_ =	shalt  }
0x7b: {  	_ =	shalt  }
0x7c: {  	_ =	shalt  }
0x7d: {  	_ =	shalt  }
0x7e: {  	_ =	shalt  }
0x7f: {  	_ =	shalt  }
0x80: {  	_ =	shalt  }
0x81: {  	_ =	shalt  }
0x82: {  	_ =	shalt  }
0x83: {  	_ =	shalt  }
0x84: {  	_ =	shalt  }
0x85: {  	_ =	shalt  }
0x86: {  	_ =	shalt  }
0x87: {  	_ =	shalt  }
.Lfunc_end0:
.L_simem_size_0:
called_computation_lowered:
.L_overlay_start_0:
0x88: {  	s2 =	sld [smem:$0x3FD9]  }
0x89: {  	s3 =	sld [smem:$0x3FFE];
	_ =	sdelay $0x1  }
0x8a: {  	s1 =	srdreg.scid  }
0x8b: {  	s0 =	sand.u32 $0x1, s1  }
0x8c: {  	s17 =	sshll.u32 s0, $0xA;
	s2 =	sadd.s32 s3, s2  }
0x8d: {  	s2 =	sadd.s32 s2, s17  }
0x8e: {  	[smem:$0x3FC5] =	sst s2  }
0x8f: {  	_ = 	snop  }
0x90: {  	s2 =	sld [smem:$0x3FC9]  }
0x91: {  	s18 =	sld [smem:$0x3FC8]  }
0x92: {  	s4 =	sld [smem:$0x3FC7];
	(tm) =	ssettm $0x1  }
0x93: {  	s5 =	sld [smem:$0x3FFB];
	_ =	sdelay $0x3  }
0x94: {  	_ =	strace s5  }
0x95: {  	s5 =	sld [smem:$0x3FFC];
	_ =	sdelay $0x3  }
0x96: {  	_ =	strace s5  }
0x97: {  	s5 =	sld [smem:$0x3FFD];
	_ =	sdelay $0x3  }
0x98: {  	_ =	strace s5  }
0x99: {  	_ =	strace $0x8FFFFFFF  }
0x9a: {  	s19 =	sld [smem:$0x3FDB];
	_ =	sdelay $0x1  }
0x9b: {  	s6 =	simm.s32 $_scs_section_size  }
0x9c: {  	s7 =	simm.s32 $_size__tile_overlayer_lowered;
	s8 =	simm.s32 $_tile_overlayer_lowered  }
0x9d: {  	s22 =	simm.s32 $0x1BFF;
	s21 =	sshll.u32 s8, $0x1;
	s5 =	sadd.s32 s6, s19  }
0x9e: {  	s9 =	simm.s32 $0x0;
	s20 =	sshll.u32 s7, $0x1;
	s7 =	sadd.s32 s21, s5  }
0x9f: {  	[timem:s9], [sflag:s22] =	dma.local [hbm:s7], s20  }
0xa0: {  	_ =	swait.ge [sflag:s22], s20  }
0xa1: {  	s6 =	ssub.s32 $0x0, s20;
	[sflag:s22] =	ssyncset.done $0x0  }
0xa2: {  	[sflag:s22] =	ssyncadd.s32 s6;
	_ =	sdelay $0x1  }
0xa3: {  	s23 =	simm.s32 $0x1B8B  }
0xa4: {  	_ =	swait.ge [sflag:s23], $0x1  }
0xa5: {  	[sflag:s23] =	ssyncset.done $0x0  }
0xa6: {  	s25 =	simm.s32 $0x1B8E;
	s24 =	sld [smem:$0x3FFE];
	[sflag:s23] =	ssyncadd.s32 $0xFFFFFFFF  }
0xa7: {  	s26 =	simm.s32 $execute0_lowered;
	[smem:$0x3FD2] =	sst s25  }
0xa8: {  	s7 =	sshll.u32 s26, $0x1;
	_ =	strace $0x80000046;
	[dreg:$0x1] =	wrdreg $0xFFFFFFFF  }
0xa9: {  	s28 =	simm.s32 $_size_execute0_lowered;
	s5 =	sadd.s32 s5, s7;
	[dreg:$0x0] =	wrdreg $0x0  }
0xaa: {  	s7 =	sshll.u32 s28, $0x1;
	[dreg:$0x2] =	wrdreg s5  }
0xab: {  	[dreg:$0x3] =	wrdreg s7  }
0xac: {  	[dreg:$0x4] =	wrdreg $0xC0  }
0xad: {  	_ =	task [dreg:s9], $0x5FFFF  }
0xae: {  	[dreg:$0x1] =	wrdreg $0xFFFFFFFF  }
0xaf: {  	[dreg:$0x0] =	wrdreg $0x60  }
0xb0: {  	[dreg:$0x2] =	wrdreg s2  }
0xb1: {  	[dreg:$0x3] =	wrdreg s18  }
0xb2: {  	[dreg:$0x4] =	wrdreg s4  }
0xb3: {  	[dreg:$0x5] =	wrdreg s24  }
0xb4: {  	[dreg:$0x6] =	wrdreg $0x9  }
0xb5: {  	_ =	task.clear_ibuf [dreg:s9], $0x7FFFF;
	_ =	strace $0x90000046  }
0xb6: {  	s29 =	simm.s32 $0x9;
	_ =	strace $0x80000048  }
0xb7: {  	_ =	swait.ge [sflag:s29], $0x1  }
0xb8: {  	[sflag:s29] =	ssyncadd.s32 $0xFFFFFFFF  }
0xb9: {  	_ =	strace $0x90000048  }
0xba: {  	_ =	sfence  }
0xbb: {  	s30 =	sld [smem:$0x0];
	_ =	sdelay $0x2  }
0xbc: {  	s31 =	sshll.u32 s1, $0xD;
	s1 =	sshrl.u32 s1, $0x2  }
0xbd: {  	s3 =	sand.u32 $0x4000, s31;
	s1 =	sadd.s32 s1, s30  }
0xbe: {  	s0 =	sor.u32 s3, s0;
	s1 =	sshll.u32 s1, $0x11  }
0xbf: {  	s0 =	sor.u32 s1, s0  }
0xc0: {  	s0 =	sadd.s32 $0x8F2B, s0  }
0xc1: {  	[sflag:s0] =	ssyncadd.remote.s32 $0x1  }
0xc2: {  	_ =	sfence.sel $0xFFFF  }
0xc3: {  	[dreg:$0x0] =	wrdreg $0xFFFFFFFF;
	(pc) =	sbr.abs _section_cstart, $3  }
0xc4: {  	[dreg:$0x1] =	wrdreg $0xFFFFFFFF  }
0xc5: {  	_ =	task.clear_ibuf [dreg:s9], $0x2FFFF;
	_ =	strace $0x9FFFFFFF  }
0xc6: {  	(tm) =	ssettm $0x7FFFFFFF  }
0xc7: {  	_ =	shalt  }
tec
execute0_lowered:
.L_overlay_start_1:
0x0: {  	(tag) =	ssettag $0x1  }
0x1: {  	s0 =	srdreg.scid;
	s5 =	stileid.u32  }
0x2: {  	s0 =	sand.u32 $0x1, s0;
	s5 =	sshll.u32 s5, $0x1  }
0x3: {  	s1 =	rddreg [dreg:$0x0];
	s7 =	sor.u32 s0, s5  }
0x4: {  	s2 =	rddreg [dreg:$0x1];
	s6 =	smul.u32 $0x139, s7  }
0x5: {  	s4 =	rddreg [dreg:$0x2];
	s5 =	simm.s32 $0x0  }
0x6: {  	[smem:$0x7FF] =	sst s5;
	s11 =	smin.u32 s6, $0x25D7;
	s12 =	sadd.s32 $0x14F, s6;
	v0 =	vmov s6  }
0x7: {  	s3 =	rddreg [dreg:$0x3];
	v57 =	vlaneseq.u32;
	_ =	strace $0x80000047;
	s11 =	sadd.s32 $0x139, s11;
	[tilespmem:$0x1FEE0] =	vst v0;
	v0 =	vmov s12  }
0x8: {  	[tilespmem:$0x1FEF0] =	vst v0;
	v0 =	vmul.u32 $0x1E85, v57;
	v1 =	vmov s11  }
0x9: {  	[tilespmem:$0x1FF00] =	vst v1  }
0xa: {  	s0 =	ssub.s32 $0x2, s0;
	v1 =	vadd.s32 $0x1E850, v0;
	[tilespmem:$0x1FF70] =	vst v0  }
0xb: {  	s28 =	simm.s32 $0x600;
	s8 =	sshrl.u32 s0, $0x1;
	s7 =	sshll.u32 s7, $0x4;
	[tilespmem:$0x1FF10] =	vst v1;
	v1 =	vadd.s32 $0x3D0A0, v0  }
0xc: {  	s29 =	simm.s32 $0x0;
	s0 =	ssub.s32 s0, s8;
	s7 =	sadd.s32 s3, s7;
	[tilespmem:$0x1FF20] =	vst v1;
	v1 =	vadd.s32 $0x5B8F0, v0  }
0xd: {  	s9 =	sadd.s32 $0x10, s6;
	s13 =	sadd.s32 $0x20, s6;
	s10 =	sadd.s32 $0x30, s6;
	[tilespmem:$0x1FF30] =	vst v1;
	v1 =	vadd.s32 $0x7A140, v0  }
0xe: {  	s14 =	sadd.s32 $0x50, s6;
	s15 =	sadd.s32 $0x60, s6;
	s16 =	sadd.s32 $0x80, s6;
	[tilespmem:$0x1FF40] =	vst v1;
	v1 =	vadd.s32 $0x98990, v0  }
0xf: {  	v3 =	vadd.s32 s6, v57;
	s17 =	sadd.s32 $0x90, s6;
	s18 =	sadd.s32 $0xA0, s6;
	s19 =	sadd.s32 $0xB0, s6;
	v4 =	vadd.s32 s9, v57;
	[tilespmem:$0x1FF50] =	vst v1;
	v1 =	vadd.s32 $0xB71E0, v0  }
0x10: {  	s20 =	sadd.s32 $0xC0, s6;
	s21 =	sadd.s32 $0xD0, s6;
	s22 =	sadd.s32 $0xE0, s6;
	v5 =	vadd.s32 s13, v57;
	v6 =	vadd.s32 s10, v57;
	v0 =	vadd.s32 $0xD5A30, v0;
	[tilespmem:$0x1FF60] =	vst v1  }
0x11: {  	s23 =	sadd.s32 $0xF0, s6;
	s24 =	sadd.s32 $0x100, s6;
	s25 =	sadd.s32 $0x110, s6;
	v8 =	vadd.s32 s14, v57;
	v9 =	vadd.s32 s15, v57;
	[tilespmem:$0x1FF80] =	vst v0;
	v0 =	vor.u32 $0x10, v57  }
0x12: {  	s26 =	sadd.s32 $0x120, s6;
	s30 =	sadd.s32 $0x130, s6;
	s31 =	sadd.s32 $0x140, s6;
	v11 =	vadd.s32 s16, v57;
	v12 =	vadd.s32 s17, v57;
	[tilespmem:$0x1FF90] =	vst v0;
	v0 =	vor.u32 $0x20, v57  }
0x13: {  	s8 =	sadd.s32 $0x200, s7;
	s12 =	sadd.s32 $0x40, s6;
	s13 =	sadd.s32 $0x70, s6;
	v13 =	vadd.s32 s18, v57;
	v14 =	vadd.s32 s19, v57;
	[tilespmem:$0x1FFA0] =	vst v0;
	v0 =	vor.u32 $0x30, v57  }
.Ltmp0:
0x14: {  	v15 =	vadd.s32 s20, v57;
	v16 =	vadd.s32 s21, v57;
	s9 =	smax.u32 s0, $0x1;
	s10 =	simm.s32 $0x80;
	[tilespmem:$0x1FFB0] =	vst v0;
	v0 =	vor.u32 $0x40, v57;
	(pc) =	sbr.rel .LBB2_1-.Ltmp0, $4  }
0x15: {  	v17 =	vadd.s32 s22, v57;
	v18 =	vadd.s32 s23, v57;
	s14 =	simm.s32 $0x800;
	s15 =	simm.s32 $0x2;
	s19 =	simm.s32 $0x3;
	[tilespmem:$0x1FFC0] =	vst v0;
	v0 =	vor.u32 $0x50, v57  }
0x16: {  	v19 =	vadd.s32 s24, v57;
	v21 =	vadd.s32 s25, v57;
	s21 =	simm.s32 $0x70;
	s22 =	simm.s32 $0x300;
	s23 =	simm.s32 $0x500;
	[tilespmem:$0x1FFD0] =	vst v0;
	v0 =	vor.u32 $0x60, v57  }
0x17: {  	v22 =	vadd.s32 s26, v57;
	v23 =	vadd.s32 s30, v57;
	s24 =	simm.s32 $0x380;
	s25 =	simm.s32 $0x580;
	s26 =	simm.s32 $0x400;
	[tilespmem:$0x1FFE0] =	vst v0;
	v0 =	vor.u32 $0x70, v57  }
0x18: {  	v24 =	vadd.s32 s31, v57;
	v7 =	vadd.s32 s12, v57;
	v10 =	vadd.s32 s13, v57;
	s11 =	simm.s32 $0x700;
	s12 =	simm.s32 $0x780;
	s13 =	simm.s32 $0x1;
	[tilespmem:$0x1FFF0] =	vst v0  }
.LBB2_19:
0x19: {  	[tilespmem:$0x16800] =	vst v43  }
0x1a: {  	[tilespmem:$0x16880] =	vst v42;
	s0 =	simm.s32 $0x16800  }
0x1b: {  	[hbm4b:s7+s5] =	stream.linear.scatter [tilespmem:s0], [sflag:$0x3], $0x80, $0x38;
	[tilespmem:$0x16900] =	vst v63  }
0x1c: {  	s29 =	sadd.s32 $0x1, s29;
	_ =	swait.ge [sflag:s19], $0x80  }
0x1d: {  	p0 =	sne.s32 s29, s9;
	[sflag:s19] =	ssyncset.done $0x0  }
.Ltmp1:
0x1e: {  	s31 =	simm.s32 $0x16880;
	[sflag:s19] =	ssyncadd.s32 $0xFFFFFF80;
	(pc) =	sbr.rel @!p0 .LBB2_20-.Ltmp1, $4  }
0x1f: {  	[hbm4b:s8+s5] =	stream.linear.scatter [tilespmem:s31], [sflag:$0x3], $0x80, $0x38;
	[tilespmem:$0x16900] =	vst v63  }
0x20: {  	_ =	swait.ge [sflag:s19], $0x80  }
0x21: {  	[sflag:s19] =	ssyncset.done $0x0  }
0x22: {  	[sflag:s19] =	ssyncadd.s32 $0xFFFFFF80  }
.LBB2_1:
0x23: {  	v0 =	vld [tilespmem:$0x1FF70];
	_ =	sdelay $0x4  }
0x24: {  	[tilespmem:$0x700] =	vst v0;
	v0 =	vld [tilespmem:$0x1FF10];
	_ =	sdelay $0x4  }
0x25: {  	[tilespmem:$0x710] =	vst v0;
	v0 =	vld [tilespmem:$0x1FF20];
	_ =	sdelay $0x4  }
0x26: {  	[tilespmem:$0x720] =	vst v0;
	v0 =	vld [tilespmem:$0x1FF30];
	_ =	sdelay $0x4  }
0x27: {  	[tilespmem:$0x730] =	vst v0;
	v0 =	vld [tilespmem:$0x1FF40];
	_ =	sdelay $0x4  }
0x28: {  	[tilespmem:$0x740] =	vst v0;
	v0 =	vld [tilespmem:$0x1FF50];
	_ =	sdelay $0x4  }
0x29: {  	[tilespmem:$0x750] =	vst v0;
	v0 =	vld [tilespmem:$0x1FF60];
	_ =	sdelay $0x4  }
0x2a: {  	[tilespmem:$0x760] =	vst v0;
	v0 =	vld [tilespmem:$0x1FF80];
	_ =	sdelay $0x4  }
0x2b: {  	[tilespmem:$0x770] =	vst v0  }
0x2c: {  	[tilespmem:s12], [sflag:$0x1] =	stream.indirect.gather [hbm4b:s4+s10], $0x1, s11, s10, $0xb8;
	[tilespmem:$0x16900] =	vst v63  }
0x2d: {  	_ =	swait.ge [sflag:s13], $0x80  }
0x2e: {  	[sflag:s13] =	ssyncset.done $0x0;
	v2 =	vld [tilespmem:$0x1FEE0]  }
0x2f: {  	v25 =	vld [tilespmem:$0x1FEF0];
	[sflag:s13] =	ssyncadd.s32 $0xFFFFFF80  }
0x30: {  	v0 =	vld [tilespmem:$0x780]  }
0x31: {  	v1 =	vld [tilespmem:$0x790]  }
0x32: {  	v20 =	vld [tilespmem:$0x7A0]  }
0x33: {  	v26 =	vld [tilespmem:$0x7B0]  }
0x34: {  	v29 =	vld [tilespmem:$0x7D0];
	_ =	sdelay $0x1  }
0x35: {  	v30 =	vimm.s32 $0x0  }
0x36: {  	vm0 =	vlt.s32 v0, v2;
	vm14 =	vlt.s32 v1, v2;
	vm1 =	vlt.s32 v0, v25  }
0x37: {  	v52 =	vld [tilespmem:$0x7E0];
	vm15 =	vlt.s32 v1, v25;
	vm4 =	vlt.s32 v20, v2;
	vm5 =	vlt.s32 v20, v25  }
0x38: {  	v1 =	vld [tilespmem:$0x7C0];
	vm6 =	vlt.s32 v26, v2;
	vm7 =	vlt.s32 v26, v25;
	vm10 =	vlt.s32 v29, v2  }
0x39: {  	vm11 =	vlt.s32 v29, v25;
	v27 =	vsel vm0, $0x1, v30;
	v0 =	vsel vm14, $0x1, v30  }
0x3a: {  	v28 =	vsel vm1, $0x1, v30;
	v0 =	vadd.s32 v27, v0;
	v27 =	vsel vm15, $0x1, v30  }
0x3b: {  	v20 =	vsel vm4, $0x1, v30;
	v51 =	vsel vm5, $0x1, v30;
	v27 =	vadd.s32 v28, v27  }
0x3c: {  	vm12 =	vlt.s32 v52, v2;
	v0 =	vadd.s32 v20, v0;
	v20 =	vadd.s32 v51, v27  }
0x3d: {  	v27 =	vsel vm6, $0x1, v30;
	vm8 =	vlt.s32 v1, v2;
	vm9 =	vlt.s32 v1, v25;
	v1 =	vld [tilespmem:$0x7F0]  }
0x3e: {  	vm13 =	vlt.s32 v52, v25;
	v26 =	vsel vm7, $0x1, v30;
	v0 =	vadd.s32 v27, v0  }
0x3f: {  	v20 =	vadd.s32 v26, v20;
	v27 =	vsel vm8, $0x1, v30;
	v26 =	vsel vm9, $0x1, v30  }
0x40: {  	v0 =	vadd.s32 v27, v0;
	v20 =	vadd.s32 v26, v20;
	v26 =	vsel vm10, $0x1, v30  }
0x41: {  	v27 =	vsel vm11, $0x1, v30;
	v0 =	vadd.s32 v26, v0;
	v26 =	vsel vm12, $0x1, v30  }
0x42: {  	v20 =	vadd.s32 v27, v20;
	v0 =	vadd.s32 v26, v0;
	vm14 =	vlt.s32 v1, v2  }
0x43: {  	v26 =	vsel vm13, $0x1, v30;
	vm15 =	vlt.s32 v1, v25;
	v27 =	vsel vm14, $0x1, v30  }
0x44: {  	v1 =	vadd.s32 v26, v20;
	v20 =	vsel vm15, $0x1, v30;
	v0 =	vadd.s32 v27, v0  }
0x45: {  	v1 =	vadd.s32 v20, v1;
	(xrf0) =	vadd.scan.msk.s32 $0xffff, v0  }
0x46: {  	(xrf0) =	vadd.scan.msk.s32 $0xffff, v1;
	_ =	sdelay $0x4  }
0x47: {  	v0, _, _ =	vpop (xrf0)  }
0x48: {  	(v2sf) =	vpush v0, $0xF;
	v0, _, _ =	vpop (xrf0)  }
0x49: {  	(v2sf) =	vpush v0, $0xF;
	_ =	sdelay $0xd  }
0x4a: {  	s3 =	spop (v2sf)  }
0x4b: {  	s16 =	spop (v2sf)  }
0x4c: {  	s3 =	sadd.s32 $0xFFFFFFFF, s3;
	s0 =	smul.u32 $0x1E85, s16  }
0x4d: {  	p0 =	sgt.s32 s3, $0x0  }
0x4e: {  	s3 =	simm.s32 @!p0 $0x0;
	p1 =	slt.s32 s0, $0xF423F  }
0x4f: {  	p0 =	slt.s32 s16, $0x80;
	s3 =	smul.u32 $0x1E85, s3;
	s0 =	simm.s32 @!p1 $0xF423F  }
0x50: {  	s0 =	simm.s32 @!p0 $0xF4240  }
0x51: {  	v20 =	vld [tilespmem:$0x1FFA0];
	s30 =	ssub.s32 s0, s3  }
0x52: {  	s16 =	sadd.s32 $0x7F, s30  }
0x53: {  	s16 =	sshrl.u32 s16, $0x7  }
0x54: {  	s16 =	smax.u32 s16, $0x1  }
0x55: {  	v0 =	vmul.u32 s16, v57  }
0x56: {  	v1 =	vld [tilespmem:$0x1FF90];
	v20 =	vmul.u32 s16, v20  }
0x57: {  	v26 =	vld [tilespmem:$0x1FFB0];
	v0 =	vadd.s32 s3, v0  }
0x58: {  	v20 =	vadd.s32 s3, v20;
	vm4 =	vlt.s32 v0, $0xF423F  }
0x59: {  	v27 =	vld [tilespmem:$0x1FFC0];
	vm6 =	vlt.s32 v20, $0xF423F;
	v0 =	vnsel vm4, $0xF423F, v0  }
0x5a: {  	[tilespmem:$0x700] =	vst v0;
	v0 =	vnsel vm6, $0xF423F, v20;
	v20 =	vld [tilespmem:$0x1FFD0]  }
0x5b: {  	v1 =	vmul.u32 s16, v1  }
0x5c: {  	v26 =	vmul.u32 s16, v26  }
0x5d: {  	v1 =	vadd.s32 s3, v1  }
0x5e: {  	v27 =	vmul.u32 s16, v27;
	v26 =	vadd.s32 s3, v26;
	vm5 =	vlt.s32 v1, $0xF423F  }
0x5f: {  	vm7 =	vlt.s32 v26, $0xF423F;
	v1 =	vnsel vm5, $0xF423F, v1;
	v20 =	vmul.u32 s16, v20  }
0x60: {  	[tilespmem:$0x710] =	vst v1;
	v1 =	vnsel vm7, $0xF423F, v26;
	v26 =	vadd.s32 s3, v27;
	v27 =	vld [tilespmem:$0x1FFE0]  }
0x61: {  	[tilespmem:$0x720] =	vst v0;
	v0 =	vadd.s32 s3, v20;
	v20 =	vld [tilespmem:$0x1FFF0];
	_ =	sdelay $0x3  }
0x62: {  	v27 =	vmul.u32 s16, v27  }
0x63: {  	vm8 =	vlt.s32 v26, $0xF423F;
	v20 =	vmul.u32 s16, v20  }
0x64: {  	[tilespmem:$0x730] =	vst v1;
	v1 =	vnsel vm8, $0xF423F, v26;
	v26 =	vadd.s32 s3, v27;
	vm9 =	vlt.s32 v0, $0xF423F  }
0x65: {  	[tilespmem:$0x740] =	vst v1;
	vm10 =	vlt.s32 v26, $0xF423F;
	v0 =	vnsel vm9, $0xF423F, v0;
	v1 =	vadd.s32 s3, v20  }
0x66: {  	[tilespmem:$0x750] =	vst v0;
	v0 =	vnsel vm10, $0xF423F, v26;
	vm11 =	vlt.s32 v1, $0xF423F  }
0x67: {  	[tilespmem:$0x760] =	vst v0;
	v0 =	vnsel vm11, $0xF423F, v1  }
0x68: {  	[tilespmem:$0x770] =	vst v0  }
0x69: {  	[tilespmem:s12], [sflag:$0x1] =	stream.indirect.gather [hbm4b:s4+s10], $0x1, s11, s10, $0xb8;
	[tilespmem:$0x16900] =	vst v63  }
0x6a: {  	_ =	swait.ge [sflag:s13], $0x80  }
0x6b: {  	[sflag:s13] =	ssyncset.done $0x0  }
0x6c: {  	[sflag:s13] =	ssyncadd.s32 $0xFFFFFF80  }
0x6d: {  	v0 =	vld [tilespmem:$0x780]  }
0x6e: {  	v1 =	vld [tilespmem:$0x790]  }
0x6f: {  	v20 =	vld [tilespmem:$0x7A0]  }
0x70: {  	v26 =	vld [tilespmem:$0x7B0];
	_ =	sdelay $0x2  }
0x71: {  	vm12 =	vlt.s32 v0, v2  }
0x72: {  	vm13 =	vlt.s32 v0, v25;
	vm14 =	vlt.s32 v1, v2;
	vm15 =	vlt.s32 v1, v25  }
0x73: {  	v1 =	vld [tilespmem:$0x7C0];
	vm4 =	vlt.s32 v20, v2;
	vm5 =	vlt.s32 v20, v25;
	vm6 =	vlt.s32 v26, v2  }
0x74: {  	v20 =	vld [tilespmem:$0x7D0];
	vm7 =	vlt.s32 v26, v25;
	v27 =	vsel vm12, $0x1, v30;
	v0 =	vsel vm13, $0x1, v30  }
0x75: {  	v26 =	vld [tilespmem:$0x7E0];
	v53 =	vsel vm14, $0x1, v30;
	v54 =	vsel vm15, $0x1, v30;
	v55 =	vsel vm4, $0x1, v30  }
0x76: {  	v56 =	vsel vm5, $0x1, v30;
	v58 =	vsel vm6, $0x1, v30;
	v27 =	vadd.s32 v27, v53  }
0x77: {  	v59 =	vsel vm7, $0x1, v30;
	v0 =	vadd.s32 v0, v54;
	v27 =	vadd.s32 v55, v27  }
0x78: {  	v0 =	vadd.s32 v56, v0;
	vm8 =	vlt.s32 v1, v2;
	vm9 =	vlt.s32 v1, v25;
	v1 =	vld [tilespmem:$0x7F0]  }
0x79: {  	v27 =	vadd.s32 v58, v27;
	v0 =	vadd.s32 v59, v0;
	vm10 =	vlt.s32 v20, v2  }
0x7a: {  	vm11 =	vlt.s32 v20, v25;
	vm12 =	vlt.s32 v26, v2;
	vm13 =	vlt.s32 v26, v25  }
0x7b: {  	v60 =	vsel vm8, $0x1, v30;
	v61 =	vsel vm9, $0x1, v30;
	v62 =	vsel vm10, $0x1, v30  }
0x7c: {  	v20 =	vsel vm11, $0x1, v30;
	v63 =	vsel vm12, $0x1, v30;
	v27 =	vadd.s32 v60, v27  }
0x7d: {  	v0 =	vadd.s32 v61, v0;
	v27 =	vadd.s32 v62, v27;
	vm14 =	vlt.s32 v1, v2  }
0x7e: {  	v0 =	vadd.s32 v20, v0;
	v26 =	vadd.s32 v63, v27;
	v27 =	vsel vm14, $0x1, v30  }
0x7f: {  	v20 =	vsel vm13, $0x1, v30;
	vm15 =	vlt.s32 v1, v25;
	v1 =	vadd.s32 v27, v26  }
0x80: {  	v0 =	vadd.s32 v20, v0;
	v20 =	vsel vm15, $0x1, v30;
	(xrf0) =	vadd.scan.msk.s32 $0xffff, v1  }
0x81: {  	v0 =	vadd.s32 v20, v0  }
0x82: {  	(xrf0) =	vadd.scan.msk.s32 $0xffff, v0;
	_ =	sdelay $0x3  }
0x83: {  	v0, _, _ =	vpop (xrf0)  }
0x84: {  	(v2sf) =	vpush v0, $0xF  }
0x85: {  	v0, _, _ =	vpop (xrf0)  }
0x86: {  	(v2sf) =	vpush v0, $0xF;
	_ =	sdelay $0xc  }
0x87: {  	s17 =	spop (v2sf)  }
0x88: {  	s17 =	sadd.s32 $0xFFFFFFFF, s17  }
0x89: {  	s18 =	spop (v2sf);
	p0 =	sgt.s32 s17, $0x0  }
0x8a: {  	s30 =	smul.u32 s16, s18;
	s17 =	simm.s32 @!p0 $0x0  }
0x8b: {  	s16 =	smul.u32 s16, s17;
	_ =	sdelay $0x1  }
0x8c: {  	s30 =	sadd.s32 s3, s30;
	s3 =	sadd.s32 s3, s16  }
0x8d: {  	v0 =	vmov s3  }
0x8e: {  	[tilespmem:$0x180] =	vst v0  }
0x8f: {  	[tilespmem:$0x190] =	vst v0  }
0x90: {  	[tilespmem:$0x1A0] =	vst v0  }
0x91: {  	[tilespmem:$0x1B0] =	vst v0  }
0x92: {  	[tilespmem:$0x1C0] =	vst v0  }
0x93: {  	[tilespmem:$0x1D0] =	vst v0  }
0x94: {  	[tilespmem:$0x1E0] =	vst v0  }
0x95: {  	[tilespmem:$0x1F0] =	vst v0  }
0x96: {  	[tilespmem:$0x200] =	vst v0  }
0x97: {  	[tilespmem:$0x210] =	vst v0  }
0x98: {  	[tilespmem:$0x220] =	vst v0  }
0x99: {  	[tilespmem:$0x230] =	vst v0  }
0x9a: {  	[tilespmem:$0x240] =	vst v0  }
0x9b: {  	[tilespmem:$0x250] =	vst v0  }
0x9c: {  	[tilespmem:$0x260] =	vst v0  }
0x9d: {  	s31 =	smov.u32 s0;
	p1 =	slt.s32 s30, s0;
	[tilespmem:$0x270] =	vst v0  }
0x9e: {  	s31 =	smov.u32 @p1 s30;
	[tilespmem:$0x280] =	vst v0  }
0x9f: {  	p0 =	slt.s32 s31, $0xF423F;
	[tilespmem:$0x290] =	vst v0  }
0xa0: {  	p1 =	slt.s32 s18, $0x80;
	s31 =	simm.s32 @!p0 $0xF423F;
	[tilespmem:$0x2A0] =	vst v0  }
0xa1: {  	[tilespmem:$0x2B0] =	vst v0;
	s0 =	smov.u32 @p1 s31  }
0xa2: {  	[tilespmem:$0x2C0] =	vst v0;
	v1 =	vmov s0  }
0xa3: {  	[tilespmem:$0x0] =	vst v1  }
0xa4: {  	[tilespmem:$0x10] =	vst v1  }
0xa5: {  	[tilespmem:$0x20] =	vst v1  }
0xa6: {  	[tilespmem:$0x30] =	vst v1  }
0xa7: {  	[tilespmem:$0x40] =	vst v1  }
0xa8: {  	[tilespmem:$0x50] =	vst v1  }
0xa9: {  	[tilespmem:$0x60] =	vst v1  }
0xaa: {  	[tilespmem:$0x70] =	vst v1  }
0xab: {  	[tilespmem:$0x80] =	vst v1  }
0xac: {  	s3 =	sand.u32 $0xFFFFFFF8, s3;
	[tilespmem:$0x90] =	vst v1  }
0xad: {  	p0 =	sgt.s32 s3, $0x0;
	[tilespmem:$0xA0] =	vst v1  }
0xae: {  	s3 =	simm.s32 @!p0 $0x0;
	[tilespmem:$0xB0] =	vst v1  }
0xaf: {  	s16 =	smin.u32 s3, $0xE2240;
	[tilespmem:$0xC0] =	vst v1  }
0xb0: {  	[tilespmem:$0xD0] =	vst v1;
	s0 =	ssub.s32 s0, s16  }
0xb1: {  	[tilespmem:$0xE0] =	vst v1;
	s31 =	sadd.s32 $0x1, s0  }
0xb2: {  	[tilespmem:$0xF0] =	vst v1;
	p0 =	sgt.s32 s31, $0x12000  }
.Ltmp2:
0xb3: {  	[tilespmem:$0x100] =	vst v1;
	(pc) =	sbr.rel @p0 .LBB2_11-.Ltmp2, $4  }
0xb4: {  	[tilespmem:$0x110] =	vst v1  }
0xb5: {  	[tilespmem:$0x120] =	vst v1  }
0xb6: {  	[tilespmem:$0x130] =	vst v1  }
0xb7: {  	s3 =	simm.s32 $0x14;
	[tilespmem:$0x140] =	vst v1  }
0xb8: {  	s0 =	sadd.s32 $0x2000, s0  }
0xb9: {  	s0 =	sshrl.u32 s0, $0xD  }
0xba: {  	p0 =	seq.s32 s0, $0x0  }
.Ltmp3:
0xbb: {  	_ = 	snop;
	(pc) =	sbr.rel @p0 .LBB2_8-.Ltmp3, $1  }
0xbc: {  	_ =	sdelay $0x3  }
0xbd: {  	p0 =	seq.s32 s0, $0x1  }
.Ltmp4:
0xbe: {  	_ = 	snop;
	(pc) =	sbr.rel @p0 .LBB2_5-.Ltmp4, $4  }
0xbf: {  	s17 =	sshrl.u32 s16, $0x3  }
0xc0: {  	s3 =	simm.s32 $0x800;
	s17 =	sadd.s32 s4, s17  }
0xc1: {  	[tilespmem:s3], [sflag:$0x2] =	stream.linear.gather [hbm4b:s17+s5], $0x2000, $0x38;
	[tilespmem:$0x16900] =	vst v63  }
0xc2: {  	s18 =	sadd.s32 $0x2000, s16;
	s17 =	sadd.s32 $0xFFFFFFFF, s0  }
.LBB2_4:
0xc3: {  	s30 =	sshrl.u32 s18, $0x3;
	p1 =	seq.s32 s17, $0x1;
	s17 =	sadd.s32 $0xFFFFFFFF, s17  }
.Ltmp5:
0xc4: {  	s3 =	sadd.s32 $0x2000, s3;
	s30 =	sadd.s32 s4, s30;
	(pc) =	sbr.rel @!p1 .LBB2_4-.Ltmp5, $3  }
0xc5: {  	[tilespmem:s3], [sflag:$0x2] =	stream.linear.gather [hbm4b:s30+s5], $0x2000, $0x38;
	[tilespmem:$0x16900] =	vst v63  }
0xc6: {  	_ =	sdelay $0x1  }
0xc7: {  	s18 =	sadd.s32 $0x2000, s18  }
.LBB2_5:
.Ltmp6:
0xc8: {  	(pc) =	sbr.rel @p0 .LBB2_7-.Ltmp6, $3  }
0xc9: {  	_ =	sdelay $0x1  }
0xca: {  	_ =	swait.ge [sflag:s15], $0x2000  }
0xcb: {  	s0 =	sadd.s32 $0xFFFFFFFF, s0;
	[sflag:s15] =	ssyncset.done $0x0  }
.LBB2_6:
0xcc: {  	p0 =	seq.s32 s0, $0x1;
	s0 =	sadd.s32 $0xFFFFFFFF, s0;
	[sflag:s15] =	ssyncadd.s32 $0xFFFFE000  }
.Ltmp7:
0xcd: {  	(pc) =	sbr.rel @!p0 .LBB2_6-.Ltmp7, $3  }
0xce: {  	_ =	sdelay $0x1  }
0xcf: {  	_ =	swait.ge [sflag:s15], $0x2000  }
0xd0: {  	[sflag:s15] =	ssyncset.done $0x0  }
.LBB2_7:
0xd1: {  	[sflag:s15] =	ssyncadd.s32 $0xFFFFE000  }
.LBB2_8:
0xd2: {  	v0 =	vld [tilespmem:$0x180]  }
0xd3: {  	v1 =	vld [tilespmem:$0x0];
	_ =	sdelay $0x4  }
0xd4: {  	v20 =	vadd.s32 v0, v1  }
0xd5: {  	v42 =	vmov s16;
	v20 =	vshrl.u32 v20, $0x1  }
0xd6: {  	v26 =	vsub.s32 v20, v42  }
0xd7: {  	v27 =	vld [tilespmem:$0x10]  }
0xd8: {  	v28 =	vld [tilespmem:$0x190];
	_ =	sdelay $0x2  }
0xd9: {  	v26 =	vld.idx.msk [tilespmem:v26+s14+$0x0], $0xffff;
	_ =	sdelay $0x1  }
0xda: {  	v29 =	vadd.s32 v28, v27  }
0xdb: {  	v29 =	vshrl.u32 v29, $0x1  }
0xdc: {  	v30 =	vsub.s32 v29, v42  }
0xdd: {  	vm0 =	vlt.s32 v26, v3;
	v26 =	vld [tilespmem:$0x20]  }
0xde: {  	v31 =	vadd.s32 $0x1, v20;
	v1 =	vsel vm0, v1, v20;
	v20 =	vld [tilespmem:$0x1A0]  }
0xdf: {  	v0 =	vsel vm0, v31, v0;
	[tilespmem:$0x0] =	vst v1  }
0xe0: {  	[tilespmem:$0x180] =	vst v0  }
0xe1: {  	v0 =	vld.idx.msk [tilespmem:v30+s14+$0x0], $0xffff;
	_ =	sdelay $0x1  }
0xe2: {  	v1 =	vadd.s32 v20, v26  }
0xe3: {  	v1 =	vshrl.u32 v1, $0x1  }
0xe4: {  	v30 =	vsub.s32 v1, v42  }
0xe5: {  	v31 =	vadd.s32 $0x1, v29;
	vm11 =	vlt.s32 v0, v4;
	v0 =	vld [tilespmem:$0x30]  }
0xe6: {  	v28 =	vsel vm11, v31, v28;
	v31 =	vld [tilespmem:$0x1B0]  }
0xe7: {  	v27 =	vsel vm11, v27, v29;
	[tilespmem:$0x190] =	vst v28  }
0xe8: {  	[tilespmem:$0x10] =	vst v27  }
0xe9: {  	v27 =	vld.idx.msk [tilespmem:v30+s14+$0x0], $0xffff;
	_ =	sdelay $0x1  }
0xea: {  	v28 =	vadd.s32 v31, v0  }
0xeb: {  	v28 =	vshrl.u32 v28, $0x1  }
0xec: {  	v29 =	vsub.s32 v28, v42  }
0xed: {  	v30 =	vld [tilespmem:$0x40];
	vm12 =	vlt.s32 v27, v5;
	v27 =	vadd.s32 $0x1, v1  }
0xee: {  	v20 =	vsel vm12, v27, v20;
	v27 =	vld [tilespmem:$0x1C0]  }
0xef: {  	v1 =	vsel vm12, v26, v1;
	[tilespmem:$0x1A0] =	vst v20  }
0xf0: {  	[tilespmem:$0x20] =	vst v1  }
0xf1: {  	v1 =	vld.idx.msk [tilespmem:v29+s14+$0x0], $0xffff;
	_ =	sdelay $0x1  }
0xf2: {  	v20 =	vadd.s32 v27, v30  }
0xf3: {  	v20 =	vshrl.u32 v20, $0x1  }
0xf4: {  	v26 =	vsub.s32 v20, v42  }
0xf5: {  	v29 =	vld [tilespmem:$0x50];
	vm13 =	vlt.s32 v1, v6;
	v1 =	vadd.s32 $0x1, v28  }
0xf6: {  	v1 =	vsel vm13, v1, v31;
	v31 =	vld [tilespmem:$0x1D0]  }
0xf7: {  	v0 =	vsel vm13, v0, v28;
	[tilespmem:$0x1B0] =	vst v1  }
0xf8: {  	[tilespmem:$0x30] =	vst v0  }
0xf9: {  	v0 =	vld.idx.msk [tilespmem:v26+s14+$0x0], $0xffff;
	_ =	sdelay $0x1  }
0xfa: {  	v1 =	vadd.s32 v31, v29  }
0xfb: {  	v1 =	vshrl.u32 v1, $0x1  }
0xfc: {  	v26 =	vsub.s32 v1, v42  }
0xfd: {  	v28 =	vld [tilespmem:$0x60];
	vm14 =	vlt.s32 v0, v7;
	v0 =	vadd.s32 $0x1, v20  }
0xfe: {  	v0 =	vsel vm14, v0, v27;
	v27 =	vld [tilespmem:$0x1E0]  }
0xff: {  	v20 =	vsel vm14, v30, v20;
	[tilespmem:$0x1C0] =	vst v0  }
0x100: {  	[tilespmem:$0x40] =	vst v20  }
0x101: {  	v0 =	vld.idx.msk [tilespmem:v26+s14+$0x0], $0xffff;
	_ =	sdelay $0x1  }
0x102: {  	v20 =	vadd.s32 v27, v28  }
0x103: {  	v20 =	vshrl.u32 v20, $0x1  }
0x104: {  	v26 =	vsub.s32 v20, v42  }
0x105: {  	v30 =	vld [tilespmem:$0x70];
	vm15 =	vlt.s32 v0, v8;
	v0 =	vadd.s32 $0x1, v1  }
0x106: {  	v0 =	vsel vm15, v0, v31;
	v31 =	vld [tilespmem:$0x1F0]  }
0x107: {  	v1 =	vsel vm15, v29, v1;
	[tilespmem:$0x1D0] =	vst v0  }
0x108: {  	[tilespmem:$0x50] =	vst v1  }
0x109: {  	v0 =	vld.idx.msk [tilespmem:v26+s14+$0x0], $0xffff;
	_ =	sdelay $0x1  }
0x10a: {  	v1 =	vadd.s32 v31, v30  }
0x10b: {  	v1 =	vshrl.u32 v1, $0x1  }
0x10c: {  	v26 =	vsub.s32 v1, v42  }
0x10d: {  	v29 =	vld [tilespmem:$0x80];
	vm4 =	vlt.s32 v0, v9;
	v0 =	vadd.s32 $0x1, v20  }
0x10e: {  	v0 =	vsel vm4, v0, v27;
	v27 =	vld [tilespmem:$0x200]  }
0x10f: {  	v20 =	vsel vm4, v28, v20;
	[tilespmem:$0x1E0] =	vst v0  }
0x110: {  	[tilespmem:$0x60] =	vst v20  }
0x111: {  	v0 =	vld.idx.msk [tilespmem:v26+s14+$0x0], $0xffff;
	_ =	sdelay $0x1  }
0x112: {  	v20 =	vadd.s32 v27, v29  }
0x113: {  	v20 =	vshrl.u32 v20, $0x1  }
0x114: {  	v26 =	vsub.s32 v20, v42  }
0x115: {  	v28 =	vld [tilespmem:$0x90];
	vm5 =	vlt.s32 v0, v10;
	v0 =	vadd.s32 $0x1, v1  }
0x116: {  	v0 =	vsel vm5, v0, v31;
	v31 =	vld [tilespmem:$0x210]  }
0x117: {  	v1 =	vsel vm5, v30, v1;
	[tilespmem:$0x1F0] =	vst v0  }
0x118: {  	[tilespmem:$0x70] =	vst v1  }
0x119: {  	v0 =	vld.idx.msk [tilespmem:v26+s14+$0x0], $0xffff;
	_ =	sdelay $0x1  }
0x11a: {  	v1 =	vadd.s32 v31, v28  }
0x11b: {  	v1 =	vshrl.u32 v1, $0x1  }
0x11c: {  	v26 =	vsub.s32 v1, v42  }
0x11d: {  	v30 =	vld [tilespmem:$0xA0];
	vm6 =	vlt.s32 v0, v11;
	v0 =	vadd.s32 $0x1, v20  }
0x11e: {  	v0 =	vsel vm6, v0, v27;
	v27 =	vld [tilespmem:$0x220]  }
0x11f: {  	v20 =	vsel vm6, v29, v20;
	[tilespmem:$0x200] =	vst v0  }
0x120: {  	[tilespmem:$0x80] =	vst v20  }
0x121: {  	v0 =	vld.idx.msk [tilespmem:v26+s14+$0x0], $0xffff;
	_ =	sdelay $0x1  }
0x122: {  	v20 =	vadd.s32 v27, v30  }
0x123: {  	v20 =	vshrl.u32 v20, $0x1  }
0x124: {  	v26 =	vsub.s32 v20, v42  }
0x125: {  	v29 =	vld [tilespmem:$0xB0];
	vm7 =	vlt.s32 v0, v12;
	v0 =	vadd.s32 $0x1, v1  }
0x126: {  	v0 =	vsel vm7, v0, v31;
	v31 =	vld [tilespmem:$0x230]  }
0x127: {  	v1 =	vsel vm7, v28, v1;
	[tilespmem:$0x210] =	vst v0  }
0x128: {  	[tilespmem:$0x90] =	vst v1  }
0x129: {  	v0 =	vld.idx.msk [tilespmem:v26+s14+$0x0], $0xffff;
	_ =	sdelay $0x1  }
0x12a: {  	v1 =	vadd.s32 v31, v29  }
0x12b: {  	v1 =	vshrl.u32 v1, $0x1  }
0x12c: {  	v26 =	vsub.s32 v1, v42  }
0x12d: {  	v28 =	vld [tilespmem:$0xC0];
	vm8 =	vlt.s32 v0, v13;
	v0 =	vadd.s32 $0x1, v20  }
0x12e: {  	v0 =	vsel vm8, v0, v27;
	v27 =	vld [tilespmem:$0x240]  }
0x12f: {  	v20 =	vsel vm8, v30, v20;
	[tilespmem:$0x220] =	vst v0  }
0x130: {  	[tilespmem:$0xA0] =	vst v20  }
0x131: {  	v0 =	vld.idx.msk [tilespmem:v26+s14+$0x0], $0xffff;
	_ =	sdelay $0x1  }
0x132: {  	v20 =	vadd.s32 v27, v28  }
0x133: {  	v20 =	vshrl.u32 v20, $0x1  }
0x134: {  	v26 =	vsub.s32 v20, v42  }
0x135: {  	v30 =	vld [tilespmem:$0xD0];
	vm9 =	vlt.s32 v0, v14;
	v0 =	vadd.s32 $0x1, v1  }
0x136: {  	v0 =	vsel vm9, v0, v31;
	v31 =	vld [tilespmem:$0x250]  }
0x137: {  	v1 =	vsel vm9, v29, v1;
	[tilespmem:$0x230] =	vst v0  }
0x138: {  	[tilespmem:$0xB0] =	vst v1  }
0x139: {  	v0 =	vld.idx.msk [tilespmem:v26+s14+$0x0], $0xffff;
	_ =	sdelay $0x1  }
0x13a: {  	v1 =	vadd.s32 v31, v30  }
0x13b: {  	v1 =	vshrl.u32 v1, $0x1  }
0x13c: {  	v26 =	vsub.s32 v1, v42  }
0x13d: {  	v29 =	vld [tilespmem:$0xE0];
	vm10 =	vlt.s32 v0, v15;
	v0 =	vadd.s32 $0x1, v20  }
0x13e: {  	v0 =	vsel vm10, v0, v27;
	v27 =	vld [tilespmem:$0x260]  }
0x13f: {  	v20 =	vsel vm10, v28, v20;
	[tilespmem:$0x240] =	vst v0  }
0x140: {  	[tilespmem:$0xC0] =	vst v20  }
0x141: {  	v0 =	vld.idx.msk [tilespmem:v26+s14+$0x0], $0xffff;
	_ =	sdelay $0x1  }
0x142: {  	v20 =	vadd.s32 v27, v29  }
0x143: {  	v20 =	vshrl.u32 v20, $0x1  }
0x144: {  	v26 =	vsub.s32 v20, v42  }
0x145: {  	v28 =	vld [tilespmem:$0xF0];
	vm11 =	vlt.s32 v0, v16;
	v0 =	vadd.s32 $0x1, v1  }
0x146: {  	v0 =	vsel vm11, v0, v31;
	v31 =	vld [tilespmem:$0x270]  }
0x147: {  	v1 =	vsel vm11, v30, v1;
	[tilespmem:$0x250] =	vst v0  }
0x148: {  	[tilespmem:$0xD0] =	vst v1  }
0x149: {  	v0 =	vld.idx.msk [tilespmem:v26+s14+$0x0], $0xffff;
	_ =	sdelay $0x1  }
0x14a: {  	v1 =	vadd.s32 v31, v28  }
0x14b: {  	v1 =	vshrl.u32 v1, $0x1  }
0x14c: {  	v26 =	vsub.s32 v1, v42  }
0x14d: {  	v32 =	vld [tilespmem:$0x280];
	vm12 =	vlt.s32 v0, v17;
	v0 =	vadd.s32 $0x1, v20  }
0x14e: {  	v30 =	vld [tilespmem:$0x100];
	v0 =	vsel vm12, v0, v27  }
0x14f: {  	v20 =	vsel vm12, v29, v20;
	[tilespmem:$0x260] =	vst v0  }
0x150: {  	[tilespmem:$0xE0] =	vst v20  }
0x151: {  	v0 =	vld.idx.msk [tilespmem:v26+s14+$0x0], $0xffff;
	_ =	sdelay $0x1  }
0x152: {  	v20 =	vadd.s32 v32, v30  }
0x153: {  	v20 =	vshrl.u32 v20, $0x1  }
0x154: {  	v26 =	vsub.s32 v20, v42  }
0x155: {  	v34 =	vld [tilespmem:$0x110];
	vm13 =	vlt.s32 v0, v18;
	v0 =	vadd.s32 $0x1, v1  }
0x156: {  	v0 =	vsel vm13, v0, v31;
	v31 =	vld [tilespmem:$0x290]  }
0x157: {  	v1 =	vsel vm13, v28, v1;
	[tilespmem:$0x270] =	vst v0  }
0x158: {  	[tilespmem:$0xF0] =	vst v1  }
0x159: {  	v0 =	vld.idx.msk [tilespmem:v26+s14+$0x0], $0xffff;
	_ =	sdelay $0x1  }
0x15a: {  	v1 =	vadd.s32 v31, v34  }
0x15b: {  	v1 =	vshrl.u32 v1, $0x1  }
0x15c: {  	v26 =	vsub.s32 v1, v42  }
0x15d: {  	v27 =	vld [tilespmem:$0x2A0];
	vm14 =	vlt.s32 v0, v19;
	v0 =	vadd.s32 $0x1, v20  }
0x15e: {  	v29 =	vld [tilespmem:$0x120];
	v0 =	vsel vm14, v0, v32  }
0x15f: {  	v20 =	vsel vm14, v30, v20;
	[tilespmem:$0x280] =	vst v0  }
0x160: {  	[tilespmem:$0x100] =	vst v20  }
0x161: {  	v20 =	vld.idx.msk [tilespmem:v26+s14+$0x0], $0xffff;
	_ =	sdelay $0x1  }
0x162: {  	v0 =	vadd.s32 v27, v29  }
0x163: {  	v0 =	vshrl.u32 v0, $0x1  }
0x164: {  	v30 =	vsub.s32 v0, v42  }
0x165: {  	v28 =	vld [tilespmem:$0x2B0];
	vm15 =	vlt.s32 v20, v21;
	v20 =	vadd.s32 $0x1, v1  }
0x166: {  	v26 =	vld [tilespmem:$0x130];
	v20 =	vsel vm15, v20, v31  }
0x167: {  	v1 =	vsel vm15, v34, v1;
	[tilespmem:$0x290] =	vst v20  }
0x168: {  	[tilespmem:$0x110] =	vst v1  }
0x169: {  	v1 =	vld.idx.msk [tilespmem:v30+s14+$0x0], $0xffff;
	_ =	sdelay $0x1  }
0x16a: {  	v20 =	vadd.s32 v28, v26  }
0x16b: {  	s3 =	simm.s32 $0x10;
	v30 =	vshrl.u32 v20, $0x1;
	v20 =	vld [tilespmem:$0x140]  }
.LBB2_9:
0x16c: {  	v31 =	vld [tilespmem:$0x10];
	p0 =	seq.s32 s3, $0x1;
	s3 =	sadd.s32 $0xFFFFFFFF, s3;
	v32 =	vsub.s32 v30, v42  }
0x16d: {  	vm0 =	vlt.s32 v1, v22;
	v1 =	vadd.s32 $0x1, v0;
	v34 =	vld [tilespmem:$0x190]  }
0x16e: {  	v1 =	vsel vm0, v1, v27;
	v0 =	vsel vm0, v29, v0;
	v27 =	vld [tilespmem:$0x2C0]  }
0x16f: {  	[tilespmem:$0x2A0] =	vst v1  }
0x170: {  	[tilespmem:$0x120] =	vst v0  }
0x171: {  	v0 =	vld.idx.msk [tilespmem:v32+s14+$0x0], $0xffff  }
0x172: {  	v1 =	vadd.s32 v34, v31  }
0x173: {  	v29 =	vadd.s32 v27, v20  }
0x174: {  	v29 =	vshrl.u32 v29, $0x1  }
0x175: {  	v32 =	vld [tilespmem:$0x180];
	v35 =	vsub.s32 v29, v42  }
0x176: {  	v36 =	vld [tilespmem:$0x0]  }
0x177: {  	vm0 =	vlt.s32 v0, v23;
	v0 =	vadd.s32 $0x1, v30  }
0x178: {  	v0 =	vsel vm0, v0, v28;
	v26 =	vsel vm0, v26, v30  }
0x179: {  	[tilespmem:$0x2B0] =	vst v0  }
0x17a: {  	[tilespmem:$0x130] =	vst v26  }
0x17b: {  	v0 =	vadd.s32 v32, v36;
	v26 =	vld.idx.msk [tilespmem:v35+s14+$0x0], $0xffff  }
0x17c: {  	v0 =	vshrl.u32 v0, $0x1  }
0x17d: {  	v28 =	vsub.s32 v0, v42;
	_ =	sdelay $0x2  }
0x17e: {  	v30 =	vadd.s32 $0x1, v29  }
0x17f: {  	vm0 =	vlt.s32 v26, v24  }
0x180: {  	v26 =	vsel vm0, v30, v27;
	v20 =	vsel vm0, v20, v29  }
0x181: {  	[tilespmem:$0x2C0] =	vst v26  }
0x182: {  	[tilespmem:$0x140] =	vst v20  }
0x183: {  	v20 =	vld.idx.msk [tilespmem:v28+s14+$0x0], $0xffff  }
0x184: {  	v1 =	vshrl.u32 v1, $0x1  }
0x185: {  	v26 =	vsub.s32 v1, v42  }
0x186: {  	v27 =	vadd.s32 $0x1, v0;
	_ =	sdelay $0x2  }
0x187: {  	vm0 =	vlt.s32 v20, v3  }
0x188: {  	v20 =	vsel vm0, v27, v32;
	v0 =	vsel vm0, v36, v0;
	v27 =	vld [tilespmem:$0x20]  }
0x189: {  	[tilespmem:$0x0] =	vst v0;
	v0 =	vld [tilespmem:$0x1A0]  }
0x18a: {  	[tilespmem:$0x180] =	vst v20  }
0x18b: {  	v20 =	vld.idx.msk [tilespmem:v26+s14+$0x0], $0xffff;
	_ =	sdelay $0x2  }
0x18c: {  	v26 =	vadd.s32 v0, v27  }
0x18d: {  	v26 =	vshrl.u32 v26, $0x1  }
0x18e: {  	v28 =	vadd.s32 $0x1, v1;
	v29 =	vsub.s32 v26, v42  }
0x18f: {  	vm0 =	vlt.s32 v20, v4  }
0x190: {  	v20 =	vsel vm0, v28, v34;
	v1 =	vsel vm0, v31, v1;
	v28 =	vld [tilespmem:$0x30]  }
0x191: {  	[tilespmem:$0x190] =	vst v20;
	v20 =	vld [tilespmem:$0x1B0]  }
0x192: {  	[tilespmem:$0x10] =	vst v1  }
0x193: {  	v1 =	vld.idx.msk [tilespmem:v29+s14+$0x0], $0xffff;
	_ =	sdelay $0x2  }
0x194: {  	v29 =	vadd.s32 v20, v28  }
0x195: {  	v29 =	vshrl.u32 v29, $0x1  }
0x196: {  	v30 =	vsub.s32 v29, v42  }
0x197: {  	vm0 =	vlt.s32 v1, v5;
	v1 =	vadd.s32 $0x1, v26  }
0x198: {  	v0 =	vsel vm0, v1, v0;
	v1 =	vsel vm0, v27, v26;
	v26 =	vld [tilespmem:$0x40]  }
0x199: {  	[tilespmem:$0x1A0] =	vst v0;
	v0 =	vld [tilespmem:$0x1C0]  }
0x19a: {  	[tilespmem:$0x20] =	vst v1  }
0x19b: {  	v1 =	vld.idx.msk [tilespmem:v30+s14+$0x0], $0xffff;
	_ =	sdelay $0x2  }
0x19c: {  	v27 =	vadd.s32 v0, v26  }
0x19d: {  	v27 =	vshrl.u32 v27, $0x1  }
0x19e: {  	v30 =	vsub.s32 v27, v42  }
0x19f: {  	vm0 =	vlt.s32 v1, v6;
	v1 =	vadd.s32 $0x1, v29  }
0x1a0: {  	v1 =	vsel vm0, v1, v20;
	v20 =	vsel vm0, v28, v29;
	v28 =	vld [tilespmem:$0x50]  }
0x1a1: {  	[tilespmem:$0x1B0] =	vst v1;
	v1 =	vld [tilespmem:$0x1D0]  }
0x1a2: {  	[tilespmem:$0x30] =	vst v20  }
0x1a3: {  	v20 =	vld.idx.msk [tilespmem:v30+s14+$0x0], $0xffff;
	_ =	sdelay $0x2  }
0x1a4: {  	v29 =	vadd.s32 v1, v28  }
0x1a5: {  	v29 =	vshrl.u32 v29, $0x1  }
0x1a6: {  	v30 =	vsub.s32 v29, v42  }
0x1a7: {  	vm0 =	vlt.s32 v20, v7;
	v20 =	vadd.s32 $0x1, v27  }
0x1a8: {  	v0 =	vsel vm0, v20, v0;
	v20 =	vsel vm0, v26, v27;
	v26 =	vld [tilespmem:$0x60]  }
0x1a9: {  	[tilespmem:$0x1C0] =	vst v0;
	v0 =	vld [tilespmem:$0x1E0]  }
0x1aa: {  	[tilespmem:$0x40] =	vst v20  }
0x1ab: {  	v20 =	vld.idx.msk [tilespmem:v30+s14+$0x0], $0xffff;
	_ =	sdelay $0x2  }
0x1ac: {  	v27 =	vadd.s32 v0, v26  }
0x1ad: {  	v27 =	vshrl.u32 v27, $0x1  }
0x1ae: {  	v30 =	vsub.s32 v27, v42  }
0x1af: {  	vm0 =	vlt.s32 v20, v8;
	v20 =	vadd.s32 $0x1, v29  }
0x1b0: {  	v1 =	vsel vm0, v20, v1;
	v20 =	vsel vm0, v28, v29;
	v28 =	vld [tilespmem:$0x70]  }
0x1b1: {  	[tilespmem:$0x1D0] =	vst v1;
	v1 =	vld [tilespmem:$0x1F0]  }
0x1b2: {  	[tilespmem:$0x50] =	vst v20  }
0x1b3: {  	v20 =	vld.idx.msk [tilespmem:v30+s14+$0x0], $0xffff;
	_ =	sdelay $0x2  }
0x1b4: {  	v29 =	vadd.s32 v1, v28  }
0x1b5: {  	v29 =	vshrl.u32 v29, $0x1  }
0x1b6: {  	v30 =	vsub.s32 v29, v42  }
0x1b7: {  	vm0 =	vlt.s32 v20, v9;
	v20 =	vadd.s32 $0x1, v27  }
0x1b8: {  	v0 =	vsel vm0, v20, v0;
	v20 =	vsel vm0, v26, v27;
	v26 =	vld [tilespmem:$0x80]  }
0x1b9: {  	[tilespmem:$0x1E0] =	vst v0;
	v0 =	vld [tilespmem:$0x200]  }
0x1ba: {  	[tilespmem:$0x60] =	vst v20  }
0x1bb: {  	v20 =	vld.idx.msk [tilespmem:v30+s14+$0x0], $0xffff;
	_ =	sdelay $0x2  }
0x1bc: {  	v27 =	vadd.s32 v0, v26  }
0x1bd: {  	v27 =	vshrl.u32 v27, $0x1  }
0x1be: {  	v30 =	vsub.s32 v27, v42  }
0x1bf: {  	vm0 =	vlt.s32 v20, v10;
	v20 =	vadd.s32 $0x1, v29  }
0x1c0: {  	v1 =	vsel vm0, v20, v1;
	v20 =	vsel vm0, v28, v29;
	v28 =	vld [tilespmem:$0x90]  }
0x1c1: {  	[tilespmem:$0x1F0] =	vst v1;
	v1 =	vld [tilespmem:$0x210]  }
0x1c2: {  	[tilespmem:$0x70] =	vst v20  }
0x1c3: {  	v20 =	vld.idx.msk [tilespmem:v30+s14+$0x0], $0xffff;
	_ =	sdelay $0x2  }
0x1c4: {  	v29 =	vadd.s32 v1, v28  }
0x1c5: {  	v29 =	vshrl.u32 v29, $0x1  }
0x1c6: {  	v30 =	vsub.s32 v29, v42  }
0x1c7: {  	vm0 =	vlt.s32 v20, v11;
	v20 =	vadd.s32 $0x1, v27  }
0x1c8: {  	v0 =	vsel vm0, v20, v0;
	v20 =	vsel vm0, v26, v27;
	v26 =	vld [tilespmem:$0xA0]  }
0x1c9: {  	[tilespmem:$0x200] =	vst v0;
	v0 =	vld [tilespmem:$0x220]  }
0x1ca: {  	[tilespmem:$0x80] =	vst v20  }
0x1cb: {  	v20 =	vld.idx.msk [tilespmem:v30+s14+$0x0], $0xffff;
	_ =	sdelay $0x2  }
0x1cc: {  	v27 =	vadd.s32 v0, v26  }
0x1cd: {  	v27 =	vshrl.u32 v27, $0x1  }
0x1ce: {  	v30 =	vsub.s32 v27, v42  }
0x1cf: {  	vm0 =	vlt.s32 v20, v12;
	v20 =	vadd.s32 $0x1, v29  }
0x1d0: {  	v1 =	vsel vm0, v20, v1;
	v20 =	vsel vm0, v28, v29;
	v28 =	vld [tilespmem:$0xB0]  }
0x1d1: {  	[tilespmem:$0x210] =	vst v1;
	v1 =	vld [tilespmem:$0x230]  }
0x1d2: {  	[tilespmem:$0x90] =	vst v20  }
0x1d3: {  	v20 =	vld.idx.msk [tilespmem:v30+s14+$0x0], $0xffff;
	_ =	sdelay $0x2  }
0x1d4: {  	v29 =	vadd.s32 v1, v28  }
0x1d5: {  	v29 =	vshrl.u32 v29, $0x1  }
0x1d6: {  	v30 =	vsub.s32 v29, v42  }
0x1d7: {  	vm0 =	vlt.s32 v20, v13;
	v20 =	vadd.s32 $0x1, v27  }
0x1d8: {  	v0 =	vsel vm0, v20, v0;
	v20 =	vsel vm0, v26, v27;
	v26 =	vld [tilespmem:$0xC0]  }
0x1d9: {  	[tilespmem:$0x220] =	vst v0;
	v0 =	vld [tilespmem:$0x240]  }
0x1da: {  	[tilespmem:$0xA0] =	vst v20  }
0x1db: {  	v20 =	vld.idx.msk [tilespmem:v30+s14+$0x0], $0xffff;
	_ =	sdelay $0x2  }
0x1dc: {  	v27 =	vadd.s32 v0, v26  }
0x1dd: {  	v27 =	vshrl.u32 v27, $0x1  }
0x1de: {  	v30 =	vsub.s32 v27, v42  }
0x1df: {  	vm0 =	vlt.s32 v20, v14;
	v20 =	vadd.s32 $0x1, v29  }
0x1e0: {  	v1 =	vsel vm0, v20, v1;
	v20 =	vsel vm0, v28, v29;
	v28 =	vld [tilespmem:$0xD0]  }
0x1e1: {  	[tilespmem:$0x230] =	vst v1;
	v1 =	vld [tilespmem:$0x250]  }
0x1e2: {  	[tilespmem:$0xB0] =	vst v20  }
0x1e3: {  	v20 =	vld.idx.msk [tilespmem:v30+s14+$0x0], $0xffff;
	_ =	sdelay $0x2  }
0x1e4: {  	v29 =	vadd.s32 v1, v28  }
0x1e5: {  	v29 =	vshrl.u32 v29, $0x1  }
0x1e6: {  	v30 =	vsub.s32 v29, v42  }
0x1e7: {  	vm0 =	vlt.s32 v20, v15;
	v20 =	vadd.s32 $0x1, v27  }
0x1e8: {  	v0 =	vsel vm0, v20, v0;
	v20 =	vsel vm0, v26, v27;
	v26 =	vld [tilespmem:$0xE0]  }
0x1e9: {  	[tilespmem:$0x240] =	vst v0;
	v0 =	vld [tilespmem:$0x260]  }
0x1ea: {  	[tilespmem:$0xC0] =	vst v20  }
0x1eb: {  	v20 =	vld.idx.msk [tilespmem:v30+s14+$0x0], $0xffff;
	_ =	sdelay $0x2  }
0x1ec: {  	v27 =	vadd.s32 v0, v26  }
0x1ed: {  	v27 =	vshrl.u32 v27, $0x1  }
0x1ee: {  	v30 =	vsub.s32 v27, v42  }
0x1ef: {  	vm0 =	vlt.s32 v20, v16;
	v20 =	vadd.s32 $0x1, v29  }
0x1f0: {  	v1 =	vsel vm0, v20, v1;
	v20 =	vsel vm0, v28, v29;
	v28 =	vld [tilespmem:$0xF0]  }
0x1f1: {  	[tilespmem:$0x250] =	vst v1;
	v1 =	vld [tilespmem:$0x270]  }
0x1f2: {  	[tilespmem:$0xD0] =	vst v20  }
0x1f3: {  	v20 =	vld.idx.msk [tilespmem:v30+s14+$0x0], $0xffff;
	_ =	sdelay $0x2  }
0x1f4: {  	v29 =	vadd.s32 v1, v28  }
0x1f5: {  	v29 =	vshrl.u32 v29, $0x1  }
0x1f6: {  	v30 =	vsub.s32 v29, v42  }
0x1f7: {  	vm0 =	vlt.s32 v20, v17;
	v20 =	vadd.s32 $0x1, v27  }
0x1f8: {  	v0 =	vsel vm0, v20, v0;
	v20 =	vsel vm0, v26, v27;
	v26 =	vld [tilespmem:$0x100]  }
0x1f9: {  	[tilespmem:$0x260] =	vst v0;
	v0 =	vld [tilespmem:$0x280]  }
0x1fa: {  	[tilespmem:$0xE0] =	vst v20  }
0x1fb: {  	v20 =	vld.idx.msk [tilespmem:v30+s14+$0x0], $0xffff;
	_ =	sdelay $0x2  }
0x1fc: {  	v27 =	vadd.s32 v0, v26  }
0x1fd: {  	v27 =	vshrl.u32 v27, $0x1  }
0x1fe: {  	v30 =	vsub.s32 v27, v42  }
0x1ff: {  	vm0 =	vlt.s32 v20, v18;
	v20 =	vadd.s32 $0x1, v29  }
0x200: {  	v1 =	vsel vm0, v20, v1;
	v20 =	vsel vm0, v28, v29;
	v28 =	vld [tilespmem:$0x110]  }
0x201: {  	[tilespmem:$0x270] =	vst v1;
	v1 =	vld [tilespmem:$0x290]  }
0x202: {  	[tilespmem:$0xF0] =	vst v20  }
0x203: {  	v20 =	vld.idx.msk [tilespmem:v30+s14+$0x0], $0xffff;
	_ =	sdelay $0x2  }
0x204: {  	v29 =	vadd.s32 v1, v28  }
0x205: {  	v30 =	vshrl.u32 v29, $0x1  }
0x206: {  	v31 =	vsub.s32 v30, v42  }
0x207: {  	vm0 =	vlt.s32 v20, v19;
	v20 =	vadd.s32 $0x1, v27  }
0x208: {  	v0 =	vsel vm0, v20, v0;
	v20 =	vsel vm0, v26, v27;
	v27 =	vld [tilespmem:$0x2A0]  }
0x209: {  	[tilespmem:$0x280] =	vst v0;
	v29 =	vld [tilespmem:$0x120]  }
0x20a: {  	[tilespmem:$0x100] =	vst v20  }
0x20b: {  	v20 =	vld.idx.msk [tilespmem:v31+s14+$0x0], $0xffff;
	_ =	sdelay $0x2  }
0x20c: {  	v0 =	vadd.s32 v27, v29  }
0x20d: {  	v0 =	vshrl.u32 v0, $0x1  }
0x20e: {  	v31 =	vsub.s32 v0, v42  }
0x20f: {  	vm0 =	vlt.s32 v20, v21;
	v20 =	vadd.s32 $0x1, v30  }
0x210: {  	v1 =	vsel vm0, v20, v1;
	v20 =	vsel vm0, v28, v30;
	v26 =	vld [tilespmem:$0x130]  }
0x211: {  	[tilespmem:$0x290] =	vst v1;
	v28 =	vld [tilespmem:$0x2B0]  }
0x212: {  	[tilespmem:$0x110] =	vst v20  }
.Ltmp8:
0x213: {  	v1 =	vld.idx.msk [tilespmem:v31+s14+$0x0], $0xffff;
	(pc) =	sbr.rel @!p0 .LBB2_9-.Ltmp8, $3  }
0x214: {  	_ =	sdelay $0x1  }
0x215: {  	v20 =	vadd.s32 v28, v26  }
0x216: {  	v30 =	vshrl.u32 v20, $0x1;
	v20 =	vld [tilespmem:$0x140]  }
0x217: {  	v31 =	vsub.s32 v30, v42  }
0x218: {  	vm0 =	vlt.s32 v1, v22;
	v1 =	vadd.s32 $0x1, v0  }
0x219: {  	v1 =	vsel vm0, v1, v27;
	v27 =	vld [tilespmem:$0x2C0]  }
0x21a: {  	v0 =	vsel vm0, v29, v0;
	[tilespmem:$0x2A0] =	vst v1  }
0x21b: {  	[tilespmem:$0x120] =	vst v0  }
0x21c: {  	v0 =	vld.idx.msk [tilespmem:v31+s14+$0x0], $0xffff;
	_ =	sdelay $0x1  }
0x21d: {  	v1 =	vadd.s32 v27, v20  }
0x21e: {  	v1 =	vshrl.u32 v1, $0x1  }
0x21f: {  	v63 =	vsub.s32 v1, v42  }
0x220: {  	vm14 =	vlt.s32 v0, v23;
	v0 =	vadd.s32 $0x1, v30  }
0x221: {  	v0 =	vsel vm14, v0, v28  }
0x222: {  	v26 =	vsel vm14, v26, v30;
	[tilespmem:$0x2B0] =	vst v0  }
0x223: {  	[tilespmem:$0x130] =	vst v26  }
0x224: {  	v0 =	vld.idx.msk [tilespmem:v63+s14+$0x0], $0xffff;
	_ =	sdelay $0x3  }
.Ltmp9:
0x225: {  	_ = 	snop;
	(pc) =	sbr.rel .LBB2_12-.Ltmp9, $4  }
0x226: {  	v26 =	vadd.s32 $0x1, v1;
	vm15 =	vlt.s32 v0, v24  }
0x227: {  	v0 =	vsel vm15, v26, v27  }
0x228: {  	v1 =	vsel vm15, v20, v1;
	[tilespmem:$0x2C0] =	vst v0  }
0x229: {  	[tilespmem:$0x140] =	vst v1  }
.LBB2_11:
0x22a: {  	v0 =	vld [tilespmem:$0x180]  }
0x22b: {  	v1 =	vld [tilespmem:$0x0]  }
0x22c: {  	v20 =	vld [tilespmem:$0x190]  }
0x22d: {  	v26 =	vld [tilespmem:$0x10]  }
0x22e: {  	v27 =	vld [tilespmem:$0x1A0]  }
0x22f: {  	v28 =	vld [tilespmem:$0x20]  }
0x230: {  	v29 =	vld [tilespmem:$0x1B0]  }
0x231: {  	v30 =	vld [tilespmem:$0x30]  }
0x232: {  	v31 =	vld [tilespmem:$0x1C0]  }
0x233: {  	v32 =	vld [tilespmem:$0x40]  }
0x234: {  	v34 =	vld [tilespmem:$0x1D0]  }
0x235: {  	v35 =	vld [tilespmem:$0x50]  }
0x236: {  	v36 =	vld [tilespmem:$0x1E0]  }
0x237: {  	v37 =	vld [tilespmem:$0x60]  }
0x238: {  	v38 =	vld [tilespmem:$0x1F0]  }
0x239: {  	v39 =	vld [tilespmem:$0x70]  }
0x23a: {  	v40 =	vld [tilespmem:$0x200]  }
0x23b: {  	v42 =	vld [tilespmem:$0x80]  }
0x23c: {  	v43 =	vld [tilespmem:$0x210]  }
0x23d: {  	v44 =	vld [tilespmem:$0x90]  }
0x23e: {  	v45 =	vld [tilespmem:$0x220]  }
0x23f: {  	v46 =	vld [tilespmem:$0xA0]  }
0x240: {  	v47 =	vld [tilespmem:$0x230]  }
0x241: {  	v48 =	vld [tilespmem:$0xB0]  }
0x242: {  	v49 =	vld [tilespmem:$0x240]  }
0x243: {  	v50 =	vld [tilespmem:$0xC0]  }
0x244: {  	v62 =	vld [tilespmem:$0x260];
	v0 =	vadd.s32 v0, v1  }
0x245: {  	v63 =	vld [tilespmem:$0xE0];
	v20 =	vadd.s32 v20, v26;
	v0 =	vshrl.u32 v0, $0x1  }
0x246: {  	v51 =	vld [tilespmem:$0x270];
	v27 =	vadd.s32 v27, v28;
	v20 =	vshrl.u32 v20, $0x1;
	v0 =	vmin.u32 v0, $0xF423F  }
0x247: {  	v52 =	vld [tilespmem:$0xF0];
	[tilespmem:$0x300] =	vst v0;
	v0 =	vmin.u32 v20, $0xF423F;
	v20 =	vshrl.u32 v27, $0x1;
	v27 =	vadd.s32 v29, v30  }
0x248: {  	v53 =	vld [tilespmem:$0x280];
	[tilespmem:$0x310] =	vst v0;
	v0 =	vmin.u32 v20, $0xF423F;
	v20 =	vshrl.u32 v27, $0x1;
	v27 =	vadd.s32 v31, v32  }
0x249: {  	v54 =	vld [tilespmem:$0x100];
	[tilespmem:$0x320] =	vst v0;
	v0 =	vmin.u32 v20, $0xF423F;
	v20 =	vshrl.u32 v27, $0x1;
	v27 =	vadd.s32 v34, v35  }
0x24a: {  	v55 =	vld [tilespmem:$0x290];
	[tilespmem:$0x330] =	vst v0;
	v0 =	vmin.u32 v20, $0xF423F;
	v20 =	vshrl.u32 v27, $0x1;
	v27 =	vadd.s32 v36, v37  }
0x24b: {  	v1 =	vld [tilespmem:$0x250];
	[tilespmem:$0x340] =	vst v0;
	v0 =	vmin.u32 v20, $0xF423F;
	v20 =	vshrl.u32 v27, $0x1;
	v27 =	vadd.s32 v38, v39  }
0x24c: {  	v26 =	vld [tilespmem:$0xD0];
	[tilespmem:$0x350] =	vst v0;
	v0 =	vmin.u32 v20, $0xF423F;
	v20 =	vshrl.u32 v27, $0x1;
	v27 =	vadd.s32 v40, v42  }
0x24d: {  	v56 =	vld [tilespmem:$0x110];
	[tilespmem:$0x360] =	vst v0;
	v0 =	vmin.u32 v20, $0xF423F;
	v20 =	vshrl.u32 v27, $0x1;
	v27 =	vadd.s32 v43, v44  }
0x24e: {  	v58 =	vld [tilespmem:$0x2A0];
	[tilespmem:$0x380] =	vst v0;
	v0 =	vmin.u32 v20, $0xF423F;
	v20 =	vshrl.u32 v27, $0x1;
	v27 =	vadd.s32 v45, v46  }
0x24f: {  	v59 =	vld [tilespmem:$0x120];
	[tilespmem:$0x390] =	vst v0;
	v0 =	vmin.u32 v20, $0xF423F;
	v20 =	vshrl.u32 v27, $0x1;
	v27 =	vadd.s32 v47, v48  }
0x250: {  	v60 =	vld [tilespmem:$0x2B0];
	[tilespmem:$0x3A0] =	vst v0;
	v0 =	vmin.u32 v20, $0xF423F;
	v20 =	vshrl.u32 v27, $0x1;
	v27 =	vadd.s32 v49, v50  }
0x251: {  	v61 =	vld [tilespmem:$0x140];
	v1 =	vadd.s32 v1, v26;
	[tilespmem:$0x3B0] =	vst v0;
	v0 =	vmin.u32 v20, $0xF423F;
	v20 =	vshrl.u32 v27, $0x1  }
0x252: {  	v26 =	vld [tilespmem:$0x130];
	v1 =	vshrl.u32 v1, $0x1;
	[tilespmem:$0x3C0] =	vst v0;
	v0 =	vmin.u32 v20, $0xF423F;
	v20 =	vadd.s32 v62, v63  }
0x253: {  	v27 =	vld [tilespmem:$0x2C0];
	[tilespmem:$0x3D0] =	vst v0;
	v0 =	vmin.u32 v1, $0xF423F;
	v1 =	vshrl.u32 v20, $0x1;
	v20 =	vadd.s32 v51, v52  }
0x254: {  	[tilespmem:$0x3E0] =	vst v0;
	v0 =	vmin.u32 v1, $0xF423F;
	v1 =	vshrl.u32 v20, $0x1;
	v20 =	vadd.s32 v53, v54  }
0x255: {  	[tilespmem:$0x400] =	vst v0;
	v0 =	vmin.u32 v1, $0xF423F;
	v1 =	vshrl.u32 v20, $0x1;
	v20 =	vadd.s32 v55, v56  }
0x256: {  	[tilespmem:$0x410] =	vst v0;
	v0 =	vmin.u32 v1, $0xF423F;
	v1 =	vshrl.u32 v20, $0x1;
	v20 =	vadd.s32 v58, v59  }
0x257: {  	[tilespmem:$0x420] =	vst v0;
	v0 =	vmin.u32 v1, $0xF423F;
	v1 =	vshrl.u32 v20, $0x1;
	v20 =	vadd.s32 v60, v26  }
0x258: {  	[tilespmem:$0x430] =	vst v0;
	v0 =	vmin.u32 v1, $0xF423F;
	v1 =	vshrl.u32 v20, $0x1;
	v20 =	vadd.s32 v27, v61  }
0x259: {  	[tilespmem:$0x440] =	vst v0;
	v0 =	vmin.u32 v1, $0xF423F;
	v1 =	vshrl.u32 v20, $0x1  }
0x25a: {  	[tilespmem:$0x450] =	vst v0;
	v0 =	vmin.u32 v1, $0xF423F  }
0x25b: {  	[tilespmem:$0x460] =	vst v0  }
0x25c: {  	[tilespmem:s23], [sflag:$0x1] =	stream.indirect.gather [hbm4b:s4+s21], $0x1, s22, s21, $0xb8;
	[tilespmem:$0x16900] =	vst v63  }
0x25d: {  	_ = 	snop  }
0x25e: {  	[tilespmem:s25], [sflag:$0x1] =	stream.indirect.gather [hbm4b:s4+s21], $0x1, s24, s21, $0xb8;
	[tilespmem:$0x16900] =	vst v63  }
0x25f: {  	_ = 	snop  }
0x260: {  	[tilespmem:s28], [sflag:$0x1] =	stream.indirect.gather [hbm4b:s4+s21], $0x1, s26, s21, $0xb8;
	[tilespmem:$0x16900] =	vst v63  }
0x261: {  	_ =	swait.ge [sflag:s13], $0x70  }
0x262: {  	[sflag:s13] =	ssyncset.done $0x0  }
0x263: {  	[sflag:s13] =	ssyncadd.s32 $0xFFFFFF90  }
0x264: {  	_ =	swait.ge [sflag:s13], $0x70  }
0x265: {  	[sflag:s13] =	ssyncset.done $0x0  }
0x266: {  	[sflag:s13] =	ssyncadd.s32 $0xFFFFFF90  }
0x267: {  	_ =	swait.ge [sflag:s13], $0x70  }
0x268: {  	[sflag:s13] =	ssyncset.done $0x0  }
0x269: {  	[sflag:s13] =	ssyncadd.s32 $0xFFFFFF90  }
0x26a: {  	v0 =	vld [tilespmem:$0x180]  }
0x26b: {  	v1 =	vld [tilespmem:$0x0]  }
0x26c: {  	v20 =	vld [tilespmem:$0x500]  }
0x26d: {  	v26 =	vld [tilespmem:$0x190]  }
0x26e: {  	v27 =	vld [tilespmem:$0x10]  }
0x26f: {  	v62 =	vld [tilespmem:$0x510]  }
0x270: {  	v29 =	vld [tilespmem:$0x1A0]  }
0x271: {  	v30 =	vld [tilespmem:$0x20]  }
0x272: {  	v63 =	vld [tilespmem:$0x520]  }
0x273: {  	v32 =	vld [tilespmem:$0x1B0]  }
0x274: {  	v34 =	vld [tilespmem:$0x30]  }
0x275: {  	v35 =	vld [tilespmem:$0x530]  }
0x276: {  	v36 =	vld [tilespmem:$0x1C0]  }
0x277: {  	v37 =	vld [tilespmem:$0x40]  }
0x278: {  	v33 =	vld [tilespmem:$0x540]  }
0x279: {  	v39 =	vld [tilespmem:$0x1D0]  }
0x27a: {  	v40 =	vld [tilespmem:$0x50]  }
0x27b: {  	v42 =	vld [tilespmem:$0x550]  }
0x27c: {  	v43 =	vld [tilespmem:$0x1E0]  }
0x27d: {  	v44 =	vld [tilespmem:$0x60]  }
0x27e: {  	v45 =	vld [tilespmem:$0x560]  }
0x27f: {  	v46 =	vld [tilespmem:$0x1F0]  }
0x280: {  	v47 =	vld [tilespmem:$0x70]  }
0x281: {  	v58 =	vld [tilespmem:$0x580]  }
0x282: {  	v59 =	vld [tilespmem:$0x200]  }
0x283: {  	v60 =	vld [tilespmem:$0x80]  }
0x284: {  	v52 =	vld [tilespmem:$0x590];
	v51 =	vadd.s32 v0, v1;
	vm0 =	vlt.s32 v20, v3  }
0x285: {  	v53 =	vld [tilespmem:$0x210];
	v54 =	vadd.s32 v26, v27;
	vm8 =	vlt.s32 v62, v4;
	v51 =	vshrl.u32 v51, $0x1  }
0x286: {  	v55 =	vld [tilespmem:$0x90];
	v62 =	vadd.s32 v29, v30;
	vm9 =	vlt.s32 v63, v5;
	v20 =	vadd.s32 $0x1, v51  }
0x287: {  	v61 =	vld [tilespmem:$0x5A0];
	vm10 =	vlt.s32 v35, v6;
	v0 =	vsel vm0, v20, v0;
	v20 =	vshrl.u32 v54, $0x1  }
0x288: {  	v31 =	vld [tilespmem:$0xC0];
	v35 =	vadd.s32 v36, v37;
	v1 =	vsel vm0, v1, v51;
	[tilespmem:$0x180] =	vst v0;
	v0 =	vadd.s32 $0x1, v20  }
0x289: {  	v38 =	vld [tilespmem:$0xE0];
	[tilespmem:$0x0] =	vst v1;
	v1 =	vsel vm8, v27, v20;
	v20 =	vshrl.u32 v62, $0x1;
	v0 =	vsel vm8, v0, v26  }
0x28a: {  	v56 =	vld [tilespmem:$0x600];
	vm11 =	vlt.s32 v33, v7;
	v27 =	vadd.s32 v32, v34;
	[tilespmem:$0x190] =	vst v0;
	v0 =	vadd.s32 $0x1, v20  }
0x28b: {  	v50 =	vld [tilespmem:$0x2A0];
	[tilespmem:$0x10] =	vst v1;
	v1 =	vsel vm9, v30, v20;
	v20 =	vshrl.u32 v27, $0x1;
	v0 =	vsel vm9, v0, v29  }
0x28c: {  	v63 =	vld [tilespmem:$0x5B0];
	v41 =	vadd.s32 v39, v40;
	vm14 =	vlt.s32 v58, v10;
	[tilespmem:$0x1A0] =	vst v0;
	v0 =	vadd.s32 $0x1, v20  }
0x28d: {  	v58 =	vld [tilespmem:$0x270];
	[tilespmem:$0x20] =	vst v1;
	v1 =	vsel vm10, v34, v20;
	v20 =	vshrl.u32 v35, $0x1;
	v0 =	vsel vm10, v0, v32  }
0x28e: {  	vm12 =	vlt.s32 v42, v8;
	vm4 =	vlt.s32 v61, v12;
	v61 =	vld [tilespmem:$0x610];
	[tilespmem:$0x1B0] =	vst v0;
	v0 =	vadd.s32 $0x1, v20  }
0x28f: {  	v51 =	vld [tilespmem:$0x120];
	[tilespmem:$0x30] =	vst v1;
	v1 =	vsel vm11, v37, v20;
	v20 =	vshrl.u32 v41, $0x1;
	v0 =	vsel vm11, v0, v36  }
0x290: {  	v42 =	vadd.s32 v43, v44;
	vm13 =	vlt.s32 v45, v9;
	v54 =	vld [tilespmem:$0x220];
	[tilespmem:$0x1C0] =	vst v0;
	v0 =	vadd.s32 $0x1, v20  }
0x291: {  	v26 =	vld [tilespmem:$0xA0];
	[tilespmem:$0x40] =	vst v1;
	v1 =	vsel vm12, v40, v20;
	v20 =	vshrl.u32 v42, $0x1;
	v0 =	vsel vm12, v0, v39  }
0x292: {  	v45 =	vadd.s32 v46, v47;
	v30 =	vld [tilespmem:$0xB0];
	vm5 =	vlt.s32 v63, v13;
	[tilespmem:$0x1D0] =	vst v0;
	v0 =	vadd.s32 $0x1, v20  }
0x293: {  	v63 =	vld [tilespmem:$0x280];
	[tilespmem:$0x50] =	vst v1;
	v1 =	vsel vm13, v44, v20;
	v20 =	vshrl.u32 v45, $0x1;
	v0 =	vsel vm13, v0, v43  }
0x294: {  	v48 =	vadd.s32 v59, v60;
	v27 =	vld [tilespmem:$0x230];
	[tilespmem:$0x1E0] =	vst v0;
	v0 =	vadd.s32 $0x1, v20  }
0x295: {  	v29 =	vld [tilespmem:$0x5C0];
	[tilespmem:$0x60] =	vst v1;
	v1 =	vsel vm14, v47, v20;
	v20 =	vshrl.u32 v48, $0x1;
	v0 =	vsel vm14, v0, v46  }
0x296: {  	vm15 =	vlt.s32 v52, v11;
	v52 =	vadd.s32 v53, v55;
	v34 =	vld [tilespmem:$0x250];
	[tilespmem:$0x1F0] =	vst v0;
	v0 =	vadd.s32 $0x1, v20  }
0x297: {  	v32 =	vld [tilespmem:$0x240];
	[tilespmem:$0x70] =	vst v1;
	v1 =	vsel vm15, v60, v20;
	v20 =	vshrl.u32 v52, $0x1;
	v0 =	vsel vm15, v0, v59  }
0x298: {  	v35 =	vld [tilespmem:$0x5D0];
	v59 =	vadd.s32 v54, v26;
	[tilespmem:$0x200] =	vst v0;
	v0 =	vadd.s32 $0x1, v20  }
0x299: {  	v37 =	vld [tilespmem:$0xD0];
	[tilespmem:$0x80] =	vst v1;
	v1 =	vsel vm4, v55, v20;
	v20 =	vshrl.u32 v59, $0x1;
	v0 =	vsel vm4, v0, v53  }
0x29a: {  	vm9 =	vlt.s32 v56, v17;
	v36 =	vld [tilespmem:$0x5E0];
	v62 =	vadd.s32 v27, v30;
	[tilespmem:$0x210] =	vst v0;
	v0 =	vadd.s32 $0x1, v20  }
0x29b: {  	v39 =	vld [tilespmem:$0x260];
	[tilespmem:$0x90] =	vst v1;
	v1 =	vsel vm5, v26, v20;
	v20 =	vshrl.u32 v62, $0x1;
	v0 =	vsel vm5, v0, v54  }
0x29c: {  	v56 =	vld [tilespmem:$0x130];
	vm6 =	vlt.s32 v29, v14;
	v33 =	vadd.s32 v32, v31;
	[tilespmem:$0x220] =	vst v0;
	v0 =	vadd.s32 $0x1, v20  }
0x29d: {  	v60 =	vld [tilespmem:$0xF0];
	[tilespmem:$0xA0] =	vst v1;
	v1 =	vsel vm6, v30, v20;
	v20 =	vshrl.u32 v33, $0x1;
	v0 =	vsel vm6, v0, v27  }
0x29e: {  	v41 =	vld [tilespmem:$0x620];
	vm7 =	vlt.s32 v35, v15;
	v46 =	vadd.s32 v34, v37;
	[tilespmem:$0x230] =	vst v0;
	v0 =	vadd.s32 $0x1, v20  }
0x29f: {  	v26 =	vld [tilespmem:$0x100];
	[tilespmem:$0xB0] =	vst v1;
	v1 =	vsel vm7, v31, v20;
	v20 =	vshrl.u32 v46, $0x1;
	v0 =	vsel vm7, v0, v32  }
0x2a0: {  	v47 =	vld [tilespmem:$0x110];
	vm8 =	vlt.s32 v36, v16;
	v49 =	vadd.s32 v39, v38;
	[tilespmem:$0x240] =	vst v0;
	v0 =	vadd.s32 $0x1, v20  }
0x2a1: {  	v27 =	vld [tilespmem:$0x290];
	[tilespmem:$0xC0] =	vst v1;
	v1 =	vsel vm8, v37, v20;
	v20 =	vshrl.u32 v49, $0x1;
	v0 =	vsel vm8, v0, v34  }
0x2a2: {  	v48 =	vld [tilespmem:$0x630];
	v52 =	vadd.s32 v58, v60;
	[tilespmem:$0x250] =	vst v0;
	v0 =	vadd.s32 $0x1, v20  }
0x2a3: {  	v53 =	vld [tilespmem:$0x640];
	[tilespmem:$0xD0] =	vst v1;
	v1 =	vsel vm9, v38, v20;
	v20 =	vshrl.u32 v52, $0x1;
	v0 =	vsel vm9, v0, v39  }
0x2a4: {  	vm10 =	vlt.s32 v61, v18;
	v54 =	vld [tilespmem:$0x2B0];
	v55 =	vadd.s32 v63, v26;
	[tilespmem:$0x260] =	vst v0;
	v0 =	vadd.s32 $0x1, v20  }
0x2a5: {  	[tilespmem:$0xE0] =	vst v1;
	v1 =	vsel vm10, v60, v20;
	v60 =	vld [tilespmem:$0x2C0];
	v20 =	vshrl.u32 v55, $0x1;
	v0 =	vsel vm10, v0, v58  }
0x2a6: {  	vm11 =	vlt.s32 v41, v19;
	v59 =	vadd.s32 v27, v47;
	v58 =	vld [tilespmem:$0x650];
	[tilespmem:$0x270] =	vst v0;
	v0 =	vadd.s32 $0x1, v20  }
0x2a7: {  	[tilespmem:$0xF0] =	vst v1;
	v1 =	vsel vm11, v26, v20;
	v26 =	vld [tilespmem:$0x140];
	v20 =	vshrl.u32 v59, $0x1;
	v0 =	vsel vm11, v0, v63  }
0x2a8: {  	v61 =	vadd.s32 v50, v51;
	vm12 =	vlt.s32 v48, v21;
	[tilespmem:$0x280] =	vst v0;
	v0 =	vadd.s32 $0x1, v20  }
0x2a9: {  	[tilespmem:$0x100] =	vst v1;
	v1 =	vsel vm12, v47, v20;
	v20 =	vshrl.u32 v61, $0x1;
	v0 =	vsel vm12, v0, v27;
	v27 =	vld [tilespmem:$0x660]  }
0x2aa: {  	vm13 =	vlt.s32 v53, v22;
	v62 =	vadd.s32 v54, v56;
	[tilespmem:$0x290] =	vst v0;
	v0 =	vadd.s32 $0x1, v20  }
0x2ab: {  	[tilespmem:$0x110] =	vst v1;
	v1 =	vsel vm13, v51, v20;
	v20 =	vshrl.u32 v62, $0x1;
	v0 =	vsel vm13, v0, v50  }
0x2ac: {  	p0 =	sne.s32 s3, $0x1;
	vm14 =	vlt.s32 v58, v23;
	v63 =	vadd.s32 v60, v26;
	[tilespmem:$0x2A0] =	vst v0;
	v0 =	vadd.s32 $0x1, v20  }
.Ltmp10:
0x2ad: {  	[tilespmem:$0x120] =	vst v1;
	v1 =	vshrl.u32 v63, $0x1;
	v0 =	vsel vm14, v0, v54;
	(pc) =	sbr.rel @p0 .LBB2_11-.Ltmp10, $4  }
0x2ae: {  	[tilespmem:$0x2B0] =	vst v0;
	v0 =	vsel vm14, v56, v20;
	vm15 =	vlt.s32 v27, v24;
	v20 =	vadd.s32 $0x1, v1  }
0x2af: {  	[tilespmem:$0x130] =	vst v0;
	v0 =	vsel vm15, v20, v60  }
0x2b0: {  	[tilespmem:$0x2C0] =	vst v0;
	v0 =	vsel vm15, v26, v1  }
0x2b1: {  	s3 =	sadd.s32 $0xFFFFFFFF, s3;
	[tilespmem:$0x140] =	vst v0  }
.LBB2_12:
0x2b2: {  	_ =	sdelay $0x2  }
0x2b3: {  	s30 =	simm.s32 $0x0  }
0x2b4: {  	v0 =	vld.idx.msk [tilespmem:v57+s30+$0x0], $0xffff;
	_ =	sdelay $0x4  }
0x2b5: {  	v0 =	vxor.u32 $0x80000000, v0  }
0x2b6: {  	(xrf0) =	vmin.scan.msk.u32 $0xffff, v0;
	_ =	sdelay $0x5  }
0x2b7: {  	v0, _, _ =	vpop (xrf0)  }
0x2b8: {  	(v2sf) =	vpush v0, $0xF;
	_ =	sdelay $0xe  }
0x2b9: {  	s0 =	spop (v2sf)  }
0x2ba: {  	s0 =	sand.u32 $0xFFFFFFF8, s0  }
0x2bb: {  	s0 =	sxor.u32 $0x80000000, s0  }
0x2bc: {  	p0 =	sgt.s32 s0, $0x0  }
0x2bd: {  	s0 =	simm.s32 @!p0 $0x0  }
0x2be: {  	s0 =	smin.u32 s0, $0xF3240  }
.Ltmp11:
0x2bf: {  	s0 =	sshrl.u32 s0, $0x3;
	(pc) =	sbr.rel .LBB2_13-.Ltmp11, $4  }
0x2c0: {  	s16 =	simm.s32 $0x12800;
	s3 =	sadd.s32 s1, s0  }
0x2c1: {  	[tilespmem:s16], [sflag:$0x1] =	stream.linear.gather [hbm4b:s3+s30], $0x1000, $0x38;
	[tilespmem:$0x16900] =	vst v63  }
0x2c2: {  	s31 =	simm.s32 $0x14800;
	s0 =	sadd.s32 s2, s0  }
0x2c3: {  	v42 =	vimm.f32 $0.0e+00;
	v43 =	vimm.f32 $0.0e+00;
	[tilespmem:s31], [sflag:$0x2] =	stream.linear.gather [hbm4b:s0+s30], $0x1000, $0x38;
	[tilespmem:$0x16900] =	vst v63  }
.LBB2_14:
0x2c4: {  	v0 =	vimm.s32 $0x80000000  }
0x2c5: {  	v35 =	vimm.s32 $0x80000000;
	v46 =	vimm.s32 $0x80000000;
	v31 =	vimm.s32 $0x80000000  }
0x2c6: {  	v30 =	vimm.s32 $0x80000000;
	v27 =	vimm.s32 $0x80000000;
	v26 =	vimm.s32 $0x80000000  }
0x2c7: {  	v28 =	vimm.s32 $0x80000000;
	v29 =	vimm.s32 $0x80000000;
	v54 =	vimm.s32 $0x80000000  }
0x2c8: {  	v56 =	vimm.s32 $0x80000000;
	v53 =	vimm.s32 $0x80000000;
	v34 =	vimm.s32 $0x80000000  }
0x2c9: {  	v40 =	vimm.s32 $0x80000000;
	v39 =	vimm.s32 $0x80000000;
	v47 =	vimm.s32 $0x80000000  }
0x2ca: {  	v48 =	vimm.s32 $0x80000000;
	v32 =	vimm.s32 $0x80000000;
	v20 =	vimm.s32 $0x80000000  }
.LBB2_18:
0x2cb: {  	v1 =	vand.u32 $0xFFF, v54  }
0x2cc: {  	v2 =	vand.u32 $0xFFF, v56;
	_ =	sdelay $0x1  }
0x2cd: {  	v25 =	vand.u32 $0xFFF, v53;
	_ =	sdelay $0x1  }
0x2ce: {  	v1 =	vld.idx.msk [tilespmem:v1+s31+$0x0], $0xffff  }
0x2cf: {  	v37 =	vand.u32 $0xFFF, v34;
	v2 =	vld.idx.msk [tilespmem:v2+s31+$0x0], $0xffff;
	_ =	sdelay $0x1  }
0x2d0: {  	v38 =	vand.u32 $0xFFF, v40;
	v25 =	vld.idx.msk [tilespmem:v25+s31+$0x0], $0xffff  }
0x2d1: {  	v33 =	vand.u32 $0xFFF, v45;
	v36 =	vand.u32 $0xFFF, v0;
	v41 =	vand.u32 $0xFFF, v39  }
0x2d2: {  	vm0 =	veq.s32 v54, $0x80000000;
	vm1 =	veq.s32 v45, $0x80000000;
	vm8 =	veq.s32 v56, $0x80000000  }
0x2d3: {  	v52 =	vand.u32 $0xFFF, v47;
	v37 =	vld.idx.msk [tilespmem:v37+s31+$0x0], $0xffff;
	v1 =	vadd.f32 $0.0e+00, v1;
	v2 =	vmul.f32 $6.309297680e-01, v2  }
0x2d4: {  	vm9 =	veq.s32 v53, $0x80000000;
	vm2 =	veq.s32 v0, $0x80000000;
	v54 =	vand.u32 $0xFFF, v48  }
0x2d5: {  	v38 =	vld.idx.msk [tilespmem:v38+s31+$0x0], $0xffff;
	v25 =	vmul.f32 $5.000000000e-01, v25;
	v1 =	vsel vm0, $0x0, v1;
	v2 =	vsel vm8, $0x0, v2  }
0x2d6: {  	vm10 =	veq.s32 v34, $0x80000000;
	v60 =	vand.u32 $0xFFF, v20;
	v1 =	vadd.f32 v2, v1  }
0x2d7: {  	vm11 =	veq.s32 v40, $0x80000000;
	v61 =	vand.u32 $0xFFF, v46;
	v0 =	vsel vm9, $0x0, v25;
	v25 =	vld.idx.msk [tilespmem:v41+s31+$0x0], $0xffff  }
0x2d8: {  	v37 =	vmul.f32 $4.306765500e-01, v37;
	v0 =	vadd.f32 v0, v1;
	v1 =	vand.u32 $0xFFF, v32  }
0x2d9: {  	vm12 =	veq.s32 v39, $0x80000000;
	v63 =	vand.u32 $0xFFF, v31;
	v58 =	vld.idx.msk [tilespmem:v52+s31+$0x0], $0xffff;
	v2 =	vand.u32 $0xFFF, v35  }
0x2da: {  	vm13 =	veq.s32 v35, $0x80000000;
	v33 =	vld.idx.msk [tilespmem:v33+s31+$0x0], $0xffff;
	v59 =	vmul.f32 $3.868528010e-01, v38;
	v56 =	vsel vm10, $0x0, v37  }
0x2db: {  	vm14 =	veq.s32 v47, $0x80000000;
	v51 =	vand.u32 $0xFFF, v30;
	v41 =	vld.idx.msk [tilespmem:v54+s31+$0x0], $0xffff;
	v0 =	vadd.f32 v56, v0  }
0x2dc: {  	vm15 =	veq.s32 v48, $0x80000000;
	v36 =	vld.idx.msk [tilespmem:v36+s31+$0x0], $0xffff;
	v62 =	vsel vm11, $0x0, v59;
	v25 =	vmul.f32 $3.562071920e-01, v25  }
0x2dd: {  	v53 =	vand.u32 $0xFFF, v27;
	vm4 =	veq.s32 v32, $0x80000000;
	v0 =	vadd.f32 v62, v0;
	v1 =	vld.idx.msk [tilespmem:v1+s31+$0x0], $0xffff  }
0x2de: {  	vm5 =	veq.s32 v20, $0x80000000;
	v49 =	vmul.f32 $3.333333430e-01, v58;
	v2 =	vld.idx.msk [tilespmem:v2+s31+$0x0], $0xffff;
	v25 =	vsel vm12, $0x0, v25  }
0x2df: {  	vm6 =	veq.s32 v46, $0x80000000;
	vm7 =	veq.s32 v31, $0x80000000;
	v0 =	vadd.f32 v25, v0;
	v25 =	vld.idx.msk [tilespmem:v60+s31+$0x0], $0xffff  }
0x2e0: {  	s0 =	sadd.s32 s6, s3;
	v50 =	vld.idx.msk [tilespmem:v61+s31+$0x0], $0xffff;
	v33 =	vadd.f32 $0.0e+00, v33;
	v35 =	vsel vm14, $0x0, v49;
	v52 =	vmul.f32 $3.154648840e-01, v41  }
0x2e1: {  	v45 =	vadd.s32 s0, v57;
	v36 =	vmul.f32 $6.309297680e-01, v36;
	v0 =	vadd.f32 v35, v0  }
0x2e2: {  	v33 =	vsel vm1, $0x0, v33;
	v39 =	vsel vm15, $0x0, v52;
	v1 =	vmul.f32 $3.010300100e-01, v1  }
0x2e3: {  	v34 =	vld.idx.msk [tilespmem:v63+s31+$0x0], $0xffff;
	v55 =	vsel vm2, $0x0, v36;
	v54 =	vand.u32 $0xFFF, v26;
	v0 =	vadd.f32 v39, v0  }
0x2e4: {  	v56 =	vld.idx.msk [tilespmem:v51+s31+$0x0], $0xffff;
	v2 =	vmul.f32 $5.000000000e-01, v2;
	v25 =	vmul.f32 $2.890648250e-01, v25;
	v1 =	vsel vm4, $0x0, v1  }
0x2e5: {  	v33 =	vadd.f32 v55, v33;
	v55 =	vmul.f32 $4.306765500e-01, v50;
	v62 =	vld [tilespmem:$0x1FF00];
	v0 =	vadd.f32 v1, v0  }
0x2e6: {  	v2 =	vsel vm13, $0x0, v2;
	v1 =	vand.u32 $0xFFF, v28;
	v20 =	vsel vm5, $0x0, v25  }
0x2e7: {  	v59 =	vld.idx.msk [tilespmem:v53+s31+$0x0], $0xffff;
	v2 =	vadd.f32 v2, v33;
	v0 =	vadd.f32 v20, v0;
	v20 =	vand.u32 $0xFFF, v29  }
0x2e8: {  	v58 =	vmul.f32 $3.868528010e-01, v34;
	vm8 =	vgt.s32 v44, $0x0;
	v25 =	vsel vm6, $0x0, v55  }
0x2e9: {  	v60 =	vld.idx.msk [tilespmem:v54+s31+$0x0], $0xffff;
	v61 =	vmul.f32 $3.562071920e-01, v56;
	v2 =	vadd.f32 v25, v2;
	vm9 =	vgt.f32 v0, $0.0e+00  }
0x2ea: {  	vm10 =	vlt.u32 v45, v62;
	v25 =	vsel vm7, $0x0, v58;
	vm0 =	vmand vm8, vm9  }
0x2eb: {  	vm11 =	veq.s32 v30, $0x80000000;
	v2 =	vadd.f32 v25, v2;
	v1 =	vld.idx.msk [tilespmem:v1+s31+$0x0], $0xffff;
	vm0 =	vmand vm10, vm0  }
0x2ec: {  	v63 =	vmul.f32 $3.333333430e-01, v59;
	v25 =	vsel vm11, $0x0, v61;
	v0 =	vnsel vm0, $0x3F800000, v0;
	v20 =	vld.idx.msk [tilespmem:v20+s31+$0x0], $0xffff  }
0x2ed: {  	vm12 =	veq.s32 v27, $0x80000000;
	v2 =	vadd.f32 v25, v2;
	(erf) = vrcp.f32 v0  }
0x2ee: {  	v25 =	vmul.f32 $3.154648840e-01, v60;
	v0 =	vsel vm12, $0x0, v63  }
0x2ef: {  	vm13 =	veq.s32 v26, $0x80000000;
	v0 =	vadd.f32 v0, v2  }
0x2f0: {  	v2 =	vsel vm13, $0x0, v25;
	v1 =	vmul.f32 $3.010300100e-01, v1  }
0x2f1: {  	vm14 =	veq.s32 v28, $0x80000000;
	v0 =	vadd.f32 v2, v0;
	v2 =	vmul.f32 $2.890648250e-01, v20  }
0x2f2: {  	vm15 =	veq.s32 v29, $0x80000000;
	v1 =	vsel vm14, $0x0, v1  }
0x2f3: {  	v0 =	vadd.f32 v1, v0;
	v1 =	vsel vm15, $0x0, v2;
	_ =	sdelay $0x1  }
0x2f4: {  	v0 =	vadd.f32 v1, v0  }
0x2f5: {  	p0 =	sne.s32 s30, $0x14;
	v1 =	vpop (erf)  }
.Ltmp12:
0x2f6: {  	v0 =	vmul.f32 v1, v0;
	(pc) =	sbr.rel @!p0 .LBB2_19-.Ltmp12, $4  }
0x2f7: {  	_ = 	snop  }
0x2f8: {  	v1 =	vimm.f32 $0.0e+00;
	v0 =	vnsel vm0, $0x0, v0  }
0x2f9: {  	v1 =	vsel vm0, $0x3F800000, v1;
	v43 =	vadd.f32 v0, v43  }
0x2fa: {  	v42 =	vadd.f32 v1, v42  }
.LBB2_13:
0x2fb: {  	s16 =	smov.u32 s30  }
0x2fc: {  	s30 =	sadd.s32 $0x1, s30;
	p0 =	seq.s32 s16, $0x13  }
0x2fd: {  	s0 =	sshll.u32 @!p0 s30, $0x4;
	v0 =	vlaneseq.u32 @!p0  }
0x2fe: {  	v0 =	vor.u32 @!p0 s0, v0;
	_ =	sdelay $0x3  }
0x2ff: {  	s0 =	simm.s32 @!p0 $0x0  }
0x300: {  	v0 =	vld.idx.msk @!p0 [tilespmem:v0+s0+$0x0], $0xffff;
	_ =	sdelay $0x4  }
0x301: {  	v0 =	vxor.u32 @!p0 $0x80000000, v0  }
0x302: {  	(xrf0) =	vmin.scan.msk.u32 @!p0 $0xffff, v0;
	_ =	sdelay $0x5  }
0x303: {  	v0, _, _ =	vpop @!p0 (xrf0)  }
0x304: {  	(v2sf) =	vpush @!p0 v0, $0xF;
	_ =	sdelay $0xe  }
0x305: {  	s3 =	spop @!p0 (v2sf)  }
0x306: {  	s3 =	sand.u32 @!p0 $0xFFFFFFF8, s3  }
0x307: {  	s3 =	sxor.u32 @!p0 $0x80000000, s3  }
0x308: {  	p1 =	sgt.s32 @!p0 s3, $0x0  }
0x309: {  	p1 =	por !p1, p0  }
0x30a: {  	s3 =	simm.s32 @p1 $0x0  }
0x30b: {  	s17 =	sshll.u32 @!p0 s30, $0xC;
	s18 =	smin.u32 @!p0 s3, $0xF3240;
	s3 =	sshll.u32 s16, $0x4  }
0x30c: {  	s17 =	sand.u32 @!p0 $0x1000, s17;
	s18 =	sshrl.u32 @!p0 s18, $0x3;
	v0 =	vor.u32 s3, v57  }
0x30d: {  	s31 =	sor.u32 @!p0 $0x12800, s17;
	s20 =	sadd.s32 @!p0 s1, s18  }
0x30e: {  	[tilespmem:s31], [sflag:$0x1] =	stream.linear.gather @!p0 [hbm4b:s20+s0], $0x1000, $0x38;
	[tilespmem:$0x16900] =	vst v63  }
0x30f: {  	s17 =	sor.u32 @!p0 $0x14800, s17;
	s18 =	sadd.s32 @!p0 s2, s18  }
0x310: {  	[tilespmem:s17], [sflag:$0x2] =	stream.linear.gather @!p0 [hbm4b:s18+s0], $0x1000, $0x38;
	[tilespmem:$0x16900] =	vst v63  }
0x311: {  	v1 =	vld.idx.msk [tilespmem:v0+s5+$0x0], $0xffff;
	_ =	sdelay $0x4  }
0x312: {  	v0 =	vxor.u32 $0x80000000, v1  }
0x313: {  	(xrf0) =	vmin.scan.msk.u32 $0xffff, v0;
	_ =	sdelay $0x5  }
0x314: {  	v0, _, _ =	vpop (xrf0)  }
0x315: {  	(v2sf) =	vpush v0, $0xF;
	_ =	sdelay $0x6  }
0x316: {  	v0 =	vadd.s32 $0x1, v57  }
0x317: {  	v0 =	vadd.s32 s3, v0;
	_ =	sdelay $0x4  }
0x318: {  	v0 =	vld.idx.msk [tilespmem:v0+s5+$0x0], $0xffff;
	_ =	sdelay $0x1  }
0x319: {  	s0 =	simm.s32 $0x1;
	s17 =	spop (v2sf)  }
0x31a: {  	_ =	swait.ge [sflag:s0], $0x1000  }
0x31b: {  	[sflag:s0] =	ssyncset.done $0x0  }
0x31c: {  	v44 =	vsub.s32 v0, v1;
	[sflag:s0] =	ssyncadd.s32 $0xFFFFF000  }
0x31d: {  	v20 =	vxor.u32 $0x80000000, v44;
	_ =	swait.ge [sflag:s15], $0x1000  }
0x31e: {  	(xrf0) =	vmax.scan.msk.u32 $0xffff, v20;
	_ =	sdelay $0x5  }
0x31f: {  	v20, _, _ =	vpop (xrf0)  }
0x320: {  	(v2sf) =	vpush v20, $0xF;
	_ =	sdelay $0xe  }
0x321: {  	s20 =	spop (v2sf)  }
0x322: {  	s18 =	sadd.s32 $0x80000001, s20  }
0x323: {  	s20 =	sshll.u32 s16, $0xC;
	s16 =	sshrl.u32 s18, $0x1  }
0x324: {  	p0 =	seq.s32 s16, $0x0  }
.Ltmp13:
0x325: {  	_ = 	snop;
	(pc) =	sbr.rel @p0 .LBB2_14-.Ltmp13, $3  }
0x326: {  	_ =	sdelay $0x1  }
0x327: {  	[sflag:s15] =	ssyncset.done $0x0;
	s18 =	sand.u32 $0x1000, s20  }
0x328: {  	v45 =	vimm.s32 $0x80000000;
	[sflag:s15] =	ssyncadd.s32 $0xFFFFF000;
	s31 =	sor.u32 $0x14800, s18  }
0x329: {  	s17 =	sand.u32 $0xFFFFFFF8, s17  }
0x32a: {  	s17 =	sxor.u32 $0x80000000, s17  }
0x32b: {  	p0 =	sgt.s32 s17, $0x0  }
0x32c: {  	s17 =	simm.s32 @!p0 $0x0  }
0x32d: {  	s17 =	smin.u32 s17, $0xF3240  }
0x32e: {  	v20 =	vmov s17  }
0x32f: {  	s20 =	simm.s32 $0x0;
	v46 =	vsub.s32 v1, v20  }
0x330: {  	v1 =	vadd.s32 s20, v46  }
0x331: {  	vm0 =	vlt.s32 v1, $0xFFF  }
0x332: {  	v26 =	vnsel vm0, $0xFFF, v1  }
0x333: {  	v27 =	vadd.s32 s0, v46  }
0x334: {  	vm0 =	vlt.s32 v27, $0xFFF  }
0x335: {  	v28 =	vnsel vm0, $0xFFF, v27  }
0x336: {  	s0 =	sor.u32 $0x12800, s18  }
0x337: {  	v29 =	vld.idx.msk [tilespmem:v26+s0+$0x0], $0xffff;
	_ =	sdelay $0x1  }
0x338: {  	v30 =	vld.idx.msk [tilespmem:v26+s31+$0x0], $0xffff  }
0x339: {  	v31 =	vld.idx.msk [tilespmem:v28+s0+$0x0], $0xffff  }
0x33a: {  	v0 =	vsub.s32 v0, v20  }
0x33b: {  	vm0 =	vlt.s32 v0, $0x1000;
	v20 =	vld.idx.msk [tilespmem:v28+s31+$0x0], $0xffff;
	vm1 =	vlt.s32 v29, $0x0;
	v32 =	vxor.u32 $0x7FFFF000, v29  }
0x33c: {  	v48 =	vnsel vm0, $0x1000, v0;
	v0 =	vsel vm1, v32, v29  }
0x33d: {  	vm0 =	vlt.s32 v1, v48;
	v1 =	vand.u32 $0xFFFFF000, v30;
	v0 =	vand.u32 $0xFFFFF000, v0  }
0x33e: {  	vm1 =	vlt.s32 v27, v48;
	vm2 =	vlt.s32 v31, $0x0;
	v0 =	vor.u32 v26, v0  }
0x33f: {  	v27 =	vxor.u32 $0x7FFFF000, v31;
	v1 =	vor.u32 v26, v1;
	v0 =	vnsel vm0, $0x80000000, v0  }
0x340: {  	v20 =	vand.u32 $0xFFFFF000, v20;
	v1 =	vnsel vm0, $0x80000000, v1;
	vm3 =	vlt.s32 v45, v0  }
0x341: {  	v20 =	vor.u32 v28, v20;
	v49 =	vsel vm3, v0, v45;
	v0 =	vsel vm3, v45, v0  }
0x342: {  	v26 =	vsel vm2, v27, v31;
	vm2 =	vlt.s32 v45, v1;
	vm0 =	vlt.s32 v45, v0  }
0x343: {  	v53 =	vnsel vm1, $0x80000000, v20;
	v50 =	vsel vm0, v0, v45;
	v0 =	vsel vm0, v45, v0  }
0x344: {  	v26 =	vand.u32 $0xFFFFF000, v26;
	v54 =	vsel vm2, v1, v45;
	vm0 =	vlt.s32 v45, v0  }
0x345: {  	v1 =	vsel vm2, v45, v1;
	v56 =	vsel vm0, v0, v45;
	v0 =	vsel vm0, v45, v0  }
0x346: {  	v26 =	vor.u32 v28, v26;
	vm2 =	vlt.s32 v54, v53;
	vm3 =	vlt.s32 v45, v0  }
0x347: {  	v51 =	vnsel vm1, $0x80000000, v26;
	v59 =	vsel vm3, v0, v45;
	v0 =	vsel vm3, v45, v0  }
0x348: {  	v28 =	vsel vm2, v54, v53;
	vm0 =	vlt.s32 v49, v51;
	vm3 =	vlt.s32 v45, v0  }
0x349: {  	v60 =	vsel vm3, v0, v45;
	v0 =	vsel vm3, v45, v0;
	vm3 =	vlt.s32 v45, v1  }
0x34a: {  	vm4 =	vlt.s32 v45, v0;
	v57 =	vsel vm3, v1, v45;
	v1 =	vsel vm3, v45, v1  }
0x34b: {  	v61 =	vsel vm4, v0, v45;
	v0 =	vsel vm4, v45, v0;
	vm4 =	vlt.s32 v45, v1  }
0x34c: {  	vm3 =	vlt.s32 v45, v0;
	v26 =	vsel vm4, v1, v45;
	v1 =	vsel vm4, v45, v1  }
0x34d: {  	v27 =	vsel vm3, v0, v45;
	v0 =	vsel vm3, v45, v0;
	vm3 =	vlt.s32 v57, v28  }
0x34e: {  	vm6 =	vlt.s32 v45, v1;
	vm5 =	vlt.s32 v45, v0;
	v29 =	vsel vm3, v57, v28  }
0x34f: {  	v32 =	vsel vm6, v1, v45;
	v63 =	vsel vm5, v0, v45;
	v0 =	vsel vm5, v45, v0  }
0x350: {  	v1 =	vsel vm6, v45, v1;
	vm4 =	vlt.s32 v26, v29;
	vm5 =	vlt.s32 v45, v0  }
0x351: {  	vm6 =	vlt.s32 v45, v1;
	v62 =	vsel vm5, v0, v45;
	v0 =	vsel vm5, v45, v0  }
0x352: {  	v34 =	vsel vm4, v26, v29;
	v40 =	vsel vm6, v1, v45;
	vm5 =	vgt.s32 v45, v0  }
0x353: {  	v1 =	vsel vm6, v45, v1;
	v55 =	vsel vm5, v45, v0;
	vm5 =	vlt.s32 v32, v34  }
0x354: {  	v52 =	vsel vm0, v49, v51;
	vm6 =	vlt.s32 v45, v1;
	v30 =	vsel vm5, v32, v34  }
0x355: {  	v39 =	vsel vm6, v1, v45;
	v1 =	vsel vm6, v45, v1;
	vm7 =	vlt.s32 v40, v30  }
0x356: {  	vm1 =	vlt.s32 v50, v52;
	vm9 =	vlt.s32 v45, v1;
	v20 =	vsel vm7, v40, v30  }
0x357: {  	p0 =	sne.s32 s16, $0x1;
	v0 =	vsel vm1, v50, v52;
	v36 =	vsel vm9, v45, v1;
	vm6 =	vlt.s32 v39, v20  }
.Ltmp14:
0x358: {  	v35 =	vsel vm9, v1, v45;
	vm9 =	vlt.s32 v45, v36;
	v37 =	vsel vm6, v39, v20;
	(pc) =	sbr.rel @!p0 .LBB2_17-.Ltmp14, $4  }
0x359: {  	vm8 =	vlt.s32 v56, v0;
	v38 =	vsel vm9, v45, v36;
	vm10 =	vlt.s32 v35, v37  }
0x35a: {  	v1 =	vsel vm9, v36, v45;
	vm11 =	vlt.s32 v45, v38;
	v58 =	vsel vm10, v35, v37  }
0x35b: {  	v31 =	vsel vm8, v56, v0;
	v36 =	vsel vm11, v38, v45;
	vm9 =	vlt.s32 v1, v58  }
0x35c: {  	s16 =	sadd.s32 $0xFFFFFFFF, s16;
	s17 =	simm.s32 $0x3;
	v38 =	vsel vm11, v45, v38;
	v47 =	vsel vm10, v37, v35;
	v37 =	vsel vm9, v1, v58  }
.LBB2_16:
0x35d: {  	s18 =	sadd.s32 $0xFFFFFFFF, s17;
	p0 =	sne.s32 s16, $0x1;
	s16 =	sadd.s32 $0xFFFFFFFF, s16;
	v0 =	vsel vm8, v0, v56;
	vm8 =	vlt.s32 v59, v31;
	v58 =	vsel vm9, v58, v1  }
0x35e: {  	v1 =	vadd.s32 s18, v46;
	v33 =	vsel vm8, v31, v59;
	v31 =	vsel vm8, v59, v31  }
0x35f: {  	v30 =	vsel vm7, v30, v40;
	vm8 =	vlt.s32 v1, $0xFFF;
	vm9 =	vlt.s32 v60, v31  }
0x360: {  	v35 =	vadd.s32 s17, v46;
	v40 =	vnsel vm8, $0xFFF, v1;
	v56 =	vsel vm9, v60, v31  }
0x361: {  	vm7 =	vlt.s32 v35, $0xFFF;
	v41 =	vsel vm9, v31, v60;
	vm8 =	vlt.s32 v61, v56  }
0x362: {  	v59 =	vnsel vm7, $0xFFF, v35;
	v31 =	vsel vm6, v20, v39;
	v60 =	vsel vm8, v61, v56  }
0x363: {  	v28 =	vsel vm3, v28, v57;
	v20 =	vsel vm8, v56, v61;
	vm6 =	vlt.s32 v27, v60  }
0x364: {  	v34 =	vsel vm5, v34, v32;
	v39 =	vsel vm6, v60, v27;
	v27 =	vsel vm6, v27, v60  }
0x365: {  	v57 =	vsel vm2, v53, v54;
	v29 =	vsel vm4, v29, v26;
	v32 =	vld.idx.msk [tilespmem:v40+s0+$0x0], $0xffff;
	vm3 =	vlt.s32 v63, v27  }
0x366: {  	v52 =	vsel vm1, v52, v50;
	v26 =	vld.idx.msk [tilespmem:v40+s31+$0x0], $0xffff;
	v25 =	vsel vm3, v27, v63;
	v27 =	vsel vm3, v63, v27  }
0x367: {  	v51 =	vsel vm0, v51, v49;
	v50 =	vld.idx.msk [tilespmem:v59+s0+$0x0], $0xffff;
	vm0 =	vlt.s32 v62, v27  }
0x368: {  	v2 =	vsel vm0, v27, v62;
	v27 =	vsel vm0, v62, v27  }
0x369: {  	vm3 =	vlt.s32 v36, v37;
	vm0 =	vgt.s32 v45, v38;
	v49 =	vld.idx.msk [tilespmem:v59+s31+$0x0], $0xffff;
	vm2 =	vgt.s32 v55, v27  }
0x36a: {  	vm1 =	vlt.s32 v35, v48;
	vm4 =	vlt.s32 v1, v48;
	v1 =	vsel vm0, v45, v38  }
0x36b: {  	v35 =	vsel vm3, v37, v36;
	vm0 =	vlt.s32 v32, $0x0;
	v38 =	vxor.u32 $0x7FFFF000, v32  }
0x36c: {  	v36 =	vsel vm3, v36, v37;
	v32 =	vsel vm0, v38, v32;
	v26 =	vand.u32 $0xFFFFF000, v26  }
0x36d: {  	vm3 =	vgt.s32 v1, v36;
	v32 =	vand.u32 $0xFFFFF000, v32;
	vm0 =	vlt.s32 v50, $0x0  }
0x36e: {  	v45 =	vsel vm3, v1, v36;
	v37 =	vxor.u32 $0x7FFFF000, v50;
	v32 =	vor.u32 v40, v32  }
0x36f: {  	v36 =	vsel vm2, v55, v27;
	v1 =	vnsel vm4, $0x80000000, v32;
	v32 =	vand.u32 $0xFFFFF000, v49  }
0x370: {  	v26 =	vor.u32 v40, v26;
	v27 =	vsel vm0, v37, v50;
	vm2 =	vlt.s32 v51, v1  }
0x371: {  	v27 =	vand.u32 $0xFFFFF000, v27;
	v49 =	vsel vm2, v1, v51;
	v1 =	vsel vm2, v51, v1  }
0x372: {  	v26 =	vnsel vm4, $0x80000000, v26;
	v32 =	vor.u32 v59, v32;
	vm0 =	vlt.s32 v52, v1  }
0x373: {  	v27 =	vor.u32 v59, v27;
	v50 =	vsel vm0, v1, v52;
	v1 =	vsel vm0, v52, v1  }
0x374: {  	vm2 =	vlt.s32 v57, v26;
	v51 =	vnsel vm1, $0x80000000, v27;
	vm0 =	vlt.s32 v0, v1  }
0x375: {  	v56 =	vsel vm0, v1, v0;
	v0 =	vsel vm0, v0, v1;
	vm0 =	vlt.s32 v49, v51  }
0x376: {  	v53 =	vnsel vm1, $0x80000000, v32;
	vm3 =	vlt.s32 v33, v0;
	v52 =	vsel vm0, v49, v51  }
0x377: {  	v54 =	vsel vm2, v26, v57;
	v59 =	vsel vm3, v0, v33;
	v0 =	vsel vm3, v33, v0  }
0x378: {  	v1 =	vsel vm2, v57, v26;
	vm1 =	vlt.s32 v50, v52;
	vm3 =	vlt.s32 v41, v0  }
0x379: {  	v60 =	vsel vm3, v0, v41;
	v0 =	vsel vm3, v41, v0;
	vm3 =	vlt.s32 v28, v1  }
0x37a: {  	vm2 =	vlt.s32 v54, v53;
	vm4 =	vlt.s32 v20, v0;
	v57 =	vsel vm3, v1, v28  }
0x37b: {  	v1 =	vsel vm3, v28, v1;
	v61 =	vsel vm4, v0, v20;
	v0 =	vsel vm4, v20, v0  }
0x37c: {  	v28 =	vsel vm2, v54, v53;
	vm4 =	vlt.s32 v29, v1;
	vm3 =	vlt.s32 v39, v0  }
0x37d: {  	v27 =	vsel vm3, v0, v39;
	v0 =	vsel vm3, v39, v0;
	vm3 =	vlt.s32 v57, v28  }
0x37e: {  	v26 =	vsel vm4, v1, v29;
	v1 =	vsel vm4, v29, v1;
	vm5 =	vlt.s32 v25, v0  }
0x37f: {  	v29 =	vsel vm3, v57, v28;
	v63 =	vsel vm5, v0, v25;
	v0 =	vsel vm5, v25, v0  }
0x380: {  	vm6 =	vlt.s32 v34, v1;
	vm4 =	vlt.s32 v26, v29;
	vm5 =	vlt.s32 v2, v0  }
0x381: {  	v32 =	vsel vm6, v1, v34;
	v62 =	vsel vm5, v0, v2;
	v0 =	vsel vm5, v2, v0  }
0x382: {  	v1 =	vsel vm6, v34, v1;
	v34 =	vsel vm4, v26, v29;
	vm5 =	vgt.s32 v36, v0  }
0x383: {  	vm6 =	vlt.s32 v30, v1;
	v55 =	vsel vm5, v36, v0;
	vm5 =	vlt.s32 v32, v34  }
0x384: {  	v40 =	vsel vm6, v1, v30;
	v1 =	vsel vm6, v30, v1;
	v30 =	vsel vm5, v32, v34  }
0x385: {  	vm6 =	vlt.s32 v31, v1;
	v0 =	vsel vm1, v50, v52;
	vm7 =	vlt.s32 v40, v30  }
0x386: {  	v39 =	vsel vm6, v1, v31;
	v1 =	vsel vm6, v31, v1;
	v20 =	vsel vm7, v40, v30  }
0x387: {  	vm9 =	vlt.s32 v47, v1;
	vm8 =	vlt.s32 v56, v0;
	vm6 =	vlt.s32 v39, v20  }
.Ltmp15:
0x388: {  	v2 =	vsel vm9, v1, v47;
	v25 =	vsel vm9, v47, v1;
	v33 =	vsel vm6, v39, v20;
	(pc) =	sbr.rel @p0 .LBB2_16-.Ltmp15, $4  }
0x389: {  	vm9 =	vlt.s32 v58, v25;
	v31 =	vsel vm8, v56, v0;
	vm10 =	vlt.s32 v2, v33  }
0x38a: {  	v1 =	vsel vm9, v25, v58;
	v25 =	vsel vm9, v58, v25;
	v58 =	vsel vm10, v2, v33  }
0x38b: {  	vm11 =	vlt.s32 v35, v25;
	v47 =	vsel vm10, v33, v2;
	vm9 =	vlt.s32 v1, v58  }
0x38c: {  	s17 =	sadd.s32 $0x2, s17;
	v36 =	vsel vm11, v25, v35;
	v38 =	vsel vm11, v35, v25;
	v37 =	vsel vm9, v1, v58  }
.LBB2_17:
0x38d: {  	vm10 =	vlt.s32 v59, v31  }
0x38e: {  	v2 =	vsel vm10, v59, v31  }
0x38f: {  	v35 =	vsel vm8, v0, v56;
	v48 =	vsel vm9, v58, v1;
	vm11 =	vlt.s32 v60, v2  }
0x390: {  	v40 =	vsel vm7, v30, v40;
	v39 =	vsel vm6, v20, v39;
	v25 =	vsel vm11, v60, v2  }
0x391: {  	v56 =	vsel vm3, v28, v57;
	v34 =	vsel vm5, v34, v32;
	vm15 =	vlt.s32 v61, v25  }
0x392: {  	v54 =	vsel vm2, v53, v54;
	v53 =	vsel vm4, v29, v26;
	v0 =	vsel vm15, v61, v25  }
0x393: {  	vm13 =	vgt.s32 v45, v38;
	v46 =	vsel vm10, v31, v59;
	vm10 =	vlt.s32 v27, v0  }
0x394: {  	vm14 =	vlt.s32 v36, v37;
	v57 =	vlaneseq.u32;
	v1 =	vsel vm10, v27, v0  }
0x395: {  	v20 =	vsel vm13, v45, v38;
	v31 =	vsel vm11, v2, v60;
	vm11 =	vlt.s32 v63, v1  }
.Ltmp16:
0x396: {  	v29 =	vsel vm14, v36, v37;
	v26 =	vsel vm11, v1, v63;
	v1 =	vsel vm11, v63, v1;
	(pc) =	sbr.rel .LBB2_18-.Ltmp16, $4  }
0x397: {  	v32 =	vsel vm14, v37, v36;
	v2 =	vsel vm0, v51, v49;
	vm12 =	vlt.s32 v62, v1  }
0x398: {  	v30 =	vsel vm15, v25, v61;
	v27 =	vsel vm10, v0, v27;
	v25 =	vsel vm12, v62, v1  }
0x399: {  	v0 =	vsel vm1, v52, v50;
	vm1 =	vgt.s32 v20, v29;
	vm15 =	vgt.s32 v55, v25  }
0x39a: {  	v45 =	vmovc v2;
	v20 =	vsel vm1, v20, v29;
	v28 =	vsel vm12, v1, v62;
	v29 =	vsel vm15, v55, v25  }
.LBB2_20:
0x39b: {  	_ =	sfence.sel $0x180000  }
0x39c: {  	[bflag:$0x0] =	sbarrier.arrive $0xFFFF  }
0x39d: {  	_ =	strace $0x90000047  }
0x39e: {  	s0 =	stileid.u32;
	[bflag:$0x2] =	sbarrier.arrive $0xFFFF  }
0x39f: {  	p0 =	sne.s32 s0, $0x0;
	s0 =	rddreg [dreg:$0x4]  }
0x3a0: {  	s0 =	sadd.s32 @!p0 $0x100000, s0  }
0x3a1: {  	[sflag:s0] =	ssyncadd.tile.s32 @!p0 $0x1;
	_ =	shalt  }
.Lfunc_end2:
_tile_overlayer_lowered:
.L_overlay_start_2:
0x3a2: {  	(tag) =	ssettag $0x2  }
0x3a3: {  	s0 =	rddreg [dreg:$0x0];
	s2 =	stileid.u32  }
0x3a4: {  	s1 =	rddreg [dreg:$0x1];
	p0 =	sne.s32 s2, $0x0  }
0x3a5: {  	s3 =	rddreg [dreg:$0x2];
	[bflag:$0x3] =	sbarrier.arrive $0xFFFF;
	s2 =	simm.s32 @!p0 $0x1C03  }
0x3a6: {  	[timem:s3], [sflag:s2] =	dma.local @!p0 [hbm:s0], s1  }
0x3a7: {  	s0 =	simm.s32 @!p0 $0x3  }
0x3a8: {  	_ =	swait.ge @!p0 [sflag:s0], s1  }
0x3a9: {  	s1 =	ssub.s32 @!p0 $0x0, s1;
	[sflag:s0] =	ssyncset.done @!p0 $0x0  }
0x3aa: {  	[sflag:s0] =	ssyncadd.s32 @!p0 s1  }
0x3ab: {  	[bflag:$0x3] =	sbarrier.arrive $0xFFFF  }
0x3ac: {  	_ =	shalt  }

</sc_bundles>
